<compile_context>
chip_gen: v7x
topology: tpu7x:2x2x1
jax: 0.10.2.dev20260603
libtpu: 0.0.44.dev20260713+nightly
codegen_flags: <defaults>
</compile_context>

<pallas_src>
import functools

import jax
import jax.numpy as jnp
from jax import lax
from jax.experimental import pallas as pl
from jax.experimental.pallas import tpu as pltpu
from jax.experimental.pallas import tpu_sc as plsc

N_NODES = 10000
D = 128
DH = D // 2
NUM_SC = 2
TPS = 16
CH = 128
NACC = 10240
ROWS_T = NACC // TPS
DEGW = 16


NBUF = 4
NPHASE = 2


def _sc_agg_body(with_deg, *refs):
    if with_deg:
        (x_hbm, src_hbm, dst_hbm, zrows_hbm, z16_hbm, ones_hbm,
         out_hbm, deg_hbm,
         srcv, dstv, *rest) = refs
        rows = rest[0:NBUF]
        ones_v, acc, dacc = rest[NBUF:NBUF + 3]
        gsem = rest[NBUF + 3:2 * NBUF + 3]
        ssem = rest[2 * NBUF + 3:3 * NBUF + 3]
        dsem = rest[3 * NBUF + 3]
    else:
        (x_hbm, src_hbm, dst_hbm, zrows_hbm,
         out_hbm,
         srcv, dstv, *rest) = refs
        rows = rest[0:NBUF]
        acc = rest[NBUF]
        gsem = rest[NBUF + 1:2 * NBUF + 1]
        ssem = rest[2 * NBUF + 1:3 * NBUF + 1]

    cid = lax.axis_index("c")
    sid = lax.axis_index("s")
    base = sid * ROWS_T
    nchp = srcv.shape[0]
    ncht = nchp * NPHASE
    ngrp = nchp // NBUF
    nch_sc = src_hbm.shape[0] // NUM_SC

    pltpu.sync_copy(zrows_hbm, rows[0])

    @pl.loop(0, ROWS_T // CH)
    def _(k):
        pltpu.sync_copy(rows[0], acc.at[pl.ds(base + k * CH, CH)])

    if with_deg:
        pltpu.sync_copy(z16_hbm, ones_v)

        @pl.loop(0, ROWS_T // CH)
        def _(k):
            pltpu.sync_copy(ones_v, dacc.at[pl.ds(base + k * CH, CH)])
        pltpu.sync_copy(ones_hbm, ones_v)

    plsc.subcore_barrier()

    def _gath(j, b):
        pltpu.async_copy(x_hbm.at[srcv.at[j]], rows[b], gsem[b])

    def _scat(j, b):
        pltpu.async_copy(rows[b], acc.at[dstv.at[j]], ssem[b], add=True)

    for p in range(NPHASE):
        off = sid * ncht + p * nchp
        pltpu.sync_copy(src_hbm.at[pl.ds(cid * nch_sc + off, nchp)], srcv)
        pltpu.sync_copy(dst_hbm.at[pl.ds(off, nchp)], dstv)

        for b in range(NBUF):
            _gath(b, b)

        @pl.loop(0, ngrp - 1)
        def _(g):
            for b in range(NBUF):
                pltpu.make_async_copy(x_hbm.at[srcv.at[g * NBUF + b]],
                                      rows[b], gsem[b]).wait()
                _scat(g * NBUF + b, b)
            for b in range(NBUF):
                pltpu.make_async_copy(rows[b], acc.at[dstv.at[g * NBUF + b]],
                                      ssem[b]).wait()
                _gath((g + 1) * NBUF + b, b)

        last = (ngrp - 1) * NBUF
        for b in range(NBUF):
            pltpu.make_async_copy(x_hbm.at[srcv.at[last + b]],
                                  rows[b], gsem[b]).wait()
            _scat(last + b, b)
        for b in range(NBUF):
            pltpu.make_async_copy(rows[b], acc.at[dstv.at[last + b]],
                                  ssem[b]).wait()

        if with_deg:
            @pl.when(cid == p)
            def _():
                @pl.loop(0, nchp // 8)
                def _(q):
                    for b in range(8):
                        pltpu.async_copy(
                            ones_v, dacc.at[dstv.at[q * 8 + b]], dsem,
                            add=True)
                    for b in range(8):
                        pltpu.make_async_copy(
                            ones_v, dacc.at[dstv.at[q * 8 + b]], dsem).wait()

    plsc.subcore_barrier()

    @pl.loop(0, ROWS_T // CH)
    def _(k):
        pltpu.sync_copy(acc.at[pl.ds(base + k * CH, CH)], rows[0])
        pltpu.sync_copy(rows[0],
                        out_hbm.at[pl.ds(cid * NACC + base + k * CH, CH)])

    if with_deg:
        @pl.loop(0, ROWS_T // CH)
        def _(k):
            pltpu.sync_copy(dacc.at[pl.ds(base + k * CH, CH)], ones_v)
            pltpu.sync_copy(
                ones_v, deg_hbm.at[pl.ds(cid * NACC + base + k * CH, CH)])


def _sc_aggregate(x_split, src_idx, dst_idx, with_deg):
    nchp = src_idx.shape[0] // NUM_SC // TPS // NPHASE
    mesh = plsc.VectorSubcoreMesh(core_axis_name="c", subcore_axis_name="s")
    out_type = [jax.ShapeDtypeStruct((NUM_SC * NACC, DH), jnp.float32)]
    scratch = [
        pltpu.VMEM((nchp, CH), jnp.int32),
        pltpu.VMEM((nchp, CH), jnp.int32),
    ]
    scratch += [pltpu.VMEM((CH, DH), jnp.float32) for _ in range(NBUF)]
    if with_deg:
        out_type.append(jax.ShapeDtypeStruct((NUM_SC * NACC, DEGW), jnp.float32))
        scratch.append(pltpu.VMEM((CH, DEGW), jnp.float32))
    scratch.append(pltpu.VMEM_SHARED((NACC, DH), jnp.float32))
    if with_deg:
        scratch.append(pltpu.VMEM_SHARED((NACC, DEGW), jnp.float32))
    scratch += [pltpu.SemaphoreType.DMA for _ in range(2 * NBUF)]
    if with_deg:
        scratch.append(pltpu.SemaphoreType.DMA)

    kern = pl.kernel(
        functools.partial(_sc_agg_body, with_deg),
        out_type=tuple(out_type),
        mesh=mesh,
        scratch_types=scratch,
        compiler_params=pltpu.CompilerParams(use_tc_tiling_on_sc=False),
    )
    zrows = jnp.zeros((CH, DH), jnp.float32)
    if with_deg:
        z16 = jnp.zeros((CH, DEGW), jnp.float32)
        ones = jnp.ones((CH, DEGW), jnp.float32)
        return kern(x_split, src_idx, dst_idx, zrows, z16, ones)
    return kern(x_split, src_idx, dst_idx, zrows)


def _dense_body(relu, split_out, a_ref, d_ref, x_ref, wl_ref, wr_ref, b_ref,
                o_ref):
    a = jnp.concatenate([a_ref[0], a_ref[1]], axis=1)
    deg = d_ref[0, :, 0:1] + d_ref[1, :, 0:1]
    mean = a / jnp.maximum(deg, 1.0)
    x = jnp.concatenate([x_ref[0], x_ref[1]], axis=1)
    h = jnp.dot(mean, wl_ref[...], preferred_element_type=jnp.float32)
    h = h + jnp.dot(x, wr_ref[...], preferred_element_type=jnp.float32)
    h = h + b_ref[...]
    if relu:
        h = jnp.maximum(h, 0.0)
    if split_out:
        o_ref[0] = h[:, :DH]
        o_ref[1] = h[:, DH:]
    else:
        o_ref[...] = h


def _dense(agg, deg, x_split, Wl, Wr, b, relu, split_out):
    BN = 512
    grid = (NACC // BN,)
    if split_out:
        out_shape = jax.ShapeDtypeStruct((NUM_SC, NACC, DH), jnp.float32)
        out_spec = pl.BlockSpec((NUM_SC, BN, DH), lambda i: (0, i, 0))
    else:
        out_shape = jax.ShapeDtypeStruct((NACC, D), jnp.float32)
        out_spec = pl.BlockSpec((BN, D), lambda i: (i, 0))
    return pl.pallas_call(
        functools.partial(_dense_body, relu, split_out),
        grid=grid,
        in_specs=[
            pl.BlockSpec((NUM_SC, BN, DH), lambda i: (0, i, 0)),
            pl.BlockSpec((NUM_SC, BN, DEGW), lambda i: (0, i, 0)),
            pl.BlockSpec((NUM_SC, BN, DH), lambda i: (0, i, 0)),
            pl.BlockSpec((D, D), lambda i: (0, 0)),
            pl.BlockSpec((D, D), lambda i: (0, 0)),
            pl.BlockSpec((1, D), lambda i: (0, 0)),
        ],
        out_specs=out_spec,
        out_shape=out_shape,
    )(agg, deg, x_split, Wl, Wr, b)


def kernel(x, edge_index, Wl1, Wr1, b1, Wl2, Wr2, b2):
    E = edge_index.shape[1]
    unit = TPS * CH * 16
    epad = ((E + unit - 1) // unit) * unit
    src = edge_index[0].astype(jnp.int32)
    dst = edge_index[1].astype(jnp.int32)
    src_p = jnp.concatenate(
        [src, jnp.zeros((epad - E,), jnp.int32)]).reshape(-1, CH)
    src_p2 = jnp.concatenate([src_p, src_p + NACC], axis=0)
    dst_p = jnp.concatenate(
        [dst, jnp.full((epad - E,), N_NODES, jnp.int32)]).reshape(-1, CH)
    x_pad = jnp.concatenate(
        [x, jnp.zeros((NACC - N_NODES, D), jnp.float32)], axis=0)
    x_split = jnp.concatenate([x_pad[:, :DH], x_pad[:, DH:]], axis=0)
    b1r = b1.reshape(1, D)
    b2r = b2.reshape(1, D)

    agg1, deg1 = _sc_aggregate(x_split, src_p2, dst_p, with_deg=True)
    agg1 = agg1.reshape(NUM_SC, NACC, DH)
    deg1 = deg1.reshape(NUM_SC, NACC, DEGW)
    h_split = _dense(agg1, deg1, x_split.reshape(NUM_SC, NACC, DH),
                     Wl1, Wr1, b1r, relu=True, split_out=True)

    (agg2,) = _sc_aggregate(h_split.reshape(NUM_SC * NACC, DH),
                            src_p2, dst_p, with_deg=False)
    agg2 = agg2.reshape(NUM_SC, NACC, DH)
    out = _dense(agg2, deg1, h_split, Wl2, Wr2, b2r, relu=False,
                 split_out=False)
    return out[:N_NODES]

# --- scband reference (transcript-rebuilt; emitter-appended) ---
"""Pipeline reference for scband-gnnembedding-34136400069092 (READ-ONLY COPY).

The authoritative reference and input builder live on the scoring server;
editing this copy changes nothing except your own understanding.
"""

import jax, jax.numpy as jnp
import numpy as np

N_NODES = 10000
N_EDGES = 320000
DIMS = [128, 128, 128]


def setup_inputs(seed: int = 0) -> dict:
    key = jax.random.key(seed)
    ks = jax.random.split(key, 10)
    x = jax.random.normal(ks[0], (N_NODES, DIMS[0]), dtype=jnp.float32)
    edge_index = jax.random.randint(ks[1], (2, N_EDGES), 0, N_NODES, dtype=jnp.int64)
    # Layer 1 params (SAGEConv: lin_l for aggregated neighbors, lin_r for self)
    s1 = 1.0 / np.sqrt(DIMS[0])
    Wl1 = jax.random.uniform(ks[2], (DIMS[0], DIMS[1]), minval=-s1, maxval=s1, dtype=jnp.float32)
    Wr1 = jax.random.uniform(ks[3], (DIMS[0], DIMS[1]), minval=-s1, maxval=s1, dtype=jnp.float32)
    b1 = jnp.zeros((DIMS[1],), dtype=jnp.float32)
    # Layer 2 params
    s2 = 1.0 / np.sqrt(DIMS[1])
    Wl2 = jax.random.uniform(ks[4], (DIMS[1], DIMS[2]), minval=-s2, maxval=s2, dtype=jnp.float32)
    Wr2 = jax.random.uniform(ks[5], (DIMS[1], DIMS[2]), minval=-s2, maxval=s2, dtype=jnp.float32)
    b2 = jnp.zeros((DIMS[2],), dtype=jnp.float32)
    return {"x": x, "edge_index": edge_index, "Wl1": Wl1, "Wr1": Wr1, "b1": b1,
            "Wl2": Wl2, "Wr2": Wr2, "b2": b2}


def _sage_conv(x, src, dst, Wl, Wr, b):
    # mean aggregation over incoming neighbors (gather + scatter-add)
    msg = jnp.take(x, src, axis=0)                              # gather [E, d_in]
    agg = jax.ops.segment_sum(msg, dst, num_segments=N_NODES)   # scatter-add
    deg = jax.ops.segment_sum(jnp.ones((src.shape[0],), dtype=x.dtype), dst,
                              num_segments=N_NODES)
    mean = agg / jnp.clip(deg, 1.0, None)[:, None]
    return mean @ Wl + x @ Wr + b


def reference(x, edge_index, Wl1, Wr1, b1, Wl2, Wr2, b2):
    src = edge_index[0]
    dst = edge_index[1]
    # Stacked single-layer GraphSAGE blocks with relu between blocks
    h = _sage_conv(x, src, dst, Wl1, Wr1, b1)
    h = jax.nn.relu(h)
    h = _sage_conv(h, src, dst, Wl2, Wr2, b2)
    return h

if __name__ == "__main__":
    import jax
    _d = setup_inputs()
    print(jax.jit(kernel)(*tuple(_d.values())))

</pallas_src>

<mosaic_0001>
#map = affine_map<(d0, d1) -> (0, 0)>
module attributes {stable_mosaic.version = 14 : i64} {
  func.func @_sc_agg_body(%arg0: i32, %arg1: i32, %arg2: memref<20480x64xf32, #tpu.memory_space<hbm>>, %arg3: memref<5120x128xi32, #tpu.memory_space<hbm>>, %arg4: memref<2560x128xi32, #tpu.memory_space<hbm>>, %arg5: memref<128x64xf32, #tpu.memory_space<hbm>>, %arg6: memref<20480x64xf32, #tpu.memory_space<hbm>>, %arg7: memref<80x128xi32, #tpu.memory_space<vmem>>, %arg8: memref<80x128xi32, #tpu.memory_space<vmem>>, %arg9: memref<128x64xf32, #tpu.memory_space<vmem>>, %arg10: memref<128x64xf32, #tpu.memory_space<vmem>>, %arg11: memref<128x64xf32, #tpu.memory_space<vmem>>, %arg12: memref<128x64xf32, #tpu.memory_space<vmem>>, %arg13: memref<10240x64xf32, #tpu.memory_space<vmem_shared>>, %arg14: memref<!tpu.dma_semaphore, #tpu.memory_space<semaphore_mem>>, %arg15: memref<!tpu.dma_semaphore, #tpu.memory_space<semaphore_mem>>, %arg16: memref<!tpu.dma_semaphore, #tpu.memory_space<semaphore_mem>>, %arg17: memref<!tpu.dma_semaphore, #tpu.memory_space<semaphore_mem>>, %arg18: memref<!tpu.dma_semaphore, #tpu.memory_space<semaphore_mem>>, %arg19: memref<!tpu.dma_semaphore, #tpu.memory_space<semaphore_mem>>, %arg20: memref<!tpu.dma_semaphore, #tpu.memory_space<semaphore_mem>>, %arg21: memref<!tpu.dma_semaphore, #tpu.memory_space<semaphore_mem>>) attributes {dimension_semantics = [#tpu.dimension_semantics<core_parallel>, #tpu.dimension_semantics<subcore_parallel>], iteration_bounds = array<i64: 2, 16>, scalar_prefetch = 0 : i64, scratch_operands = 15 : i64, tpu.core_type = #tpu.core_type<sc_vector_subcore>, window_params = [{transform_indices = #map}, {transform_indices = #map}, {transform_indices = #map}, {transform_indices = #map}, {transform_indices = #map}]} {
    %mul3A = arith.constant 640 : i32
    %mul3A_0 = arith.muli %arg1, %mul3A : i32
    "tpu.region"() ({
      %run_scoped3A = tpu.sem_alloc : memref<!tpu.dma_semaphore, #tpu.memory_space<semaphore_mem>>
      tpu.enqueue_dma source(%arg5 : memref<128x64xf32, #tpu.memory_space<hbm>>) target(%arg9 : memref<128x64xf32, #tpu.memory_space<vmem>>) target_semaphore(%run_scoped3A : memref<!tpu.dma_semaphore, #tpu.memory_space<semaphore_mem>>)
      tpu.wait_dma2 semaphore(%run_scoped3A : memref<!tpu.dma_semaphore, #tpu.memory_space<semaphore_mem>>) src(%arg5 : memref<128x64xf32, #tpu.memory_space<hbm>>) dst(%arg9 : memref<128x64xf32, #tpu.memory_space<vmem>>)
      tpu.yield
    }) : () -> ()
    %scan3A = arith.constant 0 : i32
    %scan3A_1 = arith.constant 5 : i32
    %scan3A_2 = arith.addi %scan3A, %scan3A_1 : i32
    %scan3A_3 = arith.constant 1 : i32
    scf.for %scan3A_256 = %scan3A to %scan3A_2 step %scan3A_3  : i32 {
      %mul3A_257 = arith.constant 1 : i32
      %mul3A_258 = arith.muli %scan3A_256, %mul3A_257 : i32
      %add3A_259 = arith.constant 0 : i32
      %add3A_260 = arith.addi %add3A_259, %mul3A_258 : i32
      %mul3A_261 = arith.constant 128 : i32
      %mul3A_262 = arith.muli %add3A_260, %mul3A_261 : i32
      %add3A_263 = arith.addi %mul3A_0, %mul3A_262 : i32
      "tpu.region"() ({
        %run_scoped3A = tpu.sem_alloc : memref<!tpu.dma_semaphore, #tpu.memory_space<semaphore_mem>>
        %dma_start3A_264 = arith.constant 0 : i32
        %dma_start3A_265 = tpu.memref_slice %arg13[%add3A_263, %dma_start3A_264] : memref<10240x64xf32, #tpu.memory_space<vmem_shared>> -> memref<128x64xf32, #tpu.memory_space<vmem_shared>>
        %dma_start3A_266 = arith.constant 0 : i32
        %dma_start3A_267 = tpu.memref_slice %arg13[%add3A_263, %dma_start3A_266] : memref<10240x64xf32, #tpu.memory_space<vmem_shared>> -> memref<128x64xf32, #tpu.memory_space<vmem_shared>>
        tpu.enqueue_dma source(%arg9 : memref<128x64xf32, #tpu.memory_space<vmem>>) target(%dma_start3A_267 : memref<128x64xf32, #tpu.memory_space<vmem_shared>>) target_semaphore(%run_scoped3A : memref<!tpu.dma_semaphore, #tpu.memory_space<semaphore_mem>>)
        %dma_wait3A_268 = arith.constant 0 : i32
        %dma_wait3A_269 = tpu.memref_slice %arg13[%add3A_263, %dma_wait3A_268] : memref<10240x64xf32, #tpu.memory_space<vmem_shared>> -> memref<128x64xf32, #tpu.memory_space<vmem_shared>>
        %dma_wait3A_270 = arith.constant 0 : i32
        %dma_wait3A_271 = tpu.memref_slice %arg13[%add3A_263, %dma_wait3A_270] : memref<10240x64xf32, #tpu.memory_space<vmem_shared>> -> memref<128x64xf32, #tpu.memory_space<vmem_shared>>
        tpu.wait_dma2 semaphore(%run_scoped3A : memref<!tpu.dma_semaphore, #tpu.memory_space<semaphore_mem>>) src(%arg9 : memref<128x64xf32, #tpu.memory_space<vmem>>) dst(%dma_wait3A_271 : memref<128x64xf32, #tpu.memory_space<vmem_shared>>)
        tpu.yield
      }) : () -> ()
    }
    %scan3A_4 = arith.constant 5 : i32
    %barrier3A = arith.constant 0 : index
    tpu.barrier barrier_id(%barrier3A)
    %mul3A_5 = arith.constant 160 : i32
    %mul3A_6 = arith.muli %arg1, %mul3A_5 : i32
    %add3A = arith.constant 0 : i32
    %add3A_7 = arith.addi %mul3A_6, %add3A : i32
    %mul3A_8 = arith.constant 2560 : i32
    %mul3A_9 = arith.muli %arg0, %mul3A_8 : i32
    %add3A_10 = arith.addi %mul3A_9, %add3A_7 : i32
    "tpu.region"() ({
      %run_scoped3A = tpu.sem_alloc : memref<!tpu.dma_semaphore, #tpu.memory_space<semaphore_mem>>
      %dma_start3A_256 = arith.constant 0 : i32
      %dma_start3A_257 = tpu.memref_slice %arg3[%add3A_10, %dma_start3A_256] : memref<5120x128xi32, #tpu.memory_space<hbm>> -> memref<80x128xi32, #tpu.memory_space<hbm>>
      %dma_start3A_258 = arith.constant 0 : i32
      %dma_start3A_259 = tpu.memref_slice %arg3[%add3A_10, %dma_start3A_258] : memref<5120x128xi32, #tpu.memory_space<hbm>> -> memref<80x128xi32, #tpu.memory_space<hbm>>
      tpu.enqueue_dma source(%dma_start3A_259 : memref<80x128xi32, #tpu.memory_space<hbm>>) target(%arg7 : memref<80x128xi32, #tpu.memory_space<vmem>>) target_semaphore(%run_scoped3A : memref<!tpu.dma_semaphore, #tpu.memory_space<semaphore_mem>>)
      %dma_wait3A_260 = arith.constant 0 : i32
      %dma_wait3A_261 = tpu.memref_slice %arg3[%add3A_10, %dma_wait3A_260] : memref<5120x128xi32, #tpu.memory_space<hbm>> -> memref<80x128xi32, #tpu.memory_space<hbm>>
      %dma_wait3A_262 = arith.constant 0 : i32
      %dma_wait3A_263 = tpu.memref_slice %arg3[%add3A_10, %dma_wait3A_262] : memref<5120x128xi32, #tpu.memory_space<hbm>> -> memref<80x128xi32, #tpu.memory_space<hbm>>
      tpu.wait_dma2 semaphore(%run_scoped3A : memref<!tpu.dma_semaphore, #tpu.memory_space<semaphore_mem>>) src(%dma_wait3A_263 : memref<80x128xi32, #tpu.memory_space<hbm>>) dst(%arg7 : memref<80x128xi32, #tpu.memory_space<vmem>>)
      tpu.yield
    }) : () -> ()
    "tpu.region"() ({
      %run_scoped3A = tpu.sem_alloc : memref<!tpu.dma_semaphore, #tpu.memory_space<semaphore_mem>>
      %dma_start3A_256 = arith.constant 0 : i32
      %dma_start3A_257 = tpu.memref_slice %arg4[%add3A_7, %dma_start3A_256] : memref<2560x128xi32, #tpu.memory_space<hbm>> -> memref<80x128xi32, #tpu.memory_space<hbm>>
      %dma_start3A_258 = arith.constant 0 : i32
      %dma_start3A_259 = tpu.memref_slice %arg4[%add3A_7, %dma_start3A_258] : memref<2560x128xi32, #tpu.memory_space<hbm>> -> memref<80x128xi32, #tpu.memory_space<hbm>>
      tpu.enqueue_dma source(%dma_start3A_259 : memref<80x128xi32, #tpu.memory_space<hbm>>) target(%arg8 : memref<80x128xi32, #tpu.memory_space<vmem>>) target_semaphore(%run_scoped3A : memref<!tpu.dma_semaphore, #tpu.memory_space<semaphore_mem>>)
      %dma_wait3A_260 = arith.constant 0 : i32
      %dma_wait3A_261 = tpu.memref_slice %arg4[%add3A_7, %dma_wait3A_260] : memref<2560x128xi32, #tpu.memory_space<hbm>> -> memref<80x128xi32, #tpu.memory_space<hbm>>
      %dma_wait3A_262 = arith.constant 0 : i32
      %dma_wait3A_263 = tpu.memref_slice %arg4[%add3A_7, %dma_wait3A_262] : memref<2560x128xi32, #tpu.memory_space<hbm>> -> memref<80x128xi32, #tpu.memory_space<hbm>>
      tpu.wait_dma2 semaphore(%run_scoped3A : memref<!tpu.dma_semaphore, #tpu.memory_space<semaphore_mem>>) src(%dma_wait3A_263 : memref<80x128xi32, #tpu.memory_space<hbm>>) dst(%arg8 : memref<80x128xi32, #tpu.memory_space<vmem>>)
      tpu.yield
    }) : () -> ()
    %dma_start3A = arith.constant 0 : i32
    %dma_start3A_11 = arith.constant 0 : i32
    %dma_start3A_12 = tpu.memref_slice %arg7[%dma_start3A, %dma_start3A_11] : memref<80x128xi32, #tpu.memory_space<vmem>> -> memref<1x128xi32, #tpu.memory_space<vmem>>
    %dma_start3A_13 = tpu.memref_squeeze %dma_start3A_12 : memref<1x128xi32, #tpu.memory_space<vmem>> -> memref<128xi32, #tpu.memory_space<vmem>>
    %dma_start3A_14 = arith.constant 0 : i32
    %dma_start3A_15 = arith.constant 0 : i32
    %dma_start3A_16 = tpu.memref_slice %arg2[%dma_start3A_14, %dma_start3A_15] : memref<20480x64xf32, #tpu.memory_space<hbm>> -> memref<20480x64xf32, #tpu.memory_space<hbm>>
    tpu.enqueue_indirect_dma source(%dma_start3A_16 : memref<20480x64xf32, #tpu.memory_space<hbm>>) target(%arg9 : memref<128x64xf32, #tpu.memory_space<vmem>>) offsets(%dma_start3A_13 : memref<128xi32, #tpu.memory_space<vmem>>) semaphore(%arg14 : memref<!tpu.dma_semaphore, #tpu.memory_space<semaphore_mem>>)
    %dma_start3A_17 = arith.constant 1 : i32
    %dma_start3A_18 = arith.constant 0 : i32
    %dma_start3A_19 = tpu.memref_slice %arg7[%dma_start3A_17, %dma_start3A_18] : memref<80x128xi32, #tpu.memory_space<vmem>> -> memref<1x128xi32, #tpu.memory_space<vmem>>
    %dma_start3A_20 = tpu.memref_squeeze %dma_start3A_19 : memref<1x128xi32, #tpu.memory_space<vmem>> -> memref<128xi32, #tpu.memory_space<vmem>>
    %dma_start3A_21 = arith.constant 0 : i32
    %dma_start3A_22 = arith.constant 0 : i32
    %dma_start3A_23 = tpu.memref_slice %arg2[%dma_start3A_21, %dma_start3A_22] : memref<20480x64xf32, #tpu.memory_space<hbm>> -> memref<20480x64xf32, #tpu.memory_space<hbm>>
    tpu.enqueue_indirect_dma source(%dma_start3A_23 : memref<20480x64xf32, #tpu.memory_space<hbm>>) target(%arg10 : memref<128x64xf32, #tpu.memory_space<vmem>>) offsets(%dma_start3A_20 : memref<128xi32, #tpu.memory_space<vmem>>) semaphore(%arg15 : memref<!tpu.dma_semaphore, #tpu.memory_space<semaphore_mem>>)
    %dma_start3A_24 = arith.constant 2 : i32
    %dma_start3A_25 = arith.constant 0 : i32
    %dma_start3A_26 = tpu.memref_slice %arg7[%dma_start3A_24, %dma_start3A_25] : memref<80x128xi32, #tpu.memory_space<vmem>> -> memref<1x128xi32, #tpu.memory_space<vmem>>
    %dma_start3A_27 = tpu.memref_squeeze %dma_start3A_26 : memref<1x128xi32, #tpu.memory_space<vmem>> -> memref<128xi32, #tpu.memory_space<vmem>>
    %dma_start3A_28 = arith.constant 0 : i32
    %dma_start3A_29 = arith.constant 0 : i32
    %dma_start3A_30 = tpu.memref_slice %arg2[%dma_start3A_28, %dma_start3A_29] : memref<20480x64xf32, #tpu.memory_space<hbm>> -> memref<20480x64xf32, #tpu.memory_space<hbm>>
    tpu.enqueue_indirect_dma source(%dma_start3A_30 : memref<20480x64xf32, #tpu.memory_space<hbm>>) target(%arg11 : memref<128x64xf32, #tpu.memory_space<vmem>>) offsets(%dma_start3A_27 : memref<128xi32, #tpu.memory_space<vmem>>) semaphore(%arg16 : memref<!tpu.dma_semaphore, #tpu.memory_space<semaphore_mem>>)
    %dma_start3A_31 = arith.constant 3 : i32
    %dma_start3A_32 = arith.constant 0 : i32
    %dma_start3A_33 = tpu.memref_slice %arg7[%dma_start3A_31, %dma_start3A_32] : memref<80x128xi32, #tpu.memory_space<vmem>> -> memref<1x128xi32, #tpu.memory_space<vmem>>
    %dma_start3A_34 = tpu.memref_squeeze %dma_start3A_33 : memref<1x128xi32, #tpu.memory_space<vmem>> -> memref<128xi32, #tpu.memory_space<vmem>>
    %dma_start3A_35 = arith.constant 0 : i32
    %dma_start3A_36 = arith.constant 0 : i32
    %dma_start3A_37 = tpu.memref_slice %arg2[%dma_start3A_35, %dma_start3A_36] : memref<20480x64xf32, #tpu.memory_space<hbm>> -> memref<20480x64xf32, #tpu.memory_space<hbm>>
    tpu.enqueue_indirect_dma source(%dma_start3A_37 : memref<20480x64xf32, #tpu.memory_space<hbm>>) target(%arg12 : memref<128x64xf32, #tpu.memory_space<vmem>>) offsets(%dma_start3A_34 : memref<128xi32, #tpu.memory_space<vmem>>) semaphore(%arg17 : memref<!tpu.dma_semaphore, #tpu.memory_space<semaphore_mem>>)
    %scan3A_38 = arith.constant 0 : i32
    %scan3A_39 = arith.constant 19 : i32
    %scan3A_40 = arith.addi %scan3A_38, %scan3A_39 : i32
    %scan3A_41 = arith.constant 1 : i32
    scf.for %scan3A_256 = %scan3A_38 to %scan3A_40 step %scan3A_41  : i32 {
      %mul3A_257 = arith.constant 1 : i32
      %mul3A_258 = arith.muli %scan3A_256, %mul3A_257 : i32
      %add3A_259 = arith.constant 0 : i32
      %add3A_260 = arith.addi %add3A_259, %mul3A_258 : i32
      %mul3A_261 = arith.constant 4 : i32
      %mul3A_262 = arith.muli %add3A_260, %mul3A_261 : i32
      %add3A_263 = arith.constant 0 : i32
      %add3A_264 = arith.addi %mul3A_262, %add3A_263 : i32
      %dma_wait3A_265 = arith.constant 0 : i32
      %dma_wait3A_266 = tpu.memref_slice %arg7[%add3A_264, %dma_wait3A_265] : memref<80x128xi32, #tpu.memory_space<vmem>> -> memref<1x128xi32, #tpu.memory_space<vmem>>
      %dma_wait3A_267 = tpu.memref_squeeze %dma_wait3A_266 : memref<1x128xi32, #tpu.memory_space<vmem>> -> memref<128xi32, #tpu.memory_space<vmem>>
      %dma_wait3A_268 = arith.constant 0 : i32
      %dma_wait3A_269 = arith.constant 0 : i32
      %dma_wait3A_270 = tpu.memref_slice %arg2[%dma_wait3A_268, %dma_wait3A_269] : memref<20480x64xf32, #tpu.memory_space<hbm>> -> memref<20480x64xf32, #tpu.memory_space<hbm>>
      tpu.wait_indirect_dma semaphore(%arg14 : memref<!tpu.dma_semaphore, #tpu.memory_space<semaphore_mem>>) src(%dma_wait3A_270 : memref<20480x64xf32, #tpu.memory_space<hbm>>) dst(%arg9 : memref<128x64xf32, #tpu.memory_space<vmem>>)
      %mul3A_271 = arith.constant 4 : i32
      %mul3A_272 = arith.muli %add3A_260, %mul3A_271 : i32
      %add3A_273 = arith.constant 0 : i32
      %add3A_274 = arith.addi %mul3A_272, %add3A_273 : i32
      %dma_start3A_275 = arith.constant 0 : i32
      %dma_start3A_276 = tpu.memref_slice %arg8[%add3A_274, %dma_start3A_275] : memref<80x128xi32, #tpu.memory_space<vmem>> -> memref<1x128xi32, #tpu.memory_space<vmem>>
      %dma_start3A_277 = tpu.memref_squeeze %dma_start3A_276 : memref<1x128xi32, #tpu.memory_space<vmem>> -> memref<128xi32, #tpu.memory_space<vmem>>
      %dma_start3A_278 = arith.constant 0 : i32
      %dma_start3A_279 = arith.constant 0 : i32
      %dma_start3A_280 = tpu.memref_slice %arg13[%dma_start3A_278, %dma_start3A_279] : memref<10240x64xf32, #tpu.memory_space<vmem_shared>> -> memref<10240x64xf32, #tpu.memory_space<vmem_shared>>
      tpu.enqueue_indirect_dma source(%arg9 : memref<128x64xf32, #tpu.memory_space<vmem>>) target(%dma_start3A_280 : memref<10240x64xf32, #tpu.memory_space<vmem_shared>>) offsets(%dma_start3A_277 : memref<128xi32, #tpu.memory_space<vmem>>) semaphore(%arg18 : memref<!tpu.dma_semaphore, #tpu.memory_space<semaphore_mem>>) {add = true}
      %mul3A_281 = arith.constant 4 : i32
      %mul3A_282 = arith.muli %add3A_260, %mul3A_281 : i32
      %add3A_283 = arith.constant 1 : i32
      %add3A_284 = arith.addi %mul3A_282, %add3A_283 : i32
      %dma_wait3A_285 = arith.constant 0 : i32
      %dma_wait3A_286 = tpu.memref_slice %arg7[%add3A_284, %dma_wait3A_285] : memref<80x128xi32, #tpu.memory_space<vmem>> -> memref<1x128xi32, #tpu.memory_space<vmem>>
      %dma_wait3A_287 = tpu.memref_squeeze %dma_wait3A_286 : memref<1x128xi32, #tpu.memory_space<vmem>> -> memref<128xi32, #tpu.memory_space<vmem>>
      %dma_wait3A_288 = arith.constant 0 : i32
      %dma_wait3A_289 = arith.constant 0 : i32
      %dma_wait3A_290 = tpu.memref_slice %arg2[%dma_wait3A_288, %dma_wait3A_289] : memref<20480x64xf32, #tpu.memory_space<hbm>> -> memref<20480x64xf32, #tpu.memory_space<hbm>>
      tpu.wait_indirect_dma semaphore(%arg15 : memref<!tpu.dma_semaphore, #tpu.memory_space<semaphore_mem>>) src(%dma_wait3A_290 : memref<20480x64xf32, #tpu.memory_space<hbm>>) dst(%arg10 : memref<128x64xf32, #tpu.memory_space<vmem>>)
      %mul3A_291 = arith.constant 4 : i32
      %mul3A_292 = arith.muli %add3A_260, %mul3A_291 : i32
      %add3A_293 = arith.constant 1 : i32
      %add3A_294 = arith.addi %mul3A_292, %add3A_293 : i32
      %dma_start3A_295 = arith.constant 0 : i32
      %dma_start3A_296 = tpu.memref_slice %arg8[%add3A_294, %dma_start3A_295] : memref<80x128xi32, #tpu.memory_space<vmem>> -> memref<1x128xi32, #tpu.memory_space<vmem>>
      %dma_start3A_297 = tpu.memref_squeeze %dma_start3A_296 : memref<1x128xi32, #tpu.memory_space<vmem>> -> memref<128xi32, #tpu.memory_space<vmem>>
      %dma_start3A_298 = arith.constant 0 : i32
      %dma_start3A_299 = arith.constant 0 : i32
      %dma_start3A_300 = tpu.memref_slice %arg13[%dma_start3A_298, %dma_start3A_299] : memref<10240x64xf32, #tpu.memory_space<vmem_shared>> -> memref<10240x64xf32, #tpu.memory_space<vmem_shared>>
      tpu.enqueue_indirect_dma source(%arg10 : memref<128x64xf32, #tpu.memory_space<vmem>>) target(%dma_start3A_300 : memref<10240x64xf32, #tpu.memory_space<vmem_shared>>) offsets(%dma_start3A_297 : memref<128xi32, #tpu.memory_space<vmem>>) semaphore(%arg19 : memref<!tpu.dma_semaphore, #tpu.memory_space<semaphore_mem>>) {add = true}
      %mul3A_301 = arith.constant 4 : i32
      %mul3A_302 = arith.muli %add3A_260, %mul3A_301 : i32
      %add3A_303 = arith.constant 2 : i32
      %add3A_304 = arith.addi %mul3A_302, %add3A_303 : i32
      %dma_wait3A_305 = arith.constant 0 : i32
      %dma_wait3A_306 = tpu.memref_slice %arg7[%add3A_304, %dma_wait3A_305] : memref<80x128xi32, #tpu.memory_space<vmem>> -> memref<1x128xi32, #tpu.memory_space<vmem>>
      %dma_wait3A_307 = tpu.memref_squeeze %dma_wait3A_306 : memref<1x128xi32, #tpu.memory_space<vmem>> -> memref<128xi32, #tpu.memory_space<vmem>>
      %dma_wait3A_308 = arith.constant 0 : i32
      %dma_wait3A_309 = arith.constant 0 : i32
      %dma_wait3A_310 = tpu.memref_slice %arg2[%dma_wait3A_308, %dma_wait3A_309] : memref<20480x64xf32, #tpu.memory_space<hbm>> -> memref<20480x64xf32, #tpu.memory_space<hbm>>
      tpu.wait_indirect_dma semaphore(%arg16 : memref<!tpu.dma_semaphore, #tpu.memory_space<semaphore_mem>>) src(%dma_wait3A_310 : memref<20480x64xf32, #tpu.memory_space<hbm>>) dst(%arg11 : memref<128x64xf32, #tpu.memory_space<vmem>>)
      %mul3A_311 = arith.constant 4 : i32
      %mul3A_312 = arith.muli %add3A_260, %mul3A_311 : i32
      %add3A_313 = arith.constant 2 : i32
      %add3A_314 = arith.addi %mul3A_312, %add3A_313 : i32
      %dma_start3A_315 = arith.constant 0 : i32
      %dma_start3A_316 = tpu.memref_slice %arg8[%add3A_314, %dma_start3A_315] : memref<80x128xi32, #tpu.memory_space<vmem>> -> memref<1x128xi32, #tpu.memory_space<vmem>>
      %dma_start3A_317 = tpu.memref_squeeze %dma_start3A_316 : memref<1x128xi32, #tpu.memory_space<vmem>> -> memref<128xi32, #tpu.memory_space<vmem>>
      %dma_start3A_318 = arith.constant 0 : i32
      %dma_start3A_319 = arith.constant 0 : i32
      %dma_start3A_320 = tpu.memref_slice %arg13[%dma_start3A_318, %dma_start3A_319] : memref<10240x64xf32, #tpu.memory_space<vmem_shared>> -> memref<10240x64xf32, #tpu.memory_space<vmem_shared>>
      tpu.enqueue_indirect_dma source(%arg11 : memref<128x64xf32, #tpu.memory_space<vmem>>) target(%dma_start3A_320 : memref<10240x64xf32, #tpu.memory_space<vmem_shared>>) offsets(%dma_start3A_317 : memref<128xi32, #tpu.memory_space<vmem>>) semaphore(%arg20 : memref<!tpu.dma_semaphore, #tpu.memory_space<semaphore_mem>>) {add = true}
      %mul3A_321 = arith.constant 4 : i32
      %mul3A_322 = arith.muli %add3A_260, %mul3A_321 : i32
      %add3A_323 = arith.constant 3 : i32
      %add3A_324 = arith.addi %mul3A_322, %add3A_323 : i32
      %dma_wait3A_325 = arith.constant 0 : i32
      %dma_wait3A_326 = tpu.memref_slice %arg7[%add3A_324, %dma_wait3A_325] : memref<80x128xi32, #tpu.memory_space<vmem>> -> memref<1x128xi32, #tpu.memory_space<vmem>>
      %dma_wait3A_327 = tpu.memref_squeeze %dma_wait3A_326 : memref<1x128xi32, #tpu.memory_space<vmem>> -> memref<128xi32, #tpu.memory_space<vmem>>
      %dma_wait3A_328 = arith.constant 0 : i32
      %dma_wait3A_329 = arith.constant 0 : i32
      %dma_wait3A_330 = tpu.memref_slice %arg2[%dma_wait3A_328, %dma_wait3A_329] : memref<20480x64xf32, #tpu.memory_space<hbm>> -> memref<20480x64xf32, #tpu.memory_space<hbm>>
      tpu.wait_indirect_dma semaphore(%arg17 : memref<!tpu.dma_semaphore, #tpu.memory_space<semaphore_mem>>) src(%dma_wait3A_330 : memref<20480x64xf32, #tpu.memory_space<hbm>>) dst(%arg12 : memref<128x64xf32, #tpu.memory_space<vmem>>)
      %mul3A_331 = arith.constant 4 : i32
      %mul3A_332 = arith.muli %add3A_260, %mul3A_331 : i32
      %add3A_333 = arith.constant 3 : i32
      %add3A_334 = arith.addi %mul3A_332, %add3A_333 : i32
      %dma_start3A_335 = arith.constant 0 : i32
      %dma_start3A_336 = tpu.memref_slice %arg8[%add3A_334, %dma_start3A_335] : memref<80x128xi32, #tpu.memory_space<vmem>> -> memref<1x128xi32, #tpu.memory_space<vmem>>
      %dma_start3A_337 = tpu.memref_squeeze %dma_start3A_336 : memref<1x128xi32, #tpu.memory_space<vmem>> -> memref<128xi32, #tpu.memory_space<vmem>>
      %dma_start3A_338 = arith.constant 0 : i32
      %dma_start3A_339 = arith.constant 0 : i32
      %dma_start3A_340 = tpu.memref_slice %arg13[%dma_start3A_338, %dma_start3A_339] : memref<10240x64xf32, #tpu.memory_space<vmem_shared>> -> memref<10240x64xf32, #tpu.memory_space<vmem_shared>>
      tpu.enqueue_indirect_dma source(%arg12 : memref<128x64xf32, #tpu.memory_space<vmem>>) target(%dma_start3A_340 : memref<10240x64xf32, #tpu.memory_space<vmem_shared>>) offsets(%dma_start3A_337 : memref<128xi32, #tpu.memory_space<vmem>>) semaphore(%arg21 : memref<!tpu.dma_semaphore, #tpu.memory_space<semaphore_mem>>) {add = true}
      %mul3A_341 = arith.constant 4 : i32
      %mul3A_342 = arith.muli %add3A_260, %mul3A_341 : i32
      %add3A_343 = arith.constant 0 : i32
      %add3A_344 = arith.addi %mul3A_342, %add3A_343 : i32
      %dma_wait3A_345 = arith.constant 0 : i32
      %dma_wait3A_346 = tpu.memref_slice %arg8[%add3A_344, %dma_wait3A_345] : memref<80x128xi32, #tpu.memory_space<vmem>> -> memref<1x128xi32, #tpu.memory_space<vmem>>
      %dma_wait3A_347 = tpu.memref_squeeze %dma_wait3A_346 : memref<1x128xi32, #tpu.memory_space<vmem>> -> memref<128xi32, #tpu.memory_space<vmem>>
      %dma_wait3A_348 = arith.constant 0 : i32
      %dma_wait3A_349 = arith.constant 0 : i32
      %dma_wait3A_350 = tpu.memref_slice %arg13[%dma_wait3A_348, %dma_wait3A_349] : memref<10240x64xf32, #tpu.memory_space<vmem_shared>> -> memref<10240x64xf32, #tpu.memory_space<vmem_shared>>
      tpu.wait_indirect_dma semaphore(%arg18 : memref<!tpu.dma_semaphore, #tpu.memory_space<semaphore_mem>>) src(%arg9 : memref<128x64xf32, #tpu.memory_space<vmem>>) dst(%dma_wait3A_350 : memref<10240x64xf32, #tpu.memory_space<vmem_shared>>)
      %add3A_351 = arith.constant 1 : i32
      %add3A_352 = arith.addi %add3A_260, %add3A_351 : i32
      %mul3A_353 = arith.constant 4 : i32
      %mul3A_354 = arith.muli %add3A_352, %mul3A_353 : i32
      %add3A_355 = arith.constant 0 : i32
      %add3A_356 = arith.addi %mul3A_354, %add3A_355 : i32
      %dma_start3A_357 = arith.constant 0 : i32
      %dma_start3A_358 = tpu.memref_slice %arg7[%add3A_356, %dma_start3A_357] : memref<80x128xi32, #tpu.memory_space<vmem>> -> memref<1x128xi32, #tpu.memory_space<vmem>>
      %dma_start3A_359 = tpu.memref_squeeze %dma_start3A_358 : memref<1x128xi32, #tpu.memory_space<vmem>> -> memref<128xi32, #tpu.memory_space<vmem>>
      %dma_start3A_360 = arith.constant 0 : i32
      %dma_start3A_361 = arith.constant 0 : i32
      %dma_start3A_362 = tpu.memref_slice %arg2[%dma_start3A_360, %dma_start3A_361] : memref<20480x64xf32, #tpu.memory_space<hbm>> -> memref<20480x64xf32, #tpu.memory_space<hbm>>
      tpu.enqueue_indirect_dma source(%dma_start3A_362 : memref<20480x64xf32, #tpu.memory_space<hbm>>) target(%arg9 : memref<128x64xf32, #tpu.memory_space<vmem>>) offsets(%dma_start3A_359 : memref<128xi32, #tpu.memory_space<vmem>>) semaphore(%arg14 : memref<!tpu.dma_semaphore, #tpu.memory_space<semaphore_mem>>)
      %mul3A_363 = arith.constant 4 : i32
      %mul3A_364 = arith.muli %add3A_260, %mul3A_363 : i32
      %add3A_365 = arith.constant 1 : i32
      %add3A_366 = arith.addi %mul3A_364, %add3A_365 : i32
      %dma_wait3A_367 = arith.constant 0 : i32
      %dma_wait3A_368 = tpu.memref_slice %arg8[%add3A_366, %dma_wait3A_367] : memref<80x128xi32, #tpu.memory_space<vmem>> -> memref<1x128xi32, #tpu.memory_space<vmem>>
      %dma_wait3A_369 = tpu.memref_squeeze %dma_wait3A_368 : memref<1x128xi32, #tpu.memory_space<vmem>> -> memref<128xi32, #tpu.memory_space<vmem>>
      %dma_wait3A_370 = arith.constant 0 : i32
      %dma_wait3A_371 = arith.constant 0 : i32
      %dma_wait3A_372 = tpu.memref_slice %arg13[%dma_wait3A_370, %dma_wait3A_371] : memref<10240x64xf32, #tpu.memory_space<vmem_shared>> -> memref<10240x64xf32, #tpu.memory_space<vmem_shared>>
      tpu.wait_indirect_dma semaphore(%arg19 : memref<!tpu.dma_semaphore, #tpu.memory_space<semaphore_mem>>) src(%arg10 : memref<128x64xf32, #tpu.memory_space<vmem>>) dst(%dma_wait3A_372 : memref<10240x64xf32, #tpu.memory_space<vmem_shared>>)
      %add3A_373 = arith.constant 1 : i32
      %add3A_374 = arith.addi %add3A_260, %add3A_373 : i32
      %mul3A_375 = arith.constant 4 : i32
      %mul3A_376 = arith.muli %add3A_374, %mul3A_375 : i32
      %add3A_377 = arith.constant 1 : i32
      %add3A_378 = arith.addi %mul3A_376, %add3A_377 : i32
      %dma_start3A_379 = arith.constant 0 : i32
      %dma_start3A_380 = tpu.memref_slice %arg7[%add3A_378, %dma_start3A_379] : memref<80x128xi32, #tpu.memory_space<vmem>> -> memref<1x128xi32, #tpu.memory_space<vmem>>
      %dma_start3A_381 = tpu.memref_squeeze %dma_start3A_380 : memref<1x128xi32, #tpu.memory_space<vmem>> -> memref<128xi32, #tpu.memory_space<vmem>>
      %dma_start3A_382 = arith.constant 0 : i32
      %dma_start3A_383 = arith.constant 0 : i32
      %dma_start3A_384 = tpu.memref_slice %arg2[%dma_start3A_382, %dma_start3A_383] : memref<20480x64xf32, #tpu.memory_space<hbm>> -> memref<20480x64xf32, #tpu.memory_space<hbm>>
      tpu.enqueue_indirect_dma source(%dma_start3A_384 : memref<20480x64xf32, #tpu.memory_space<hbm>>) target(%arg10 : memref<128x64xf32, #tpu.memory_space<vmem>>) offsets(%dma_start3A_381 : memref<128xi32, #tpu.memory_space<vmem>>) semaphore(%arg15 : memref<!tpu.dma_semaphore, #tpu.memory_space<semaphore_mem>>)
      %mul3A_385 = arith.constant 4 : i32
      %mul3A_386 = arith.muli %add3A_260, %mul3A_385 : i32
      %add3A_387 = arith.constant 2 : i32
      %add3A_388 = arith.addi %mul3A_386, %add3A_387 : i32
      %dma_wait3A_389 = arith.constant 0 : i32
      %dma_wait3A_390 = tpu.memref_slice %arg8[%add3A_388, %dma_wait3A_389] : memref<80x128xi32, #tpu.memory_space<vmem>> -> memref<1x128xi32, #tpu.memory_space<vmem>>
      %dma_wait3A_391 = tpu.memref_squeeze %dma_wait3A_390 : memref<1x128xi32, #tpu.memory_space<vmem>> -> memref<128xi32, #tpu.memory_space<vmem>>
      %dma_wait3A_392 = arith.constant 0 : i32
      %dma_wait3A_393 = arith.constant 0 : i32
      %dma_wait3A_394 = tpu.memref_slice %arg13[%dma_wait3A_392, %dma_wait3A_393] : memref<10240x64xf32, #tpu.memory_space<vmem_shared>> -> memref<10240x64xf32, #tpu.memory_space<vmem_shared>>
      tpu.wait_indirect_dma semaphore(%arg20 : memref<!tpu.dma_semaphore, #tpu.memory_space<semaphore_mem>>) src(%arg11 : memref<128x64xf32, #tpu.memory_space<vmem>>) dst(%dma_wait3A_394 : memref<10240x64xf32, #tpu.memory_space<vmem_shared>>)
      %add3A_395 = arith.constant 1 : i32
      %add3A_396 = arith.addi %add3A_260, %add3A_395 : i32
      %mul3A_397 = arith.constant 4 : i32
      %mul3A_398 = arith.muli %add3A_396, %mul3A_397 : i32
      %add3A_399 = arith.constant 2 : i32
      %add3A_400 = arith.addi %mul3A_398, %add3A_399 : i32
      %dma_start3A_401 = arith.constant 0 : i32
      %dma_start3A_402 = tpu.memref_slice %arg7[%add3A_400, %dma_start3A_401] : memref<80x128xi32, #tpu.memory_space<vmem>> -> memref<1x128xi32, #tpu.memory_space<vmem>>
      %dma_start3A_403 = tpu.memref_squeeze %dma_start3A_402 : memref<1x128xi32, #tpu.memory_space<vmem>> -> memref<128xi32, #tpu.memory_space<vmem>>
      %dma_start3A_404 = arith.constant 0 : i32
      %dma_start3A_405 = arith.constant 0 : i32
      %dma_start3A_406 = tpu.memref_slice %arg2[%dma_start3A_404, %dma_start3A_405] : memref<20480x64xf32, #tpu.memory_space<hbm>> -> memref<20480x64xf32, #tpu.memory_space<hbm>>
      tpu.enqueue_indirect_dma source(%dma_start3A_406 : memref<20480x64xf32, #tpu.memory_space<hbm>>) target(%arg11 : memref<128x64xf32, #tpu.memory_space<vmem>>) offsets(%dma_start3A_403 : memref<128xi32, #tpu.memory_space<vmem>>) semaphore(%arg16 : memref<!tpu.dma_semaphore, #tpu.memory_space<semaphore_mem>>)
      %mul3A_407 = arith.constant 4 : i32
      %mul3A_408 = arith.muli %add3A_260, %mul3A_407 : i32
      %add3A_409 = arith.constant 3 : i32
      %add3A_410 = arith.addi %mul3A_408, %add3A_409 : i32
      %dma_wait3A_411 = arith.constant 0 : i32
      %dma_wait3A_412 = tpu.memref_slice %arg8[%add3A_410, %dma_wait3A_411] : memref<80x128xi32, #tpu.memory_space<vmem>> -> memref<1x128xi32, #tpu.memory_space<vmem>>
      %dma_wait3A_413 = tpu.memref_squeeze %dma_wait3A_412 : memref<1x128xi32, #tpu.memory_space<vmem>> -> memref<128xi32, #tpu.memory_space<vmem>>
      %dma_wait3A_414 = arith.constant 0 : i32
      %dma_wait3A_415 = arith.constant 0 : i32
      %dma_wait3A_416 = tpu.memref_slice %arg13[%dma_wait3A_414, %dma_wait3A_415] : memref<10240x64xf32, #tpu.memory_space<vmem_shared>> -> memref<10240x64xf32, #tpu.memory_space<vmem_shared>>
      tpu.wait_indirect_dma semaphore(%arg21 : memref<!tpu.dma_semaphore, #tpu.memory_space<semaphore_mem>>) src(%arg12 : memref<128x64xf32, #tpu.memory_space<vmem>>) dst(%dma_wait3A_416 : memref<10240x64xf32, #tpu.memory_space<vmem_shared>>)
      %add3A_417 = arith.constant 1 : i32
      %add3A_418 = arith.addi %add3A_260, %add3A_417 : i32
      %mul3A_419 = arith.constant 4 : i32
      %mul3A_420 = arith.muli %add3A_418, %mul3A_419 : i32
      %add3A_421 = arith.constant 3 : i32
      %add3A_422 = arith.addi %mul3A_420, %add3A_421 : i32
      %dma_start3A_423 = arith.constant 0 : i32
      %dma_start3A_424 = tpu.memref_slice %arg7[%add3A_422, %dma_start3A_423] : memref<80x128xi32, #tpu.memory_space<vmem>> -> memref<1x128xi32, #tpu.memory_space<vmem>>
      %dma_start3A_425 = tpu.memref_squeeze %dma_start3A_424 : memref<1x128xi32, #tpu.memory_space<vmem>> -> memref<128xi32, #tpu.memory_space<vmem>>
      %dma_start3A_426 = arith.constant 0 : i32
      %dma_start3A_427 = arith.constant 0 : i32
      %dma_start3A_428 = tpu.memref_slice %arg2[%dma_start3A_426, %dma_start3A_427] : memref<20480x64xf32, #tpu.memory_space<hbm>> -> memref<20480x64xf32, #tpu.memory_space<hbm>>
      tpu.enqueue_indirect_dma source(%dma_start3A_428 : memref<20480x64xf32, #tpu.memory_space<hbm>>) target(%arg12 : memref<128x64xf32, #tpu.memory_space<vmem>>) offsets(%dma_start3A_425 : memref<128xi32, #tpu.memory_space<vmem>>) semaphore(%arg17 : memref<!tpu.dma_semaphore, #tpu.memory_space<semaphore_mem>>)
    }
    %scan3A_42 = arith.constant 19 : i32
    %dma_wait3A = arith.constant 76 : i32
    %dma_wait3A_43 = arith.constant 0 : i32
    %dma_wait3A_44 = tpu.memref_slice %arg7[%dma_wait3A, %dma_wait3A_43] : memref<80x128xi32, #tpu.memory_space<vmem>> -> memref<1x128xi32, #tpu.memory_space<vmem>>
    %dma_wait3A_45 = tpu.memref_squeeze %dma_wait3A_44 : memref<1x128xi32, #tpu.memory_space<vmem>> -> memref<128xi32, #tpu.memory_space<vmem>>
    %dma_wait3A_46 = arith.constant 0 : i32
    %dma_wait3A_47 = arith.constant 0 : i32
    %dma_wait3A_48 = tpu.memref_slice %arg2[%dma_wait3A_46, %dma_wait3A_47] : memref<20480x64xf32, #tpu.memory_space<hbm>> -> memref<20480x64xf32, #tpu.memory_space<hbm>>
    tpu.wait_indirect_dma semaphore(%arg14 : memref<!tpu.dma_semaphore, #tpu.memory_space<semaphore_mem>>) src(%dma_wait3A_48 : memref<20480x64xf32, #tpu.memory_space<hbm>>) dst(%arg9 : memref<128x64xf32, #tpu.memory_space<vmem>>)
    %dma_start3A_49 = arith.constant 76 : i32
    %dma_start3A_50 = arith.constant 0 : i32
    %dma_start3A_51 = tpu.memref_slice %arg8[%dma_start3A_49, %dma_start3A_50] : memref<80x128xi32, #tpu.memory_space<vmem>> -> memref<1x128xi32, #tpu.memory_space<vmem>>
    %dma_start3A_52 = tpu.memref_squeeze %dma_start3A_51 : memref<1x128xi32, #tpu.memory_space<vmem>> -> memref<128xi32, #tpu.memory_space<vmem>>
    %dma_start3A_53 = arith.constant 0 : i32
    %dma_start3A_54 = arith.constant 0 : i32
    %dma_start3A_55 = tpu.memref_slice %arg13[%dma_start3A_53, %dma_start3A_54] : memref<10240x64xf32, #tpu.memory_space<vmem_shared>> -> memref<10240x64xf32, #tpu.memory_space<vmem_shared>>
    tpu.enqueue_indirect_dma source(%arg9 : memref<128x64xf32, #tpu.memory_space<vmem>>) target(%dma_start3A_55 : memref<10240x64xf32, #tpu.memory_space<vmem_shared>>) offsets(%dma_start3A_52 : memref<128xi32, #tpu.memory_space<vmem>>) semaphore(%arg18 : memref<!tpu.dma_semaphore, #tpu.memory_space<semaphore_mem>>) {add = true}
    %dma_wait3A_56 = arith.constant 77 : i32
    %dma_wait3A_57 = arith.constant 0 : i32
    %dma_wait3A_58 = tpu.memref_slice %arg7[%dma_wait3A_56, %dma_wait3A_57] : memref<80x128xi32, #tpu.memory_space<vmem>> -> memref<1x128xi32, #tpu.memory_space<vmem>>
    %dma_wait3A_59 = tpu.memref_squeeze %dma_wait3A_58 : memref<1x128xi32, #tpu.memory_space<vmem>> -> memref<128xi32, #tpu.memory_space<vmem>>
    %dma_wait3A_60 = arith.constant 0 : i32
    %dma_wait3A_61 = arith.constant 0 : i32
    %dma_wait3A_62 = tpu.memref_slice %arg2[%dma_wait3A_60, %dma_wait3A_61] : memref<20480x64xf32, #tpu.memory_space<hbm>> -> memref<20480x64xf32, #tpu.memory_space<hbm>>
    tpu.wait_indirect_dma semaphore(%arg15 : memref<!tpu.dma_semaphore, #tpu.memory_space<semaphore_mem>>) src(%dma_wait3A_62 : memref<20480x64xf32, #tpu.memory_space<hbm>>) dst(%arg10 : memref<128x64xf32, #tpu.memory_space<vmem>>)
    %dma_start3A_63 = arith.constant 77 : i32
    %dma_start3A_64 = arith.constant 0 : i32
    %dma_start3A_65 = tpu.memref_slice %arg8[%dma_start3A_63, %dma_start3A_64] : memref<80x128xi32, #tpu.memory_space<vmem>> -> memref<1x128xi32, #tpu.memory_space<vmem>>
    %dma_start3A_66 = tpu.memref_squeeze %dma_start3A_65 : memref<1x128xi32, #tpu.memory_space<vmem>> -> memref<128xi32, #tpu.memory_space<vmem>>
    %dma_start3A_67 = arith.constant 0 : i32
    %dma_start3A_68 = arith.constant 0 : i32
    %dma_start3A_69 = tpu.memref_slice %arg13[%dma_start3A_67, %dma_start3A_68] : memref<10240x64xf32, #tpu.memory_space<vmem_shared>> -> memref<10240x64xf32, #tpu.memory_space<vmem_shared>>
    tpu.enqueue_indirect_dma source(%arg10 : memref<128x64xf32, #tpu.memory_space<vmem>>) target(%dma_start3A_69 : memref<10240x64xf32, #tpu.memory_space<vmem_shared>>) offsets(%dma_start3A_66 : memref<128xi32, #tpu.memory_space<vmem>>) semaphore(%arg19 : memref<!tpu.dma_semaphore, #tpu.memory_space<semaphore_mem>>) {add = true}
    %dma_wait3A_70 = arith.constant 78 : i32
    %dma_wait3A_71 = arith.constant 0 : i32
    %dma_wait3A_72 = tpu.memref_slice %arg7[%dma_wait3A_70, %dma_wait3A_71] : memref<80x128xi32, #tpu.memory_space<vmem>> -> memref<1x128xi32, #tpu.memory_space<vmem>>
    %dma_wait3A_73 = tpu.memref_squeeze %dma_wait3A_72 : memref<1x128xi32, #tpu.memory_space<vmem>> -> memref<128xi32, #tpu.memory_space<vmem>>
    %dma_wait3A_74 = arith.constant 0 : i32
    %dma_wait3A_75 = arith.constant 0 : i32
    %dma_wait3A_76 = tpu.memref_slice %arg2[%dma_wait3A_74, %dma_wait3A_75] : memref<20480x64xf32, #tpu.memory_space<hbm>> -> memref<20480x64xf32, #tpu.memory_space<hbm>>
    tpu.wait_indirect_dma semaphore(%arg16 : memref<!tpu.dma_semaphore, #tpu.memory_space<semaphore_mem>>) src(%dma_wait3A_76 : memref<20480x64xf32, #tpu.memory_space<hbm>>) dst(%arg11 : memref<128x64xf32, #tpu.memory_space<vmem>>)
    %dma_start3A_77 = arith.constant 78 : i32
    %dma_start3A_78 = arith.constant 0 : i32
    %dma_start3A_79 = tpu.memref_slice %arg8[%dma_start3A_77, %dma_start3A_78] : memref<80x128xi32, #tpu.memory_space<vmem>> -> memref<1x128xi32, #tpu.memory_space<vmem>>
    %dma_start3A_80 = tpu.memref_squeeze %dma_start3A_79 : memref<1x128xi32, #tpu.memory_space<vmem>> -> memref<128xi32, #tpu.memory_space<vmem>>
    %dma_start3A_81 = arith.constant 0 : i32
    %dma_start3A_82 = arith.constant 0 : i32
    %dma_start3A_83 = tpu.memref_slice %arg13[%dma_start3A_81, %dma_start3A_82] : memref<10240x64xf32, #tpu.memory_space<vmem_shared>> -> memref<10240x64xf32, #tpu.memory_space<vmem_shared>>
    tpu.enqueue_indirect_dma source(%arg11 : memref<128x64xf32, #tpu.memory_space<vmem>>) target(%dma_start3A_83 : memref<10240x64xf32, #tpu.memory_space<vmem_shared>>) offsets(%dma_start3A_80 : memref<128xi32, #tpu.memory_space<vmem>>) semaphore(%arg20 : memref<!tpu.dma_semaphore, #tpu.memory_space<semaphore_mem>>) {add = true}
    %dma_wait3A_84 = arith.constant 79 : i32
    %dma_wait3A_85 = arith.constant 0 : i32
    %dma_wait3A_86 = tpu.memref_slice %arg7[%dma_wait3A_84, %dma_wait3A_85] : memref<80x128xi32, #tpu.memory_space<vmem>> -> memref<1x128xi32, #tpu.memory_space<vmem>>
    %dma_wait3A_87 = tpu.memref_squeeze %dma_wait3A_86 : memref<1x128xi32, #tpu.memory_space<vmem>> -> memref<128xi32, #tpu.memory_space<vmem>>
    %dma_wait3A_88 = arith.constant 0 : i32
    %dma_wait3A_89 = arith.constant 0 : i32
    %dma_wait3A_90 = tpu.memref_slice %arg2[%dma_wait3A_88, %dma_wait3A_89] : memref<20480x64xf32, #tpu.memory_space<hbm>> -> memref<20480x64xf32, #tpu.memory_space<hbm>>
    tpu.wait_indirect_dma semaphore(%arg17 : memref<!tpu.dma_semaphore, #tpu.memory_space<semaphore_mem>>) src(%dma_wait3A_90 : memref<20480x64xf32, #tpu.memory_space<hbm>>) dst(%arg12 : memref<128x64xf32, #tpu.memory_space<vmem>>)
    %dma_start3A_91 = arith.constant 79 : i32
    %dma_start3A_92 = arith.constant 0 : i32
    %dma_start3A_93 = tpu.memref_slice %arg8[%dma_start3A_91, %dma_start3A_92] : memref<80x128xi32, #tpu.memory_space<vmem>> -> memref<1x128xi32, #tpu.memory_space<vmem>>
    %dma_start3A_94 = tpu.memref_squeeze %dma_start3A_93 : memref<1x128xi32, #tpu.memory_space<vmem>> -> memref<128xi32, #tpu.memory_space<vmem>>
    %dma_start3A_95 = arith.constant 0 : i32
    %dma_start3A_96 = arith.constant 0 : i32
    %dma_start3A_97 = tpu.memref_slice %arg13[%dma_start3A_95, %dma_start3A_96] : memref<10240x64xf32, #tpu.memory_space<vmem_shared>> -> memref<10240x64xf32, #tpu.memory_space<vmem_shared>>
    tpu.enqueue_indirect_dma source(%arg12 : memref<128x64xf32, #tpu.memory_space<vmem>>) target(%dma_start3A_97 : memref<10240x64xf32, #tpu.memory_space<vmem_shared>>) offsets(%dma_start3A_94 : memref<128xi32, #tpu.memory_space<vmem>>) semaphore(%arg21 : memref<!tpu.dma_semaphore, #tpu.memory_space<semaphore_mem>>) {add = true}
    %dma_wait3A_98 = arith.constant 76 : i32
    %dma_wait3A_99 = arith.constant 0 : i32
    %dma_wait3A_100 = tpu.memref_slice %arg8[%dma_wait3A_98, %dma_wait3A_99] : memref<80x128xi32, #tpu.memory_space<vmem>> -> memref<1x128xi32, #tpu.memory_space<vmem>>
    %dma_wait3A_101 = tpu.memref_squeeze %dma_wait3A_100 : memref<1x128xi32, #tpu.memory_space<vmem>> -> memref<128xi32, #tpu.memory_space<vmem>>
    %dma_wait3A_102 = arith.constant 0 : i32
    %dma_wait3A_103 = arith.constant 0 : i32
    %dma_wait3A_104 = tpu.memref_slice %arg13[%dma_wait3A_102, %dma_wait3A_103] : memref<10240x64xf32, #tpu.memory_space<vmem_shared>> -> memref<10240x64xf32, #tpu.memory_space<vmem_shared>>
    tpu.wait_indirect_dma semaphore(%arg18 : memref<!tpu.dma_semaphore, #tpu.memory_space<semaphore_mem>>) src(%arg9 : memref<128x64xf32, #tpu.memory_space<vmem>>) dst(%dma_wait3A_104 : memref<10240x64xf32, #tpu.memory_space<vmem_shared>>)
    %dma_wait3A_105 = arith.constant 77 : i32
    %dma_wait3A_106 = arith.constant 0 : i32
    %dma_wait3A_107 = tpu.memref_slice %arg8[%dma_wait3A_105, %dma_wait3A_106] : memref<80x128xi32, #tpu.memory_space<vmem>> -> memref<1x128xi32, #tpu.memory_space<vmem>>
    %dma_wait3A_108 = tpu.memref_squeeze %dma_wait3A_107 : memref<1x128xi32, #tpu.memory_space<vmem>> -> memref<128xi32, #tpu.memory_space<vmem>>
    %dma_wait3A_109 = arith.constant 0 : i32
    %dma_wait3A_110 = arith.constant 0 : i32
    %dma_wait3A_111 = tpu.memref_slice %arg13[%dma_wait3A_109, %dma_wait3A_110] : memref<10240x64xf32, #tpu.memory_space<vmem_shared>> -> memref<10240x64xf32, #tpu.memory_space<vmem_shared>>
    tpu.wait_indirect_dma semaphore(%arg19 : memref<!tpu.dma_semaphore, #tpu.memory_space<semaphore_mem>>) src(%arg10 : memref<128x64xf32, #tpu.memory_space<vmem>>) dst(%dma_wait3A_111 : memref<10240x64xf32, #tpu.memory_space<vmem_shared>>)
    %dma_wait3A_112 = arith.constant 78 : i32
    %dma_wait3A_113 = arith.constant 0 : i32
    %dma_wait3A_114 = tpu.memref_slice %arg8[%dma_wait3A_112, %dma_wait3A_113] : memref<80x128xi32, #tpu.memory_space<vmem>> -> memref<1x128xi32, #tpu.memory_space<vmem>>
    %dma_wait3A_115 = tpu.memref_squeeze %dma_wait3A_114 : memref<1x128xi32, #tpu.memory_space<vmem>> -> memref<128xi32, #tpu.memory_space<vmem>>
    %dma_wait3A_116 = arith.constant 0 : i32
    %dma_wait3A_117 = arith.constant 0 : i32
    %dma_wait3A_118 = tpu.memref_slice %arg13[%dma_wait3A_116, %dma_wait3A_117] : memref<10240x64xf32, #tpu.memory_space<vmem_shared>> -> memref<10240x64xf32, #tpu.memory_space<vmem_shared>>
    tpu.wait_indirect_dma semaphore(%arg20 : memref<!tpu.dma_semaphore, #tpu.memory_space<semaphore_mem>>) src(%arg11 : memref<128x64xf32, #tpu.memory_space<vmem>>) dst(%dma_wait3A_118 : memref<10240x64xf32, #tpu.memory_space<vmem_shared>>)
    %dma_wait3A_119 = arith.constant 79 : i32
    %dma_wait3A_120 = arith.constant 0 : i32
    %dma_wait3A_121 = tpu.memref_slice %arg8[%dma_wait3A_119, %dma_wait3A_120] : memref<80x128xi32, #tpu.memory_space<vmem>> -> memref<1x128xi32, #tpu.memory_space<vmem>>
    %dma_wait3A_122 = tpu.memref_squeeze %dma_wait3A_121 : memref<1x128xi32, #tpu.memory_space<vmem>> -> memref<128xi32, #tpu.memory_space<vmem>>
    %dma_wait3A_123 = arith.constant 0 : i32
    %dma_wait3A_124 = arith.constant 0 : i32
    %dma_wait3A_125 = tpu.memref_slice %arg13[%dma_wait3A_123, %dma_wait3A_124] : memref<10240x64xf32, #tpu.memory_space<vmem_shared>> -> memref<10240x64xf32, #tpu.memory_space<vmem_shared>>
    tpu.wait_indirect_dma semaphore(%arg21 : memref<!tpu.dma_semaphore, #tpu.memory_space<semaphore_mem>>) src(%arg12 : memref<128x64xf32, #tpu.memory_space<vmem>>) dst(%dma_wait3A_125 : memref<10240x64xf32, #tpu.memory_space<vmem_shared>>)
    %mul3A_126 = arith.constant 160 : i32
    %mul3A_127 = arith.muli %arg1, %mul3A_126 : i32
    %add3A_128 = arith.constant 80 : i32
    %add3A_129 = arith.addi %mul3A_127, %add3A_128 : i32
    %mul3A_130 = arith.constant 2560 : i32
    %mul3A_131 = arith.muli %arg0, %mul3A_130 : i32
    %add3A_132 = arith.addi %mul3A_131, %add3A_129 : i32
    "tpu.region"() ({
      %run_scoped3A = tpu.sem_alloc : memref<!tpu.dma_semaphore, #tpu.memory_space<semaphore_mem>>
      %dma_start3A_256 = arith.constant 0 : i32
      %dma_start3A_257 = tpu.memref_slice %arg3[%add3A_132, %dma_start3A_256] : memref<5120x128xi32, #tpu.memory_space<hbm>> -> memref<80x128xi32, #tpu.memory_space<hbm>>
      %dma_start3A_258 = arith.constant 0 : i32
      %dma_start3A_259 = tpu.memref_slice %arg3[%add3A_132, %dma_start3A_258] : memref<5120x128xi32, #tpu.memory_space<hbm>> -> memref<80x128xi32, #tpu.memory_space<hbm>>
      tpu.enqueue_dma source(%dma_start3A_259 : memref<80x128xi32, #tpu.memory_space<hbm>>) target(%arg7 : memref<80x128xi32, #tpu.memory_space<vmem>>) target_semaphore(%run_scoped3A : memref<!tpu.dma_semaphore, #tpu.memory_space<semaphore_mem>>)
      %dma_wait3A_260 = arith.constant 0 : i32
      %dma_wait3A_261 = tpu.memref_slice %arg3[%add3A_132, %dma_wait3A_260] : memref<5120x128xi32, #tpu.memory_space<hbm>> -> memref<80x128xi32, #tpu.memory_space<hbm>>
      %dma_wait3A_262 = arith.constant 0 : i32
      %dma_wait3A_263 = tpu.memref_slice %arg3[%add3A_132, %dma_wait3A_262] : memref<5120x128xi32, #tpu.memory_space<hbm>> -> memref<80x128xi32, #tpu.memory_space<hbm>>
      tpu.wait_dma2 semaphore(%run_scoped3A : memref<!tpu.dma_semaphore, #tpu.memory_space<semaphore_mem>>) src(%dma_wait3A_263 : memref<80x128xi32, #tpu.memory_space<hbm>>) dst(%arg7 : memref<80x128xi32, #tpu.memory_space<vmem>>)
      tpu.yield
    }) : () -> ()
    "tpu.region"() ({
      %run_scoped3A = tpu.sem_alloc : memref<!tpu.dma_semaphore, #tpu.memory_space<semaphore_mem>>
      %dma_start3A_256 = arith.constant 0 : i32
      %dma_start3A_257 = tpu.memref_slice %arg4[%add3A_129, %dma_start3A_256] : memref<2560x128xi32, #tpu.memory_space<hbm>> -> memref<80x128xi32, #tpu.memory_space<hbm>>
      %dma_start3A_258 = arith.constant 0 : i32
      %dma_start3A_259 = tpu.memref_slice %arg4[%add3A_129, %dma_start3A_258] : memref<2560x128xi32, #tpu.memory_space<hbm>> -> memref<80x128xi32, #tpu.memory_space<hbm>>
      tpu.enqueue_dma source(%dma_start3A_259 : memref<80x128xi32, #tpu.memory_space<hbm>>) target(%arg8 : memref<80x128xi32, #tpu.memory_space<vmem>>) target_semaphore(%run_scoped3A : memref<!tpu.dma_semaphore, #tpu.memory_space<semaphore_mem>>)
      %dma_wait3A_260 = arith.constant 0 : i32
      %dma_wait3A_261 = tpu.memref_slice %arg4[%add3A_129, %dma_wait3A_260] : memref<2560x128xi32, #tpu.memory_space<hbm>> -> memref<80x128xi32, #tpu.memory_space<hbm>>
      %dma_wait3A_262 = arith.constant 0 : i32
      %dma_wait3A_263 = tpu.memref_slice %arg4[%add3A_129, %dma_wait3A_262] : memref<2560x128xi32, #tpu.memory_space<hbm>> -> memref<80x128xi32, #tpu.memory_space<hbm>>
      tpu.wait_dma2 semaphore(%run_scoped3A : memref<!tpu.dma_semaphore, #tpu.memory_space<semaphore_mem>>) src(%dma_wait3A_263 : memref<80x128xi32, #tpu.memory_space<hbm>>) dst(%arg8 : memref<80x128xi32, #tpu.memory_space<vmem>>)
      tpu.yield
    }) : () -> ()
    %dma_start3A_133 = arith.constant 0 : i32
    %dma_start3A_134 = arith.constant 0 : i32
    %dma_start3A_135 = tpu.memref_slice %arg7[%dma_start3A_133, %dma_start3A_134] : memref<80x128xi32, #tpu.memory_space<vmem>> -> memref<1x128xi32, #tpu.memory_space<vmem>>
    %dma_start3A_136 = tpu.memref_squeeze %dma_start3A_135 : memref<1x128xi32, #tpu.memory_space<vmem>> -> memref<128xi32, #tpu.memory_space<vmem>>
    %dma_start3A_137 = arith.constant 0 : i32
    %dma_start3A_138 = arith.constant 0 : i32
    %dma_start3A_139 = tpu.memref_slice %arg2[%dma_start3A_137, %dma_start3A_138] : memref<20480x64xf32, #tpu.memory_space<hbm>> -> memref<20480x64xf32, #tpu.memory_space<hbm>>
    tpu.enqueue_indirect_dma source(%dma_start3A_139 : memref<20480x64xf32, #tpu.memory_space<hbm>>) target(%arg9 : memref<128x64xf32, #tpu.memory_space<vmem>>) offsets(%dma_start3A_136 : memref<128xi32, #tpu.memory_space<vmem>>) semaphore(%arg14 : memref<!tpu.dma_semaphore, #tpu.memory_space<semaphore_mem>>)
    %dma_start3A_140 = arith.constant 1 : i32
    %dma_start3A_141 = arith.constant 0 : i32
    %dma_start3A_142 = tpu.memref_slice %arg7[%dma_start3A_140, %dma_start3A_141] : memref<80x128xi32, #tpu.memory_space<vmem>> -> memref<1x128xi32, #tpu.memory_space<vmem>>
    %dma_start3A_143 = tpu.memref_squeeze %dma_start3A_142 : memref<1x128xi32, #tpu.memory_space<vmem>> -> memref<128xi32, #tpu.memory_space<vmem>>
    %dma_start3A_144 = arith.constant 0 : i32
    %dma_start3A_145 = arith.constant 0 : i32
    %dma_start3A_146 = tpu.memref_slice %arg2[%dma_start3A_144, %dma_start3A_145] : memref<20480x64xf32, #tpu.memory_space<hbm>> -> memref<20480x64xf32, #tpu.memory_space<hbm>>
    tpu.enqueue_indirect_dma source(%dma_start3A_146 : memref<20480x64xf32, #tpu.memory_space<hbm>>) target(%arg10 : memref<128x64xf32, #tpu.memory_space<vmem>>) offsets(%dma_start3A_143 : memref<128xi32, #tpu.memory_space<vmem>>) semaphore(%arg15 : memref<!tpu.dma_semaphore, #tpu.memory_space<semaphore_mem>>)
    %dma_start3A_147 = arith.constant 2 : i32
    %dma_start3A_148 = arith.constant 0 : i32
    %dma_start3A_149 = tpu.memref_slice %arg7[%dma_start3A_147, %dma_start3A_148] : memref<80x128xi32, #tpu.memory_space<vmem>> -> memref<1x128xi32, #tpu.memory_space<vmem>>
    %dma_start3A_150 = tpu.memref_squeeze %dma_start3A_149 : memref<1x128xi32, #tpu.memory_space<vmem>> -> memref<128xi32, #tpu.memory_space<vmem>>
    %dma_start3A_151 = arith.constant 0 : i32
    %dma_start3A_152 = arith.constant 0 : i32
    %dma_start3A_153 = tpu.memref_slice %arg2[%dma_start3A_151, %dma_start3A_152] : memref<20480x64xf32, #tpu.memory_space<hbm>> -> memref<20480x64xf32, #tpu.memory_space<hbm>>
    tpu.enqueue_indirect_dma source(%dma_start3A_153 : memref<20480x64xf32, #tpu.memory_space<hbm>>) target(%arg11 : memref<128x64xf32, #tpu.memory_space<vmem>>) offsets(%dma_start3A_150 : memref<128xi32, #tpu.memory_space<vmem>>) semaphore(%arg16 : memref<!tpu.dma_semaphore, #tpu.memory_space<semaphore_mem>>)
    %dma_start3A_154 = arith.constant 3 : i32
    %dma_start3A_155 = arith.constant 0 : i32
    %dma_start3A_156 = tpu.memref_slice %arg7[%dma_start3A_154, %dma_start3A_155] : memref<80x128xi32, #tpu.memory_space<vmem>> -> memref<1x128xi32, #tpu.memory_space<vmem>>
    %dma_start3A_157 = tpu.memref_squeeze %dma_start3A_156 : memref<1x128xi32, #tpu.memory_space<vmem>> -> memref<128xi32, #tpu.memory_space<vmem>>
    %dma_start3A_158 = arith.constant 0 : i32
    %dma_start3A_159 = arith.constant 0 : i32
    %dma_start3A_160 = tpu.memref_slice %arg2[%dma_start3A_158, %dma_start3A_159] : memref<20480x64xf32, #tpu.memory_space<hbm>> -> memref<20480x64xf32, #tpu.memory_space<hbm>>
    tpu.enqueue_indirect_dma source(%dma_start3A_160 : memref<20480x64xf32, #tpu.memory_space<hbm>>) target(%arg12 : memref<128x64xf32, #tpu.memory_space<vmem>>) offsets(%dma_start3A_157 : memref<128xi32, #tpu.memory_space<vmem>>) semaphore(%arg17 : memref<!tpu.dma_semaphore, #tpu.memory_space<semaphore_mem>>)
    %scan3A_161 = arith.constant 0 : i32
    %scan3A_162 = arith.constant 19 : i32
    %scan3A_163 = arith.addi %scan3A_161, %scan3A_162 : i32
    %scan3A_164 = arith.constant 1 : i32
    scf.for %scan3A_256 = %scan3A_161 to %scan3A_163 step %scan3A_164  : i32 {
      %mul3A_257 = arith.constant 1 : i32
      %mul3A_258 = arith.muli %scan3A_256, %mul3A_257 : i32
      %add3A_259 = arith.constant 0 : i32
      %add3A_260 = arith.addi %add3A_259, %mul3A_258 : i32
      %mul3A_261 = arith.constant 4 : i32
      %mul3A_262 = arith.muli %add3A_260, %mul3A_261 : i32
      %add3A_263 = arith.constant 0 : i32
      %add3A_264 = arith.addi %mul3A_262, %add3A_263 : i32
      %dma_wait3A_265 = arith.constant 0 : i32
      %dma_wait3A_266 = tpu.memref_slice %arg7[%add3A_264, %dma_wait3A_265] : memref<80x128xi32, #tpu.memory_space<vmem>> -> memref<1x128xi32, #tpu.memory_space<vmem>>
      %dma_wait3A_267 = tpu.memref_squeeze %dma_wait3A_266 : memref<1x128xi32, #tpu.memory_space<vmem>> -> memref<128xi32, #tpu.memory_space<vmem>>
      %dma_wait3A_268 = arith.constant 0 : i32
      %dma_wait3A_269 = arith.constant 0 : i32
      %dma_wait3A_270 = tpu.memref_slice %arg2[%dma_wait3A_268, %dma_wait3A_269] : memref<20480x64xf32, #tpu.memory_space<hbm>> -> memref<20480x64xf32, #tpu.memory_space<hbm>>
      tpu.wait_indirect_dma semaphore(%arg14 : memref<!tpu.dma_semaphore, #tpu.memory_space<semaphore_mem>>) src(%dma_wait3A_270 : memref<20480x64xf32, #tpu.memory_space<hbm>>) dst(%arg9 : memref<128x64xf32, #tpu.memory_space<vmem>>)
      %mul3A_271 = arith.constant 4 : i32
      %mul3A_272 = arith.muli %add3A_260, %mul3A_271 : i32
      %add3A_273 = arith.constant 0 : i32
      %add3A_274 = arith.addi %mul3A_272, %add3A_273 : i32
      %dma_start3A_275 = arith.constant 0 : i32
      %dma_start3A_276 = tpu.memref_slice %arg8[%add3A_274, %dma_start3A_275] : memref<80x128xi32, #tpu.memory_space<vmem>> -> memref<1x128xi32, #tpu.memory_space<vmem>>
      %dma_start3A_277 = tpu.memref_squeeze %dma_start3A_276 : memref<1x128xi32, #tpu.memory_space<vmem>> -> memref<128xi32, #tpu.memory_space<vmem>>
      %dma_start3A_278 = arith.constant 0 : i32
      %dma_start3A_279 = arith.constant 0 : i32
      %dma_start3A_280 = tpu.memref_slice %arg13[%dma_start3A_278, %dma_start3A_279] : memref<10240x64xf32, #tpu.memory_space<vmem_shared>> -> memref<10240x64xf32, #tpu.memory_space<vmem_shared>>
      tpu.enqueue_indirect_dma source(%arg9 : memref<128x64xf32, #tpu.memory_space<vmem>>) target(%dma_start3A_280 : memref<10240x64xf32, #tpu.memory_space<vmem_shared>>) offsets(%dma_start3A_277 : memref<128xi32, #tpu.memory_space<vmem>>) semaphore(%arg18 : memref<!tpu.dma_semaphore, #tpu.memory_space<semaphore_mem>>) {add = true}
      %mul3A_281 = arith.constant 4 : i32
      %mul3A_282 = arith.muli %add3A_260, %mul3A_281 : i32
      %add3A_283 = arith.constant 1 : i32
      %add3A_284 = arith.addi %mul3A_282, %add3A_283 : i32
      %dma_wait3A_285 = arith.constant 0 : i32
      %dma_wait3A_286 = tpu.memref_slice %arg7[%add3A_284, %dma_wait3A_285] : memref<80x128xi32, #tpu.memory_space<vmem>> -> memref<1x128xi32, #tpu.memory_space<vmem>>
      %dma_wait3A_287 = tpu.memref_squeeze %dma_wait3A_286 : memref<1x128xi32, #tpu.memory_space<vmem>> -> memref<128xi32, #tpu.memory_space<vmem>>
      %dma_wait3A_288 = arith.constant 0 : i32
      %dma_wait3A_289 = arith.constant 0 : i32
      %dma_wait3A_290 = tpu.memref_slice %arg2[%dma_wait3A_288, %dma_wait3A_289] : memref<20480x64xf32, #tpu.memory_space<hbm>> -> memref<20480x64xf32, #tpu.memory_space<hbm>>
      tpu.wait_indirect_dma semaphore(%arg15 : memref<!tpu.dma_semaphore, #tpu.memory_space<semaphore_mem>>) src(%dma_wait3A_290 : memref<20480x64xf32, #tpu.memory_space<hbm>>) dst(%arg10 : memref<128x64xf32, #tpu.memory_space<vmem>>)
      %mul3A_291 = arith.constant 4 : i32
      %mul3A_292 = arith.muli %add3A_260, %mul3A_291 : i32
      %add3A_293 = arith.constant 1 : i32
      %add3A_294 = arith.addi %mul3A_292, %add3A_293 : i32
      %dma_start3A_295 = arith.constant 0 : i32
      %dma_start3A_296 = tpu.memref_slice %arg8[%add3A_294, %dma_start3A_295] : memref<80x128xi32, #tpu.memory_space<vmem>> -> memref<1x128xi32, #tpu.memory_space<vmem>>
      %dma_start3A_297 = tpu.memref_squeeze %dma_start3A_296 : memref<1x128xi32, #tpu.memory_space<vmem>> -> memref<128xi32, #tpu.memory_space<vmem>>
      %dma_start3A_298 = arith.constant 0 : i32
      %dma_start3A_299 = arith.constant 0 : i32
      %dma_start3A_300 = tpu.memref_slice %arg13[%dma_start3A_298, %dma_start3A_299] : memref<10240x64xf32, #tpu.memory_space<vmem_shared>> -> memref<10240x64xf32, #tpu.memory_space<vmem_shared>>
      tpu.enqueue_indirect_dma source(%arg10 : memref<128x64xf32, #tpu.memory_space<vmem>>) target(%dma_start3A_300 : memref<10240x64xf32, #tpu.memory_space<vmem_shared>>) offsets(%dma_start3A_297 : memref<128xi32, #tpu.memory_space<vmem>>) semaphore(%arg19 : memref<!tpu.dma_semaphore, #tpu.memory_space<semaphore_mem>>) {add = true}
      %mul3A_301 = arith.constant 4 : i32
      %mul3A_302 = arith.muli %add3A_260, %mul3A_301 : i32
      %add3A_303 = arith.constant 2 : i32
      %add3A_304 = arith.addi %mul3A_302, %add3A_303 : i32
      %dma_wait3A_305 = arith.constant 0 : i32
      %dma_wait3A_306 = tpu.memref_slice %arg7[%add3A_304, %dma_wait3A_305] : memref<80x128xi32, #tpu.memory_space<vmem>> -> memref<1x128xi32, #tpu.memory_space<vmem>>
      %dma_wait3A_307 = tpu.memref_squeeze %dma_wait3A_306 : memref<1x128xi32, #tpu.memory_space<vmem>> -> memref<128xi32, #tpu.memory_space<vmem>>
      %dma_wait3A_308 = arith.constant 0 : i32
      %dma_wait3A_309 = arith.constant 0 : i32
      %dma_wait3A_310 = tpu.memref_slice %arg2[%dma_wait3A_308, %dma_wait3A_309] : memref<20480x64xf32, #tpu.memory_space<hbm>> -> memref<20480x64xf32, #tpu.memory_space<hbm>>
      tpu.wait_indirect_dma semaphore(%arg16 : memref<!tpu.dma_semaphore, #tpu.memory_space<semaphore_mem>>) src(%dma_wait3A_310 : memref<20480x64xf32, #tpu.memory_space<hbm>>) dst(%arg11 : memref<128x64xf32, #tpu.memory_space<vmem>>)
      %mul3A_311 = arith.constant 4 : i32
      %mul3A_312 = arith.muli %add3A_260, %mul3A_311 : i32
      %add3A_313 = arith.constant 2 : i32
      %add3A_314 = arith.addi %mul3A_312, %add3A_313 : i32
      %dma_start3A_315 = arith.constant 0 : i32
      %dma_start3A_316 = tpu.memref_slice %arg8[%add3A_314, %dma_start3A_315] : memref<80x128xi32, #tpu.memory_space<vmem>> -> memref<1x128xi32, #tpu.memory_space<vmem>>
      %dma_start3A_317 = tpu.memref_squeeze %dma_start3A_316 : memref<1x128xi32, #tpu.memory_space<vmem>> -> memref<128xi32, #tpu.memory_space<vmem>>
      %dma_start3A_318 = arith.constant 0 : i32
      %dma_start3A_319 = arith.constant 0 : i32
      %dma_start3A_320 = tpu.memref_slice %arg13[%dma_start3A_318, %dma_start3A_319] : memref<10240x64xf32, #tpu.memory_space<vmem_shared>> -> memref<10240x64xf32, #tpu.memory_space<vmem_shared>>
      tpu.enqueue_indirect_dma source(%arg11 : memref<128x64xf32, #tpu.memory_space<vmem>>) target(%dma_start3A_320 : memref<10240x64xf32, #tpu.memory_space<vmem_shared>>) offsets(%dma_start3A_317 : memref<128xi32, #tpu.memory_space<vmem>>) semaphore(%arg20 : memref<!tpu.dma_semaphore, #tpu.memory_space<semaphore_mem>>) {add = true}
      %mul3A_321 = arith.constant 4 : i32
      %mul3A_322 = arith.muli %add3A_260, %mul3A_321 : i32
      %add3A_323 = arith.constant 3 : i32
      %add3A_324 = arith.addi %mul3A_322, %add3A_323 : i32
      %dma_wait3A_325 = arith.constant 0 : i32
      %dma_wait3A_326 = tpu.memref_slice %arg7[%add3A_324, %dma_wait3A_325] : memref<80x128xi32, #tpu.memory_space<vmem>> -> memref<1x128xi32, #tpu.memory_space<vmem>>
      %dma_wait3A_327 = tpu.memref_squeeze %dma_wait3A_326 : memref<1x128xi32, #tpu.memory_space<vmem>> -> memref<128xi32, #tpu.memory_space<vmem>>
      %dma_wait3A_328 = arith.constant 0 : i32
      %dma_wait3A_329 = arith.constant 0 : i32
      %dma_wait3A_330 = tpu.memref_slice %arg2[%dma_wait3A_328, %dma_wait3A_329] : memref<20480x64xf32, #tpu.memory_space<hbm>> -> memref<20480x64xf32, #tpu.memory_space<hbm>>
      tpu.wait_indirect_dma semaphore(%arg17 : memref<!tpu.dma_semaphore, #tpu.memory_space<semaphore_mem>>) src(%dma_wait3A_330 : memref<20480x64xf32, #tpu.memory_space<hbm>>) dst(%arg12 : memref<128x64xf32, #tpu.memory_space<vmem>>)
      %mul3A_331 = arith.constant 4 : i32
      %mul3A_332 = arith.muli %add3A_260, %mul3A_331 : i32
      %add3A_333 = arith.constant 3 : i32
      %add3A_334 = arith.addi %mul3A_332, %add3A_333 : i32
      %dma_start3A_335 = arith.constant 0 : i32
      %dma_start3A_336 = tpu.memref_slice %arg8[%add3A_334, %dma_start3A_335] : memref<80x128xi32, #tpu.memory_space<vmem>> -> memref<1x128xi32, #tpu.memory_space<vmem>>
      %dma_start3A_337 = tpu.memref_squeeze %dma_start3A_336 : memref<1x128xi32, #tpu.memory_space<vmem>> -> memref<128xi32, #tpu.memory_space<vmem>>
      %dma_start3A_338 = arith.constant 0 : i32
      %dma_start3A_339 = arith.constant 0 : i32
      %dma_start3A_340 = tpu.memref_slice %arg13[%dma_start3A_338, %dma_start3A_339] : memref<10240x64xf32, #tpu.memory_space<vmem_shared>> -> memref<10240x64xf32, #tpu.memory_space<vmem_shared>>
      tpu.enqueue_indirect_dma source(%arg12 : memref<128x64xf32, #tpu.memory_space<vmem>>) target(%dma_start3A_340 : memref<10240x64xf32, #tpu.memory_space<vmem_shared>>) offsets(%dma_start3A_337 : memref<128xi32, #tpu.memory_space<vmem>>) semaphore(%arg21 : memref<!tpu.dma_semaphore, #tpu.memory_space<semaphore_mem>>) {add = true}
      %mul3A_341 = arith.constant 4 : i32
      %mul3A_342 = arith.muli %add3A_260, %mul3A_341 : i32
      %add3A_343 = arith.constant 0 : i32
      %add3A_344 = arith.addi %mul3A_342, %add3A_343 : i32
      %dma_wait3A_345 = arith.constant 0 : i32
      %dma_wait3A_346 = tpu.memref_slice %arg8[%add3A_344, %dma_wait3A_345] : memref<80x128xi32, #tpu.memory_space<vmem>> -> memref<1x128xi32, #tpu.memory_space<vmem>>
      %dma_wait3A_347 = tpu.memref_squeeze %dma_wait3A_346 : memref<1x128xi32, #tpu.memory_space<vmem>> -> memref<128xi32, #tpu.memory_space<vmem>>
      %dma_wait3A_348 = arith.constant 0 : i32
      %dma_wait3A_349 = arith.constant 0 : i32
      %dma_wait3A_350 = tpu.memref_slice %arg13[%dma_wait3A_348, %dma_wait3A_349] : memref<10240x64xf32, #tpu.memory_space<vmem_shared>> -> memref<10240x64xf32, #tpu.memory_space<vmem_shared>>
      tpu.wait_indirect_dma semaphore(%arg18 : memref<!tpu.dma_semaphore, #tpu.memory_space<semaphore_mem>>) src(%arg9 : memref<128x64xf32, #tpu.memory_space<vmem>>) dst(%dma_wait3A_350 : memref<10240x64xf32, #tpu.memory_space<vmem_shared>>)
      %add3A_351 = arith.constant 1 : i32
      %add3A_352 = arith.addi %add3A_260, %add3A_351 : i32
      %mul3A_353 = arith.constant 4 : i32
      %mul3A_354 = arith.muli %add3A_352, %mul3A_353 : i32
      %add3A_355 = arith.constant 0 : i32
      %add3A_356 = arith.addi %mul3A_354, %add3A_355 : i32
      %dma_start3A_357 = arith.constant 0 : i32
      %dma_start3A_358 = tpu.memref_slice %arg7[%add3A_356, %dma_start3A_357] : memref<80x128xi32, #tpu.memory_space<vmem>> -> memref<1x128xi32, #tpu.memory_space<vmem>>
      %dma_start3A_359 = tpu.memref_squeeze %dma_start3A_358 : memref<1x128xi32, #tpu.memory_space<vmem>> -> memref<128xi32, #tpu.memory_space<vmem>>
      %dma_start3A_360 = arith.constant 0 : i32
      %dma_start3A_361 = arith.constant 0 : i32
      %dma_start3A_362 = tpu.memref_slice %arg2[%dma_start3A_360, %dma_start3A_361] : memref<20480x64xf32, #tpu.memory_space<hbm>> -> memref<20480x64xf32, #tpu.memory_space<hbm>>
      tpu.enqueue_indirect_dma source(%dma_start3A_362 : memref<20480x64xf32, #tpu.memory_space<hbm>>) target(%arg9 : memref<128x64xf32, #tpu.memory_space<vmem>>) offsets(%dma_start3A_359 : memref<128xi32, #tpu.memory_space<vmem>>) semaphore(%arg14 : memref<!tpu.dma_semaphore, #tpu.memory_space<semaphore_mem>>)
      %mul3A_363 = arith.constant 4 : i32
      %mul3A_364 = arith.muli %add3A_260, %mul3A_363 : i32
      %add3A_365 = arith.constant 1 : i32
      %add3A_366 = arith.addi %mul3A_364, %add3A_365 : i32
      %dma_wait3A_367 = arith.constant 0 : i32
      %dma_wait3A_368 = tpu.memref_slice %arg8[%add3A_366, %dma_wait3A_367] : memref<80x128xi32, #tpu.memory_space<vmem>> -> memref<1x128xi32, #tpu.memory_space<vmem>>
      %dma_wait3A_369 = tpu.memref_squeeze %dma_wait3A_368 : memref<1x128xi32, #tpu.memory_space<vmem>> -> memref<128xi32, #tpu.memory_space<vmem>>
      %dma_wait3A_370 = arith.constant 0 : i32
      %dma_wait3A_371 = arith.constant 0 : i32
      %dma_wait3A_372 = tpu.memref_slice %arg13[%dma_wait3A_370, %dma_wait3A_371] : memref<10240x64xf32, #tpu.memory_space<vmem_shared>> -> memref<10240x64xf32, #tpu.memory_space<vmem_shared>>
      tpu.wait_indirect_dma semaphore(%arg19 : memref<!tpu.dma_semaphore, #tpu.memory_space<semaphore_mem>>) src(%arg10 : memref<128x64xf32, #tpu.memory_space<vmem>>) dst(%dma_wait3A_372 : memref<10240x64xf32, #tpu.memory_space<vmem_shared>>)
      %add3A_373 = arith.constant 1 : i32
      %add3A_374 = arith.addi %add3A_260, %add3A_373 : i32
      %mul3A_375 = arith.constant 4 : i32
      %mul3A_376 = arith.muli %add3A_374, %mul3A_375 : i32
      %add3A_377 = arith.constant 1 : i32
      %add3A_378 = arith.addi %mul3A_376, %add3A_377 : i32
      %dma_start3A_379 = arith.constant 0 : i32
      %dma_start3A_380 = tpu.memref_slice %arg7[%add3A_378, %dma_start3A_379] : memref<80x128xi32, #tpu.memory_space<vmem>> -> memref<1x128xi32, #tpu.memory_space<vmem>>
      %dma_start3A_381 = tpu.memref_squeeze %dma_start3A_380 : memref<1x128xi32, #tpu.memory_space<vmem>> -> memref<128xi32, #tpu.memory_space<vmem>>
      %dma_start3A_382 = arith.constant 0 : i32
      %dma_start3A_383 = arith.constant 0 : i32
      %dma_start3A_384 = tpu.memref_slice %arg2[%dma_start3A_382, %dma_start3A_383] : memref<20480x64xf32, #tpu.memory_space<hbm>> -> memref<20480x64xf32, #tpu.memory_space<hbm>>
      tpu.enqueue_indirect_dma source(%dma_start3A_384 : memref<20480x64xf32, #tpu.memory_space<hbm>>) target(%arg10 : memref<128x64xf32, #tpu.memory_space<vmem>>) offsets(%dma_start3A_381 : memref<128xi32, #tpu.memory_space<vmem>>) semaphore(%arg15 : memref<!tpu.dma_semaphore, #tpu.memory_space<semaphore_mem>>)
      %mul3A_385 = arith.constant 4 : i32
      %mul3A_386 = arith.muli %add3A_260, %mul3A_385 : i32
      %add3A_387 = arith.constant 2 : i32
      %add3A_388 = arith.addi %mul3A_386, %add3A_387 : i32
      %dma_wait3A_389 = arith.constant 0 : i32
      %dma_wait3A_390 = tpu.memref_slice %arg8[%add3A_388, %dma_wait3A_389] : memref<80x128xi32, #tpu.memory_space<vmem>> -> memref<1x128xi32, #tpu.memory_space<vmem>>
      %dma_wait3A_391 = tpu.memref_squeeze %dma_wait3A_390 : memref<1x128xi32, #tpu.memory_space<vmem>> -> memref<128xi32, #tpu.memory_space<vmem>>
      %dma_wait3A_392 = arith.constant 0 : i32
      %dma_wait3A_393 = arith.constant 0 : i32
      %dma_wait3A_394 = tpu.memref_slice %arg13[%dma_wait3A_392, %dma_wait3A_393] : memref<10240x64xf32, #tpu.memory_space<vmem_shared>> -> memref<10240x64xf32, #tpu.memory_space<vmem_shared>>
      tpu.wait_indirect_dma semaphore(%arg20 : memref<!tpu.dma_semaphore, #tpu.memory_space<semaphore_mem>>) src(%arg11 : memref<128x64xf32, #tpu.memory_space<vmem>>) dst(%dma_wait3A_394 : memref<10240x64xf32, #tpu.memory_space<vmem_shared>>)
      %add3A_395 = arith.constant 1 : i32
      %add3A_396 = arith.addi %add3A_260, %add3A_395 : i32
      %mul3A_397 = arith.constant 4 : i32
      %mul3A_398 = arith.muli %add3A_396, %mul3A_397 : i32
      %add3A_399 = arith.constant 2 : i32
      %add3A_400 = arith.addi %mul3A_398, %add3A_399 : i32
      %dma_start3A_401 = arith.constant 0 : i32
      %dma_start3A_402 = tpu.memref_slice %arg7[%add3A_400, %dma_start3A_401] : memref<80x128xi32, #tpu.memory_space<vmem>> -> memref<1x128xi32, #tpu.memory_space<vmem>>
      %dma_start3A_403 = tpu.memref_squeeze %dma_start3A_402 : memref<1x128xi32, #tpu.memory_space<vmem>> -> memref<128xi32, #tpu.memory_space<vmem>>
      %dma_start3A_404 = arith.constant 0 : i32
      %dma_start3A_405 = arith.constant 0 : i32
      %dma_start3A_406 = tpu.memref_slice %arg2[%dma_start3A_404, %dma_start3A_405] : memref<20480x64xf32, #tpu.memory_space<hbm>> -> memref<20480x64xf32, #tpu.memory_space<hbm>>
      tpu.enqueue_indirect_dma source(%dma_start3A_406 : memref<20480x64xf32, #tpu.memory_space<hbm>>) target(%arg11 : memref<128x64xf32, #tpu.memory_space<vmem>>) offsets(%dma_start3A_403 : memref<128xi32, #tpu.memory_space<vmem>>) semaphore(%arg16 : memref<!tpu.dma_semaphore, #tpu.memory_space<semaphore_mem>>)
      %mul3A_407 = arith.constant 4 : i32
      %mul3A_408 = arith.muli %add3A_260, %mul3A_407 : i32
      %add3A_409 = arith.constant 3 : i32
      %add3A_410 = arith.addi %mul3A_408, %add3A_409 : i32
      %dma_wait3A_411 = arith.constant 0 : i32
      %dma_wait3A_412 = tpu.memref_slice %arg8[%add3A_410, %dma_wait3A_411] : memref<80x128xi32, #tpu.memory_space<vmem>> -> memref<1x128xi32, #tpu.memory_space<vmem>>
      %dma_wait3A_413 = tpu.memref_squeeze %dma_wait3A_412 : memref<1x128xi32, #tpu.memory_space<vmem>> -> memref<128xi32, #tpu.memory_space<vmem>>
      %dma_wait3A_414 = arith.constant 0 : i32
      %dma_wait3A_415 = arith.constant 0 : i32
      %dma_wait3A_416 = tpu.memref_slice %arg13[%dma_wait3A_414, %dma_wait3A_415] : memref<10240x64xf32, #tpu.memory_space<vmem_shared>> -> memref<10240x64xf32, #tpu.memory_space<vmem_shared>>
      tpu.wait_indirect_dma semaphore(%arg21 : memref<!tpu.dma_semaphore, #tpu.memory_space<semaphore_mem>>) src(%arg12 : memref<128x64xf32, #tpu.memory_space<vmem>>) dst(%dma_wait3A_416 : memref<10240x64xf32, #tpu.memory_space<vmem_shared>>)
      %add3A_417 = arith.constant 1 : i32
      %add3A_418 = arith.addi %add3A_260, %add3A_417 : i32
      %mul3A_419 = arith.constant 4 : i32
      %mul3A_420 = arith.muli %add3A_418, %mul3A_419 : i32
      %add3A_421 = arith.constant 3 : i32
      %add3A_422 = arith.addi %mul3A_420, %add3A_421 : i32
      %dma_start3A_423 = arith.constant 0 : i32
      %dma_start3A_424 = tpu.memref_slice %arg7[%add3A_422, %dma_start3A_423] : memref<80x128xi32, #tpu.memory_space<vmem>> -> memref<1x128xi32, #tpu.memory_space<vmem>>
      %dma_start3A_425 = tpu.memref_squeeze %dma_start3A_424 : memref<1x128xi32, #tpu.memory_space<vmem>> -> memref<128xi32, #tpu.memory_space<vmem>>
      %dma_start3A_426 = arith.constant 0 : i32
      %dma_start3A_427 = arith.constant 0 : i32
      %dma_start3A_428 = tpu.memref_slice %arg2[%dma_start3A_426, %dma_start3A_427] : memref<20480x64xf32, #tpu.memory_space<hbm>> -> memref<20480x64xf32, #tpu.memory_space<hbm>>
      tpu.enqueue_indirect_dma source(%dma_start3A_428 : memref<20480x64xf32, #tpu.memory_space<hbm>>) target(%arg12 : memref<128x64xf32, #tpu.memory_space<vmem>>) offsets(%dma_start3A_425 : memref<128xi32, #tpu.memory_space<vmem>>) semaphore(%arg17 : memref<!tpu.dma_semaphore, #tpu.memory_space<semaphore_mem>>)
    }
    %scan3A_165 = arith.constant 19 : i32
    %dma_wait3A_166 = arith.constant 76 : i32
    %dma_wait3A_167 = arith.constant 0 : i32
    %dma_wait3A_168 = tpu.memref_slice %arg7[%dma_wait3A_166, %dma_wait3A_167] : memref<80x128xi32, #tpu.memory_space<vmem>> -> memref<1x128xi32, #tpu.memory_space<vmem>>
    %dma_wait3A_169 = tpu.memref_squeeze %dma_wait3A_168 : memref<1x128xi32, #tpu.memory_space<vmem>> -> memref<128xi32, #tpu.memory_space<vmem>>
    %dma_wait3A_170 = arith.constant 0 : i32
    %dma_wait3A_171 = arith.constant 0 : i32
    %dma_wait3A_172 = tpu.memref_slice %arg2[%dma_wait3A_170, %dma_wait3A_171] : memref<20480x64xf32, #tpu.memory_space<hbm>> -> memref<20480x64xf32, #tpu.memory_space<hbm>>
    tpu.wait_indirect_dma semaphore(%arg14 : memref<!tpu.dma_semaphore, #tpu.memory_space<semaphore_mem>>) src(%dma_wait3A_172 : memref<20480x64xf32, #tpu.memory_space<hbm>>) dst(%arg9 : memref<128x64xf32, #tpu.memory_space<vmem>>)
    %dma_start3A_173 = arith.constant 76 : i32
    %dma_start3A_174 = arith.constant 0 : i32
    %dma_start3A_175 = tpu.memref_slice %arg8[%dma_start3A_173, %dma_start3A_174] : memref<80x128xi32, #tpu.memory_space<vmem>> -> memref<1x128xi32, #tpu.memory_space<vmem>>
    %dma_start3A_176 = tpu.memref_squeeze %dma_start3A_175 : memref<1x128xi32, #tpu.memory_space<vmem>> -> memref<128xi32, #tpu.memory_space<vmem>>
    %dma_start3A_177 = arith.constant 0 : i32
    %dma_start3A_178 = arith.constant 0 : i32
    %dma_start3A_179 = tpu.memref_slice %arg13[%dma_start3A_177, %dma_start3A_178] : memref<10240x64xf32, #tpu.memory_space<vmem_shared>> -> memref<10240x64xf32, #tpu.memory_space<vmem_shared>>
    tpu.enqueue_indirect_dma source(%arg9 : memref<128x64xf32, #tpu.memory_space<vmem>>) target(%dma_start3A_179 : memref<10240x64xf32, #tpu.memory_space<vmem_shared>>) offsets(%dma_start3A_176 : memref<128xi32, #tpu.memory_space<vmem>>) semaphore(%arg18 : memref<!tpu.dma_semaphore, #tpu.memory_space<semaphore_mem>>) {add = true}
    %dma_wait3A_180 = arith.constant 77 : i32
    %dma_wait3A_181 = arith.constant 0 : i32
    %dma_wait3A_182 = tpu.memref_slice %arg7[%dma_wait3A_180, %dma_wait3A_181] : memref<80x128xi32, #tpu.memory_space<vmem>> -> memref<1x128xi32, #tpu.memory_space<vmem>>
    %dma_wait3A_183 = tpu.memref_squeeze %dma_wait3A_182 : memref<1x128xi32, #tpu.memory_space<vmem>> -> memref<128xi32, #tpu.memory_space<vmem>>
    %dma_wait3A_184 = arith.constant 0 : i32
    %dma_wait3A_185 = arith.constant 0 : i32
    %dma_wait3A_186 = tpu.memref_slice %arg2[%dma_wait3A_184, %dma_wait3A_185] : memref<20480x64xf32, #tpu.memory_space<hbm>> -> memref<20480x64xf32, #tpu.memory_space<hbm>>
    tpu.wait_indirect_dma semaphore(%arg15 : memref<!tpu.dma_semaphore, #tpu.memory_space<semaphore_mem>>) src(%dma_wait3A_186 : memref<20480x64xf32, #tpu.memory_space<hbm>>) dst(%arg10 : memref<128x64xf32, #tpu.memory_space<vmem>>)
    %dma_start3A_187 = arith.constant 77 : i32
    %dma_start3A_188 = arith.constant 0 : i32
    %dma_start3A_189 = tpu.memref_slice %arg8[%dma_start3A_187, %dma_start3A_188] : memref<80x128xi32, #tpu.memory_space<vmem>> -> memref<1x128xi32, #tpu.memory_space<vmem>>
    %dma_start3A_190 = tpu.memref_squeeze %dma_start3A_189 : memref<1x128xi32, #tpu.memory_space<vmem>> -> memref<128xi32, #tpu.memory_space<vmem>>
    %dma_start3A_191 = arith.constant 0 : i32
    %dma_start3A_192 = arith.constant 0 : i32
    %dma_start3A_193 = tpu.memref_slice %arg13[%dma_start3A_191, %dma_start3A_192] : memref<10240x64xf32, #tpu.memory_space<vmem_shared>> -> memref<10240x64xf32, #tpu.memory_space<vmem_shared>>
    tpu.enqueue_indirect_dma source(%arg10 : memref<128x64xf32, #tpu.memory_space<vmem>>) target(%dma_start3A_193 : memref<10240x64xf32, #tpu.memory_space<vmem_shared>>) offsets(%dma_start3A_190 : memref<128xi32, #tpu.memory_space<vmem>>) semaphore(%arg19 : memref<!tpu.dma_semaphore, #tpu.memory_space<semaphore_mem>>) {add = true}
    %dma_wait3A_194 = arith.constant 78 : i32
    %dma_wait3A_195 = arith.constant 0 : i32
    %dma_wait3A_196 = tpu.memref_slice %arg7[%dma_wait3A_194, %dma_wait3A_195] : memref<80x128xi32, #tpu.memory_space<vmem>> -> memref<1x128xi32, #tpu.memory_space<vmem>>
    %dma_wait3A_197 = tpu.memref_squeeze %dma_wait3A_196 : memref<1x128xi32, #tpu.memory_space<vmem>> -> memref<128xi32, #tpu.memory_space<vmem>>
    %dma_wait3A_198 = arith.constant 0 : i32
    %dma_wait3A_199 = arith.constant 0 : i32
    %dma_wait3A_200 = tpu.memref_slice %arg2[%dma_wait3A_198, %dma_wait3A_199] : memref<20480x64xf32, #tpu.memory_space<hbm>> -> memref<20480x64xf32, #tpu.memory_space<hbm>>
    tpu.wait_indirect_dma semaphore(%arg16 : memref<!tpu.dma_semaphore, #tpu.memory_space<semaphore_mem>>) src(%dma_wait3A_200 : memref<20480x64xf32, #tpu.memory_space<hbm>>) dst(%arg11 : memref<128x64xf32, #tpu.memory_space<vmem>>)
    %dma_start3A_201 = arith.constant 78 : i32
    %dma_start3A_202 = arith.constant 0 : i32
    %dma_start3A_203 = tpu.memref_slice %arg8[%dma_start3A_201, %dma_start3A_202] : memref<80x128xi32, #tpu.memory_space<vmem>> -> memref<1x128xi32, #tpu.memory_space<vmem>>
    %dma_start3A_204 = tpu.memref_squeeze %dma_start3A_203 : memref<1x128xi32, #tpu.memory_space<vmem>> -> memref<128xi32, #tpu.memory_space<vmem>>
    %dma_start3A_205 = arith.constant 0 : i32
    %dma_start3A_206 = arith.constant 0 : i32
    %dma_start3A_207 = tpu.memref_slice %arg13[%dma_start3A_205, %dma_start3A_206] : memref<10240x64xf32, #tpu.memory_space<vmem_shared>> -> memref<10240x64xf32, #tpu.memory_space<vmem_shared>>
    tpu.enqueue_indirect_dma source(%arg11 : memref<128x64xf32, #tpu.memory_space<vmem>>) target(%dma_start3A_207 : memref<10240x64xf32, #tpu.memory_space<vmem_shared>>) offsets(%dma_start3A_204 : memref<128xi32, #tpu.memory_space<vmem>>) semaphore(%arg20 : memref<!tpu.dma_semaphore, #tpu.memory_space<semaphore_mem>>) {add = true}
    %dma_wait3A_208 = arith.constant 79 : i32
    %dma_wait3A_209 = arith.constant 0 : i32
    %dma_wait3A_210 = tpu.memref_slice %arg7[%dma_wait3A_208, %dma_wait3A_209] : memref<80x128xi32, #tpu.memory_space<vmem>> -> memref<1x128xi32, #tpu.memory_space<vmem>>
    %dma_wait3A_211 = tpu.memref_squeeze %dma_wait3A_210 : memref<1x128xi32, #tpu.memory_space<vmem>> -> memref<128xi32, #tpu.memory_space<vmem>>
    %dma_wait3A_212 = arith.constant 0 : i32
    %dma_wait3A_213 = arith.constant 0 : i32
    %dma_wait3A_214 = tpu.memref_slice %arg2[%dma_wait3A_212, %dma_wait3A_213] : memref<20480x64xf32, #tpu.memory_space<hbm>> -> memref<20480x64xf32, #tpu.memory_space<hbm>>
    tpu.wait_indirect_dma semaphore(%arg17 : memref<!tpu.dma_semaphore, #tpu.memory_space<semaphore_mem>>) src(%dma_wait3A_214 : memref<20480x64xf32, #tpu.memory_space<hbm>>) dst(%arg12 : memref<128x64xf32, #tpu.memory_space<vmem>>)
    %dma_start3A_215 = arith.constant 79 : i32
    %dma_start3A_216 = arith.constant 0 : i32
    %dma_start3A_217 = tpu.memref_slice %arg8[%dma_start3A_215, %dma_start3A_216] : memref<80x128xi32, #tpu.memory_space<vmem>> -> memref<1x128xi32, #tpu.memory_space<vmem>>
    %dma_start3A_218 = tpu.memref_squeeze %dma_start3A_217 : memref<1x128xi32, #tpu.memory_space<vmem>> -> memref<128xi32, #tpu.memory_space<vmem>>
    %dma_start3A_219 = arith.constant 0 : i32
    %dma_start3A_220 = arith.constant 0 : i32
    %dma_start3A_221 = tpu.memref_slice %arg13[%dma_start3A_219, %dma_start3A_220] : memref<10240x64xf32, #tpu.memory_space<vmem_shared>> -> memref<10240x64xf32, #tpu.memory_space<vmem_shared>>
    tpu.enqueue_indirect_dma source(%arg12 : memref<128x64xf32, #tpu.memory_space<vmem>>) target(%dma_start3A_221 : memref<10240x64xf32, #tpu.memory_space<vmem_shared>>) offsets(%dma_start3A_218 : memref<128xi32, #tpu.memory_space<vmem>>) semaphore(%arg21 : memref<!tpu.dma_semaphore, #tpu.memory_space<semaphore_mem>>) {add = true}
    %dma_wait3A_222 = arith.constant 76 : i32
    %dma_wait3A_223 = arith.constant 0 : i32
    %dma_wait3A_224 = tpu.memref_slice %arg8[%dma_wait3A_222, %dma_wait3A_223] : memref<80x128xi32, #tpu.memory_space<vmem>> -> memref<1x128xi32, #tpu.memory_space<vmem>>
    %dma_wait3A_225 = tpu.memref_squeeze %dma_wait3A_224 : memref<1x128xi32, #tpu.memory_space<vmem>> -> memref<128xi32, #tpu.memory_space<vmem>>
    %dma_wait3A_226 = arith.constant 0 : i32
    %dma_wait3A_227 = arith.constant 0 : i32
    %dma_wait3A_228 = tpu.memref_slice %arg13[%dma_wait3A_226, %dma_wait3A_227] : memref<10240x64xf32, #tpu.memory_space<vmem_shared>> -> memref<10240x64xf32, #tpu.memory_space<vmem_shared>>
    tpu.wait_indirect_dma semaphore(%arg18 : memref<!tpu.dma_semaphore, #tpu.memory_space<semaphore_mem>>) src(%arg9 : memref<128x64xf32, #tpu.memory_space<vmem>>) dst(%dma_wait3A_228 : memref<10240x64xf32, #tpu.memory_space<vmem_shared>>)
    %dma_wait3A_229 = arith.constant 77 : i32
    %dma_wait3A_230 = arith.constant 0 : i32
    %dma_wait3A_231 = tpu.memref_slice %arg8[%dma_wait3A_229, %dma_wait3A_230] : memref<80x128xi32, #tpu.memory_space<vmem>> -> memref<1x128xi32, #tpu.memory_space<vmem>>
    %dma_wait3A_232 = tpu.memref_squeeze %dma_wait3A_231 : memref<1x128xi32, #tpu.memory_space<vmem>> -> memref<128xi32, #tpu.memory_space<vmem>>
    %dma_wait3A_233 = arith.constant 0 : i32
    %dma_wait3A_234 = arith.constant 0 : i32
    %dma_wait3A_235 = tpu.memref_slice %arg13[%dma_wait3A_233, %dma_wait3A_234] : memref<10240x64xf32, #tpu.memory_space<vmem_shared>> -> memref<10240x64xf32, #tpu.memory_space<vmem_shared>>
    tpu.wait_indirect_dma semaphore(%arg19 : memref<!tpu.dma_semaphore, #tpu.memory_space<semaphore_mem>>) src(%arg10 : memref<128x64xf32, #tpu.memory_space<vmem>>) dst(%dma_wait3A_235 : memref<10240x64xf32, #tpu.memory_space<vmem_shared>>)
    %dma_wait3A_236 = arith.constant 78 : i32
    %dma_wait3A_237 = arith.constant 0 : i32
    %dma_wait3A_238 = tpu.memref_slice %arg8[%dma_wait3A_236, %dma_wait3A_237] : memref<80x128xi32, #tpu.memory_space<vmem>> -> memref<1x128xi32, #tpu.memory_space<vmem>>
    %dma_wait3A_239 = tpu.memref_squeeze %dma_wait3A_238 : memref<1x128xi32, #tpu.memory_space<vmem>> -> memref<128xi32, #tpu.memory_space<vmem>>
    %dma_wait3A_240 = arith.constant 0 : i32
    %dma_wait3A_241 = arith.constant 0 : i32
    %dma_wait3A_242 = tpu.memref_slice %arg13[%dma_wait3A_240, %dma_wait3A_241] : memref<10240x64xf32, #tpu.memory_space<vmem_shared>> -> memref<10240x64xf32, #tpu.memory_space<vmem_shared>>
    tpu.wait_indirect_dma semaphore(%arg20 : memref<!tpu.dma_semaphore, #tpu.memory_space<semaphore_mem>>) src(%arg11 : memref<128x64xf32, #tpu.memory_space<vmem>>) dst(%dma_wait3A_242 : memref<10240x64xf32, #tpu.memory_space<vmem_shared>>)
    %dma_wait3A_243 = arith.constant 79 : i32
    %dma_wait3A_244 = arith.constant 0 : i32
    %dma_wait3A_245 = tpu.memref_slice %arg8[%dma_wait3A_243, %dma_wait3A_244] : memref<80x128xi32, #tpu.memory_space<vmem>> -> memref<1x128xi32, #tpu.memory_space<vmem>>
    %dma_wait3A_246 = tpu.memref_squeeze %dma_wait3A_245 : memref<1x128xi32, #tpu.memory_space<vmem>> -> memref<128xi32, #tpu.memory_space<vmem>>
    %dma_wait3A_247 = arith.constant 0 : i32
    %dma_wait3A_248 = arith.constant 0 : i32
    %dma_wait3A_249 = tpu.memref_slice %arg13[%dma_wait3A_247, %dma_wait3A_248] : memref<10240x64xf32, #tpu.memory_space<vmem_shared>> -> memref<10240x64xf32, #tpu.memory_space<vmem_shared>>
    tpu.wait_indirect_dma semaphore(%arg21 : memref<!tpu.dma_semaphore, #tpu.memory_space<semaphore_mem>>) src(%arg12 : memref<128x64xf32, #tpu.memory_space<vmem>>) dst(%dma_wait3A_249 : memref<10240x64xf32, #tpu.memory_space<vmem_shared>>)
    %barrier3A_250 = arith.constant 0 : index
    tpu.barrier barrier_id(%barrier3A_250)
    %scan3A_251 = arith.constant 0 : i32
    %scan3A_252 = arith.constant 5 : i32
    %scan3A_253 = arith.addi %scan3A_251, %scan3A_252 : i32
    %scan3A_254 = arith.constant 1 : i32
    scf.for %scan3A_256 = %scan3A_251 to %scan3A_253 step %scan3A_254  : i32 {
      %mul3A_257 = arith.constant 1 : i32
      %mul3A_258 = arith.muli %scan3A_256, %mul3A_257 : i32
      %add3A_259 = arith.constant 0 : i32
      %add3A_260 = arith.addi %add3A_259, %mul3A_258 : i32
      %mul3A_261 = arith.constant 128 : i32
      %mul3A_262 = arith.muli %add3A_260, %mul3A_261 : i32
      %add3A_263 = arith.addi %mul3A_0, %mul3A_262 : i32
      "tpu.region"() ({
        %run_scoped3A = tpu.sem_alloc : memref<!tpu.dma_semaphore, #tpu.memory_space<semaphore_mem>>
        %dma_start3A_270 = arith.constant 0 : i32
        %dma_start3A_271 = tpu.memref_slice %arg13[%add3A_263, %dma_start3A_270] : memref<10240x64xf32, #tpu.memory_space<vmem_shared>> -> memref<128x64xf32, #tpu.memory_space<vmem_shared>>
        %dma_start3A_272 = arith.constant 0 : i32
        %dma_start3A_273 = tpu.memref_slice %arg13[%add3A_263, %dma_start3A_272] : memref<10240x64xf32, #tpu.memory_space<vmem_shared>> -> memref<128x64xf32, #tpu.memory_space<vmem_shared>>
        tpu.enqueue_dma source(%dma_start3A_273 : memref<128x64xf32, #tpu.memory_space<vmem_shared>>) target(%arg9 : memref<128x64xf32, #tpu.memory_space<vmem>>) target_semaphore(%run_scoped3A : memref<!tpu.dma_semaphore, #tpu.memory_space<semaphore_mem>>)
        %dma_wait3A_274 = arith.constant 0 : i32
        %dma_wait3A_275 = tpu.memref_slice %arg13[%add3A_263, %dma_wait3A_274] : memref<10240x64xf32, #tpu.memory_space<vmem_shared>> -> memref<128x64xf32, #tpu.memory_space<vmem_shared>>
        %dma_wait3A_276 = arith.constant 0 : i32
        %dma_wait3A_277 = tpu.memref_slice %arg13[%add3A_263, %dma_wait3A_276] : memref<10240x64xf32, #tpu.memory_space<vmem_shared>> -> memref<128x64xf32, #tpu.memory_space<vmem_shared>>
        tpu.wait_dma2 semaphore(%run_scoped3A : memref<!tpu.dma_semaphore, #tpu.memory_space<semaphore_mem>>) src(%dma_wait3A_277 : memref<128x64xf32, #tpu.memory_space<vmem_shared>>) dst(%arg9 : memref<128x64xf32, #tpu.memory_space<vmem>>)
        tpu.yield
      }) : () -> ()
      %mul3A_264 = arith.constant 10240 : i32
      %mul3A_265 = arith.muli %arg0, %mul3A_264 : i32
      %add3A_266 = arith.addi %mul3A_265, %mul3A_0 : i32
      %mul3A_267 = arith.constant 128 : i32
      %mul3A_268 = arith.muli %add3A_260, %mul3A_267 : i32
      %add3A_269 = arith.addi %add3A_266, %mul3A_268 : i32
      "tpu.region"() ({
        %run_scoped3A = tpu.sem_alloc : memref<!tpu.dma_semaphore, #tpu.memory_space<semaphore_mem>>
        %dma_start3A_270 = arith.constant 0 : i32
        %dma_start3A_271 = tpu.memref_slice %arg6[%add3A_269, %dma_start3A_270] : memref<20480x64xf32, #tpu.memory_space<hbm>> -> memref<128x64xf32, #tpu.memory_space<hbm>>
        %dma_start3A_272 = arith.constant 0 : i32
        %dma_start3A_273 = tpu.memref_slice %arg6[%add3A_269, %dma_start3A_272] : memref<20480x64xf32, #tpu.memory_space<hbm>> -> memref<128x64xf32, #tpu.memory_space<hbm>>
        tpu.enqueue_dma source(%arg9 : memref<128x64xf32, #tpu.memory_space<vmem>>) target(%dma_start3A_273 : memref<128x64xf32, #tpu.memory_space<hbm>>) target_semaphore(%run_scoped3A : memref<!tpu.dma_semaphore, #tpu.memory_space<semaphore_mem>>)
        %dma_wait3A_274 = arith.constant 0 : i32
        %dma_wait3A_275 = tpu.memref_slice %arg6[%add3A_269, %dma_wait3A_274] : memref<20480x64xf32, #tpu.memory_space<hbm>> -> memref<128x64xf32, #tpu.memory_space<hbm>>
        %dma_wait3A_276 = arith.constant 0 : i32
        %dma_wait3A_277 = tpu.memref_slice %arg6[%add3A_269, %dma_wait3A_276] : memref<20480x64xf32, #tpu.memory_space<hbm>> -> memref<128x64xf32, #tpu.memory_space<hbm>>
        tpu.wait_dma2 semaphore(%run_scoped3A : memref<!tpu.dma_semaphore, #tpu.memory_space<semaphore_mem>>) src(%arg9 : memref<128x64xf32, #tpu.memory_space<vmem>>) dst(%dma_wait3A_277 : memref<128x64xf32, #tpu.memory_space<hbm>>)
        tpu.yield
      }) : () -> ()
    }
    %scan3A_255 = arith.constant 5 : i32
    return
  }
}

#map = affine_map<(d0, d1) -> (0, 0)>
module attributes {stable_mosaic.version = 14 : i64} {
  func.func @_sc_agg_body(%arg0: i32, %arg1: i32, %arg2: memref<20480x64xf32, #tpu.memory_space<hbm>>, %arg3: memref<5120x128xi32, #tpu.memory_space<hbm>>, %arg4: memref<2560x128xi32, #tpu.memory_space<hbm>>, %arg5: memref<128x64xf32, #tpu.memory_space<hbm>>, %arg6: memref<128x16xf32, #tpu.memory_space<hbm>>, %arg7: memref<128x16xf32, #tpu.memory_space<hbm>>, %arg8: memref<20480x64xf32, #tpu.memory_space<hbm>>, %arg9: memref<20480x16xf32, #tpu.memory_space<hbm>>, %arg10: memref<80x128xi32, #tpu.memory_space<vmem>>, %arg11: memref<80x128xi32, #tpu.memory_space<vmem>>, %arg12: memref<128x64xf32, #tpu.memory_space<vmem>>, %arg13: memref<128x64xf32, #tpu.memory_space<vmem>>, %arg14: memref<128x64xf32, #tpu.memory_space<vmem>>, %arg15: memref<128x64xf32, #tpu.memory_space<vmem>>, %arg16: memref<128x16xf32, #tpu.memory_space<vmem>>, %arg17: memref<10240x64xf32, #tpu.memory_space<vmem_shared>>, %arg18: memref<10240x16xf32, #tpu.memory_space<vmem_shared>>, %arg19: memref<!tpu.dma_semaphore, #tpu.memory_space<semaphore_mem>>, %arg20: memref<!tpu.dma_semaphore, #tpu.memory_space<semaphore_mem>>, %arg21: memref<!tpu.dma_semaphore, #tpu.memory_space<semaphore_mem>>, %arg22: memref<!tpu.dma_semaphore, #tpu.memory_space<semaphore_mem>>, %arg23: memref<!tpu.dma_semaphore, #tpu.memory_space<semaphore_mem>>, %arg24: memref<!tpu.dma_semaphore, #tpu.memory_space<semaphore_mem>>, %arg25: memref<!tpu.dma_semaphore, #tpu.memory_space<semaphore_mem>>, %arg26: memref<!tpu.dma_semaphore, #tpu.memory_space<semaphore_mem>>, %arg27: memref<!tpu.dma_semaphore, #tpu.memory_space<semaphore_mem>>) attributes {dimension_semantics = [#tpu.dimension_semantics<core_parallel>, #tpu.dimension_semantics<subcore_parallel>], iteration_bounds = array<i64: 2, 16>, scalar_prefetch = 0 : i64, scratch_operands = 18 : i64, tpu.core_type = #tpu.core_type<sc_vector_subcore>, window_params = [{transform_indices = #map}, {transform_indices = #map}, {transform_indices = #map}, {transform_indices = #map}, {transform_indices = #map}, {transform_indices = #map}, {transform_indices = #map}, {transform_indices = #map}]} {
    %mul3A = arith.constant 640 : i32
    %mul3A_0 = arith.muli %arg1, %mul3A : i32
    "tpu.region"() ({
      %run_scoped3A = tpu.sem_alloc : memref<!tpu.dma_semaphore, #tpu.memory_space<semaphore_mem>>
      tpu.enqueue_dma source(%arg5 : memref<128x64xf32, #tpu.memory_space<hbm>>) target(%arg12 : memref<128x64xf32, #tpu.memory_space<vmem>>) target_semaphore(%run_scoped3A : memref<!tpu.dma_semaphore, #tpu.memory_space<semaphore_mem>>)
      tpu.wait_dma2 semaphore(%run_scoped3A : memref<!tpu.dma_semaphore, #tpu.memory_space<semaphore_mem>>) src(%arg5 : memref<128x64xf32, #tpu.memory_space<hbm>>) dst(%arg12 : memref<128x64xf32, #tpu.memory_space<vmem>>)
      tpu.yield
    }) : () -> ()
    %scan3A = arith.constant 0 : i32
    %scan3A_1 = arith.constant 5 : i32
    %scan3A_2 = arith.addi %scan3A, %scan3A_1 : i32
    %scan3A_3 = arith.constant 1 : i32
    scf.for %scan3A_273 = %scan3A to %scan3A_2 step %scan3A_3  : i32 {
      %mul3A_274 = arith.constant 1 : i32
      %mul3A_275 = arith.muli %scan3A_273, %mul3A_274 : i32
      %add3A_276 = arith.constant 0 : i32
      %add3A_277 = arith.addi %add3A_276, %mul3A_275 : i32
      %mul3A_278 = arith.constant 128 : i32
      %mul3A_279 = arith.muli %add3A_277, %mul3A_278 : i32
      %add3A_280 = arith.addi %mul3A_0, %mul3A_279 : i32
      "tpu.region"() ({
        %run_scoped3A = tpu.sem_alloc : memref<!tpu.dma_semaphore, #tpu.memory_space<semaphore_mem>>
        %dma_start3A_281 = arith.constant 0 : i32
        %dma_start3A_282 = tpu.memref_slice %arg17[%add3A_280, %dma_start3A_281] : memref<10240x64xf32, #tpu.memory_space<vmem_shared>> -> memref<128x64xf32, #tpu.memory_space<vmem_shared>>
        %dma_start3A_283 = arith.constant 0 : i32
        %dma_start3A_284 = tpu.memref_slice %arg17[%add3A_280, %dma_start3A_283] : memref<10240x64xf32, #tpu.memory_space<vmem_shared>> -> memref<128x64xf32, #tpu.memory_space<vmem_shared>>
        tpu.enqueue_dma source(%arg12 : memref<128x64xf32, #tpu.memory_space<vmem>>) target(%dma_start3A_284 : memref<128x64xf32, #tpu.memory_space<vmem_shared>>) target_semaphore(%run_scoped3A : memref<!tpu.dma_semaphore, #tpu.memory_space<semaphore_mem>>)
        %dma_wait3A_285 = arith.constant 0 : i32
        %dma_wait3A_286 = tpu.memref_slice %arg17[%add3A_280, %dma_wait3A_285] : memref<10240x64xf32, #tpu.memory_space<vmem_shared>> -> memref<128x64xf32, #tpu.memory_space<vmem_shared>>
        %dma_wait3A_287 = arith.constant 0 : i32
        %dma_wait3A_288 = tpu.memref_slice %arg17[%add3A_280, %dma_wait3A_287] : memref<10240x64xf32, #tpu.memory_space<vmem_shared>> -> memref<128x64xf32, #tpu.memory_space<vmem_shared>>
        tpu.wait_dma2 semaphore(%run_scoped3A : memref<!tpu.dma_semaphore, #tpu.memory_space<semaphore_mem>>) src(%arg12 : memref<128x64xf32, #tpu.memory_space<vmem>>) dst(%dma_wait3A_288 : memref<128x64xf32, #tpu.memory_space<vmem_shared>>)
        tpu.yield
      }) : () -> ()
    }
    %scan3A_4 = arith.constant 5 : i32
    "tpu.region"() ({
      %run_scoped3A = tpu.sem_alloc : memref<!tpu.dma_semaphore, #tpu.memory_space<semaphore_mem>>
      tpu.enqueue_dma source(%arg6 : memref<128x16xf32, #tpu.memory_space<hbm>>) target(%arg16 : memref<128x16xf32, #tpu.memory_space<vmem>>) target_semaphore(%run_scoped3A : memref<!tpu.dma_semaphore, #tpu.memory_space<semaphore_mem>>)
      tpu.wait_dma2 semaphore(%run_scoped3A : memref<!tpu.dma_semaphore, #tpu.memory_space<semaphore_mem>>) src(%arg6 : memref<128x16xf32, #tpu.memory_space<hbm>>) dst(%arg16 : memref<128x16xf32, #tpu.memory_space<vmem>>)
      tpu.yield
    }) : () -> ()
    %scan3A_5 = arith.constant 0 : i32
    %scan3A_6 = arith.constant 5 : i32
    %scan3A_7 = arith.addi %scan3A_5, %scan3A_6 : i32
    %scan3A_8 = arith.constant 1 : i32
    scf.for %scan3A_273 = %scan3A_5 to %scan3A_7 step %scan3A_8  : i32 {
      %mul3A_274 = arith.constant 1 : i32
      %mul3A_275 = arith.muli %scan3A_273, %mul3A_274 : i32
      %add3A_276 = arith.constant 0 : i32
      %add3A_277 = arith.addi %add3A_276, %mul3A_275 : i32
      %mul3A_278 = arith.constant 128 : i32
      %mul3A_279 = arith.muli %add3A_277, %mul3A_278 : i32
      %add3A_280 = arith.addi %mul3A_0, %mul3A_279 : i32
      "tpu.region"() ({
        %run_scoped3A = tpu.sem_alloc : memref<!tpu.dma_semaphore, #tpu.memory_space<semaphore_mem>>
        %dma_start3A_281 = arith.constant 0 : i32
        %dma_start3A_282 = tpu.memref_slice %arg18[%add3A_280, %dma_start3A_281] : memref<10240x16xf32, #tpu.memory_space<vmem_shared>> -> memref<128x16xf32, #tpu.memory_space<vmem_shared>>
        %dma_start3A_283 = arith.constant 0 : i32
        %dma_start3A_284 = tpu.memref_slice %arg18[%add3A_280, %dma_start3A_283] : memref<10240x16xf32, #tpu.memory_space<vmem_shared>> -> memref<128x16xf32, #tpu.memory_space<vmem_shared>>
        tpu.enqueue_dma source(%arg16 : memref<128x16xf32, #tpu.memory_space<vmem>>) target(%dma_start3A_284 : memref<128x16xf32, #tpu.memory_space<vmem_shared>>) target_semaphore(%run_scoped3A : memref<!tpu.dma_semaphore, #tpu.memory_space<semaphore_mem>>)
        %dma_wait3A_285 = arith.constant 0 : i32
        %dma_wait3A_286 = tpu.memref_slice %arg18[%add3A_280, %dma_wait3A_285] : memref<10240x16xf32, #tpu.memory_space<vmem_shared>> -> memref<128x16xf32, #tpu.memory_space<vmem_shared>>
        %dma_wait3A_287 = arith.constant 0 : i32
        %dma_wait3A_288 = tpu.memref_slice %arg18[%add3A_280, %dma_wait3A_287] : memref<10240x16xf32, #tpu.memory_space<vmem_shared>> -> memref<128x16xf32, #tpu.memory_space<vmem_shared>>
        tpu.wait_dma2 semaphore(%run_scoped3A : memref<!tpu.dma_semaphore, #tpu.memory_space<semaphore_mem>>) src(%arg16 : memref<128x16xf32, #tpu.memory_space<vmem>>) dst(%dma_wait3A_288 : memref<128x16xf32, #tpu.memory_space<vmem_shared>>)
        tpu.yield
      }) : () -> ()
    }
    %scan3A_9 = arith.constant 5 : i32
    "tpu.region"() ({
      %run_scoped3A = tpu.sem_alloc : memref<!tpu.dma_semaphore, #tpu.memory_space<semaphore_mem>>
      tpu.enqueue_dma source(%arg7 : memref<128x16xf32, #tpu.memory_space<hbm>>) target(%arg16 : memref<128x16xf32, #tpu.memory_space<vmem>>) target_semaphore(%run_scoped3A : memref<!tpu.dma_semaphore, #tpu.memory_space<semaphore_mem>>)
      tpu.wait_dma2 semaphore(%run_scoped3A : memref<!tpu.dma_semaphore, #tpu.memory_space<semaphore_mem>>) src(%arg7 : memref<128x16xf32, #tpu.memory_space<hbm>>) dst(%arg16 : memref<128x16xf32, #tpu.memory_space<vmem>>)
      tpu.yield
    }) : () -> ()
    %barrier3A = arith.constant 0 : index
    tpu.barrier barrier_id(%barrier3A)
    %mul3A_10 = arith.constant 160 : i32
    %mul3A_11 = arith.muli %arg1, %mul3A_10 : i32
    %add3A = arith.constant 0 : i32
    %add3A_12 = arith.addi %mul3A_11, %add3A : i32
    %mul3A_13 = arith.constant 2560 : i32
    %mul3A_14 = arith.muli %arg0, %mul3A_13 : i32
    %add3A_15 = arith.addi %mul3A_14, %add3A_12 : i32
    "tpu.region"() ({
      %run_scoped3A = tpu.sem_alloc : memref<!tpu.dma_semaphore, #tpu.memory_space<semaphore_mem>>
      %dma_start3A_273 = arith.constant 0 : i32
      %dma_start3A_274 = tpu.memref_slice %arg3[%add3A_15, %dma_start3A_273] : memref<5120x128xi32, #tpu.memory_space<hbm>> -> memref<80x128xi32, #tpu.memory_space<hbm>>
      %dma_start3A_275 = arith.constant 0 : i32
      %dma_start3A_276 = tpu.memref_slice %arg3[%add3A_15, %dma_start3A_275] : memref<5120x128xi32, #tpu.memory_space<hbm>> -> memref<80x128xi32, #tpu.memory_space<hbm>>
      tpu.enqueue_dma source(%dma_start3A_276 : memref<80x128xi32, #tpu.memory_space<hbm>>) target(%arg10 : memref<80x128xi32, #tpu.memory_space<vmem>>) target_semaphore(%run_scoped3A : memref<!tpu.dma_semaphore, #tpu.memory_space<semaphore_mem>>)
      %dma_wait3A_277 = arith.constant 0 : i32
      %dma_wait3A_278 = tpu.memref_slice %arg3[%add3A_15, %dma_wait3A_277] : memref<5120x128xi32, #tpu.memory_space<hbm>> -> memref<80x128xi32, #tpu.memory_space<hbm>>
      %dma_wait3A_279 = arith.constant 0 : i32
      %dma_wait3A_280 = tpu.memref_slice %arg3[%add3A_15, %dma_wait3A_279] : memref<5120x128xi32, #tpu.memory_space<hbm>> -> memref<80x128xi32, #tpu.memory_space<hbm>>
      tpu.wait_dma2 semaphore(%run_scoped3A : memref<!tpu.dma_semaphore, #tpu.memory_space<semaphore_mem>>) src(%dma_wait3A_280 : memref<80x128xi32, #tpu.memory_space<hbm>>) dst(%arg10 : memref<80x128xi32, #tpu.memory_space<vmem>>)
      tpu.yield
    }) : () -> ()
    "tpu.region"() ({
      %run_scoped3A = tpu.sem_alloc : memref<!tpu.dma_semaphore, #tpu.memory_space<semaphore_mem>>
      %dma_start3A_273 = arith.constant 0 : i32
      %dma_start3A_274 = tpu.memref_slice %arg4[%add3A_12, %dma_start3A_273] : memref<2560x128xi32, #tpu.memory_space<hbm>> -> memref<80x128xi32, #tpu.memory_space<hbm>>
      %dma_start3A_275 = arith.constant 0 : i32
      %dma_start3A_276 = tpu.memref_slice %arg4[%add3A_12, %dma_start3A_275] : memref<2560x128xi32, #tpu.memory_space<hbm>> -> memref<80x128xi32, #tpu.memory_space<hbm>>
      tpu.enqueue_dma source(%dma_start3A_276 : memref<80x128xi32, #tpu.memory_space<hbm>>) target(%arg11 : memref<80x128xi32, #tpu.memory_space<vmem>>) target_semaphore(%run_scoped3A : memref<!tpu.dma_semaphore, #tpu.memory_space<semaphore_mem>>)
      %dma_wait3A_277 = arith.constant 0 : i32
      %dma_wait3A_278 = tpu.memref_slice %arg4[%add3A_12, %dma_wait3A_277] : memref<2560x128xi32, #tpu.memory_space<hbm>> -> memref<80x128xi32, #tpu.memory_space<hbm>>
      %dma_wait3A_279 = arith.constant 0 : i32
      %dma_wait3A_280 = tpu.memref_slice %arg4[%add3A_12, %dma_wait3A_279] : memref<2560x128xi32, #tpu.memory_space<hbm>> -> memref<80x128xi32, #tpu.memory_space<hbm>>
      tpu.wait_dma2 semaphore(%run_scoped3A : memref<!tpu.dma_semaphore, #tpu.memory_space<semaphore_mem>>) src(%dma_wait3A_280 : memref<80x128xi32, #tpu.memory_space<hbm>>) dst(%arg11 : memref<80x128xi32, #tpu.memory_space<vmem>>)
      tpu.yield
    }) : () -> ()
    %dma_start3A = arith.constant 0 : i32
    %dma_start3A_16 = arith.constant 0 : i32
    %dma_start3A_17 = tpu.memref_slice %arg10[%dma_start3A, %dma_start3A_16] : memref<80x128xi32, #tpu.memory_space<vmem>> -> memref<1x128xi32, #tpu.memory_space<vmem>>
    %dma_start3A_18 = tpu.memref_squeeze %dma_start3A_17 : memref<1x128xi32, #tpu.memory_space<vmem>> -> memref<128xi32, #tpu.memory_space<vmem>>
    %dma_start3A_19 = arith.constant 0 : i32
    %dma_start3A_20 = arith.constant 0 : i32
    %dma_start3A_21 = tpu.memref_slice %arg2[%dma_start3A_19, %dma_start3A_20] : memref<20480x64xf32, #tpu.memory_space<hbm>> -> memref<20480x64xf32, #tpu.memory_space<hbm>>
    tpu.enqueue_indirect_dma source(%dma_start3A_21 : memref<20480x64xf32, #tpu.memory_space<hbm>>) target(%arg12 : memref<128x64xf32, #tpu.memory_space<vmem>>) offsets(%dma_start3A_18 : memref<128xi32, #tpu.memory_space<vmem>>) semaphore(%arg19 : memref<!tpu.dma_semaphore, #tpu.memory_space<semaphore_mem>>)
    %dma_start3A_22 = arith.constant 1 : i32
    %dma_start3A_23 = arith.constant 0 : i32
    %dma_start3A_24 = tpu.memref_slice %arg10[%dma_start3A_22, %dma_start3A_23] : memref<80x128xi32, #tpu.memory_space<vmem>> -> memref<1x128xi32, #tpu.memory_space<vmem>>
    %dma_start3A_25 = tpu.memref_squeeze %dma_start3A_24 : memref<1x128xi32, #tpu.memory_space<vmem>> -> memref<128xi32, #tpu.memory_space<vmem>>
    %dma_start3A_26 = arith.constant 0 : i32
    %dma_start3A_27 = arith.constant 0 : i32
    %dma_start3A_28 = tpu.memref_slice %arg2[%dma_start3A_26, %dma_start3A_27] : memref<20480x64xf32, #tpu.memory_space<hbm>> -> memref<20480x64xf32, #tpu.memory_space<hbm>>
    tpu.enqueue_indirect_dma source(%dma_start3A_28 : memref<20480x64xf32, #tpu.memory_space<hbm>>) target(%arg13 : memref<128x64xf32, #tpu.memory_space<vmem>>) offsets(%dma_start3A_25 : memref<128xi32, #tpu.memory_space<vmem>>) semaphore(%arg20 : memref<!tpu.dma_semaphore, #tpu.memory_space<semaphore_mem>>)
    %dma_start3A_29 = arith.constant 2 : i32
    %dma_start3A_30 = arith.constant 0 : i32
    %dma_start3A_31 = tpu.memref_slice %arg10[%dma_start3A_29, %dma_start3A_30] : memref<80x128xi32, #tpu.memory_space<vmem>> -> memref<1x128xi32, #tpu.memory_space<vmem>>
    %dma_start3A_32 = tpu.memref_squeeze %dma_start3A_31 : memref<1x128xi32, #tpu.memory_space<vmem>> -> memref<128xi32, #tpu.memory_space<vmem>>
    %dma_start3A_33 = arith.constant 0 : i32
    %dma_start3A_34 = arith.constant 0 : i32
    %dma_start3A_35 = tpu.memref_slice %arg2[%dma_start3A_33, %dma_start3A_34] : memref<20480x64xf32, #tpu.memory_space<hbm>> -> memref<20480x64xf32, #tpu.memory_space<hbm>>
    tpu.enqueue_indirect_dma source(%dma_start3A_35 : memref<20480x64xf32, #tpu.memory_space<hbm>>) target(%arg14 : memref<128x64xf32, #tpu.memory_space<vmem>>) offsets(%dma_start3A_32 : memref<128xi32, #tpu.memory_space<vmem>>) semaphore(%arg21 : memref<!tpu.dma_semaphore, #tpu.memory_space<semaphore_mem>>)
    %dma_start3A_36 = arith.constant 3 : i32
    %dma_start3A_37 = arith.constant 0 : i32
    %dma_start3A_38 = tpu.memref_slice %arg10[%dma_start3A_36, %dma_start3A_37] : memref<80x128xi32, #tpu.memory_space<vmem>> -> memref<1x128xi32, #tpu.memory_space<vmem>>
    %dma_start3A_39 = tpu.memref_squeeze %dma_start3A_38 : memref<1x128xi32, #tpu.memory_space<vmem>> -> memref<128xi32, #tpu.memory_space<vmem>>
    %dma_start3A_40 = arith.constant 0 : i32
    %dma_start3A_41 = arith.constant 0 : i32
    %dma_start3A_42 = tpu.memref_slice %arg2[%dma_start3A_40, %dma_start3A_41] : memref<20480x64xf32, #tpu.memory_space<hbm>> -> memref<20480x64xf32, #tpu.memory_space<hbm>>
    tpu.enqueue_indirect_dma source(%dma_start3A_42 : memref<20480x64xf32, #tpu.memory_space<hbm>>) target(%arg15 : memref<128x64xf32, #tpu.memory_space<vmem>>) offsets(%dma_start3A_39 : memref<128xi32, #tpu.memory_space<vmem>>) semaphore(%arg22 : memref<!tpu.dma_semaphore, #tpu.memory_space<semaphore_mem>>)
    %scan3A_43 = arith.constant 0 : i32
    %scan3A_44 = arith.constant 19 : i32
    %scan3A_45 = arith.addi %scan3A_43, %scan3A_44 : i32
    %scan3A_46 = arith.constant 1 : i32
    scf.for %scan3A_273 = %scan3A_43 to %scan3A_45 step %scan3A_46  : i32 {
      %mul3A_274 = arith.constant 1 : i32
      %mul3A_275 = arith.muli %scan3A_273, %mul3A_274 : i32
      %add3A_276 = arith.constant 0 : i32
      %add3A_277 = arith.addi %add3A_276, %mul3A_275 : i32
      %mul3A_278 = arith.constant 4 : i32
      %mul3A_279 = arith.muli %add3A_277, %mul3A_278 : i32
      %add3A_280 = arith.constant 0 : i32
      %add3A_281 = arith.addi %mul3A_279, %add3A_280 : i32
      %dma_wait3A_282 = arith.constant 0 : i32
      %dma_wait3A_283 = tpu.memref_slice %arg10[%add3A_281, %dma_wait3A_282] : memref<80x128xi32, #tpu.memory_space<vmem>> -> memref<1x128xi32, #tpu.memory_space<vmem>>
      %dma_wait3A_284 = tpu.memref_squeeze %dma_wait3A_283 : memref<1x128xi32, #tpu.memory_space<vmem>> -> memref<128xi32, #tpu.memory_space<vmem>>
      %dma_wait3A_285 = arith.constant 0 : i32
      %dma_wait3A_286 = arith.constant 0 : i32
      %dma_wait3A_287 = tpu.memref_slice %arg2[%dma_wait3A_285, %dma_wait3A_286] : memref<20480x64xf32, #tpu.memory_space<hbm>> -> memref<20480x64xf32, #tpu.memory_space<hbm>>
      tpu.wait_indirect_dma semaphore(%arg19 : memref<!tpu.dma_semaphore, #tpu.memory_space<semaphore_mem>>) src(%dma_wait3A_287 : memref<20480x64xf32, #tpu.memory_space<hbm>>) dst(%arg12 : memref<128x64xf32, #tpu.memory_space<vmem>>)
      %mul3A_288 = arith.constant 4 : i32
      %mul3A_289 = arith.muli %add3A_277, %mul3A_288 : i32
      %add3A_290 = arith.constant 0 : i32
      %add3A_291 = arith.addi %mul3A_289, %add3A_290 : i32
      %dma_start3A_292 = arith.constant 0 : i32
      %dma_start3A_293 = tpu.memref_slice %arg11[%add3A_291, %dma_start3A_292] : memref<80x128xi32, #tpu.memory_space<vmem>> -> memref<1x128xi32, #tpu.memory_space<vmem>>
      %dma_start3A_294 = tpu.memref_squeeze %dma_start3A_293 : memref<1x128xi32, #tpu.memory_space<vmem>> -> memref<128xi32, #tpu.memory_space<vmem>>
      %dma_start3A_295 = arith.constant 0 : i32
      %dma_start3A_296 = arith.constant 0 : i32
      %dma_start3A_297 = tpu.memref_slice %arg17[%dma_start3A_295, %dma_start3A_296] : memref<10240x64xf32, #tpu.memory_space<vmem_shared>> -> memref<10240x64xf32, #tpu.memory_space<vmem_shared>>
      tpu.enqueue_indirect_dma source(%arg12 : memref<128x64xf32, #tpu.memory_space<vmem>>) target(%dma_start3A_297 : memref<10240x64xf32, #tpu.memory_space<vmem_shared>>) offsets(%dma_start3A_294 : memref<128xi32, #tpu.memory_space<vmem>>) semaphore(%arg23 : memref<!tpu.dma_semaphore, #tpu.memory_space<semaphore_mem>>) {add = true}
      %mul3A_298 = arith.constant 4 : i32
      %mul3A_299 = arith.muli %add3A_277, %mul3A_298 : i32
      %add3A_300 = arith.constant 1 : i32
      %add3A_301 = arith.addi %mul3A_299, %add3A_300 : i32
      %dma_wait3A_302 = arith.constant 0 : i32
      %dma_wait3A_303 = tpu.memref_slice %arg10[%add3A_301, %dma_wait3A_302] : memref<80x128xi32, #tpu.memory_space<vmem>> -> memref<1x128xi32, #tpu.memory_space<vmem>>
      %dma_wait3A_304 = tpu.memref_squeeze %dma_wait3A_303 : memref<1x128xi32, #tpu.memory_space<vmem>> -> memref<128xi32, #tpu.memory_space<vmem>>
      %dma_wait3A_305 = arith.constant 0 : i32
      %dma_wait3A_306 = arith.constant 0 : i32
      %dma_wait3A_307 = tpu.memref_slice %arg2[%dma_wait3A_305, %dma_wait3A_306] : memref<20480x64xf32, #tpu.memory_space<hbm>> -> memref<20480x64xf32, #tpu.memory_space<hbm>>
      tpu.wait_indirect_dma semaphore(%arg20 : memref<!tpu.dma_semaphore, #tpu.memory_space<semaphore_mem>>) src(%dma_wait3A_307 : memref<20480x64xf32, #tpu.memory_space<hbm>>) dst(%arg13 : memref<128x64xf32, #tpu.memory_space<vmem>>)
      %mul3A_308 = arith.constant 4 : i32
      %mul3A_309 = arith.muli %add3A_277, %mul3A_308 : i32
      %add3A_310 = arith.constant 1 : i32
      %add3A_311 = arith.addi %mul3A_309, %add3A_310 : i32
      %dma_start3A_312 = arith.constant 0 : i32
      %dma_start3A_313 = tpu.memref_slice %arg11[%add3A_311, %dma_start3A_312] : memref<80x128xi32, #tpu.memory_space<vmem>> -> memref<1x128xi32, #tpu.memory_space<vmem>>
      %dma_start3A_314 = tpu.memref_squeeze %dma_start3A_313 : memref<1x128xi32, #tpu.memory_space<vmem>> -> memref<128xi32, #tpu.memory_space<vmem>>
      %dma_start3A_315 = arith.constant 0 : i32
      %dma_start3A_316 = arith.constant 0 : i32
      %dma_start3A_317 = tpu.memref_slice %arg17[%dma_start3A_315, %dma_start3A_316] : memref<10240x64xf32, #tpu.memory_space<vmem_shared>> -> memref<10240x64xf32, #tpu.memory_space<vmem_shared>>
      tpu.enqueue_indirect_dma source(%arg13 : memref<128x64xf32, #tpu.memory_space<vmem>>) target(%dma_start3A_317 : memref<10240x64xf32, #tpu.memory_space<vmem_shared>>) offsets(%dma_start3A_314 : memref<128xi32, #tpu.memory_space<vmem>>) semaphore(%arg24 : memref<!tpu.dma_semaphore, #tpu.memory_space<semaphore_mem>>) {add = true}
      %mul3A_318 = arith.constant 4 : i32
      %mul3A_319 = arith.muli %add3A_277, %mul3A_318 : i32
      %add3A_320 = arith.constant 2 : i32
      %add3A_321 = arith.addi %mul3A_319, %add3A_320 : i32
      %dma_wait3A_322 = arith.constant 0 : i32
      %dma_wait3A_323 = tpu.memref_slice %arg10[%add3A_321, %dma_wait3A_322] : memref<80x128xi32, #tpu.memory_space<vmem>> -> memref<1x128xi32, #tpu.memory_space<vmem>>
      %dma_wait3A_324 = tpu.memref_squeeze %dma_wait3A_323 : memref<1x128xi32, #tpu.memory_space<vmem>> -> memref<128xi32, #tpu.memory_space<vmem>>
      %dma_wait3A_325 = arith.constant 0 : i32
      %dma_wait3A_326 = arith.constant 0 : i32
      %dma_wait3A_327 = tpu.memref_slice %arg2[%dma_wait3A_325, %dma_wait3A_326] : memref<20480x64xf32, #tpu.memory_space<hbm>> -> memref<20480x64xf32, #tpu.memory_space<hbm>>
      tpu.wait_indirect_dma semaphore(%arg21 : memref<!tpu.dma_semaphore, #tpu.memory_space<semaphore_mem>>) src(%dma_wait3A_327 : memref<20480x64xf32, #tpu.memory_space<hbm>>) dst(%arg14 : memref<128x64xf32, #tpu.memory_space<vmem>>)
      %mul3A_328 = arith.constant 4 : i32
      %mul3A_329 = arith.muli %add3A_277, %mul3A_328 : i32
      %add3A_330 = arith.constant 2 : i32
      %add3A_331 = arith.addi %mul3A_329, %add3A_330 : i32
      %dma_start3A_332 = arith.constant 0 : i32
      %dma_start3A_333 = tpu.memref_slice %arg11[%add3A_331, %dma_start3A_332] : memref<80x128xi32, #tpu.memory_space<vmem>> -> memref<1x128xi32, #tpu.memory_space<vmem>>
      %dma_start3A_334 = tpu.memref_squeeze %dma_start3A_333 : memref<1x128xi32, #tpu.memory_space<vmem>> -> memref<128xi32, #tpu.memory_space<vmem>>
      %dma_start3A_335 = arith.constant 0 : i32
      %dma_start3A_336 = arith.constant 0 : i32
      %dma_start3A_337 = tpu.memref_slice %arg17[%dma_start3A_335, %dma_start3A_336] : memref<10240x64xf32, #tpu.memory_space<vmem_shared>> -> memref<10240x64xf32, #tpu.memory_space<vmem_shared>>
      tpu.enqueue_indirect_dma source(%arg14 : memref<128x64xf32, #tpu.memory_space<vmem>>) target(%dma_start3A_337 : memref<10240x64xf32, #tpu.memory_space<vmem_shared>>) offsets(%dma_start3A_334 : memref<128xi32, #tpu.memory_space<vmem>>) semaphore(%arg25 : memref<!tpu.dma_semaphore, #tpu.memory_space<semaphore_mem>>) {add = true}
      %mul3A_338 = arith.constant 4 : i32
      %mul3A_339 = arith.muli %add3A_277, %mul3A_338 : i32
      %add3A_340 = arith.constant 3 : i32
      %add3A_341 = arith.addi %mul3A_339, %add3A_340 : i32
      %dma_wait3A_342 = arith.constant 0 : i32
      %dma_wait3A_343 = tpu.memref_slice %arg10[%add3A_341, %dma_wait3A_342] : memref<80x128xi32, #tpu.memory_space<vmem>> -> memref<1x128xi32, #tpu.memory_space<vmem>>
      %dma_wait3A_344 = tpu.memref_squeeze %dma_wait3A_343 : memref<1x128xi32, #tpu.memory_space<vmem>> -> memref<128xi32, #tpu.memory_space<vmem>>
      %dma_wait3A_345 = arith.constant 0 : i32
      %dma_wait3A_346 = arith.constant 0 : i32
      %dma_wait3A_347 = tpu.memref_slice %arg2[%dma_wait3A_345, %dma_wait3A_346] : memref<20480x64xf32, #tpu.memory_space<hbm>> -> memref<20480x64xf32, #tpu.memory_space<hbm>>
      tpu.wait_indirect_dma semaphore(%arg22 : memref<!tpu.dma_semaphore, #tpu.memory_space<semaphore_mem>>) src(%dma_wait3A_347 : memref<20480x64xf32, #tpu.memory_space<hbm>>) dst(%arg15 : memref<128x64xf32, #tpu.memory_space<vmem>>)
      %mul3A_348 = arith.constant 4 : i32
      %mul3A_349 = arith.muli %add3A_277, %mul3A_348 : i32
      %add3A_350 = arith.constant 3 : i32
      %add3A_351 = arith.addi %mul3A_349, %add3A_350 : i32
      %dma_start3A_352 = arith.constant 0 : i32
      %dma_start3A_353 = tpu.memref_slice %arg11[%add3A_351, %dma_start3A_352] : memref<80x128xi32, #tpu.memory_space<vmem>> -> memref<1x128xi32, #tpu.memory_space<vmem>>
      %dma_start3A_354 = tpu.memref_squeeze %dma_start3A_353 : memref<1x128xi32, #tpu.memory_space<vmem>> -> memref<128xi32, #tpu.memory_space<vmem>>
      %dma_start3A_355 = arith.constant 0 : i32
      %dma_start3A_356 = arith.constant 0 : i32
      %dma_start3A_357 = tpu.memref_slice %arg17[%dma_start3A_355, %dma_start3A_356] : memref<10240x64xf32, #tpu.memory_space<vmem_shared>> -> memref<10240x64xf32, #tpu.memory_space<vmem_shared>>
      tpu.enqueue_indirect_dma source(%arg15 : memref<128x64xf32, #tpu.memory_space<vmem>>) target(%dma_start3A_357 : memref<10240x64xf32, #tpu.memory_space<vmem_shared>>) offsets(%dma_start3A_354 : memref<128xi32, #tpu.memory_space<vmem>>) semaphore(%arg26 : memref<!tpu.dma_semaphore, #tpu.memory_space<semaphore_mem>>) {add = true}
      %mul3A_358 = arith.constant 4 : i32
      %mul3A_359 = arith.muli %add3A_277, %mul3A_358 : i32
      %add3A_360 = arith.constant 0 : i32
      %add3A_361 = arith.addi %mul3A_359, %add3A_360 : i32
      %dma_wait3A_362 = arith.constant 0 : i32
      %dma_wait3A_363 = tpu.memref_slice %arg11[%add3A_361, %dma_wait3A_362] : memref<80x128xi32, #tpu.memory_space<vmem>> -> memref<1x128xi32, #tpu.memory_space<vmem>>
      %dma_wait3A_364 = tpu.memref_squeeze %dma_wait3A_363 : memref<1x128xi32, #tpu.memory_space<vmem>> -> memref<128xi32, #tpu.memory_space<vmem>>
      %dma_wait3A_365 = arith.constant 0 : i32
      %dma_wait3A_366 = arith.constant 0 : i32
      %dma_wait3A_367 = tpu.memref_slice %arg17[%dma_wait3A_365, %dma_wait3A_366] : memref<10240x64xf32, #tpu.memory_space<vmem_shared>> -> memref<10240x64xf32, #tpu.memory_space<vmem_shared>>
      tpu.wait_indirect_dma semaphore(%arg23 : memref<!tpu.dma_semaphore, #tpu.memory_space<semaphore_mem>>) src(%arg12 : memref<128x64xf32, #tpu.memory_space<vmem>>) dst(%dma_wait3A_367 : memref<10240x64xf32, #tpu.memory_space<vmem_shared>>)
      %add3A_368 = arith.constant 1 : i32
      %add3A_369 = arith.addi %add3A_277, %add3A_368 : i32
      %mul3A_370 = arith.constant 4 : i32
      %mul3A_371 = arith.muli %add3A_369, %mul3A_370 : i32
      %add3A_372 = arith.constant 0 : i32
      %add3A_373 = arith.addi %mul3A_371, %add3A_372 : i32
      %dma_start3A_374 = arith.constant 0 : i32
      %dma_start3A_375 = tpu.memref_slice %arg10[%add3A_373, %dma_start3A_374] : memref<80x128xi32, #tpu.memory_space<vmem>> -> memref<1x128xi32, #tpu.memory_space<vmem>>
      %dma_start3A_376 = tpu.memref_squeeze %dma_start3A_375 : memref<1x128xi32, #tpu.memory_space<vmem>> -> memref<128xi32, #tpu.memory_space<vmem>>
      %dma_start3A_377 = arith.constant 0 : i32
      %dma_start3A_378 = arith.constant 0 : i32
      %dma_start3A_379 = tpu.memref_slice %arg2[%dma_start3A_377, %dma_start3A_378] : memref<20480x64xf32, #tpu.memory_space<hbm>> -> memref<20480x64xf32, #tpu.memory_space<hbm>>
      tpu.enqueue_indirect_dma source(%dma_start3A_379 : memref<20480x64xf32, #tpu.memory_space<hbm>>) target(%arg12 : memref<128x64xf32, #tpu.memory_space<vmem>>) offsets(%dma_start3A_376 : memref<128xi32, #tpu.memory_space<vmem>>) semaphore(%arg19 : memref<!tpu.dma_semaphore, #tpu.memory_space<semaphore_mem>>)
      %mul3A_380 = arith.constant 4 : i32
      %mul3A_381 = arith.muli %add3A_277, %mul3A_380 : i32
      %add3A_382 = arith.constant 1 : i32
      %add3A_383 = arith.addi %mul3A_381, %add3A_382 : i32
      %dma_wait3A_384 = arith.constant 0 : i32
      %dma_wait3A_385 = tpu.memref_slice %arg11[%add3A_383, %dma_wait3A_384] : memref<80x128xi32, #tpu.memory_space<vmem>> -> memref<1x128xi32, #tpu.memory_space<vmem>>
      %dma_wait3A_386 = tpu.memref_squeeze %dma_wait3A_385 : memref<1x128xi32, #tpu.memory_space<vmem>> -> memref<128xi32, #tpu.memory_space<vmem>>
      %dma_wait3A_387 = arith.constant 0 : i32
      %dma_wait3A_388 = arith.constant 0 : i32
      %dma_wait3A_389 = tpu.memref_slice %arg17[%dma_wait3A_387, %dma_wait3A_388] : memref<10240x64xf32, #tpu.memory_space<vmem_shared>> -> memref<10240x64xf32, #tpu.memory_space<vmem_shared>>
      tpu.wait_indirect_dma semaphore(%arg24 : memref<!tpu.dma_semaphore, #tpu.memory_space<semaphore_mem>>) src(%arg13 : memref<128x64xf32, #tpu.memory_space<vmem>>) dst(%dma_wait3A_389 : memref<10240x64xf32, #tpu.memory_space<vmem_shared>>)
      %add3A_390 = arith.constant 1 : i32
      %add3A_391 = arith.addi %add3A_277, %add3A_390 : i32
      %mul3A_392 = arith.constant 4 : i32
      %mul3A_393 = arith.muli %add3A_391, %mul3A_392 : i32
      %add3A_394 = arith.constant 1 : i32
      %add3A_395 = arith.addi %mul3A_393, %add3A_394 : i32
      %dma_start3A_396 = arith.constant 0 : i32
      %dma_start3A_397 = tpu.memref_slice %arg10[%add3A_395, %dma_start3A_396] : memref<80x128xi32, #tpu.memory_space<vmem>> -> memref<1x128xi32, #tpu.memory_space<vmem>>
      %dma_start3A_398 = tpu.memref_squeeze %dma_start3A_397 : memref<1x128xi32, #tpu.memory_space<vmem>> -> memref<128xi32, #tpu.memory_space<vmem>>
      %dma_start3A_399 = arith.constant 0 : i32
      %dma_start3A_400 = arith.constant 0 : i32
      %dma_start3A_401 = tpu.memref_slice %arg2[%dma_start3A_399, %dma_start3A_400] : memref<20480x64xf32, #tpu.memory_space<hbm>> -> memref<20480x64xf32, #tpu.memory_space<hbm>>
      tpu.enqueue_indirect_dma source(%dma_start3A_401 : memref<20480x64xf32, #tpu.memory_space<hbm>>) target(%arg13 : memref<128x64xf32, #tpu.memory_space<vmem>>) offsets(%dma_start3A_398 : memref<128xi32, #tpu.memory_space<vmem>>) semaphore(%arg20 : memref<!tpu.dma_semaphore, #tpu.memory_space<semaphore_mem>>)
      %mul3A_402 = arith.constant 4 : i32
      %mul3A_403 = arith.muli %add3A_277, %mul3A_402 : i32
      %add3A_404 = arith.constant 2 : i32
      %add3A_405 = arith.addi %mul3A_403, %add3A_404 : i32
      %dma_wait3A_406 = arith.constant 0 : i32
      %dma_wait3A_407 = tpu.memref_slice %arg11[%add3A_405, %dma_wait3A_406] : memref<80x128xi32, #tpu.memory_space<vmem>> -> memref<1x128xi32, #tpu.memory_space<vmem>>
      %dma_wait3A_408 = tpu.memref_squeeze %dma_wait3A_407 : memref<1x128xi32, #tpu.memory_space<vmem>> -> memref<128xi32, #tpu.memory_space<vmem>>
      %dma_wait3A_409 = arith.constant 0 : i32
      %dma_wait3A_410 = arith.constant 0 : i32
      %dma_wait3A_411 = tpu.memref_slice %arg17[%dma_wait3A_409, %dma_wait3A_410] : memref<10240x64xf32, #tpu.memory_space<vmem_shared>> -> memref<10240x64xf32, #tpu.memory_space<vmem_shared>>
      tpu.wait_indirect_dma semaphore(%arg25 : memref<!tpu.dma_semaphore, #tpu.memory_space<semaphore_mem>>) src(%arg14 : memref<128x64xf32, #tpu.memory_space<vmem>>) dst(%dma_wait3A_411 : memref<10240x64xf32, #tpu.memory_space<vmem_shared>>)
      %add3A_412 = arith.constant 1 : i32
      %add3A_413 = arith.addi %add3A_277, %add3A_412 : i32
      %mul3A_414 = arith.constant 4 : i32
      %mul3A_415 = arith.muli %add3A_413, %mul3A_414 : i32
      %add3A_416 = arith.constant 2 : i32
      %add3A_417 = arith.addi %mul3A_415, %add3A_416 : i32
      %dma_start3A_418 = arith.constant 0 : i32
      %dma_start3A_419 = tpu.memref_slice %arg10[%add3A_417, %dma_start3A_418] : memref<80x128xi32, #tpu.memory_space<vmem>> -> memref<1x128xi32, #tpu.memory_space<vmem>>
      %dma_start3A_420 = tpu.memref_squeeze %dma_start3A_419 : memref<1x128xi32, #tpu.memory_space<vmem>> -> memref<128xi32, #tpu.memory_space<vmem>>
      %dma_start3A_421 = arith.constant 0 : i32
      %dma_start3A_422 = arith.constant 0 : i32
      %dma_start3A_423 = tpu.memref_slice %arg2[%dma_start3A_421, %dma_start3A_422] : memref<20480x64xf32, #tpu.memory_space<hbm>> -> memref<20480x64xf32, #tpu.memory_space<hbm>>
      tpu.enqueue_indirect_dma source(%dma_start3A_423 : memref<20480x64xf32, #tpu.memory_space<hbm>>) target(%arg14 : memref<128x64xf32, #tpu.memory_space<vmem>>) offsets(%dma_start3A_420 : memref<128xi32, #tpu.memory_space<vmem>>) semaphore(%arg21 : memref<!tpu.dma_semaphore, #tpu.memory_space<semaphore_mem>>)
      %mul3A_424 = arith.constant 4 : i32
      %mul3A_425 = arith.muli %add3A_277, %mul3A_424 : i32
      %add3A_426 = arith.constant 3 : i32
      %add3A_427 = arith.addi %mul3A_425, %add3A_426 : i32
      %dma_wait3A_428 = arith.constant 0 : i32
      %dma_wait3A_429 = tpu.memref_slice %arg11[%add3A_427, %dma_wait3A_428] : memref<80x128xi32, #tpu.memory_space<vmem>> -> memref<1x128xi32, #tpu.memory_space<vmem>>
      %dma_wait3A_430 = tpu.memref_squeeze %dma_wait3A_429 : memref<1x128xi32, #tpu.memory_space<vmem>> -> memref<128xi32, #tpu.memory_space<vmem>>
      %dma_wait3A_431 = arith.constant 0 : i32
      %dma_wait3A_432 = arith.constant 0 : i32
      %dma_wait3A_433 = tpu.memref_slice %arg17[%dma_wait3A_431, %dma_wait3A_432] : memref<10240x64xf32, #tpu.memory_space<vmem_shared>> -> memref<10240x64xf32, #tpu.memory_space<vmem_shared>>
      tpu.wait_indirect_dma semaphore(%arg26 : memref<!tpu.dma_semaphore, #tpu.memory_space<semaphore_mem>>) src(%arg15 : memref<128x64xf32, #tpu.memory_space<vmem>>) dst(%dma_wait3A_433 : memref<10240x64xf32, #tpu.memory_space<vmem_shared>>)
      %add3A_434 = arith.constant 1 : i32
      %add3A_435 = arith.addi %add3A_277, %add3A_434 : i32
      %mul3A_436 = arith.constant 4 : i32
      %mul3A_437 = arith.muli %add3A_435, %mul3A_436 : i32
      %add3A_438 = arith.constant 3 : i32
      %add3A_439 = arith.addi %mul3A_437, %add3A_438 : i32
      %dma_start3A_440 = arith.constant 0 : i32
      %dma_start3A_441 = tpu.memref_slice %arg10[%add3A_439, %dma_start3A_440] : memref<80x128xi32, #tpu.memory_space<vmem>> -> memref<1x128xi32, #tpu.memory_space<vmem>>
      %dma_start3A_442 = tpu.memref_squeeze %dma_start3A_441 : memref<1x128xi32, #tpu.memory_space<vmem>> -> memref<128xi32, #tpu.memory_space<vmem>>
      %dma_start3A_443 = arith.constant 0 : i32
      %dma_start3A_444 = arith.constant 0 : i32
      %dma_start3A_445 = tpu.memref_slice %arg2[%dma_start3A_443, %dma_start3A_444] : memref<20480x64xf32, #tpu.memory_space<hbm>> -> memref<20480x64xf32, #tpu.memory_space<hbm>>
      tpu.enqueue_indirect_dma source(%dma_start3A_445 : memref<20480x64xf32, #tpu.memory_space<hbm>>) target(%arg15 : memref<128x64xf32, #tpu.memory_space<vmem>>) offsets(%dma_start3A_442 : memref<128xi32, #tpu.memory_space<vmem>>) semaphore(%arg22 : memref<!tpu.dma_semaphore, #tpu.memory_space<semaphore_mem>>)
    }
    %scan3A_47 = arith.constant 19 : i32
    %dma_wait3A = arith.constant 76 : i32
    %dma_wait3A_48 = arith.constant 0 : i32
    %dma_wait3A_49 = tpu.memref_slice %arg10[%dma_wait3A, %dma_wait3A_48] : memref<80x128xi32, #tpu.memory_space<vmem>> -> memref<1x128xi32, #tpu.memory_space<vmem>>
    %dma_wait3A_50 = tpu.memref_squeeze %dma_wait3A_49 : memref<1x128xi32, #tpu.memory_space<vmem>> -> memref<128xi32, #tpu.memory_space<vmem>>
    %dma_wait3A_51 = arith.constant 0 : i32
    %dma_wait3A_52 = arith.constant 0 : i32
    %dma_wait3A_53 = tpu.memref_slice %arg2[%dma_wait3A_51, %dma_wait3A_52] : memref<20480x64xf32, #tpu.memory_space<hbm>> -> memref<20480x64xf32, #tpu.memory_space<hbm>>
    tpu.wait_indirect_dma semaphore(%arg19 : memref<!tpu.dma_semaphore, #tpu.memory_space<semaphore_mem>>) src(%dma_wait3A_53 : memref<20480x64xf32, #tpu.memory_space<hbm>>) dst(%arg12 : memref<128x64xf32, #tpu.memory_space<vmem>>)
    %dma_start3A_54 = arith.constant 76 : i32
    %dma_start3A_55 = arith.constant 0 : i32
    %dma_start3A_56 = tpu.memref_slice %arg11[%dma_start3A_54, %dma_start3A_55] : memref<80x128xi32, #tpu.memory_space<vmem>> -> memref<1x128xi32, #tpu.memory_space<vmem>>
    %dma_start3A_57 = tpu.memref_squeeze %dma_start3A_56 : memref<1x128xi32, #tpu.memory_space<vmem>> -> memref<128xi32, #tpu.memory_space<vmem>>
    %dma_start3A_58 = arith.constant 0 : i32
    %dma_start3A_59 = arith.constant 0 : i32
    %dma_start3A_60 = tpu.memref_slice %arg17[%dma_start3A_58, %dma_start3A_59] : memref<10240x64xf32, #tpu.memory_space<vmem_shared>> -> memref<10240x64xf32, #tpu.memory_space<vmem_shared>>
    tpu.enqueue_indirect_dma source(%arg12 : memref<128x64xf32, #tpu.memory_space<vmem>>) target(%dma_start3A_60 : memref<10240x64xf32, #tpu.memory_space<vmem_shared>>) offsets(%dma_start3A_57 : memref<128xi32, #tpu.memory_space<vmem>>) semaphore(%arg23 : memref<!tpu.dma_semaphore, #tpu.memory_space<semaphore_mem>>) {add = true}
    %dma_wait3A_61 = arith.constant 77 : i32
    %dma_wait3A_62 = arith.constant 0 : i32
    %dma_wait3A_63 = tpu.memref_slice %arg10[%dma_wait3A_61, %dma_wait3A_62] : memref<80x128xi32, #tpu.memory_space<vmem>> -> memref<1x128xi32, #tpu.memory_space<vmem>>
    %dma_wait3A_64 = tpu.memref_squeeze %dma_wait3A_63 : memref<1x128xi32, #tpu.memory_space<vmem>> -> memref<128xi32, #tpu.memory_space<vmem>>
    %dma_wait3A_65 = arith.constant 0 : i32
    %dma_wait3A_66 = arith.constant 0 : i32
    %dma_wait3A_67 = tpu.memref_slice %arg2[%dma_wait3A_65, %dma_wait3A_66] : memref<20480x64xf32, #tpu.memory_space<hbm>> -> memref<20480x64xf32, #tpu.memory_space<hbm>>
    tpu.wait_indirect_dma semaphore(%arg20 : memref<!tpu.dma_semaphore, #tpu.memory_space<semaphore_mem>>) src(%dma_wait3A_67 : memref<20480x64xf32, #tpu.memory_space<hbm>>) dst(%arg13 : memref<128x64xf32, #tpu.memory_space<vmem>>)
    %dma_start3A_68 = arith.constant 77 : i32
    %dma_start3A_69 = arith.constant 0 : i32
    %dma_start3A_70 = tpu.memref_slice %arg11[%dma_start3A_68, %dma_start3A_69] : memref<80x128xi32, #tpu.memory_space<vmem>> -> memref<1x128xi32, #tpu.memory_space<vmem>>
    %dma_start3A_71 = tpu.memref_squeeze %dma_start3A_70 : memref<1x128xi32, #tpu.memory_space<vmem>> -> memref<128xi32, #tpu.memory_space<vmem>>
    %dma_start3A_72 = arith.constant 0 : i32
    %dma_start3A_73 = arith.constant 0 : i32
    %dma_start3A_74 = tpu.memref_slice %arg17[%dma_start3A_72, %dma_start3A_73] : memref<10240x64xf32, #tpu.memory_space<vmem_shared>> -> memref<10240x64xf32, #tpu.memory_space<vmem_shared>>
    tpu.enqueue_indirect_dma source(%arg13 : memref<128x64xf32, #tpu.memory_space<vmem>>) target(%dma_start3A_74 : memref<10240x64xf32, #tpu.memory_space<vmem_shared>>) offsets(%dma_start3A_71 : memref<128xi32, #tpu.memory_space<vmem>>) semaphore(%arg24 : memref<!tpu.dma_semaphore, #tpu.memory_space<semaphore_mem>>) {add = true}
    %dma_wait3A_75 = arith.constant 78 : i32
    %dma_wait3A_76 = arith.constant 0 : i32
    %dma_wait3A_77 = tpu.memref_slice %arg10[%dma_wait3A_75, %dma_wait3A_76] : memref<80x128xi32, #tpu.memory_space<vmem>> -> memref<1x128xi32, #tpu.memory_space<vmem>>
    %dma_wait3A_78 = tpu.memref_squeeze %dma_wait3A_77 : memref<1x128xi32, #tpu.memory_space<vmem>> -> memref<128xi32, #tpu.memory_space<vmem>>
    %dma_wait3A_79 = arith.constant 0 : i32
    %dma_wait3A_80 = arith.constant 0 : i32
    %dma_wait3A_81 = tpu.memref_slice %arg2[%dma_wait3A_79, %dma_wait3A_80] : memref<20480x64xf32, #tpu.memory_space<hbm>> -> memref<20480x64xf32, #tpu.memory_space<hbm>>
    tpu.wait_indirect_dma semaphore(%arg21 : memref<!tpu.dma_semaphore, #tpu.memory_space<semaphore_mem>>) src(%dma_wait3A_81 : memref<20480x64xf32, #tpu.memory_space<hbm>>) dst(%arg14 : memref<128x64xf32, #tpu.memory_space<vmem>>)
    %dma_start3A_82 = arith.constant 78 : i32
    %dma_start3A_83 = arith.constant 0 : i32
    %dma_start3A_84 = tpu.memref_slice %arg11[%dma_start3A_82, %dma_start3A_83] : memref<80x128xi32, #tpu.memory_space<vmem>> -> memref<1x128xi32, #tpu.memory_space<vmem>>
    %dma_start3A_85 = tpu.memref_squeeze %dma_start3A_84 : memref<1x128xi32, #tpu.memory_space<vmem>> -> memref<128xi32, #tpu.memory_space<vmem>>
    %dma_start3A_86 = arith.constant 0 : i32
    %dma_start3A_87 = arith.constant 0 : i32
    %dma_start3A_88 = tpu.memref_slice %arg17[%dma_start3A_86, %dma_start3A_87] : memref<10240x64xf32, #tpu.memory_space<vmem_shared>> -> memref<10240x64xf32, #tpu.memory_space<vmem_shared>>
    tpu.enqueue_indirect_dma source(%arg14 : memref<128x64xf32, #tpu.memory_space<vmem>>) target(%dma_start3A_88 : memref<10240x64xf32, #tpu.memory_space<vmem_shared>>) offsets(%dma_start3A_85 : memref<128xi32, #tpu.memory_space<vmem>>) semaphore(%arg25 : memref<!tpu.dma_semaphore, #tpu.memory_space<semaphore_mem>>) {add = true}
    %dma_wait3A_89 = arith.constant 79 : i32
    %dma_wait3A_90 = arith.constant 0 : i32
    %dma_wait3A_91 = tpu.memref_slice %arg10[%dma_wait3A_89, %dma_wait3A_90] : memref<80x128xi32, #tpu.memory_space<vmem>> -> memref<1x128xi32, #tpu.memory_space<vmem>>
    %dma_wait3A_92 = tpu.memref_squeeze %dma_wait3A_91 : memref<1x128xi32, #tpu.memory_space<vmem>> -> memref<128xi32, #tpu.memory_space<vmem>>
    %dma_wait3A_93 = arith.constant 0 : i32
    %dma_wait3A_94 = arith.constant 0 : i32
    %dma_wait3A_95 = tpu.memref_slice %arg2[%dma_wait3A_93, %dma_wait3A_94] : memref<20480x64xf32, #tpu.memory_space<hbm>> -> memref<20480x64xf32, #tpu.memory_space<hbm>>
    tpu.wait_indirect_dma semaphore(%arg22 : memref<!tpu.dma_semaphore, #tpu.memory_space<semaphore_mem>>) src(%dma_wait3A_95 : memref<20480x64xf32, #tpu.memory_space<hbm>>) dst(%arg15 : memref<128x64xf32, #tpu.memory_space<vmem>>)
    %dma_start3A_96 = arith.constant 79 : i32
    %dma_start3A_97 = arith.constant 0 : i32
    %dma_start3A_98 = tpu.memref_slice %arg11[%dma_start3A_96, %dma_start3A_97] : memref<80x128xi32, #tpu.memory_space<vmem>> -> memref<1x128xi32, #tpu.memory_space<vmem>>
    %dma_start3A_99 = tpu.memref_squeeze %dma_start3A_98 : memref<1x128xi32, #tpu.memory_space<vmem>> -> memref<128xi32, #tpu.memory_space<vmem>>
    %dma_start3A_100 = arith.constant 0 : i32
    %dma_start3A_101 = arith.constant 0 : i32
    %dma_start3A_102 = tpu.memref_slice %arg17[%dma_start3A_100, %dma_start3A_101] : memref<10240x64xf32, #tpu.memory_space<vmem_shared>> -> memref<10240x64xf32, #tpu.memory_space<vmem_shared>>
    tpu.enqueue_indirect_dma source(%arg15 : memref<128x64xf32, #tpu.memory_space<vmem>>) target(%dma_start3A_102 : memref<10240x64xf32, #tpu.memory_space<vmem_shared>>) offsets(%dma_start3A_99 : memref<128xi32, #tpu.memory_space<vmem>>) semaphore(%arg26 : memref<!tpu.dma_semaphore, #tpu.memory_space<semaphore_mem>>) {add = true}
    %dma_wait3A_103 = arith.constant 76 : i32
    %dma_wait3A_104 = arith.constant 0 : i32
    %dma_wait3A_105 = tpu.memref_slice %arg11[%dma_wait3A_103, %dma_wait3A_104] : memref<80x128xi32, #tpu.memory_space<vmem>> -> memref<1x128xi32, #tpu.memory_space<vmem>>
    %dma_wait3A_106 = tpu.memref_squeeze %dma_wait3A_105 : memref<1x128xi32, #tpu.memory_space<vmem>> -> memref<128xi32, #tpu.memory_space<vmem>>
    %dma_wait3A_107 = arith.constant 0 : i32
    %dma_wait3A_108 = arith.constant 0 : i32
    %dma_wait3A_109 = tpu.memref_slice %arg17[%dma_wait3A_107, %dma_wait3A_108] : memref<10240x64xf32, #tpu.memory_space<vmem_shared>> -> memref<10240x64xf32, #tpu.memory_space<vmem_shared>>
    tpu.wait_indirect_dma semaphore(%arg23 : memref<!tpu.dma_semaphore, #tpu.memory_space<semaphore_mem>>) src(%arg12 : memref<128x64xf32, #tpu.memory_space<vmem>>) dst(%dma_wait3A_109 : memref<10240x64xf32, #tpu.memory_space<vmem_shared>>)
    %dma_wait3A_110 = arith.constant 77 : i32
    %dma_wait3A_111 = arith.constant 0 : i32
    %dma_wait3A_112 = tpu.memref_slice %arg11[%dma_wait3A_110, %dma_wait3A_111] : memref<80x128xi32, #tpu.memory_space<vmem>> -> memref<1x128xi32, #tpu.memory_space<vmem>>
    %dma_wait3A_113 = tpu.memref_squeeze %dma_wait3A_112 : memref<1x128xi32, #tpu.memory_space<vmem>> -> memref<128xi32, #tpu.memory_space<vmem>>
    %dma_wait3A_114 = arith.constant 0 : i32
    %dma_wait3A_115 = arith.constant 0 : i32
    %dma_wait3A_116 = tpu.memref_slice %arg17[%dma_wait3A_114, %dma_wait3A_115] : memref<10240x64xf32, #tpu.memory_space<vmem_shared>> -> memref<10240x64xf32, #tpu.memory_space<vmem_shared>>
    tpu.wait_indirect_dma semaphore(%arg24 : memref<!tpu.dma_semaphore, #tpu.memory_space<semaphore_mem>>) src(%arg13 : memref<128x64xf32, #tpu.memory_space<vmem>>) dst(%dma_wait3A_116 : memref<10240x64xf32, #tpu.memory_space<vmem_shared>>)
    %dma_wait3A_117 = arith.constant 78 : i32
    %dma_wait3A_118 = arith.constant 0 : i32
    %dma_wait3A_119 = tpu.memref_slice %arg11[%dma_wait3A_117, %dma_wait3A_118] : memref<80x128xi32, #tpu.memory_space<vmem>> -> memref<1x128xi32, #tpu.memory_space<vmem>>
    %dma_wait3A_120 = tpu.memref_squeeze %dma_wait3A_119 : memref<1x128xi32, #tpu.memory_space<vmem>> -> memref<128xi32, #tpu.memory_space<vmem>>
    %dma_wait3A_121 = arith.constant 0 : i32
    %dma_wait3A_122 = arith.constant 0 : i32
    %dma_wait3A_123 = tpu.memref_slice %arg17[%dma_wait3A_121, %dma_wait3A_122] : memref<10240x64xf32, #tpu.memory_space<vmem_shared>> -> memref<10240x64xf32, #tpu.memory_space<vmem_shared>>
    tpu.wait_indirect_dma semaphore(%arg25 : memref<!tpu.dma_semaphore, #tpu.memory_space<semaphore_mem>>) src(%arg14 : memref<128x64xf32, #tpu.memory_space<vmem>>) dst(%dma_wait3A_123 : memref<10240x64xf32, #tpu.memory_space<vmem_shared>>)
    %dma_wait3A_124 = arith.constant 79 : i32
    %dma_wait3A_125 = arith.constant 0 : i32
    %dma_wait3A_126 = tpu.memref_slice %arg11[%dma_wait3A_124, %dma_wait3A_125] : memref<80x128xi32, #tpu.memory_space<vmem>> -> memref<1x128xi32, #tpu.memory_space<vmem>>
    %dma_wait3A_127 = tpu.memref_squeeze %dma_wait3A_126 : memref<1x128xi32, #tpu.memory_space<vmem>> -> memref<128xi32, #tpu.memory_space<vmem>>
    %dma_wait3A_128 = arith.constant 0 : i32
    %dma_wait3A_129 = arith.constant 0 : i32
    %dma_wait3A_130 = tpu.memref_slice %arg17[%dma_wait3A_128, %dma_wait3A_129] : memref<10240x64xf32, #tpu.memory_space<vmem_shared>> -> memref<10240x64xf32, #tpu.memory_space<vmem_shared>>
    tpu.wait_indirect_dma semaphore(%arg26 : memref<!tpu.dma_semaphore, #tpu.memory_space<semaphore_mem>>) src(%arg15 : memref<128x64xf32, #tpu.memory_space<vmem>>) dst(%dma_wait3A_130 : memref<10240x64xf32, #tpu.memory_space<vmem_shared>>)
    %eq3A = arith.constant 0 : i32
    %eq3A_131 = arith.cmpi eq, %arg0, %eq3A : i32
    %convert_element_type3A = arith.extui %eq3A_131 : i1 to i32
    %cond3A = arith.constant 0 : i32
    %cond3A_132 = arith.cmpi ne, %convert_element_type3A, %cond3A : i32
    scf.if %cond3A_132 {
      %scan3A_273 = arith.constant 0 : i32
      %scan3A_274 = arith.constant 10 : i32
      %scan3A_275 = arith.addi %scan3A_273, %scan3A_274 : i32
      %scan3A_276 = arith.constant 1 : i32
      scf.for %scan3A_278 = %scan3A_273 to %scan3A_275 step %scan3A_276  : i32 {
        %mul3A_279 = arith.constant 1 : i32
        %mul3A_280 = arith.muli %scan3A_278, %mul3A_279 : i32
        %add3A_281 = arith.constant 0 : i32
        %add3A_282 = arith.addi %add3A_281, %mul3A_280 : i32
        %mul3A_283 = arith.constant 8 : i32
        %mul3A_284 = arith.muli %add3A_282, %mul3A_283 : i32
        %add3A_285 = arith.constant 0 : i32
        %add3A_286 = arith.addi %mul3A_284, %add3A_285 : i32
        %dma_start3A_287 = arith.constant 0 : i32
        %dma_start3A_288 = tpu.memref_slice %arg11[%add3A_286, %dma_start3A_287] : memref<80x128xi32, #tpu.memory_space<vmem>> -> memref<1x128xi32, #tpu.memory_space<vmem>>
        %dma_start3A_289 = tpu.memref_squeeze %dma_start3A_288 : memref<1x128xi32, #tpu.memory_space<vmem>> -> memref<128xi32, #tpu.memory_space<vmem>>
        %dma_start3A_290 = arith.constant 0 : i32
        %dma_start3A_291 = arith.constant 0 : i32
        %dma_start3A_292 = tpu.memref_slice %arg18[%dma_start3A_290, %dma_start3A_291] : memref<10240x16xf32, #tpu.memory_space<vmem_shared>> -> memref<10240x16xf32, #tpu.memory_space<vmem_shared>>
        tpu.enqueue_indirect_dma source(%arg16 : memref<128x16xf32, #tpu.memory_space<vmem>>) target(%dma_start3A_292 : memref<10240x16xf32, #tpu.memory_space<vmem_shared>>) offsets(%dma_start3A_289 : memref<128xi32, #tpu.memory_space<vmem>>) semaphore(%arg27 : memref<!tpu.dma_semaphore, #tpu.memory_space<semaphore_mem>>) {add = true}
        %mul3A_293 = arith.constant 8 : i32
        %mul3A_294 = arith.muli %add3A_282, %mul3A_293 : i32
        %add3A_295 = arith.constant 1 : i32
        %add3A_296 = arith.addi %mul3A_294, %add3A_295 : i32
        %dma_start3A_297 = arith.constant 0 : i32
        %dma_start3A_298 = tpu.memref_slice %arg11[%add3A_296, %dma_start3A_297] : memref<80x128xi32, #tpu.memory_space<vmem>> -> memref<1x128xi32, #tpu.memory_space<vmem>>
        %dma_start3A_299 = tpu.memref_squeeze %dma_start3A_298 : memref<1x128xi32, #tpu.memory_space<vmem>> -> memref<128xi32, #tpu.memory_space<vmem>>
        %dma_start3A_300 = arith.constant 0 : i32
        %dma_start3A_301 = arith.constant 0 : i32
        %dma_start3A_302 = tpu.memref_slice %arg18[%dma_start3A_300, %dma_start3A_301] : memref<10240x16xf32, #tpu.memory_space<vmem_shared>> -> memref<10240x16xf32, #tpu.memory_space<vmem_shared>>
        tpu.enqueue_indirect_dma source(%arg16 : memref<128x16xf32, #tpu.memory_space<vmem>>) target(%dma_start3A_302 : memref<10240x16xf32, #tpu.memory_space<vmem_shared>>) offsets(%dma_start3A_299 : memref<128xi32, #tpu.memory_space<vmem>>) semaphore(%arg27 : memref<!tpu.dma_semaphore, #tpu.memory_space<semaphore_mem>>) {add = true}
        %mul3A_303 = arith.constant 8 : i32
        %mul3A_304 = arith.muli %add3A_282, %mul3A_303 : i32
        %add3A_305 = arith.constant 2 : i32
        %add3A_306 = arith.addi %mul3A_304, %add3A_305 : i32
        %dma_start3A_307 = arith.constant 0 : i32
        %dma_start3A_308 = tpu.memref_slice %arg11[%add3A_306, %dma_start3A_307] : memref<80x128xi32, #tpu.memory_space<vmem>> -> memref<1x128xi32, #tpu.memory_space<vmem>>
        %dma_start3A_309 = tpu.memref_squeeze %dma_start3A_308 : memref<1x128xi32, #tpu.memory_space<vmem>> -> memref<128xi32, #tpu.memory_space<vmem>>
        %dma_start3A_310 = arith.constant 0 : i32
        %dma_start3A_311 = arith.constant 0 : i32
        %dma_start3A_312 = tpu.memref_slice %arg18[%dma_start3A_310, %dma_start3A_311] : memref<10240x16xf32, #tpu.memory_space<vmem_shared>> -> memref<10240x16xf32, #tpu.memory_space<vmem_shared>>
        tpu.enqueue_indirect_dma source(%arg16 : memref<128x16xf32, #tpu.memory_space<vmem>>) target(%dma_start3A_312 : memref<10240x16xf32, #tpu.memory_space<vmem_shared>>) offsets(%dma_start3A_309 : memref<128xi32, #tpu.memory_space<vmem>>) semaphore(%arg27 : memref<!tpu.dma_semaphore, #tpu.memory_space<semaphore_mem>>) {add = true}
        %mul3A_313 = arith.constant 8 : i32
        %mul3A_314 = arith.muli %add3A_282, %mul3A_313 : i32
        %add3A_315 = arith.constant 3 : i32
        %add3A_316 = arith.addi %mul3A_314, %add3A_315 : i32
        %dma_start3A_317 = arith.constant 0 : i32
        %dma_start3A_318 = tpu.memref_slice %arg11[%add3A_316, %dma_start3A_317] : memref<80x128xi32, #tpu.memory_space<vmem>> -> memref<1x128xi32, #tpu.memory_space<vmem>>
        %dma_start3A_319 = tpu.memref_squeeze %dma_start3A_318 : memref<1x128xi32, #tpu.memory_space<vmem>> -> memref<128xi32, #tpu.memory_space<vmem>>
        %dma_start3A_320 = arith.constant 0 : i32
        %dma_start3A_321 = arith.constant 0 : i32
        %dma_start3A_322 = tpu.memref_slice %arg18[%dma_start3A_320, %dma_start3A_321] : memref<10240x16xf32, #tpu.memory_space<vmem_shared>> -> memref<10240x16xf32, #tpu.memory_space<vmem_shared>>
        tpu.enqueue_indirect_dma source(%arg16 : memref<128x16xf32, #tpu.memory_space<vmem>>) target(%dma_start3A_322 : memref<10240x16xf32, #tpu.memory_space<vmem_shared>>) offsets(%dma_start3A_319 : memref<128xi32, #tpu.memory_space<vmem>>) semaphore(%arg27 : memref<!tpu.dma_semaphore, #tpu.memory_space<semaphore_mem>>) {add = true}
        %mul3A_323 = arith.constant 8 : i32
        %mul3A_324 = arith.muli %add3A_282, %mul3A_323 : i32
        %add3A_325 = arith.constant 4 : i32
        %add3A_326 = arith.addi %mul3A_324, %add3A_325 : i32
        %dma_start3A_327 = arith.constant 0 : i32
        %dma_start3A_328 = tpu.memref_slice %arg11[%add3A_326, %dma_start3A_327] : memref<80x128xi32, #tpu.memory_space<vmem>> -> memref<1x128xi32, #tpu.memory_space<vmem>>
        %dma_start3A_329 = tpu.memref_squeeze %dma_start3A_328 : memref<1x128xi32, #tpu.memory_space<vmem>> -> memref<128xi32, #tpu.memory_space<vmem>>
        %dma_start3A_330 = arith.constant 0 : i32
        %dma_start3A_331 = arith.constant 0 : i32
        %dma_start3A_332 = tpu.memref_slice %arg18[%dma_start3A_330, %dma_start3A_331] : memref<10240x16xf32, #tpu.memory_space<vmem_shared>> -> memref<10240x16xf32, #tpu.memory_space<vmem_shared>>
        tpu.enqueue_indirect_dma source(%arg16 : memref<128x16xf32, #tpu.memory_space<vmem>>) target(%dma_start3A_332 : memref<10240x16xf32, #tpu.memory_space<vmem_shared>>) offsets(%dma_start3A_329 : memref<128xi32, #tpu.memory_space<vmem>>) semaphore(%arg27 : memref<!tpu.dma_semaphore, #tpu.memory_space<semaphore_mem>>) {add = true}
        %mul3A_333 = arith.constant 8 : i32
        %mul3A_334 = arith.muli %add3A_282, %mul3A_333 : i32
        %add3A_335 = arith.constant 5 : i32
        %add3A_336 = arith.addi %mul3A_334, %add3A_335 : i32
        %dma_start3A_337 = arith.constant 0 : i32
        %dma_start3A_338 = tpu.memref_slice %arg11[%add3A_336, %dma_start3A_337] : memref<80x128xi32, #tpu.memory_space<vmem>> -> memref<1x128xi32, #tpu.memory_space<vmem>>
        %dma_start3A_339 = tpu.memref_squeeze %dma_start3A_338 : memref<1x128xi32, #tpu.memory_space<vmem>> -> memref<128xi32, #tpu.memory_space<vmem>>
        %dma_start3A_340 = arith.constant 0 : i32
        %dma_start3A_341 = arith.constant 0 : i32
        %dma_start3A_342 = tpu.memref_slice %arg18[%dma_start3A_340, %dma_start3A_341] : memref<10240x16xf32, #tpu.memory_space<vmem_shared>> -> memref<10240x16xf32, #tpu.memory_space<vmem_shared>>
        tpu.enqueue_indirect_dma source(%arg16 : memref<128x16xf32, #tpu.memory_space<vmem>>) target(%dma_start3A_342 : memref<10240x16xf32, #tpu.memory_space<vmem_shared>>) offsets(%dma_start3A_339 : memref<128xi32, #tpu.memory_space<vmem>>) semaphore(%arg27 : memref<!tpu.dma_semaphore, #tpu.memory_space<semaphore_mem>>) {add = true}
        %mul3A_343 = arith.constant 8 : i32
        %mul3A_344 = arith.muli %add3A_282, %mul3A_343 : i32
        %add3A_345 = arith.constant 6 : i32
        %add3A_346 = arith.addi %mul3A_344, %add3A_345 : i32
        %dma_start3A_347 = arith.constant 0 : i32
        %dma_start3A_348 = tpu.memref_slice %arg11[%add3A_346, %dma_start3A_347] : memref<80x128xi32, #tpu.memory_space<vmem>> -> memref<1x128xi32, #tpu.memory_space<vmem>>
        %dma_start3A_349 = tpu.memref_squeeze %dma_start3A_348 : memref<1x128xi32, #tpu.memory_space<vmem>> -> memref<128xi32, #tpu.memory_space<vmem>>
        %dma_start3A_350 = arith.constant 0 : i32
        %dma_start3A_351 = arith.constant 0 : i32
        %dma_start3A_352 = tpu.memref_slice %arg18[%dma_start3A_350, %dma_start3A_351] : memref<10240x16xf32, #tpu.memory_space<vmem_shared>> -> memref<10240x16xf32, #tpu.memory_space<vmem_shared>>
        tpu.enqueue_indirect_dma source(%arg16 : memref<128x16xf32, #tpu.memory_space<vmem>>) target(%dma_start3A_352 : memref<10240x16xf32, #tpu.memory_space<vmem_shared>>) offsets(%dma_start3A_349 : memref<128xi32, #tpu.memory_space<vmem>>) semaphore(%arg27 : memref<!tpu.dma_semaphore, #tpu.memory_space<semaphore_mem>>) {add = true}
        %mul3A_353 = arith.constant 8 : i32
        %mul3A_354 = arith.muli %add3A_282, %mul3A_353 : i32
        %add3A_355 = arith.constant 7 : i32
        %add3A_356 = arith.addi %mul3A_354, %add3A_355 : i32
        %dma_start3A_357 = arith.constant 0 : i32
        %dma_start3A_358 = tpu.memref_slice %arg11[%add3A_356, %dma_start3A_357] : memref<80x128xi32, #tpu.memory_space<vmem>> -> memref<1x128xi32, #tpu.memory_space<vmem>>
        %dma_start3A_359 = tpu.memref_squeeze %dma_start3A_358 : memref<1x128xi32, #tpu.memory_space<vmem>> -> memref<128xi32, #tpu.memory_space<vmem>>
        %dma_start3A_360 = arith.constant 0 : i32
        %dma_start3A_361 = arith.constant 0 : i32
        %dma_start3A_362 = tpu.memref_slice %arg18[%dma_start3A_360, %dma_start3A_361] : memref<10240x16xf32, #tpu.memory_space<vmem_shared>> -> memref<10240x16xf32, #tpu.memory_space<vmem_shared>>
        tpu.enqueue_indirect_dma source(%arg16 : memref<128x16xf32, #tpu.memory_space<vmem>>) target(%dma_start3A_362 : memref<10240x16xf32, #tpu.memory_space<vmem_shared>>) offsets(%dma_start3A_359 : memref<128xi32, #tpu.memory_space<vmem>>) semaphore(%arg27 : memref<!tpu.dma_semaphore, #tpu.memory_space<semaphore_mem>>) {add = true}
        %mul3A_363 = arith.constant 8 : i32
        %mul3A_364 = arith.muli %add3A_282, %mul3A_363 : i32
        %add3A_365 = arith.constant 0 : i32
        %add3A_366 = arith.addi %mul3A_364, %add3A_365 : i32
        %dma_wait3A_367 = arith.constant 0 : i32
        %dma_wait3A_368 = tpu.memref_slice %arg11[%add3A_366, %dma_wait3A_367] : memref<80x128xi32, #tpu.memory_space<vmem>> -> memref<1x128xi32, #tpu.memory_space<vmem>>
        %dma_wait3A_369 = tpu.memref_squeeze %dma_wait3A_368 : memref<1x128xi32, #tpu.memory_space<vmem>> -> memref<128xi32, #tpu.memory_space<vmem>>
        %dma_wait3A_370 = arith.constant 0 : i32
        %dma_wait3A_371 = arith.constant 0 : i32
        %dma_wait3A_372 = tpu.memref_slice %arg18[%dma_wait3A_370, %dma_wait3A_371] : memref<10240x16xf32, #tpu.memory_space<vmem_shared>> -> memref<10240x16xf32, #tpu.memory_space<vmem_shared>>
        tpu.wait_indirect_dma semaphore(%arg27 : memref<!tpu.dma_semaphore, #tpu.memory_space<semaphore_mem>>) src(%arg16 : memref<128x16xf32, #tpu.memory_space<vmem>>) dst(%dma_wait3A_372 : memref<10240x16xf32, #tpu.memory_space<vmem_shared>>)
        %mul3A_373 = arith.constant 8 : i32
        %mul3A_374 = arith.muli %add3A_282, %mul3A_373 : i32
        %add3A_375 = arith.constant 1 : i32
        %add3A_376 = arith.addi %mul3A_374, %add3A_375 : i32
        %dma_wait3A_377 = arith.constant 0 : i32
        %dma_wait3A_378 = tpu.memref_slice %arg11[%add3A_376, %dma_wait3A_377] : memref<80x128xi32, #tpu.memory_space<vmem>> -> memref<1x128xi32, #tpu.memory_space<vmem>>
        %dma_wait3A_379 = tpu.memref_squeeze %dma_wait3A_378 : memref<1x128xi32, #tpu.memory_space<vmem>> -> memref<128xi32, #tpu.memory_space<vmem>>
        %dma_wait3A_380 = arith.constant 0 : i32
        %dma_wait3A_381 = arith.constant 0 : i32
        %dma_wait3A_382 = tpu.memref_slice %arg18[%dma_wait3A_380, %dma_wait3A_381] : memref<10240x16xf32, #tpu.memory_space<vmem_shared>> -> memref<10240x16xf32, #tpu.memory_space<vmem_shared>>
        tpu.wait_indirect_dma semaphore(%arg27 : memref<!tpu.dma_semaphore, #tpu.memory_space<semaphore_mem>>) src(%arg16 : memref<128x16xf32, #tpu.memory_space<vmem>>) dst(%dma_wait3A_382 : memref<10240x16xf32, #tpu.memory_space<vmem_shared>>)
        %mul3A_383 = arith.constant 8 : i32
        %mul3A_384 = arith.muli %add3A_282, %mul3A_383 : i32
        %add3A_385 = arith.constant 2 : i32
        %add3A_386 = arith.addi %mul3A_384, %add3A_385 : i32
        %dma_wait3A_387 = arith.constant 0 : i32
        %dma_wait3A_388 = tpu.memref_slice %arg11[%add3A_386, %dma_wait3A_387] : memref<80x128xi32, #tpu.memory_space<vmem>> -> memref<1x128xi32, #tpu.memory_space<vmem>>
        %dma_wait3A_389 = tpu.memref_squeeze %dma_wait3A_388 : memref<1x128xi32, #tpu.memory_space<vmem>> -> memref<128xi32, #tpu.memory_space<vmem>>
        %dma_wait3A_390 = arith.constant 0 : i32
        %dma_wait3A_391 = arith.constant 0 : i32
        %dma_wait3A_392 = tpu.memref_slice %arg18[%dma_wait3A_390, %dma_wait3A_391] : memref<10240x16xf32, #tpu.memory_space<vmem_shared>> -> memref<10240x16xf32, #tpu.memory_space<vmem_shared>>
        tpu.wait_indirect_dma semaphore(%arg27 : memref<!tpu.dma_semaphore, #tpu.memory_space<semaphore_mem>>) src(%arg16 : memref<128x16xf32, #tpu.memory_space<vmem>>) dst(%dma_wait3A_392 : memref<10240x16xf32, #tpu.memory_space<vmem_shared>>)
        %mul3A_393 = arith.constant 8 : i32
        %mul3A_394 = arith.muli %add3A_282, %mul3A_393 : i32
        %add3A_395 = arith.constant 3 : i32
        %add3A_396 = arith.addi %mul3A_394, %add3A_395 : i32
        %dma_wait3A_397 = arith.constant 0 : i32
        %dma_wait3A_398 = tpu.memref_slice %arg11[%add3A_396, %dma_wait3A_397] : memref<80x128xi32, #tpu.memory_space<vmem>> -> memref<1x128xi32, #tpu.memory_space<vmem>>
        %dma_wait3A_399 = tpu.memref_squeeze %dma_wait3A_398 : memref<1x128xi32, #tpu.memory_space<vmem>> -> memref<128xi32, #tpu.memory_space<vmem>>
        %dma_wait3A_400 = arith.constant 0 : i32
        %dma_wait3A_401 = arith.constant 0 : i32
        %dma_wait3A_402 = tpu.memref_slice %arg18[%dma_wait3A_400, %dma_wait3A_401] : memref<10240x16xf32, #tpu.memory_space<vmem_shared>> -> memref<10240x16xf32, #tpu.memory_space<vmem_shared>>
        tpu.wait_indirect_dma semaphore(%arg27 : memref<!tpu.dma_semaphore, #tpu.memory_space<semaphore_mem>>) src(%arg16 : memref<128x16xf32, #tpu.memory_space<vmem>>) dst(%dma_wait3A_402 : memref<10240x16xf32, #tpu.memory_space<vmem_shared>>)
        %mul3A_403 = arith.constant 8 : i32
        %mul3A_404 = arith.muli %add3A_282, %mul3A_403 : i32
        %add3A_405 = arith.constant 4 : i32
        %add3A_406 = arith.addi %mul3A_404, %add3A_405 : i32
        %dma_wait3A_407 = arith.constant 0 : i32
        %dma_wait3A_408 = tpu.memref_slice %arg11[%add3A_406, %dma_wait3A_407] : memref<80x128xi32, #tpu.memory_space<vmem>> -> memref<1x128xi32, #tpu.memory_space<vmem>>
        %dma_wait3A_409 = tpu.memref_squeeze %dma_wait3A_408 : memref<1x128xi32, #tpu.memory_space<vmem>> -> memref<128xi32, #tpu.memory_space<vmem>>
        %dma_wait3A_410 = arith.constant 0 : i32
        %dma_wait3A_411 = arith.constant 0 : i32
        %dma_wait3A_412 = tpu.memref_slice %arg18[%dma_wait3A_410, %dma_wait3A_411] : memref<10240x16xf32, #tpu.memory_space<vmem_shared>> -> memref<10240x16xf32, #tpu.memory_space<vmem_shared>>
        tpu.wait_indirect_dma semaphore(%arg27 : memref<!tpu.dma_semaphore, #tpu.memory_space<semaphore_mem>>) src(%arg16 : memref<128x16xf32, #tpu.memory_space<vmem>>) dst(%dma_wait3A_412 : memref<10240x16xf32, #tpu.memory_space<vmem_shared>>)
        %mul3A_413 = arith.constant 8 : i32
        %mul3A_414 = arith.muli %add3A_282, %mul3A_413 : i32
        %add3A_415 = arith.constant 5 : i32
        %add3A_416 = arith.addi %mul3A_414, %add3A_415 : i32
        %dma_wait3A_417 = arith.constant 0 : i32
        %dma_wait3A_418 = tpu.memref_slice %arg11[%add3A_416, %dma_wait3A_417] : memref<80x128xi32, #tpu.memory_space<vmem>> -> memref<1x128xi32, #tpu.memory_space<vmem>>
        %dma_wait3A_419 = tpu.memref_squeeze %dma_wait3A_418 : memref<1x128xi32, #tpu.memory_space<vmem>> -> memref<128xi32, #tpu.memory_space<vmem>>
        %dma_wait3A_420 = arith.constant 0 : i32
        %dma_wait3A_421 = arith.constant 0 : i32
        %dma_wait3A_422 = tpu.memref_slice %arg18[%dma_wait3A_420, %dma_wait3A_421] : memref<10240x16xf32, #tpu.memory_space<vmem_shared>> -> memref<10240x16xf32, #tpu.memory_space<vmem_shared>>
        tpu.wait_indirect_dma semaphore(%arg27 : memref<!tpu.dma_semaphore, #tpu.memory_space<semaphore_mem>>) src(%arg16 : memref<128x16xf32, #tpu.memory_space<vmem>>) dst(%dma_wait3A_422 : memref<10240x16xf32, #tpu.memory_space<vmem_shared>>)
        %mul3A_423 = arith.constant 8 : i32
        %mul3A_424 = arith.muli %add3A_282, %mul3A_423 : i32
        %add3A_425 = arith.constant 6 : i32
        %add3A_426 = arith.addi %mul3A_424, %add3A_425 : i32
        %dma_wait3A_427 = arith.constant 0 : i32
        %dma_wait3A_428 = tpu.memref_slice %arg11[%add3A_426, %dma_wait3A_427] : memref<80x128xi32, #tpu.memory_space<vmem>> -> memref<1x128xi32, #tpu.memory_space<vmem>>
        %dma_wait3A_429 = tpu.memref_squeeze %dma_wait3A_428 : memref<1x128xi32, #tpu.memory_space<vmem>> -> memref<128xi32, #tpu.memory_space<vmem>>
        %dma_wait3A_430 = arith.constant 0 : i32
        %dma_wait3A_431 = arith.constant 0 : i32
        %dma_wait3A_432 = tpu.memref_slice %arg18[%dma_wait3A_430, %dma_wait3A_431] : memref<10240x16xf32, #tpu.memory_space<vmem_shared>> -> memref<10240x16xf32, #tpu.memory_space<vmem_shared>>
        tpu.wait_indirect_dma semaphore(%arg27 : memref<!tpu.dma_semaphore, #tpu.memory_space<semaphore_mem>>) src(%arg16 : memref<128x16xf32, #tpu.memory_space<vmem>>) dst(%dma_wait3A_432 : memref<10240x16xf32, #tpu.memory_space<vmem_shared>>)
        %mul3A_433 = arith.constant 8 : i32
        %mul3A_434 = arith.muli %add3A_282, %mul3A_433 : i32
        %add3A_435 = arith.constant 7 : i32
        %add3A_436 = arith.addi %mul3A_434, %add3A_435 : i32
        %dma_wait3A_437 = arith.constant 0 : i32
        %dma_wait3A_438 = tpu.memref_slice %arg11[%add3A_436, %dma_wait3A_437] : memref<80x128xi32, #tpu.memory_space<vmem>> -> memref<1x128xi32, #tpu.memory_space<vmem>>
        %dma_wait3A_439 = tpu.memref_squeeze %dma_wait3A_438 : memref<1x128xi32, #tpu.memory_space<vmem>> -> memref<128xi32, #tpu.memory_space<vmem>>
        %dma_wait3A_440 = arith.constant 0 : i32
        %dma_wait3A_441 = arith.constant 0 : i32
        %dma_wait3A_442 = tpu.memref_slice %arg18[%dma_wait3A_440, %dma_wait3A_441] : memref<10240x16xf32, #tpu.memory_space<vmem_shared>> -> memref<10240x16xf32, #tpu.memory_space<vmem_shared>>
        tpu.wait_indirect_dma semaphore(%arg27 : memref<!tpu.dma_semaphore, #tpu.memory_space<semaphore_mem>>) src(%arg16 : memref<128x16xf32, #tpu.memory_space<vmem>>) dst(%dma_wait3A_442 : memref<10240x16xf32, #tpu.memory_space<vmem_shared>>)
      }
      %scan3A_277 = arith.constant 10 : i32
    } else {
    }
    %mul3A_133 = arith.constant 160 : i32
    %mul3A_134 = arith.muli %arg1, %mul3A_133 : i32
    %add3A_135 = arith.constant 80 : i32
    %add3A_136 = arith.addi %mul3A_134, %add3A_135 : i32
    %mul3A_137 = arith.constant 2560 : i32
    %mul3A_138 = arith.muli %arg0, %mul3A_137 : i32
    %add3A_139 = arith.addi %mul3A_138, %add3A_136 : i32
    "tpu.region"() ({
      %run_scoped3A = tpu.sem_alloc : memref<!tpu.dma_semaphore, #tpu.memory_space<semaphore_mem>>
      %dma_start3A_273 = arith.constant 0 : i32
      %dma_start3A_274 = tpu.memref_slice %arg3[%add3A_139, %dma_start3A_273] : memref<5120x128xi32, #tpu.memory_space<hbm>> -> memref<80x128xi32, #tpu.memory_space<hbm>>
      %dma_start3A_275 = arith.constant 0 : i32
      %dma_start3A_276 = tpu.memref_slice %arg3[%add3A_139, %dma_start3A_275] : memref<5120x128xi32, #tpu.memory_space<hbm>> -> memref<80x128xi32, #tpu.memory_space<hbm>>
      tpu.enqueue_dma source(%dma_start3A_276 : memref<80x128xi32, #tpu.memory_space<hbm>>) target(%arg10 : memref<80x128xi32, #tpu.memory_space<vmem>>) target_semaphore(%run_scoped3A : memref<!tpu.dma_semaphore, #tpu.memory_space<semaphore_mem>>)
      %dma_wait3A_277 = arith.constant 0 : i32
      %dma_wait3A_278 = tpu.memref_slice %arg3[%add3A_139, %dma_wait3A_277] : memref<5120x128xi32, #tpu.memory_space<hbm>> -> memref<80x128xi32, #tpu.memory_space<hbm>>
      %dma_wait3A_279 = arith.constant 0 : i32
      %dma_wait3A_280 = tpu.memref_slice %arg3[%add3A_139, %dma_wait3A_279] : memref<5120x128xi32, #tpu.memory_space<hbm>> -> memref<80x128xi32, #tpu.memory_space<hbm>>
      tpu.wait_dma2 semaphore(%run_scoped3A : memref<!tpu.dma_semaphore, #tpu.memory_space<semaphore_mem>>) src(%dma_wait3A_280 : memref<80x128xi32, #tpu.memory_space<hbm>>) dst(%arg10 : memref<80x128xi32, #tpu.memory_space<vmem>>)
      tpu.yield
    }) : () -> ()
    "tpu.region"() ({
      %run_scoped3A = tpu.sem_alloc : memref<!tpu.dma_semaphore, #tpu.memory_space<semaphore_mem>>
      %dma_start3A_273 = arith.constant 0 : i32
      %dma_start3A_274 = tpu.memref_slice %arg4[%add3A_136, %dma_start3A_273] : memref<2560x128xi32, #tpu.memory_space<hbm>> -> memref<80x128xi32, #tpu.memory_space<hbm>>
      %dma_start3A_275 = arith.constant 0 : i32
      %dma_start3A_276 = tpu.memref_slice %arg4[%add3A_136, %dma_start3A_275] : memref<2560x128xi32, #tpu.memory_space<hbm>> -> memref<80x128xi32, #tpu.memory_space<hbm>>
      tpu.enqueue_dma source(%dma_start3A_276 : memref<80x128xi32, #tpu.memory_space<hbm>>) target(%arg11 : memref<80x128xi32, #tpu.memory_space<vmem>>) target_semaphore(%run_scoped3A : memref<!tpu.dma_semaphore, #tpu.memory_space<semaphore_mem>>)
      %dma_wait3A_277 = arith.constant 0 : i32
      %dma_wait3A_278 = tpu.memref_slice %arg4[%add3A_136, %dma_wait3A_277] : memref<2560x128xi32, #tpu.memory_space<hbm>> -> memref<80x128xi32, #tpu.memory_space<hbm>>
      %dma_wait3A_279 = arith.constant 0 : i32
      %dma_wait3A_280 = tpu.memref_slice %arg4[%add3A_136, %dma_wait3A_279] : memref<2560x128xi32, #tpu.memory_space<hbm>> -> memref<80x128xi32, #tpu.memory_space<hbm>>
      tpu.wait_dma2 semaphore(%run_scoped3A : memref<!tpu.dma_semaphore, #tpu.memory_space<semaphore_mem>>) src(%dma_wait3A_280 : memref<80x128xi32, #tpu.memory_space<hbm>>) dst(%arg11 : memref<80x128xi32, #tpu.memory_space<vmem>>)
      tpu.yield
    }) : () -> ()
    %dma_start3A_140 = arith.constant 0 : i32
    %dma_start3A_141 = arith.constant 0 : i32
    %dma_start3A_142 = tpu.memref_slice %arg10[%dma_start3A_140, %dma_start3A_141] : memref<80x128xi32, #tpu.memory_space<vmem>> -> memref<1x128xi32, #tpu.memory_space<vmem>>
    %dma_start3A_143 = tpu.memref_squeeze %dma_start3A_142 : memref<1x128xi32, #tpu.memory_space<vmem>> -> memref<128xi32, #tpu.memory_space<vmem>>
    %dma_start3A_144 = arith.constant 0 : i32
    %dma_start3A_145 = arith.constant 0 : i32
    %dma_start3A_146 = tpu.memref_slice %arg2[%dma_start3A_144, %dma_start3A_145] : memref<20480x64xf32, #tpu.memory_space<hbm>> -> memref<20480x64xf32, #tpu.memory_space<hbm>>
    tpu.enqueue_indirect_dma source(%dma_start3A_146 : memref<20480x64xf32, #tpu.memory_space<hbm>>) target(%arg12 : memref<128x64xf32, #tpu.memory_space<vmem>>) offsets(%dma_start3A_143 : memref<128xi32, #tpu.memory_space<vmem>>) semaphore(%arg19 : memref<!tpu.dma_semaphore, #tpu.memory_space<semaphore_mem>>)
    %dma_start3A_147 = arith.constant 1 : i32
    %dma_start3A_148 = arith.constant 0 : i32
    %dma_start3A_149 = tpu.memref_slice %arg10[%dma_start3A_147, %dma_start3A_148] : memref<80x128xi32, #tpu.memory_space<vmem>> -> memref<1x128xi32, #tpu.memory_space<vmem>>
    %dma_start3A_150 = tpu.memref_squeeze %dma_start3A_149 : memref<1x128xi32, #tpu.memory_space<vmem>> -> memref<128xi32, #tpu.memory_space<vmem>>
    %dma_start3A_151 = arith.constant 0 : i32
    %dma_start3A_152 = arith.constant 0 : i32
    %dma_start3A_153 = tpu.memref_slice %arg2[%dma_start3A_151, %dma_start3A_152] : memref<20480x64xf32, #tpu.memory_space<hbm>> -> memref<20480x64xf32, #tpu.memory_space<hbm>>
    tpu.enqueue_indirect_dma source(%dma_start3A_153 : memref<20480x64xf32, #tpu.memory_space<hbm>>) target(%arg13 : memref<128x64xf32, #tpu.memory_space<vmem>>) offsets(%dma_start3A_150 : memref<128xi32, #tpu.memory_space<vmem>>) semaphore(%arg20 : memref<!tpu.dma_semaphore, #tpu.memory_space<semaphore_mem>>)
    %dma_start3A_154 = arith.constant 2 : i32
    %dma_start3A_155 = arith.constant 0 : i32
    %dma_start3A_156 = tpu.memref_slice %arg10[%dma_start3A_154, %dma_start3A_155] : memref<80x128xi32, #tpu.memory_space<vmem>> -> memref<1x128xi32, #tpu.memory_space<vmem>>
    %dma_start3A_157 = tpu.memref_squeeze %dma_start3A_156 : memref<1x128xi32, #tpu.memory_space<vmem>> -> memref<128xi32, #tpu.memory_space<vmem>>
    %dma_start3A_158 = arith.constant 0 : i32
    %dma_start3A_159 = arith.constant 0 : i32
    %dma_start3A_160 = tpu.memref_slice %arg2[%dma_start3A_158, %dma_start3A_159] : memref<20480x64xf32, #tpu.memory_space<hbm>> -> memref<20480x64xf32, #tpu.memory_space<hbm>>
    tpu.enqueue_indirect_dma source(%dma_start3A_160 : memref<20480x64xf32, #tpu.memory_space<hbm>>) target(%arg14 : memref<128x64xf32, #tpu.memory_space<vmem>>) offsets(%dma_start3A_157 : memref<128xi32, #tpu.memory_space<vmem>>) semaphore(%arg21 : memref<!tpu.dma_semaphore, #tpu.memory_space<semaphore_mem>>)
    %dma_start3A_161 = arith.constant 3 : i32
    %dma_start3A_162 = arith.constant 0 : i32
    %dma_start3A_163 = tpu.memref_slice %arg10[%dma_start3A_161, %dma_start3A_162] : memref<80x128xi32, #tpu.memory_space<vmem>> -> memref<1x128xi32, #tpu.memory_space<vmem>>
    %dma_start3A_164 = tpu.memref_squeeze %dma_start3A_163 : memref<1x128xi32, #tpu.memory_space<vmem>> -> memref<128xi32, #tpu.memory_space<vmem>>
    %dma_start3A_165 = arith.constant 0 : i32
    %dma_start3A_166 = arith.constant 0 : i32
    %dma_start3A_167 = tpu.memref_slice %arg2[%dma_start3A_165, %dma_start3A_166] : memref<20480x64xf32, #tpu.memory_space<hbm>> -> memref<20480x64xf32, #tpu.memory_space<hbm>>
    tpu.enqueue_indirect_dma source(%dma_start3A_167 : memref<20480x64xf32, #tpu.memory_space<hbm>>) target(%arg15 : memref<128x64xf32, #tpu.memory_space<vmem>>) offsets(%dma_start3A_164 : memref<128xi32, #tpu.memory_space<vmem>>) semaphore(%arg22 : memref<!tpu.dma_semaphore, #tpu.memory_space<semaphore_mem>>)
    %scan3A_168 = arith.constant 0 : i32
    %scan3A_169 = arith.constant 19 : i32
    %scan3A_170 = arith.addi %scan3A_168, %scan3A_169 : i32
    %scan3A_171 = arith.constant 1 : i32
    scf.for %scan3A_273 = %scan3A_168 to %scan3A_170 step %scan3A_171  : i32 {
      %mul3A_274 = arith.constant 1 : i32
      %mul3A_275 = arith.muli %scan3A_273, %mul3A_274 : i32
      %add3A_276 = arith.constant 0 : i32
      %add3A_277 = arith.addi %add3A_276, %mul3A_275 : i32
      %mul3A_278 = arith.constant 4 : i32
      %mul3A_279 = arith.muli %add3A_277, %mul3A_278 : i32
      %add3A_280 = arith.constant 0 : i32
      %add3A_281 = arith.addi %mul3A_279, %add3A_280 : i32
      %dma_wait3A_282 = arith.constant 0 : i32
      %dma_wait3A_283 = tpu.memref_slice %arg10[%add3A_281, %dma_wait3A_282] : memref<80x128xi32, #tpu.memory_space<vmem>> -> memref<1x128xi32, #tpu.memory_space<vmem>>
      %dma_wait3A_284 = tpu.memref_squeeze %dma_wait3A_283 : memref<1x128xi32, #tpu.memory_space<vmem>> -> memref<128xi32, #tpu.memory_space<vmem>>
      %dma_wait3A_285 = arith.constant 0 : i32
      %dma_wait3A_286 = arith.constant 0 : i32
      %dma_wait3A_287 = tpu.memref_slice %arg2[%dma_wait3A_285, %dma_wait3A_286] : memref<20480x64xf32, #tpu.memory_space<hbm>> -> memref<20480x64xf32, #tpu.memory_space<hbm>>
      tpu.wait_indirect_dma semaphore(%arg19 : memref<!tpu.dma_semaphore, #tpu.memory_space<semaphore_mem>>) src(%dma_wait3A_287 : memref<20480x64xf32, #tpu.memory_space<hbm>>) dst(%arg12 : memref<128x64xf32, #tpu.memory_space<vmem>>)
      %mul3A_288 = arith.constant 4 : i32
      %mul3A_289 = arith.muli %add3A_277, %mul3A_288 : i32
      %add3A_290 = arith.constant 0 : i32
      %add3A_291 = arith.addi %mul3A_289, %add3A_290 : i32
      %dma_start3A_292 = arith.constant 0 : i32
      %dma_start3A_293 = tpu.memref_slice %arg11[%add3A_291, %dma_start3A_292] : memref<80x128xi32, #tpu.memory_space<vmem>> -> memref<1x128xi32, #tpu.memory_space<vmem>>
      %dma_start3A_294 = tpu.memref_squeeze %dma_start3A_293 : memref<1x128xi32, #tpu.memory_space<vmem>> -> memref<128xi32, #tpu.memory_space<vmem>>
      %dma_start3A_295 = arith.constant 0 : i32
      %dma_start3A_296 = arith.constant 0 : i32
      %dma_start3A_297 = tpu.memref_slice %arg17[%dma_start3A_295, %dma_start3A_296] : memref<10240x64xf32, #tpu.memory_space<vmem_shared>> -> memref<10240x64xf32, #tpu.memory_space<vmem_shared>>
      tpu.enqueue_indirect_dma source(%arg12 : memref<128x64xf32, #tpu.memory_space<vmem>>) target(%dma_start3A_297 : memref<10240x64xf32, #tpu.memory_space<vmem_shared>>) offsets(%dma_start3A_294 : memref<128xi32, #tpu.memory_space<vmem>>) semaphore(%arg23 : memref<!tpu.dma_semaphore, #tpu.memory_space<semaphore_mem>>) {add = true}
      %mul3A_298 = arith.constant 4 : i32
      %mul3A_299 = arith.muli %add3A_277, %mul3A_298 : i32
      %add3A_300 = arith.constant 1 : i32
      %add3A_301 = arith.addi %mul3A_299, %add3A_300 : i32
      %dma_wait3A_302 = arith.constant 0 : i32
      %dma_wait3A_303 = tpu.memref_slice %arg10[%add3A_301, %dma_wait3A_302] : memref<80x128xi32, #tpu.memory_space<vmem>> -> memref<1x128xi32, #tpu.memory_space<vmem>>
      %dma_wait3A_304 = tpu.memref_squeeze %dma_wait3A_303 : memref<1x128xi32, #tpu.memory_space<vmem>> -> memref<128xi32, #tpu.memory_space<vmem>>
      %dma_wait3A_305 = arith.constant 0 : i32
      %dma_wait3A_306 = arith.constant 0 : i32
      %dma_wait3A_307 = tpu.memref_slice %arg2[%dma_wait3A_305, %dma_wait3A_306] : memref<20480x64xf32, #tpu.memory_space<hbm>> -> memref<20480x64xf32, #tpu.memory_space<hbm>>
      tpu.wait_indirect_dma semaphore(%arg20 : memref<!tpu.dma_semaphore, #tpu.memory_space<semaphore_mem>>) src(%dma_wait3A_307 : memref<20480x64xf32, #tpu.memory_space<hbm>>) dst(%arg13 : memref<128x64xf32, #tpu.memory_space<vmem>>)
      %mul3A_308 = arith.constant 4 : i32
      %mul3A_309 = arith.muli %add3A_277, %mul3A_308 : i32
      %add3A_310 = arith.constant 1 : i32
      %add3A_311 = arith.addi %mul3A_309, %add3A_310 : i32
      %dma_start3A_312 = arith.constant 0 : i32
      %dma_start3A_313 = tpu.memref_slice %arg11[%add3A_311, %dma_start3A_312] : memref<80x128xi32, #tpu.memory_space<vmem>> -> memref<1x128xi32, #tpu.memory_space<vmem>>
      %dma_start3A_314 = tpu.memref_squeeze %dma_start3A_313 : memref<1x128xi32, #tpu.memory_space<vmem>> -> memref<128xi32, #tpu.memory_space<vmem>>
      %dma_start3A_315 = arith.constant 0 : i32
      %dma_start3A_316 = arith.constant 0 : i32
      %dma_start3A_317 = tpu.memref_slice %arg17[%dma_start3A_315, %dma_start3A_316] : memref<10240x64xf32, #tpu.memory_space<vmem_shared>> -> memref<10240x64xf32, #tpu.memory_space<vmem_shared>>
      tpu.enqueue_indirect_dma source(%arg13 : memref<128x64xf32, #tpu.memory_space<vmem>>) target(%dma_start3A_317 : memref<10240x64xf32, #tpu.memory_space<vmem_shared>>) offsets(%dma_start3A_314 : memref<128xi32, #tpu.memory_space<vmem>>) semaphore(%arg24 : memref<!tpu.dma_semaphore, #tpu.memory_space<semaphore_mem>>) {add = true}
      %mul3A_318 = arith.constant 4 : i32
      %mul3A_319 = arith.muli %add3A_277, %mul3A_318 : i32
      %add3A_320 = arith.constant 2 : i32
      %add3A_321 = arith.addi %mul3A_319, %add3A_320 : i32
      %dma_wait3A_322 = arith.constant 0 : i32
      %dma_wait3A_323 = tpu.memref_slice %arg10[%add3A_321, %dma_wait3A_322] : memref<80x128xi32, #tpu.memory_space<vmem>> -> memref<1x128xi32, #tpu.memory_space<vmem>>
      %dma_wait3A_324 = tpu.memref_squeeze %dma_wait3A_323 : memref<1x128xi32, #tpu.memory_space<vmem>> -> memref<128xi32, #tpu.memory_space<vmem>>
      %dma_wait3A_325 = arith.constant 0 : i32
      %dma_wait3A_326 = arith.constant 0 : i32
      %dma_wait3A_327 = tpu.memref_slice %arg2[%dma_wait3A_325, %dma_wait3A_326] : memref<20480x64xf32, #tpu.memory_space<hbm>> -> memref<20480x64xf32, #tpu.memory_space<hbm>>
      tpu.wait_indirect_dma semaphore(%arg21 : memref<!tpu.dma_semaphore, #tpu.memory_space<semaphore_mem>>) src(%dma_wait3A_327 : memref<20480x64xf32, #tpu.memory_space<hbm>>) dst(%arg14 : memref<128x64xf32, #tpu.memory_space<vmem>>)
      %mul3A_328 = arith.constant 4 : i32
      %mul3A_329 = arith.muli %add3A_277, %mul3A_328 : i32
      %add3A_330 = arith.constant 2 : i32
      %add3A_331 = arith.addi %mul3A_329, %add3A_330 : i32
      %dma_start3A_332 = arith.constant 0 : i32
      %dma_start3A_333 = tpu.memref_slice %arg11[%add3A_331, %dma_start3A_332] : memref<80x128xi32, #tpu.memory_space<vmem>> -> memref<1x128xi32, #tpu.memory_space<vmem>>
      %dma_start3A_334 = tpu.memref_squeeze %dma_start3A_333 : memref<1x128xi32, #tpu.memory_space<vmem>> -> memref<128xi32, #tpu.memory_space<vmem>>
      %dma_start3A_335 = arith.constant 0 : i32
      %dma_start3A_336 = arith.constant 0 : i32
      %dma_start3A_337 = tpu.memref_slice %arg17[%dma_start3A_335, %dma_start3A_336] : memref<10240x64xf32, #tpu.memory_space<vmem_shared>> -> memref<10240x64xf32, #tpu.memory_space<vmem_shared>>
      tpu.enqueue_indirect_dma source(%arg14 : memref<128x64xf32, #tpu.memory_space<vmem>>) target(%dma_start3A_337 : memref<10240x64xf32, #tpu.memory_space<vmem_shared>>) offsets(%dma_start3A_334 : memref<128xi32, #tpu.memory_space<vmem>>) semaphore(%arg25 : memref<!tpu.dma_semaphore, #tpu.memory_space<semaphore_mem>>) {add = true}
      %mul3A_338 = arith.constant 4 : i32
      %mul3A_339 = arith.muli %add3A_277, %mul3A_338 : i32
      %add3A_340 = arith.constant 3 : i32
      %add3A_341 = arith.addi %mul3A_339, %add3A_340 : i32
      %dma_wait3A_342 = arith.constant 0 : i32
      %dma_wait3A_343 = tpu.memref_slice %arg10[%add3A_341, %dma_wait3A_342] : memref<80x128xi32, #tpu.memory_space<vmem>> -> memref<1x128xi32, #tpu.memory_space<vmem>>
      %dma_wait3A_344 = tpu.memref_squeeze %dma_wait3A_343 : memref<1x128xi32, #tpu.memory_space<vmem>> -> memref<128xi32, #tpu.memory_space<vmem>>
      %dma_wait3A_345 = arith.constant 0 : i32
      %dma_wait3A_346 = arith.constant 0 : i32
      %dma_wait3A_347 = tpu.memref_slice %arg2[%dma_wait3A_345, %dma_wait3A_346] : memref<20480x64xf32, #tpu.memory_space<hbm>> -> memref<20480x64xf32, #tpu.memory_space<hbm>>
      tpu.wait_indirect_dma semaphore(%arg22 : memref<!tpu.dma_semaphore, #tpu.memory_space<semaphore_mem>>) src(%dma_wait3A_347 : memref<20480x64xf32, #tpu.memory_space<hbm>>) dst(%arg15 : memref<128x64xf32, #tpu.memory_space<vmem>>)
      %mul3A_348 = arith.constant 4 : i32
      %mul3A_349 = arith.muli %add3A_277, %mul3A_348 : i32
      %add3A_350 = arith.constant 3 : i32
      %add3A_351 = arith.addi %mul3A_349, %add3A_350 : i32
      %dma_start3A_352 = arith.constant 0 : i32
      %dma_start3A_353 = tpu.memref_slice %arg11[%add3A_351, %dma_start3A_352] : memref<80x128xi32, #tpu.memory_space<vmem>> -> memref<1x128xi32, #tpu.memory_space<vmem>>
      %dma_start3A_354 = tpu.memref_squeeze %dma_start3A_353 : memref<1x128xi32, #tpu.memory_space<vmem>> -> memref<128xi32, #tpu.memory_space<vmem>>
      %dma_start3A_355 = arith.constant 0 : i32
      %dma_start3A_356 = arith.constant 0 : i32
      %dma_start3A_357 = tpu.memref_slice %arg17[%dma_start3A_355, %dma_start3A_356] : memref<10240x64xf32, #tpu.memory_space<vmem_shared>> -> memref<10240x64xf32, #tpu.memory_space<vmem_shared>>
      tpu.enqueue_indirect_dma source(%arg15 : memref<128x64xf32, #tpu.memory_space<vmem>>) target(%dma_start3A_357 : memref<10240x64xf32, #tpu.memory_space<vmem_shared>>) offsets(%dma_start3A_354 : memref<128xi32, #tpu.memory_space<vmem>>) semaphore(%arg26 : memref<!tpu.dma_semaphore, #tpu.memory_space<semaphore_mem>>) {add = true}
      %mul3A_358 = arith.constant 4 : i32
      %mul3A_359 = arith.muli %add3A_277, %mul3A_358 : i32
      %add3A_360 = arith.constant 0 : i32
      %add3A_361 = arith.addi %mul3A_359, %add3A_360 : i32
      %dma_wait3A_362 = arith.constant 0 : i32
      %dma_wait3A_363 = tpu.memref_slice %arg11[%add3A_361, %dma_wait3A_362] : memref<80x128xi32, #tpu.memory_space<vmem>> -> memref<1x128xi32, #tpu.memory_space<vmem>>
      %dma_wait3A_364 = tpu.memref_squeeze %dma_wait3A_363 : memref<1x128xi32, #tpu.memory_space<vmem>> -> memref<128xi32, #tpu.memory_space<vmem>>
      %dma_wait3A_365 = arith.constant 0 : i32
      %dma_wait3A_366 = arith.constant 0 : i32
      %dma_wait3A_367 = tpu.memref_slice %arg17[%dma_wait3A_365, %dma_wait3A_366] : memref<10240x64xf32, #tpu.memory_space<vmem_shared>> -> memref<10240x64xf32, #tpu.memory_space<vmem_shared>>
      tpu.wait_indirect_dma semaphore(%arg23 : memref<!tpu.dma_semaphore, #tpu.memory_space<semaphore_mem>>) src(%arg12 : memref<128x64xf32, #tpu.memory_space<vmem>>) dst(%dma_wait3A_367 : memref<10240x64xf32, #tpu.memory_space<vmem_shared>>)
      %add3A_368 = arith.constant 1 : i32
      %add3A_369 = arith.addi %add3A_277, %add3A_368 : i32
      %mul3A_370 = arith.constant 4 : i32
      %mul3A_371 = arith.muli %add3A_369, %mul3A_370 : i32
      %add3A_372 = arith.constant 0 : i32
      %add3A_373 = arith.addi %mul3A_371, %add3A_372 : i32
      %dma_start3A_374 = arith.constant 0 : i32
      %dma_start3A_375 = tpu.memref_slice %arg10[%add3A_373, %dma_start3A_374] : memref<80x128xi32, #tpu.memory_space<vmem>> -> memref<1x128xi32, #tpu.memory_space<vmem>>
      %dma_start3A_376 = tpu.memref_squeeze %dma_start3A_375 : memref<1x128xi32, #tpu.memory_space<vmem>> -> memref<128xi32, #tpu.memory_space<vmem>>
      %dma_start3A_377 = arith.constant 0 : i32
      %dma_start3A_378 = arith.constant 0 : i32
      %dma_start3A_379 = tpu.memref_slice %arg2[%dma_start3A_377, %dma_start3A_378] : memref<20480x64xf32, #tpu.memory_space<hbm>> -> memref<20480x64xf32, #tpu.memory_space<hbm>>
      tpu.enqueue_indirect_dma source(%dma_start3A_379 : memref<20480x64xf32, #tpu.memory_space<hbm>>) target(%arg12 : memref<128x64xf32, #tpu.memory_space<vmem>>) offsets(%dma_start3A_376 : memref<128xi32, #tpu.memory_space<vmem>>) semaphore(%arg19 : memref<!tpu.dma_semaphore, #tpu.memory_space<semaphore_mem>>)
      %mul3A_380 = arith.constant 4 : i32
      %mul3A_381 = arith.muli %add3A_277, %mul3A_380 : i32
      %add3A_382 = arith.constant 1 : i32
      %add3A_383 = arith.addi %mul3A_381, %add3A_382 : i32
      %dma_wait3A_384 = arith.constant 0 : i32
      %dma_wait3A_385 = tpu.memref_slice %arg11[%add3A_383, %dma_wait3A_384] : memref<80x128xi32, #tpu.memory_space<vmem>> -> memref<1x128xi32, #tpu.memory_space<vmem>>
      %dma_wait3A_386 = tpu.memref_squeeze %dma_wait3A_385 : memref<1x128xi32, #tpu.memory_space<vmem>> -> memref<128xi32, #tpu.memory_space<vmem>>
      %dma_wait3A_387 = arith.constant 0 : i32
      %dma_wait3A_388 = arith.constant 0 : i32
      %dma_wait3A_389 = tpu.memref_slice %arg17[%dma_wait3A_387, %dma_wait3A_388] : memref<10240x64xf32, #tpu.memory_space<vmem_shared>> -> memref<10240x64xf32, #tpu.memory_space<vmem_shared>>
      tpu.wait_indirect_dma semaphore(%arg24 : memref<!tpu.dma_semaphore, #tpu.memory_space<semaphore_mem>>) src(%arg13 : memref<128x64xf32, #tpu.memory_space<vmem>>) dst(%dma_wait3A_389 : memref<10240x64xf32, #tpu.memory_space<vmem_shared>>)
      %add3A_390 = arith.constant 1 : i32
      %add3A_391 = arith.addi %add3A_277, %add3A_390 : i32
      %mul3A_392 = arith.constant 4 : i32
      %mul3A_393 = arith.muli %add3A_391, %mul3A_392 : i32
      %add3A_394 = arith.constant 1 : i32
      %add3A_395 = arith.addi %mul3A_393, %add3A_394 : i32
      %dma_start3A_396 = arith.constant 0 : i32
      %dma_start3A_397 = tpu.memref_slice %arg10[%add3A_395, %dma_start3A_396] : memref<80x128xi32, #tpu.memory_space<vmem>> -> memref<1x128xi32, #tpu.memory_space<vmem>>
      %dma_start3A_398 = tpu.memref_squeeze %dma_start3A_397 : memref<1x128xi32, #tpu.memory_space<vmem>> -> memref<128xi32, #tpu.memory_space<vmem>>
      %dma_start3A_399 = arith.constant 0 : i32
      %dma_start3A_400 = arith.constant 0 : i32
      %dma_start3A_401 = tpu.memref_slice %arg2[%dma_start3A_399, %dma_start3A_400] : memref<20480x64xf32, #tpu.memory_space<hbm>> -> memref<20480x64xf32, #tpu.memory_space<hbm>>
      tpu.enqueue_indirect_dma source(%dma_start3A_401 : memref<20480x64xf32, #tpu.memory_space<hbm>>) target(%arg13 : memref<128x64xf32, #tpu.memory_space<vmem>>) offsets(%dma_start3A_398 : memref<128xi32, #tpu.memory_space<vmem>>) semaphore(%arg20 : memref<!tpu.dma_semaphore, #tpu.memory_space<semaphore_mem>>)
      %mul3A_402 = arith.constant 4 : i32
      %mul3A_403 = arith.muli %add3A_277, %mul3A_402 : i32
      %add3A_404 = arith.constant 2 : i32
      %add3A_405 = arith.addi %mul3A_403, %add3A_404 : i32
      %dma_wait3A_406 = arith.constant 0 : i32
      %dma_wait3A_407 = tpu.memref_slice %arg11[%add3A_405, %dma_wait3A_406] : memref<80x128xi32, #tpu.memory_space<vmem>> -> memref<1x128xi32, #tpu.memory_space<vmem>>
      %dma_wait3A_408 = tpu.memref_squeeze %dma_wait3A_407 : memref<1x128xi32, #tpu.memory_space<vmem>> -> memref<128xi32, #tpu.memory_space<vmem>>
      %dma_wait3A_409 = arith.constant 0 : i32
      %dma_wait3A_410 = arith.constant 0 : i32
      %dma_wait3A_411 = tpu.memref_slice %arg17[%dma_wait3A_409, %dma_wait3A_410] : memref<10240x64xf32, #tpu.memory_space<vmem_shared>> -> memref<10240x64xf32, #tpu.memory_space<vmem_shared>>
      tpu.wait_indirect_dma semaphore(%arg25 : memref<!tpu.dma_semaphore, #tpu.memory_space<semaphore_mem>>) src(%arg14 : memref<128x64xf32, #tpu.memory_space<vmem>>) dst(%dma_wait3A_411 : memref<10240x64xf32, #tpu.memory_space<vmem_shared>>)
      %add3A_412 = arith.constant 1 : i32
      %add3A_413 = arith.addi %add3A_277, %add3A_412 : i32
      %mul3A_414 = arith.constant 4 : i32
      %mul3A_415 = arith.muli %add3A_413, %mul3A_414 : i32
      %add3A_416 = arith.constant 2 : i32
      %add3A_417 = arith.addi %mul3A_415, %add3A_416 : i32
      %dma_start3A_418 = arith.constant 0 : i32
      %dma_start3A_419 = tpu.memref_slice %arg10[%add3A_417, %dma_start3A_418] : memref<80x128xi32, #tpu.memory_space<vmem>> -> memref<1x128xi32, #tpu.memory_space<vmem>>
      %dma_start3A_420 = tpu.memref_squeeze %dma_start3A_419 : memref<1x128xi32, #tpu.memory_space<vmem>> -> memref<128xi32, #tpu.memory_space<vmem>>
      %dma_start3A_421 = arith.constant 0 : i32
      %dma_start3A_422 = arith.constant 0 : i32
      %dma_start3A_423 = tpu.memref_slice %arg2[%dma_start3A_421, %dma_start3A_422] : memref<20480x64xf32, #tpu.memory_space<hbm>> -> memref<20480x64xf32, #tpu.memory_space<hbm>>
      tpu.enqueue_indirect_dma source(%dma_start3A_423 : memref<20480x64xf32, #tpu.memory_space<hbm>>) target(%arg14 : memref<128x64xf32, #tpu.memory_space<vmem>>) offsets(%dma_start3A_420 : memref<128xi32, #tpu.memory_space<vmem>>) semaphore(%arg21 : memref<!tpu.dma_semaphore, #tpu.memory_space<semaphore_mem>>)
      %mul3A_424 = arith.constant 4 : i32
      %mul3A_425 = arith.muli %add3A_277, %mul3A_424 : i32
      %add3A_426 = arith.constant 3 : i32
      %add3A_427 = arith.addi %mul3A_425, %add3A_426 : i32
      %dma_wait3A_428 = arith.constant 0 : i32
      %dma_wait3A_429 = tpu.memref_slice %arg11[%add3A_427, %dma_wait3A_428] : memref<80x128xi32, #tpu.memory_space<vmem>> -> memref<1x128xi32, #tpu.memory_space<vmem>>
      %dma_wait3A_430 = tpu.memref_squeeze %dma_wait3A_429 : memref<1x128xi32, #tpu.memory_space<vmem>> -> memref<128xi32, #tpu.memory_space<vmem>>
      %dma_wait3A_431 = arith.constant 0 : i32
      %dma_wait3A_432 = arith.constant 0 : i32
      %dma_wait3A_433 = tpu.memref_slice %arg17[%dma_wait3A_431, %dma_wait3A_432] : memref<10240x64xf32, #tpu.memory_space<vmem_shared>> -> memref<10240x64xf32, #tpu.memory_space<vmem_shared>>
      tpu.wait_indirect_dma semaphore(%arg26 : memref<!tpu.dma_semaphore, #tpu.memory_space<semaphore_mem>>) src(%arg15 : memref<128x64xf32, #tpu.memory_space<vmem>>) dst(%dma_wait3A_433 : memref<10240x64xf32, #tpu.memory_space<vmem_shared>>)
      %add3A_434 = arith.constant 1 : i32
      %add3A_435 = arith.addi %add3A_277, %add3A_434 : i32
      %mul3A_436 = arith.constant 4 : i32
      %mul3A_437 = arith.muli %add3A_435, %mul3A_436 : i32
      %add3A_438 = arith.constant 3 : i32
      %add3A_439 = arith.addi %mul3A_437, %add3A_438 : i32
      %dma_start3A_440 = arith.constant 0 : i32
      %dma_start3A_441 = tpu.memref_slice %arg10[%add3A_439, %dma_start3A_440] : memref<80x128xi32, #tpu.memory_space<vmem>> -> memref<1x128xi32, #tpu.memory_space<vmem>>
      %dma_start3A_442 = tpu.memref_squeeze %dma_start3A_441 : memref<1x128xi32, #tpu.memory_space<vmem>> -> memref<128xi32, #tpu.memory_space<vmem>>
      %dma_start3A_443 = arith.constant 0 : i32
      %dma_start3A_444 = arith.constant 0 : i32
      %dma_start3A_445 = tpu.memref_slice %arg2[%dma_start3A_443, %dma_start3A_444] : memref<20480x64xf32, #tpu.memory_space<hbm>> -> memref<20480x64xf32, #tpu.memory_space<hbm>>
      tpu.enqueue_indirect_dma source(%dma_start3A_445 : memref<20480x64xf32, #tpu.memory_space<hbm>>) target(%arg15 : memref<128x64xf32, #tpu.memory_space<vmem>>) offsets(%dma_start3A_442 : memref<128xi32, #tpu.memory_space<vmem>>) semaphore(%arg22 : memref<!tpu.dma_semaphore, #tpu.memory_space<semaphore_mem>>)
    }
    %scan3A_172 = arith.constant 19 : i32
    %dma_wait3A_173 = arith.constant 76 : i32
    %dma_wait3A_174 = arith.constant 0 : i32
    %dma_wait3A_175 = tpu.memref_slice %arg10[%dma_wait3A_173, %dma_wait3A_174] : memref<80x128xi32, #tpu.memory_space<vmem>> -> memref<1x128xi32, #tpu.memory_space<vmem>>
    %dma_wait3A_176 = tpu.memref_squeeze %dma_wait3A_175 : memref<1x128xi32, #tpu.memory_space<vmem>> -> memref<128xi32, #tpu.memory_space<vmem>>
    %dma_wait3A_177 = arith.constant 0 : i32
    %dma_wait3A_178 = arith.constant 0 : i32
    %dma_wait3A_179 = tpu.memref_slice %arg2[%dma_wait3A_177, %dma_wait3A_178] : memref<20480x64xf32, #tpu.memory_space<hbm>> -> memref<20480x64xf32, #tpu.memory_space<hbm>>
    tpu.wait_indirect_dma semaphore(%arg19 : memref<!tpu.dma_semaphore, #tpu.memory_space<semaphore_mem>>) src(%dma_wait3A_179 : memref<20480x64xf32, #tpu.memory_space<hbm>>) dst(%arg12 : memref<128x64xf32, #tpu.memory_space<vmem>>)
    %dma_start3A_180 = arith.constant 76 : i32
    %dma_start3A_181 = arith.constant 0 : i32
    %dma_start3A_182 = tpu.memref_slice %arg11[%dma_start3A_180, %dma_start3A_181] : memref<80x128xi32, #tpu.memory_space<vmem>> -> memref<1x128xi32, #tpu.memory_space<vmem>>
    %dma_start3A_183 = tpu.memref_squeeze %dma_start3A_182 : memref<1x128xi32, #tpu.memory_space<vmem>> -> memref<128xi32, #tpu.memory_space<vmem>>
    %dma_start3A_184 = arith.constant 0 : i32
    %dma_start3A_185 = arith.constant 0 : i32
    %dma_start3A_186 = tpu.memref_slice %arg17[%dma_start3A_184, %dma_start3A_185] : memref<10240x64xf32, #tpu.memory_space<vmem_shared>> -> memref<10240x64xf32, #tpu.memory_space<vmem_shared>>
    tpu.enqueue_indirect_dma source(%arg12 : memref<128x64xf32, #tpu.memory_space<vmem>>) target(%dma_start3A_186 : memref<10240x64xf32, #tpu.memory_space<vmem_shared>>) offsets(%dma_start3A_183 : memref<128xi32, #tpu.memory_space<vmem>>) semaphore(%arg23 : memref<!tpu.dma_semaphore, #tpu.memory_space<semaphore_mem>>) {add = true}
    %dma_wait3A_187 = arith.constant 77 : i32
    %dma_wait3A_188 = arith.constant 0 : i32
    %dma_wait3A_189 = tpu.memref_slice %arg10[%dma_wait3A_187, %dma_wait3A_188] : memref<80x128xi32, #tpu.memory_space<vmem>> -> memref<1x128xi32, #tpu.memory_space<vmem>>
    %dma_wait3A_190 = tpu.memref_squeeze %dma_wait3A_189 : memref<1x128xi32, #tpu.memory_space<vmem>> -> memref<128xi32, #tpu.memory_space<vmem>>
    %dma_wait3A_191 = arith.constant 0 : i32
    %dma_wait3A_192 = arith.constant 0 : i32
    %dma_wait3A_193 = tpu.memref_slice %arg2[%dma_wait3A_191, %dma_wait3A_192] : memref<20480x64xf32, #tpu.memory_space<hbm>> -> memref<20480x64xf32, #tpu.memory_space<hbm>>
    tpu.wait_indirect_dma semaphore(%arg20 : memref<!tpu.dma_semaphore, #tpu.memory_space<semaphore_mem>>) src(%dma_wait3A_193 : memref<20480x64xf32, #tpu.memory_space<hbm>>) dst(%arg13 : memref<128x64xf32, #tpu.memory_space<vmem>>)
    %dma_start3A_194 = arith.constant 77 : i32
    %dma_start3A_195 = arith.constant 0 : i32
    %dma_start3A_196 = tpu.memref_slice %arg11[%dma_start3A_194, %dma_start3A_195] : memref<80x128xi32, #tpu.memory_space<vmem>> -> memref<1x128xi32, #tpu.memory_space<vmem>>
    %dma_start3A_197 = tpu.memref_squeeze %dma_start3A_196 : memref<1x128xi32, #tpu.memory_space<vmem>> -> memref<128xi32, #tpu.memory_space<vmem>>
    %dma_start3A_198 = arith.constant 0 : i32
    %dma_start3A_199 = arith.constant 0 : i32
    %dma_start3A_200 = tpu.memref_slice %arg17[%dma_start3A_198, %dma_start3A_199] : memref<10240x64xf32, #tpu.memory_space<vmem_shared>> -> memref<10240x64xf32, #tpu.memory_space<vmem_shared>>
    tpu.enqueue_indirect_dma source(%arg13 : memref<128x64xf32, #tpu.memory_space<vmem>>) target(%dma_start3A_200 : memref<10240x64xf32, #tpu.memory_space<vmem_shared>>) offsets(%dma_start3A_197 : memref<128xi32, #tpu.memory_space<vmem>>) semaphore(%arg24 : memref<!tpu.dma_semaphore, #tpu.memory_space<semaphore_mem>>) {add = true}
    %dma_wait3A_201 = arith.constant 78 : i32
    %dma_wait3A_202 = arith.constant 0 : i32
    %dma_wait3A_203 = tpu.memref_slice %arg10[%dma_wait3A_201, %dma_wait3A_202] : memref<80x128xi32, #tpu.memory_space<vmem>> -> memref<1x128xi32, #tpu.memory_space<vmem>>
    %dma_wait3A_204 = tpu.memref_squeeze %dma_wait3A_203 : memref<1x128xi32, #tpu.memory_space<vmem>> -> memref<128xi32, #tpu.memory_space<vmem>>
    %dma_wait3A_205 = arith.constant 0 : i32
    %dma_wait3A_206 = arith.constant 0 : i32
    %dma_wait3A_207 = tpu.memref_slice %arg2[%dma_wait3A_205, %dma_wait3A_206] : memref<20480x64xf32, #tpu.memory_space<hbm>> -> memref<20480x64xf32, #tpu.memory_space<hbm>>
    tpu.wait_indirect_dma semaphore(%arg21 : memref<!tpu.dma_semaphore, #tpu.memory_space<semaphore_mem>>) src(%dma_wait3A_207 : memref<20480x64xf32, #tpu.memory_space<hbm>>) dst(%arg14 : memref<128x64xf32, #tpu.memory_space<vmem>>)
    %dma_start3A_208 = arith.constant 78 : i32
    %dma_start3A_209 = arith.constant 0 : i32
    %dma_start3A_210 = tpu.memref_slice %arg11[%dma_start3A_208, %dma_start3A_209] : memref<80x128xi32, #tpu.memory_space<vmem>> -> memref<1x128xi32, #tpu.memory_space<vmem>>
    %dma_start3A_211 = tpu.memref_squeeze %dma_start3A_210 : memref<1x128xi32, #tpu.memory_space<vmem>> -> memref<128xi32, #tpu.memory_space<vmem>>
    %dma_start3A_212 = arith.constant 0 : i32
    %dma_start3A_213 = arith.constant 0 : i32
    %dma_start3A_214 = tpu.memref_slice %arg17[%dma_start3A_212, %dma_start3A_213] : memref<10240x64xf32, #tpu.memory_space<vmem_shared>> -> memref<10240x64xf32, #tpu.memory_space<vmem_shared>>
    tpu.enqueue_indirect_dma source(%arg14 : memref<128x64xf32, #tpu.memory_space<vmem>>) target(%dma_start3A_214 : memref<10240x64xf32, #tpu.memory_space<vmem_shared>>) offsets(%dma_start3A_211 : memref<128xi32, #tpu.memory_space<vmem>>) semaphore(%arg25 : memref<!tpu.dma_semaphore, #tpu.memory_space<semaphore_mem>>) {add = true}
    %dma_wait3A_215 = arith.constant 79 : i32
    %dma_wait3A_216 = arith.constant 0 : i32
    %dma_wait3A_217 = tpu.memref_slice %arg10[%dma_wait3A_215, %dma_wait3A_216] : memref<80x128xi32, #tpu.memory_space<vmem>> -> memref<1x128xi32, #tpu.memory_space<vmem>>
    %dma_wait3A_218 = tpu.memref_squeeze %dma_wait3A_217 : memref<1x128xi32, #tpu.memory_space<vmem>> -> memref<128xi32, #tpu.memory_space<vmem>>
    %dma_wait3A_219 = arith.constant 0 : i32
    %dma_wait3A_220 = arith.constant 0 : i32
    %dma_wait3A_221 = tpu.memref_slice %arg2[%dma_wait3A_219, %dma_wait3A_220] : memref<20480x64xf32, #tpu.memory_space<hbm>> -> memref<20480x64xf32, #tpu.memory_space<hbm>>
    tpu.wait_indirect_dma semaphore(%arg22 : memref<!tpu.dma_semaphore, #tpu.memory_space<semaphore_mem>>) src(%dma_wait3A_221 : memref<20480x64xf32, #tpu.memory_space<hbm>>) dst(%arg15 : memref<128x64xf32, #tpu.memory_space<vmem>>)
    %dma_start3A_222 = arith.constant 79 : i32
    %dma_start3A_223 = arith.constant 0 : i32
    %dma_start3A_224 = tpu.memref_slice %arg11[%dma_start3A_222, %dma_start3A_223] : memref<80x128xi32, #tpu.memory_space<vmem>> -> memref<1x128xi32, #tpu.memory_space<vmem>>
    %dma_start3A_225 = tpu.memref_squeeze %dma_start3A_224 : memref<1x128xi32, #tpu.memory_space<vmem>> -> memref<128xi32, #tpu.memory_space<vmem>>
    %dma_start3A_226 = arith.constant 0 : i32
    %dma_start3A_227 = arith.constant 0 : i32
    %dma_start3A_228 = tpu.memref_slice %arg17[%dma_start3A_226, %dma_start3A_227] : memref<10240x64xf32, #tpu.memory_space<vmem_shared>> -> memref<10240x64xf32, #tpu.memory_space<vmem_shared>>
    tpu.enqueue_indirect_dma source(%arg15 : memref<128x64xf32, #tpu.memory_space<vmem>>) target(%dma_start3A_228 : memref<10240x64xf32, #tpu.memory_space<vmem_shared>>) offsets(%dma_start3A_225 : memref<128xi32, #tpu.memory_space<vmem>>) semaphore(%arg26 : memref<!tpu.dma_semaphore, #tpu.memory_space<semaphore_mem>>) {add = true}
    %dma_wait3A_229 = arith.constant 76 : i32
    %dma_wait3A_230 = arith.constant 0 : i32
    %dma_wait3A_231 = tpu.memref_slice %arg11[%dma_wait3A_229, %dma_wait3A_230] : memref<80x128xi32, #tpu.memory_space<vmem>> -> memref<1x128xi32, #tpu.memory_space<vmem>>
    %dma_wait3A_232 = tpu.memref_squeeze %dma_wait3A_231 : memref<1x128xi32, #tpu.memory_space<vmem>> -> memref<128xi32, #tpu.memory_space<vmem>>
    %dma_wait3A_233 = arith.constant 0 : i32
    %dma_wait3A_234 = arith.constant 0 : i32
    %dma_wait3A_235 = tpu.memref_slice %arg17[%dma_wait3A_233, %dma_wait3A_234] : memref<10240x64xf32, #tpu.memory_space<vmem_shared>> -> memref<10240x64xf32, #tpu.memory_space<vmem_shared>>
    tpu.wait_indirect_dma semaphore(%arg23 : memref<!tpu.dma_semaphore, #tpu.memory_space<semaphore_mem>>) src(%arg12 : memref<128x64xf32, #tpu.memory_space<vmem>>) dst(%dma_wait3A_235 : memref<10240x64xf32, #tpu.memory_space<vmem_shared>>)
    %dma_wait3A_236 = arith.constant 77 : i32
    %dma_wait3A_237 = arith.constant 0 : i32
    %dma_wait3A_238 = tpu.memref_slice %arg11[%dma_wait3A_236, %dma_wait3A_237] : memref<80x128xi32, #tpu.memory_space<vmem>> -> memref<1x128xi32, #tpu.memory_space<vmem>>
    %dma_wait3A_239 = tpu.memref_squeeze %dma_wait3A_238 : memref<1x128xi32, #tpu.memory_space<vmem>> -> memref<128xi32, #tpu.memory_space<vmem>>
    %dma_wait3A_240 = arith.constant 0 : i32
    %dma_wait3A_241 = arith.constant 0 : i32
    %dma_wait3A_242 = tpu.memref_slice %arg17[%dma_wait3A_240, %dma_wait3A_241] : memref<10240x64xf32, #tpu.memory_space<vmem_shared>> -> memref<10240x64xf32, #tpu.memory_space<vmem_shared>>
    tpu.wait_indirect_dma semaphore(%arg24 : memref<!tpu.dma_semaphore, #tpu.memory_space<semaphore_mem>>) src(%arg13 : memref<128x64xf32, #tpu.memory_space<vmem>>) dst(%dma_wait3A_242 : memref<10240x64xf32, #tpu.memory_space<vmem_shared>>)
    %dma_wait3A_243 = arith.constant 78 : i32
    %dma_wait3A_244 = arith.constant 0 : i32
    %dma_wait3A_245 = tpu.memref_slice %arg11[%dma_wait3A_243, %dma_wait3A_244] : memref<80x128xi32, #tpu.memory_space<vmem>> -> memref<1x128xi32, #tpu.memory_space<vmem>>
    %dma_wait3A_246 = tpu.memref_squeeze %dma_wait3A_245 : memref<1x128xi32, #tpu.memory_space<vmem>> -> memref<128xi32, #tpu.memory_space<vmem>>
    %dma_wait3A_247 = arith.constant 0 : i32
    %dma_wait3A_248 = arith.constant 0 : i32
    %dma_wait3A_249 = tpu.memref_slice %arg17[%dma_wait3A_247, %dma_wait3A_248] : memref<10240x64xf32, #tpu.memory_space<vmem_shared>> -> memref<10240x64xf32, #tpu.memory_space<vmem_shared>>
    tpu.wait_indirect_dma semaphore(%arg25 : memref<!tpu.dma_semaphore, #tpu.memory_space<semaphore_mem>>) src(%arg14 : memref<128x64xf32, #tpu.memory_space<vmem>>) dst(%dma_wait3A_249 : memref<10240x64xf32, #tpu.memory_space<vmem_shared>>)
    %dma_wait3A_250 = arith.constant 79 : i32
    %dma_wait3A_251 = arith.constant 0 : i32
    %dma_wait3A_252 = tpu.memref_slice %arg11[%dma_wait3A_250, %dma_wait3A_251] : memref<80x128xi32, #tpu.memory_space<vmem>> -> memref<1x128xi32, #tpu.memory_space<vmem>>
    %dma_wait3A_253 = tpu.memref_squeeze %dma_wait3A_252 : memref<1x128xi32, #tpu.memory_space<vmem>> -> memref<128xi32, #tpu.memory_space<vmem>>
    %dma_wait3A_254 = arith.constant 0 : i32
    %dma_wait3A_255 = arith.constant 0 : i32
    %dma_wait3A_256 = tpu.memref_slice %arg17[%dma_wait3A_254, %dma_wait3A_255] : memref<10240x64xf32, #tpu.memory_space<vmem_shared>> -> memref<10240x64xf32, #tpu.memory_space<vmem_shared>>
    tpu.wait_indirect_dma semaphore(%arg26 : memref<!tpu.dma_semaphore, #tpu.memory_space<semaphore_mem>>) src(%arg15 : memref<128x64xf32, #tpu.memory_space<vmem>>) dst(%dma_wait3A_256 : memref<10240x64xf32, #tpu.memory_space<vmem_shared>>)
    %eq3A_257 = arith.constant 1 : i32
    %eq3A_258 = arith.cmpi eq, %arg0, %eq3A_257 : i32
    %convert_element_type3A_259 = arith.extui %eq3A_258 : i1 to i32
    %cond3A_260 = arith.constant 0 : i32
    %cond3A_261 = arith.cmpi ne, %convert_element_type3A_259, %cond3A_260 : i32
    scf.if %cond3A_261 {
      %scan3A_273 = arith.constant 0 : i32
      %scan3A_274 = arith.constant 10 : i32
      %scan3A_275 = arith.addi %scan3A_273, %scan3A_274 : i32
      %scan3A_276 = arith.constant 1 : i32
      scf.for %scan3A_278 = %scan3A_273 to %scan3A_275 step %scan3A_276  : i32 {
        %mul3A_279 = arith.constant 1 : i32
        %mul3A_280 = arith.muli %scan3A_278, %mul3A_279 : i32
        %add3A_281 = arith.constant 0 : i32
        %add3A_282 = arith.addi %add3A_281, %mul3A_280 : i32
        %mul3A_283 = arith.constant 8 : i32
        %mul3A_284 = arith.muli %add3A_282, %mul3A_283 : i32
        %add3A_285 = arith.constant 0 : i32
        %add3A_286 = arith.addi %mul3A_284, %add3A_285 : i32
        %dma_start3A_287 = arith.constant 0 : i32
        %dma_start3A_288 = tpu.memref_slice %arg11[%add3A_286, %dma_start3A_287] : memref<80x128xi32, #tpu.memory_space<vmem>> -> memref<1x128xi32, #tpu.memory_space<vmem>>
        %dma_start3A_289 = tpu.memref_squeeze %dma_start3A_288 : memref<1x128xi32, #tpu.memory_space<vmem>> -> memref<128xi32, #tpu.memory_space<vmem>>
        %dma_start3A_290 = arith.constant 0 : i32
        %dma_start3A_291 = arith.constant 0 : i32
        %dma_start3A_292 = tpu.memref_slice %arg18[%dma_start3A_290, %dma_start3A_291] : memref<10240x16xf32, #tpu.memory_space<vmem_shared>> -> memref<10240x16xf32, #tpu.memory_space<vmem_shared>>
        tpu.enqueue_indirect_dma source(%arg16 : memref<128x16xf32, #tpu.memory_space<vmem>>) target(%dma_start3A_292 : memref<10240x16xf32, #tpu.memory_space<vmem_shared>>) offsets(%dma_start3A_289 : memref<128xi32, #tpu.memory_space<vmem>>) semaphore(%arg27 : memref<!tpu.dma_semaphore, #tpu.memory_space<semaphore_mem>>) {add = true}
        %mul3A_293 = arith.constant 8 : i32
        %mul3A_294 = arith.muli %add3A_282, %mul3A_293 : i32
        %add3A_295 = arith.constant 1 : i32
        %add3A_296 = arith.addi %mul3A_294, %add3A_295 : i32
        %dma_start3A_297 = arith.constant 0 : i32
        %dma_start3A_298 = tpu.memref_slice %arg11[%add3A_296, %dma_start3A_297] : memref<80x128xi32, #tpu.memory_space<vmem>> -> memref<1x128xi32, #tpu.memory_space<vmem>>
        %dma_start3A_299 = tpu.memref_squeeze %dma_start3A_298 : memref<1x128xi32, #tpu.memory_space<vmem>> -> memref<128xi32, #tpu.memory_space<vmem>>
        %dma_start3A_300 = arith.constant 0 : i32
        %dma_start3A_301 = arith.constant 0 : i32
        %dma_start3A_302 = tpu.memref_slice %arg18[%dma_start3A_300, %dma_start3A_301] : memref<10240x16xf32, #tpu.memory_space<vmem_shared>> -> memref<10240x16xf32, #tpu.memory_space<vmem_shared>>
        tpu.enqueue_indirect_dma source(%arg16 : memref<128x16xf32, #tpu.memory_space<vmem>>) target(%dma_start3A_302 : memref<10240x16xf32, #tpu.memory_space<vmem_shared>>) offsets(%dma_start3A_299 : memref<128xi32, #tpu.memory_space<vmem>>) semaphore(%arg27 : memref<!tpu.dma_semaphore, #tpu.memory_space<semaphore_mem>>) {add = true}
        %mul3A_303 = arith.constant 8 : i32
        %mul3A_304 = arith.muli %add3A_282, %mul3A_303 : i32
        %add3A_305 = arith.constant 2 : i32
        %add3A_306 = arith.addi %mul3A_304, %add3A_305 : i32
        %dma_start3A_307 = arith.constant 0 : i32
        %dma_start3A_308 = tpu.memref_slice %arg11[%add3A_306, %dma_start3A_307] : memref<80x128xi32, #tpu.memory_space<vmem>> -> memref<1x128xi32, #tpu.memory_space<vmem>>
        %dma_start3A_309 = tpu.memref_squeeze %dma_start3A_308 : memref<1x128xi32, #tpu.memory_space<vmem>> -> memref<128xi32, #tpu.memory_space<vmem>>
        %dma_start3A_310 = arith.constant 0 : i32
        %dma_start3A_311 = arith.constant 0 : i32
        %dma_start3A_312 = tpu.memref_slice %arg18[%dma_start3A_310, %dma_start3A_311] : memref<10240x16xf32, #tpu.memory_space<vmem_shared>> -> memref<10240x16xf32, #tpu.memory_space<vmem_shared>>
        tpu.enqueue_indirect_dma source(%arg16 : memref<128x16xf32, #tpu.memory_space<vmem>>) target(%dma_start3A_312 : memref<10240x16xf32, #tpu.memory_space<vmem_shared>>) offsets(%dma_start3A_309 : memref<128xi32, #tpu.memory_space<vmem>>) semaphore(%arg27 : memref<!tpu.dma_semaphore, #tpu.memory_space<semaphore_mem>>) {add = true}
        %mul3A_313 = arith.constant 8 : i32
        %mul3A_314 = arith.muli %add3A_282, %mul3A_313 : i32
        %add3A_315 = arith.constant 3 : i32
        %add3A_316 = arith.addi %mul3A_314, %add3A_315 : i32
        %dma_start3A_317 = arith.constant 0 : i32
        %dma_start3A_318 = tpu.memref_slice %arg11[%add3A_316, %dma_start3A_317] : memref<80x128xi32, #tpu.memory_space<vmem>> -> memref<1x128xi32, #tpu.memory_space<vmem>>
        %dma_start3A_319 = tpu.memref_squeeze %dma_start3A_318 : memref<1x128xi32, #tpu.memory_space<vmem>> -> memref<128xi32, #tpu.memory_space<vmem>>
        %dma_start3A_320 = arith.constant 0 : i32
        %dma_start3A_321 = arith.constant 0 : i32
        %dma_start3A_322 = tpu.memref_slice %arg18[%dma_start3A_320, %dma_start3A_321] : memref<10240x16xf32, #tpu.memory_space<vmem_shared>> -> memref<10240x16xf32, #tpu.memory_space<vmem_shared>>
        tpu.enqueue_indirect_dma source(%arg16 : memref<128x16xf32, #tpu.memory_space<vmem>>) target(%dma_start3A_322 : memref<10240x16xf32, #tpu.memory_space<vmem_shared>>) offsets(%dma_start3A_319 : memref<128xi32, #tpu.memory_space<vmem>>) semaphore(%arg27 : memref<!tpu.dma_semaphore, #tpu.memory_space<semaphore_mem>>) {add = true}
        %mul3A_323 = arith.constant 8 : i32
        %mul3A_324 = arith.muli %add3A_282, %mul3A_323 : i32
        %add3A_325 = arith.constant 4 : i32
        %add3A_326 = arith.addi %mul3A_324, %add3A_325 : i32
        %dma_start3A_327 = arith.constant 0 : i32
        %dma_start3A_328 = tpu.memref_slice %arg11[%add3A_326, %dma_start3A_327] : memref<80x128xi32, #tpu.memory_space<vmem>> -> memref<1x128xi32, #tpu.memory_space<vmem>>
        %dma_start3A_329 = tpu.memref_squeeze %dma_start3A_328 : memref<1x128xi32, #tpu.memory_space<vmem>> -> memref<128xi32, #tpu.memory_space<vmem>>
        %dma_start3A_330 = arith.constant 0 : i32
        %dma_start3A_331 = arith.constant 0 : i32
        %dma_start3A_332 = tpu.memref_slice %arg18[%dma_start3A_330, %dma_start3A_331] : memref<10240x16xf32, #tpu.memory_space<vmem_shared>> -> memref<10240x16xf32, #tpu.memory_space<vmem_shared>>
        tpu.enqueue_indirect_dma source(%arg16 : memref<128x16xf32, #tpu.memory_space<vmem>>) target(%dma_start3A_332 : memref<10240x16xf32, #tpu.memory_space<vmem_shared>>) offsets(%dma_start3A_329 : memref<128xi32, #tpu.memory_space<vmem>>) semaphore(%arg27 : memref<!tpu.dma_semaphore, #tpu.memory_space<semaphore_mem>>) {add = true}
        %mul3A_333 = arith.constant 8 : i32
        %mul3A_334 = arith.muli %add3A_282, %mul3A_333 : i32
        %add3A_335 = arith.constant 5 : i32
        %add3A_336 = arith.addi %mul3A_334, %add3A_335 : i32
        %dma_start3A_337 = arith.constant 0 : i32
        %dma_start3A_338 = tpu.memref_slice %arg11[%add3A_336, %dma_start3A_337] : memref<80x128xi32, #tpu.memory_space<vmem>> -> memref<1x128xi32, #tpu.memory_space<vmem>>
        %dma_start3A_339 = tpu.memref_squeeze %dma_start3A_338 : memref<1x128xi32, #tpu.memory_space<vmem>> -> memref<128xi32, #tpu.memory_space<vmem>>
        %dma_start3A_340 = arith.constant 0 : i32
        %dma_start3A_341 = arith.constant 0 : i32
        %dma_start3A_342 = tpu.memref_slice %arg18[%dma_start3A_340, %dma_start3A_341] : memref<10240x16xf32, #tpu.memory_space<vmem_shared>> -> memref<10240x16xf32, #tpu.memory_space<vmem_shared>>
        tpu.enqueue_indirect_dma source(%arg16 : memref<128x16xf32, #tpu.memory_space<vmem>>) target(%dma_start3A_342 : memref<10240x16xf32, #tpu.memory_space<vmem_shared>>) offsets(%dma_start3A_339 : memref<128xi32, #tpu.memory_space<vmem>>) semaphore(%arg27 : memref<!tpu.dma_semaphore, #tpu.memory_space<semaphore_mem>>) {add = true}
        %mul3A_343 = arith.constant 8 : i32
        %mul3A_344 = arith.muli %add3A_282, %mul3A_343 : i32
        %add3A_345 = arith.constant 6 : i32
        %add3A_346 = arith.addi %mul3A_344, %add3A_345 : i32
        %dma_start3A_347 = arith.constant 0 : i32
        %dma_start3A_348 = tpu.memref_slice %arg11[%add3A_346, %dma_start3A_347] : memref<80x128xi32, #tpu.memory_space<vmem>> -> memref<1x128xi32, #tpu.memory_space<vmem>>
        %dma_start3A_349 = tpu.memref_squeeze %dma_start3A_348 : memref<1x128xi32, #tpu.memory_space<vmem>> -> memref<128xi32, #tpu.memory_space<vmem>>
        %dma_start3A_350 = arith.constant 0 : i32
        %dma_start3A_351 = arith.constant 0 : i32
        %dma_start3A_352 = tpu.memref_slice %arg18[%dma_start3A_350, %dma_start3A_351] : memref<10240x16xf32, #tpu.memory_space<vmem_shared>> -> memref<10240x16xf32, #tpu.memory_space<vmem_shared>>
        tpu.enqueue_indirect_dma source(%arg16 : memref<128x16xf32, #tpu.memory_space<vmem>>) target(%dma_start3A_352 : memref<10240x16xf32, #tpu.memory_space<vmem_shared>>) offsets(%dma_start3A_349 : memref<128xi32, #tpu.memory_space<vmem>>) semaphore(%arg27 : memref<!tpu.dma_semaphore, #tpu.memory_space<semaphore_mem>>) {add = true}
        %mul3A_353 = arith.constant 8 : i32
        %mul3A_354 = arith.muli %add3A_282, %mul3A_353 : i32
        %add3A_355 = arith.constant 7 : i32
        %add3A_356 = arith.addi %mul3A_354, %add3A_355 : i32
        %dma_start3A_357 = arith.constant 0 : i32
        %dma_start3A_358 = tpu.memref_slice %arg11[%add3A_356, %dma_start3A_357] : memref<80x128xi32, #tpu.memory_space<vmem>> -> memref<1x128xi32, #tpu.memory_space<vmem>>
        %dma_start3A_359 = tpu.memref_squeeze %dma_start3A_358 : memref<1x128xi32, #tpu.memory_space<vmem>> -> memref<128xi32, #tpu.memory_space<vmem>>
        %dma_start3A_360 = arith.constant 0 : i32
        %dma_start3A_361 = arith.constant 0 : i32
        %dma_start3A_362 = tpu.memref_slice %arg18[%dma_start3A_360, %dma_start3A_361] : memref<10240x16xf32, #tpu.memory_space<vmem_shared>> -> memref<10240x16xf32, #tpu.memory_space<vmem_shared>>
        tpu.enqueue_indirect_dma source(%arg16 : memref<128x16xf32, #tpu.memory_space<vmem>>) target(%dma_start3A_362 : memref<10240x16xf32, #tpu.memory_space<vmem_shared>>) offsets(%dma_start3A_359 : memref<128xi32, #tpu.memory_space<vmem>>) semaphore(%arg27 : memref<!tpu.dma_semaphore, #tpu.memory_space<semaphore_mem>>) {add = true}
        %mul3A_363 = arith.constant 8 : i32
        %mul3A_364 = arith.muli %add3A_282, %mul3A_363 : i32
        %add3A_365 = arith.constant 0 : i32
        %add3A_366 = arith.addi %mul3A_364, %add3A_365 : i32
        %dma_wait3A_367 = arith.constant 0 : i32
        %dma_wait3A_368 = tpu.memref_slice %arg11[%add3A_366, %dma_wait3A_367] : memref<80x128xi32, #tpu.memory_space<vmem>> -> memref<1x128xi32, #tpu.memory_space<vmem>>
        %dma_wait3A_369 = tpu.memref_squeeze %dma_wait3A_368 : memref<1x128xi32, #tpu.memory_space<vmem>> -> memref<128xi32, #tpu.memory_space<vmem>>
        %dma_wait3A_370 = arith.constant 0 : i32
        %dma_wait3A_371 = arith.constant 0 : i32
        %dma_wait3A_372 = tpu.memref_slice %arg18[%dma_wait3A_370, %dma_wait3A_371] : memref<10240x16xf32, #tpu.memory_space<vmem_shared>> -> memref<10240x16xf32, #tpu.memory_space<vmem_shared>>
        tpu.wait_indirect_dma semaphore(%arg27 : memref<!tpu.dma_semaphore, #tpu.memory_space<semaphore_mem>>) src(%arg16 : memref<128x16xf32, #tpu.memory_space<vmem>>) dst(%dma_wait3A_372 : memref<10240x16xf32, #tpu.memory_space<vmem_shared>>)
        %mul3A_373 = arith.constant 8 : i32
        %mul3A_374 = arith.muli %add3A_282, %mul3A_373 : i32
        %add3A_375 = arith.constant 1 : i32
        %add3A_376 = arith.addi %mul3A_374, %add3A_375 : i32
        %dma_wait3A_377 = arith.constant 0 : i32
        %dma_wait3A_378 = tpu.memref_slice %arg11[%add3A_376, %dma_wait3A_377] : memref<80x128xi32, #tpu.memory_space<vmem>> -> memref<1x128xi32, #tpu.memory_space<vmem>>
        %dma_wait3A_379 = tpu.memref_squeeze %dma_wait3A_378 : memref<1x128xi32, #tpu.memory_space<vmem>> -> memref<128xi32, #tpu.memory_space<vmem>>
        %dma_wait3A_380 = arith.constant 0 : i32
        %dma_wait3A_381 = arith.constant 0 : i32
        %dma_wait3A_382 = tpu.memref_slice %arg18[%dma_wait3A_380, %dma_wait3A_381] : memref<10240x16xf32, #tpu.memory_space<vmem_shared>> -> memref<10240x16xf32, #tpu.memory_space<vmem_shared>>
        tpu.wait_indirect_dma semaphore(%arg27 : memref<!tpu.dma_semaphore, #tpu.memory_space<semaphore_mem>>) src(%arg16 : memref<128x16xf32, #tpu.memory_space<vmem>>) dst(%dma_wait3A_382 : memref<10240x16xf32, #tpu.memory_space<vmem_shared>>)
        %mul3A_383 = arith.constant 8 : i32
        %mul3A_384 = arith.muli %add3A_282, %mul3A_383 : i32
        %add3A_385 = arith.constant 2 : i32
        %add3A_386 = arith.addi %mul3A_384, %add3A_385 : i32
        %dma_wait3A_387 = arith.constant 0 : i32
        %dma_wait3A_388 = tpu.memref_slice %arg11[%add3A_386, %dma_wait3A_387] : memref<80x128xi32, #tpu.memory_space<vmem>> -> memref<1x128xi32, #tpu.memory_space<vmem>>
        %dma_wait3A_389 = tpu.memref_squeeze %dma_wait3A_388 : memref<1x128xi32, #tpu.memory_space<vmem>> -> memref<128xi32, #tpu.memory_space<vmem>>
        %dma_wait3A_390 = arith.constant 0 : i32
        %dma_wait3A_391 = arith.constant 0 : i32
        %dma_wait3A_392 = tpu.memref_slice %arg18[%dma_wait3A_390, %dma_wait3A_391] : memref<10240x16xf32, #tpu.memory_space<vmem_shared>> -> memref<10240x16xf32, #tpu.memory_space<vmem_shared>>
        tpu.wait_indirect_dma semaphore(%arg27 : memref<!tpu.dma_semaphore, #tpu.memory_space<semaphore_mem>>) src(%arg16 : memref<128x16xf32, #tpu.memory_space<vmem>>) dst(%dma_wait3A_392 : memref<10240x16xf32, #tpu.memory_space<vmem_shared>>)
        %mul3A_393 = arith.constant 8 : i32
        %mul3A_394 = arith.muli %add3A_282, %mul3A_393 : i32
        %add3A_395 = arith.constant 3 : i32
        %add3A_396 = arith.addi %mul3A_394, %add3A_395 : i32
        %dma_wait3A_397 = arith.constant 0 : i32
        %dma_wait3A_398 = tpu.memref_slice %arg11[%add3A_396, %dma_wait3A_397] : memref<80x128xi32, #tpu.memory_space<vmem>> -> memref<1x128xi32, #tpu.memory_space<vmem>>
        %dma_wait3A_399 = tpu.memref_squeeze %dma_wait3A_398 : memref<1x128xi32, #tpu.memory_space<vmem>> -> memref<128xi32, #tpu.memory_space<vmem>>
        %dma_wait3A_400 = arith.constant 0 : i32
        %dma_wait3A_401 = arith.constant 0 : i32
        %dma_wait3A_402 = tpu.memref_slice %arg18[%dma_wait3A_400, %dma_wait3A_401] : memref<10240x16xf32, #tpu.memory_space<vmem_shared>> -> memref<10240x16xf32, #tpu.memory_space<vmem_shared>>
        tpu.wait_indirect_dma semaphore(%arg27 : memref<!tpu.dma_semaphore, #tpu.memory_space<semaphore_mem>>) src(%arg16 : memref<128x16xf32, #tpu.memory_space<vmem>>) dst(%dma_wait3A_402 : memref<10240x16xf32, #tpu.memory_space<vmem_shared>>)
        %mul3A_403 = arith.constant 8 : i32
        %mul3A_404 = arith.muli %add3A_282, %mul3A_403 : i32
        %add3A_405 = arith.constant 4 : i32
        %add3A_406 = arith.addi %mul3A_404, %add3A_405 : i32
        %dma_wait3A_407 = arith.constant 0 : i32
        %dma_wait3A_408 = tpu.memref_slice %arg11[%add3A_406, %dma_wait3A_407] : memref<80x128xi32, #tpu.memory_space<vmem>> -> memref<1x128xi32, #tpu.memory_space<vmem>>
        %dma_wait3A_409 = tpu.memref_squeeze %dma_wait3A_408 : memref<1x128xi32, #tpu.memory_space<vmem>> -> memref<128xi32, #tpu.memory_space<vmem>>
        %dma_wait3A_410 = arith.constant 0 : i32
        %dma_wait3A_411 = arith.constant 0 : i32
        %dma_wait3A_412 = tpu.memref_slice %arg18[%dma_wait3A_410, %dma_wait3A_411] : memref<10240x16xf32, #tpu.memory_space<vmem_shared>> -> memref<10240x16xf32, #tpu.memory_space<vmem_shared>>
        tpu.wait_indirect_dma semaphore(%arg27 : memref<!tpu.dma_semaphore, #tpu.memory_space<semaphore_mem>>) src(%arg16 : memref<128x16xf32, #tpu.memory_space<vmem>>) dst(%dma_wait3A_412 : memref<10240x16xf32, #tpu.memory_space<vmem_shared>>)
        %mul3A_413 = arith.constant 8 : i32
        %mul3A_414 = arith.muli %add3A_282, %mul3A_413 : i32
        %add3A_415 = arith.constant 5 : i32
        %add3A_416 = arith.addi %mul3A_414, %add3A_415 : i32
        %dma_wait3A_417 = arith.constant 0 : i32
        %dma_wait3A_418 = tpu.memref_slice %arg11[%add3A_416, %dma_wait3A_417] : memref<80x128xi32, #tpu.memory_space<vmem>> -> memref<1x128xi32, #tpu.memory_space<vmem>>
        %dma_wait3A_419 = tpu.memref_squeeze %dma_wait3A_418 : memref<1x128xi32, #tpu.memory_space<vmem>> -> memref<128xi32, #tpu.memory_space<vmem>>
        %dma_wait3A_420 = arith.constant 0 : i32
        %dma_wait3A_421 = arith.constant 0 : i32
        %dma_wait3A_422 = tpu.memref_slice %arg18[%dma_wait3A_420, %dma_wait3A_421] : memref<10240x16xf32, #tpu.memory_space<vmem_shared>> -> memref<10240x16xf32, #tpu.memory_space<vmem_shared>>
        tpu.wait_indirect_dma semaphore(%arg27 : memref<!tpu.dma_semaphore, #tpu.memory_space<semaphore_mem>>) src(%arg16 : memref<128x16xf32, #tpu.memory_space<vmem>>) dst(%dma_wait3A_422 : memref<10240x16xf32, #tpu.memory_space<vmem_shared>>)
        %mul3A_423 = arith.constant 8 : i32
        %mul3A_424 = arith.muli %add3A_282, %mul3A_423 : i32
        %add3A_425 = arith.constant 6 : i32
        %add3A_426 = arith.addi %mul3A_424, %add3A_425 : i32
        %dma_wait3A_427 = arith.constant 0 : i32
        %dma_wait3A_428 = tpu.memref_slice %arg11[%add3A_426, %dma_wait3A_427] : memref<80x128xi32, #tpu.memory_space<vmem>> -> memref<1x128xi32, #tpu.memory_space<vmem>>
        %dma_wait3A_429 = tpu.memref_squeeze %dma_wait3A_428 : memref<1x128xi32, #tpu.memory_space<vmem>> -> memref<128xi32, #tpu.memory_space<vmem>>
        %dma_wait3A_430 = arith.constant 0 : i32
        %dma_wait3A_431 = arith.constant 0 : i32
        %dma_wait3A_432 = tpu.memref_slice %arg18[%dma_wait3A_430, %dma_wait3A_431] : memref<10240x16xf32, #tpu.memory_space<vmem_shared>> -> memref<10240x16xf32, #tpu.memory_space<vmem_shared>>
        tpu.wait_indirect_dma semaphore(%arg27 : memref<!tpu.dma_semaphore, #tpu.memory_space<semaphore_mem>>) src(%arg16 : memref<128x16xf32, #tpu.memory_space<vmem>>) dst(%dma_wait3A_432 : memref<10240x16xf32, #tpu.memory_space<vmem_shared>>)
        %mul3A_433 = arith.constant 8 : i32
        %mul3A_434 = arith.muli %add3A_282, %mul3A_433 : i32
        %add3A_435 = arith.constant 7 : i32
        %add3A_436 = arith.addi %mul3A_434, %add3A_435 : i32
        %dma_wait3A_437 = arith.constant 0 : i32
        %dma_wait3A_438 = tpu.memref_slice %arg11[%add3A_436, %dma_wait3A_437] : memref<80x128xi32, #tpu.memory_space<vmem>> -> memref<1x128xi32, #tpu.memory_space<vmem>>
        %dma_wait3A_439 = tpu.memref_squeeze %dma_wait3A_438 : memref<1x128xi32, #tpu.memory_space<vmem>> -> memref<128xi32, #tpu.memory_space<vmem>>
        %dma_wait3A_440 = arith.constant 0 : i32
        %dma_wait3A_441 = arith.constant 0 : i32
        %dma_wait3A_442 = tpu.memref_slice %arg18[%dma_wait3A_440, %dma_wait3A_441] : memref<10240x16xf32, #tpu.memory_space<vmem_shared>> -> memref<10240x16xf32, #tpu.memory_space<vmem_shared>>
        tpu.wait_indirect_dma semaphore(%arg27 : memref<!tpu.dma_semaphore, #tpu.memory_space<semaphore_mem>>) src(%arg16 : memref<128x16xf32, #tpu.memory_space<vmem>>) dst(%dma_wait3A_442 : memref<10240x16xf32, #tpu.memory_space<vmem_shared>>)
      }
      %scan3A_277 = arith.constant 10 : i32
    } else {
    }
    %barrier3A_262 = arith.constant 0 : index
    tpu.barrier barrier_id(%barrier3A_262)
    %scan3A_263 = arith.constant 0 : i32
    %scan3A_264 = arith.constant 5 : i32
    %scan3A_265 = arith.addi %scan3A_263, %scan3A_264 : i32
    %scan3A_266 = arith.constant 1 : i32
    scf.for %scan3A_273 = %scan3A_263 to %scan3A_265 step %scan3A_266  : i32 {
      %mul3A_274 = arith.constant 1 : i32
      %mul3A_275 = arith.muli %scan3A_273, %mul3A_274 : i32
      %add3A_276 = arith.constant 0 : i32
      %add3A_277 = arith.addi %add3A_276, %mul3A_275 : i32
      %mul3A_278 = arith.constant 128 : i32
      %mul3A_279 = arith.muli %add3A_277, %mul3A_278 : i32
      %add3A_280 = arith.addi %mul3A_0, %mul3A_279 : i32
      "tpu.region"() ({
        %run_scoped3A = tpu.sem_alloc : memref<!tpu.dma_semaphore, #tpu.memory_space<semaphore_mem>>
        %dma_start3A_287 = arith.constant 0 : i32
        %dma_start3A_288 = tpu.memref_slice %arg17[%add3A_280, %dma_start3A_287] : memref<10240x64xf32, #tpu.memory_space<vmem_shared>> -> memref<128x64xf32, #tpu.memory_space<vmem_shared>>
        %dma_start3A_289 = arith.constant 0 : i32
        %dma_start3A_290 = tpu.memref_slice %arg17[%add3A_280, %dma_start3A_289] : memref<10240x64xf32, #tpu.memory_space<vmem_shared>> -> memref<128x64xf32, #tpu.memory_space<vmem_shared>>
        tpu.enqueue_dma source(%dma_start3A_290 : memref<128x64xf32, #tpu.memory_space<vmem_shared>>) target(%arg12 : memref<128x64xf32, #tpu.memory_space<vmem>>) target_semaphore(%run_scoped3A : memref<!tpu.dma_semaphore, #tpu.memory_space<semaphore_mem>>)
        %dma_wait3A_291 = arith.constant 0 : i32
        %dma_wait3A_292 = tpu.memref_slice %arg17[%add3A_280, %dma_wait3A_291] : memref<10240x64xf32, #tpu.memory_space<vmem_shared>> -> memref<128x64xf32, #tpu.memory_space<vmem_shared>>
        %dma_wait3A_293 = arith.constant 0 : i32
        %dma_wait3A_294 = tpu.memref_slice %arg17[%add3A_280, %dma_wait3A_293] : memref<10240x64xf32, #tpu.memory_space<vmem_shared>> -> memref<128x64xf32, #tpu.memory_space<vmem_shared>>
        tpu.wait_dma2 semaphore(%run_scoped3A : memref<!tpu.dma_semaphore, #tpu.memory_space<semaphore_mem>>) src(%dma_wait3A_294 : memref<128x64xf32, #tpu.memory_space<vmem_shared>>) dst(%arg12 : memref<128x64xf32, #tpu.memory_space<vmem>>)
        tpu.yield
      }) : () -> ()
      %mul3A_281 = arith.constant 10240 : i32
      %mul3A_282 = arith.muli %arg0, %mul3A_281 : i32
      %add3A_283 = arith.addi %mul3A_282, %mul3A_0 : i32
      %mul3A_284 = arith.constant 128 : i32
      %mul3A_285 = arith.muli %add3A_277, %mul3A_284 : i32
      %add3A_286 = arith.addi %add3A_283, %mul3A_285 : i32
      "tpu.region"() ({
        %run_scoped3A = tpu.sem_alloc : memref<!tpu.dma_semaphore, #tpu.memory_space<semaphore_mem>>
        %dma_start3A_287 = arith.constant 0 : i32
        %dma_start3A_288 = tpu.memref_slice %arg8[%add3A_286, %dma_start3A_287] : memref<20480x64xf32, #tpu.memory_space<hbm>> -> memref<128x64xf32, #tpu.memory_space<hbm>>
        %dma_start3A_289 = arith.constant 0 : i32
        %dma_start3A_290 = tpu.memref_slice %arg8[%add3A_286, %dma_start3A_289] : memref<20480x64xf32, #tpu.memory_space<hbm>> -> memref<128x64xf32, #tpu.memory_space<hbm>>
        tpu.enqueue_dma source(%arg12 : memref<128x64xf32, #tpu.memory_space<vmem>>) target(%dma_start3A_290 : memref<128x64xf32, #tpu.memory_space<hbm>>) target_semaphore(%run_scoped3A : memref<!tpu.dma_semaphore, #tpu.memory_space<semaphore_mem>>)
        %dma_wait3A_291 = arith.constant 0 : i32
        %dma_wait3A_292 = tpu.memref_slice %arg8[%add3A_286, %dma_wait3A_291] : memref<20480x64xf32, #tpu.memory_space<hbm>> -> memref<128x64xf32, #tpu.memory_space<hbm>>
        %dma_wait3A_293 = arith.constant 0 : i32
        %dma_wait3A_294 = tpu.memref_slice %arg8[%add3A_286, %dma_wait3A_293] : memref<20480x64xf32, #tpu.memory_space<hbm>> -> memref<128x64xf32, #tpu.memory_space<hbm>>
        tpu.wait_dma2 semaphore(%run_scoped3A : memref<!tpu.dma_semaphore, #tpu.memory_space<semaphore_mem>>) src(%arg12 : memref<128x64xf32, #tpu.memory_space<vmem>>) dst(%dma_wait3A_294 : memref<128x64xf32, #tpu.memory_space<hbm>>)
        tpu.yield
      }) : () -> ()
    }
    %scan3A_267 = arith.constant 5 : i32
    %scan3A_268 = arith.constant 0 : i32
    %scan3A_269 = arith.constant 5 : i32
    %scan3A_270 = arith.addi %scan3A_268, %scan3A_269 : i32
    %scan3A_271 = arith.constant 1 : i32
    scf.for %scan3A_273 = %scan3A_268 to %scan3A_270 step %scan3A_271  : i32 {
      %mul3A_274 = arith.constant 1 : i32
      %mul3A_275 = arith.muli %scan3A_273, %mul3A_274 : i32
      %add3A_276 = arith.constant 0 : i32
      %add3A_277 = arith.addi %add3A_276, %mul3A_275 : i32
      %mul3A_278 = arith.constant 128 : i32
      %mul3A_279 = arith.muli %add3A_277, %mul3A_278 : i32
      %add3A_280 = arith.addi %mul3A_0, %mul3A_279 : i32
      "tpu.region"() ({
        %run_scoped3A = tpu.sem_alloc : memref<!tpu.dma_semaphore, #tpu.memory_space<semaphore_mem>>
        %dma_start3A_287 = arith.constant 0 : i32
        %dma_start3A_288 = tpu.memref_slice %arg18[%add3A_280, %dma_start3A_287] : memref<10240x16xf32, #tpu.memory_space<vmem_shared>> -> memref<128x16xf32, #tpu.memory_space<vmem_shared>>
        %dma_start3A_289 = arith.constant 0 : i32
        %dma_start3A_290 = tpu.memref_slice %arg18[%add3A_280, %dma_start3A_289] : memref<10240x16xf32, #tpu.memory_space<vmem_shared>> -> memref<128x16xf32, #tpu.memory_space<vmem_shared>>
        tpu.enqueue_dma source(%dma_start3A_290 : memref<128x16xf32, #tpu.memory_space<vmem_shared>>) target(%arg16 : memref<128x16xf32, #tpu.memory_space<vmem>>) target_semaphore(%run_scoped3A : memref<!tpu.dma_semaphore, #tpu.memory_space<semaphore_mem>>)
        %dma_wait3A_291 = arith.constant 0 : i32
        %dma_wait3A_292 = tpu.memref_slice %arg18[%add3A_280, %dma_wait3A_291] : memref<10240x16xf32, #tpu.memory_space<vmem_shared>> -> memref<128x16xf32, #tpu.memory_space<vmem_shared>>
        %dma_wait3A_293 = arith.constant 0 : i32
        %dma_wait3A_294 = tpu.memref_slice %arg18[%add3A_280, %dma_wait3A_293] : memref<10240x16xf32, #tpu.memory_space<vmem_shared>> -> memref<128x16xf32, #tpu.memory_space<vmem_shared>>
        tpu.wait_dma2 semaphore(%run_scoped3A : memref<!tpu.dma_semaphore, #tpu.memory_space<semaphore_mem>>) src(%dma_wait3A_294 : memref<128x16xf32, #tpu.memory_space<vmem_shared>>) dst(%arg16 : memref<128x16xf32, #tpu.memory_space<vmem>>)
        tpu.yield
      }) : () -> ()
      %mul3A_281 = arith.constant 10240 : i32
      %mul3A_282 = arith.muli %arg0, %mul3A_281 : i32
      %add3A_283 = arith.addi %mul3A_282, %mul3A_0 : i32
      %mul3A_284 = arith.constant 128 : i32
      %mul3A_285 = arith.muli %add3A_277, %mul3A_284 : i32
      %add3A_286 = arith.addi %add3A_283, %mul3A_285 : i32
      "tpu.region"() ({
        %run_scoped3A = tpu.sem_alloc : memref<!tpu.dma_semaphore, #tpu.memory_space<semaphore_mem>>
        %dma_start3A_287 = arith.constant 0 : i32
        %dma_start3A_288 = tpu.memref_slice %arg9[%add3A_286, %dma_start3A_287] : memref<20480x16xf32, #tpu.memory_space<hbm>> -> memref<128x16xf32, #tpu.memory_space<hbm>>
        %dma_start3A_289 = arith.constant 0 : i32
        %dma_start3A_290 = tpu.memref_slice %arg9[%add3A_286, %dma_start3A_289] : memref<20480x16xf32, #tpu.memory_space<hbm>> -> memref<128x16xf32, #tpu.memory_space<hbm>>
        tpu.enqueue_dma source(%arg16 : memref<128x16xf32, #tpu.memory_space<vmem>>) target(%dma_start3A_290 : memref<128x16xf32, #tpu.memory_space<hbm>>) target_semaphore(%run_scoped3A : memref<!tpu.dma_semaphore, #tpu.memory_space<semaphore_mem>>)
        %dma_wait3A_291 = arith.constant 0 : i32
        %dma_wait3A_292 = tpu.memref_slice %arg9[%add3A_286, %dma_wait3A_291] : memref<20480x16xf32, #tpu.memory_space<hbm>> -> memref<128x16xf32, #tpu.memory_space<hbm>>
        %dma_wait3A_293 = arith.constant 0 : i32
        %dma_wait3A_294 = tpu.memref_slice %arg9[%add3A_286, %dma_wait3A_293] : memref<20480x16xf32, #tpu.memory_space<hbm>> -> memref<128x16xf32, #tpu.memory_space<hbm>>
        tpu.wait_dma2 semaphore(%run_scoped3A : memref<!tpu.dma_semaphore, #tpu.memory_space<semaphore_mem>>) src(%arg16 : memref<128x16xf32, #tpu.memory_space<vmem>>) dst(%dma_wait3A_294 : memref<128x16xf32, #tpu.memory_space<hbm>>)
        tpu.yield
      }) : () -> ()
    }
    %scan3A_272 = arith.constant 5 : i32
    return
  }
}

module attributes {stable_mosaic.version = 14 : i64} {
  func.func @_dense_body(%arg0: i32, %arg1: memref<2x512x64xf32, #tpu.memory_space<vmem>>, %arg2: memref<2x512x16xf32, #tpu.memory_space<vmem>>, %arg3: memref<2x512x64xf32, #tpu.memory_space<vmem>>, %arg4: memref<128x128xf32, #tpu.memory_space<vmem>>, %arg5: memref<128x128xf32, #tpu.memory_space<vmem>>, %arg6: memref<1x128xf32, #tpu.memory_space<vmem>>, %arg7: memref<2x512x64xf32, #tpu.memory_space<vmem>>) attributes {dimension_semantics = [#tpu.dimension_semantics<arbitrary>], iteration_bounds = array<i64: 20>, scalar_prefetch = 0 : i64, scratch_operands = 0 : i64, tpu.core_type = #tpu.core_type<tc>, window_params = [{transform_indices = @transform_0, window_bounds = array<i64: 2, 512, 64>}, {transform_indices = @transform_1, window_bounds = array<i64: 2, 512, 16>}, {transform_indices = @transform_2, window_bounds = array<i64: 2, 512, 64>}, {pipeline_mode = #tpu.pipeline_mode<synchronous>, transform_indices = @transform_3, window_bounds = array<i64: 128, 128>}, {pipeline_mode = #tpu.pipeline_mode<synchronous>, transform_indices = @transform_4, window_bounds = array<i64: 128, 128>}, {pipeline_mode = #tpu.pipeline_mode<synchronous>, transform_indices = @transform_5, window_bounds = array<i64: 1, 128>}, {transform_indices = @transform_6, window_bounds = array<i64: 2, 512, 64>}]} {
    %get3A = arith.constant 0 : index
    %get3A_0 = arith.constant 0 : index
    %get3A_1 = arith.constant 0 : index
    %get3A_2 = vector.load %arg1[%get3A, %get3A_0, %get3A_1] : memref<2x512x64xf32, #tpu.memory_space<vmem>>, vector<1x512x64xf32>
    %get3A_3 = vector.shape_cast %get3A_2 : vector<1x512x64xf32> to vector<512x64xf32>
    %get3A_4 = arith.constant 1 : index
    %get3A_5 = arith.constant 0 : index
    %get3A_6 = arith.constant 0 : index
    %get3A_7 = vector.load %arg1[%get3A_4, %get3A_5, %get3A_6] : memref<2x512x64xf32, #tpu.memory_space<vmem>>, vector<1x512x64xf32>
    %get3A_8 = vector.shape_cast %get3A_7 : vector<1x512x64xf32> to vector<512x64xf32>
    %concatenate3A = tpu.concatenate %get3A_3, %get3A_8 in 1 : vector<512x64xf32>, vector<512x64xf32> -> vector<512x128xf32>
    %get3A_9 = arith.constant 0 : index
    %get3A_10 = arith.constant 0 : index
    %get3A_11 = arith.constant 0 : index
    %get3A_12 = vector.load %arg2[%get3A_9, %get3A_10, %get3A_11] : memref<2x512x16xf32, #tpu.memory_space<vmem>>, vector<1x512x1xf32>
    %get3A_13 = vector.shape_cast %get3A_12 : vector<1x512x1xf32> to vector<512x1xf32>
    %get3A_14 = arith.constant 1 : index
    %get3A_15 = arith.constant 0 : index
    %get3A_16 = arith.constant 0 : index
    %get3A_17 = vector.load %arg2[%get3A_14, %get3A_15, %get3A_16] : memref<2x512x16xf32, #tpu.memory_space<vmem>>, vector<1x512x1xf32>
    %get3A_18 = vector.shape_cast %get3A_17 : vector<1x512x1xf32> to vector<512x1xf32>
    %add3A = arith.addf %get3A_13, %get3A_18 : vector<512x1xf32>
    %max3A = arith.constant 1.000000e+00 : f32
    %max3A_19 = vector.broadcast %max3A : f32 to vector<512x1xf32>
    %max3A_20 = arith.maximumf %add3A, %max3A_19 : vector<512x1xf32>
    %div3A = vector.broadcast %max3A_20 : vector<512x1xf32> to vector<512x128xf32>
    %div3A_21 = arith.divf %concatenate3A, %div3A : vector<512x128xf32>
    %get3A_22 = arith.constant 0 : index
    %get3A_23 = arith.constant 0 : index
    %get3A_24 = arith.constant 0 : index
    %get3A_25 = vector.load %arg3[%get3A_22, %get3A_23, %get3A_24] : memref<2x512x64xf32, #tpu.memory_space<vmem>>, vector<1x512x64xf32>
    %get3A_26 = vector.shape_cast %get3A_25 : vector<1x512x64xf32> to vector<512x64xf32>
    %get3A_27 = arith.constant 1 : index
    %get3A_28 = arith.constant 0 : index
    %get3A_29 = arith.constant 0 : index
    %get3A_30 = vector.load %arg3[%get3A_27, %get3A_28, %get3A_29] : memref<2x512x64xf32, #tpu.memory_space<vmem>>, vector<1x512x64xf32>
    %get3A_31 = vector.shape_cast %get3A_30 : vector<1x512x64xf32> to vector<512x64xf32>
    %concatenate3A_32 = tpu.concatenate %get3A_26, %get3A_31 in 1 : vector<512x64xf32>, vector<512x64xf32> -> vector<512x128xf32>
    %get3A_33 = arith.constant 0 : index
    %get3A_34 = arith.constant 0 : index
    %get3A_35 = vector.load %arg4[%get3A_33, %get3A_34] : memref<128x128xf32, #tpu.memory_space<vmem>>, vector<128x128xf32>
    %dot_general3A = arith.constant dense<0.000000e+00> : vector<512x128xf32>
    %dot_general3A_36 = tpu.matmul %div3A_21, %get3A_35, %dot_general3A {dimension_numbers = #tpu.dot_dimension_numbers<[1], [0], [0], [1], [0, 0, 1, 1], [], []>, transpose_lhs_hint = false} : vector<512x128xf32>, vector<128x128xf32>, vector<512x128xf32> -> vector<512x128xf32>
    %get3A_37 = arith.constant 0 : index
    %get3A_38 = arith.constant 0 : index
    %get3A_39 = vector.load %arg5[%get3A_37, %get3A_38] : memref<128x128xf32, #tpu.memory_space<vmem>>, vector<128x128xf32>
    %dot_general3A_40 = arith.constant dense<0.000000e+00> : vector<512x128xf32>
    %dot_general3A_41 = tpu.matmul %concatenate3A_32, %get3A_39, %dot_general3A_40 {dimension_numbers = #tpu.dot_dimension_numbers<[1], [0], [0], [1], [0, 0, 1, 1], [], []>, transpose_lhs_hint = false} : vector<512x128xf32>, vector<128x128xf32>, vector<512x128xf32> -> vector<512x128xf32>
    %add3A_42 = arith.addf %dot_general3A_36, %dot_general3A_41 : vector<512x128xf32>
    %get3A_43 = arith.constant 0 : index
    %get3A_44 = arith.constant 0 : index
    %get3A_45 = vector.load %arg6[%get3A_43, %get3A_44] : memref<1x128xf32, #tpu.memory_space<vmem>>, vector<1x128xf32>
    %add3A_46 = vector.broadcast %get3A_45 : vector<1x128xf32> to vector<512x128xf32>
    %add3A_47 = arith.addf %add3A_42, %add3A_46 : vector<512x128xf32>
    %max3A_48 = arith.constant 0.000000e+00 : f32
    %max3A_49 = vector.broadcast %max3A_48 : f32 to vector<512x128xf32>
    %max3A_50 = arith.maximumf %add3A_47, %max3A_49 : vector<512x128xf32>
    %slice3A = vector.extract_strided_slice %max3A_50 {offsets = [0, 0], sizes = [512, 64], strides = [1, 1]} : vector<512x128xf32> to vector<512x64xf32>
    %swap3A = arith.constant 0 : index
    %swap3A_51 = arith.constant 0 : index
    %swap3A_52 = arith.constant 0 : index
    %swap3A_53 = vector.load %arg7[%swap3A, %swap3A_51, %swap3A_52] : memref<2x512x64xf32, #tpu.memory_space<vmem>>, vector<1x512x64xf32>
    %swap3A_54 = vector.shape_cast %swap3A_53 : vector<1x512x64xf32> to vector<512x64xf32>
    %swap3A_55 = vector.shape_cast %slice3A : vector<512x64xf32> to vector<1x512x64xf32>
    tpu.vector_store %arg7[%swap3A, %swap3A_51, %swap3A_52], %swap3A_55 {strides = array<i32>} : memref<2x512x64xf32, #tpu.memory_space<vmem>>, vector<1x512x64xf32>,
    %slice3A_56 = vector.extract_strided_slice %max3A_50 {offsets = [0, 64], sizes = [512, 64], strides = [1, 1]} : vector<512x128xf32> to vector<512x64xf32>
    %swap3A_57 = arith.constant 1 : index
    %swap3A_58 = arith.constant 0 : index
    %swap3A_59 = arith.constant 0 : index
    %swap3A_60 = vector.load %arg7[%swap3A_57, %swap3A_58, %swap3A_59] : memref<2x512x64xf32, #tpu.memory_space<vmem>>, vector<1x512x64xf32>
    %swap3A_61 = vector.shape_cast %swap3A_60 : vector<1x512x64xf32> to vector<512x64xf32>
    %swap3A_62 = vector.shape_cast %slice3A_56 : vector<512x64xf32> to vector<1x512x64xf32>
    tpu.vector_store %arg7[%swap3A_57, %swap3A_58, %swap3A_59], %swap3A_62 {strides = array<i32>} : memref<2x512x64xf32, #tpu.memory_space<vmem>>, vector<1x512x64xf32>,
    return
  }
  func.func @transform_0(%arg0: i32) -> (i32, i32, i32) {
    %c0_i32 = arith.constant 0 : i32
    %c0_i32_0 = arith.constant 0 : i32
    %c0_i32_1 = arith.constant 0 : i32
    return %c0_i32, %arg0, %c0_i32_0 : i32, i32, i32
  }
  func.func @transform_1(%arg0: i32) -> (i32, i32, i32) {
    %c0_i32 = arith.constant 0 : i32
    %c0_i32_0 = arith.constant 0 : i32
    %c0_i32_1 = arith.constant 0 : i32
    return %c0_i32, %arg0, %c0_i32_0 : i32, i32, i32
  }
  func.func @transform_2(%arg0: i32) -> (i32, i32, i32) {
    %c0_i32 = arith.constant 0 : i32
    %c0_i32_0 = arith.constant 0 : i32
    %c0_i32_1 = arith.constant 0 : i32
    return %c0_i32, %arg0, %c0_i32_0 : i32, i32, i32
  }
  func.func @transform_3(%arg0: i32) -> (i32, i32) {
    %c0_i32 = arith.constant 0 : i32
    %c0_i32_0 = arith.constant 0 : i32
    %c0_i32_1 = arith.constant 0 : i32
    return %c0_i32, %c0_i32_0 : i32, i32
  }
  func.func @transform_4(%arg0: i32) -> (i32, i32) {
    %c0_i32 = arith.constant 0 : i32
    %c0_i32_0 = arith.constant 0 : i32
    %c0_i32_1 = arith.constant 0 : i32
    return %c0_i32, %c0_i32_0 : i32, i32
  }
  func.func @transform_5(%arg0: i32) -> (i32, i32) {
    %c0_i32 = arith.constant 0 : i32
    %c0_i32_0 = arith.constant 0 : i32
    %c0_i32_1 = arith.constant 0 : i32
    return %c0_i32, %c0_i32_0 : i32, i32
  }
  func.func @transform_6(%arg0: i32) -> (i32, i32, i32) {
    %c0_i32 = arith.constant 0 : i32
    %c0_i32_0 = arith.constant 0 : i32
    %c0_i32_1 = arith.constant 0 : i32
    return %c0_i32, %arg0, %c0_i32_0 : i32, i32, i32
  }
}

module attributes {stable_mosaic.version = 14 : i64} {
  func.func @_dense_body(%arg0: i32, %arg1: memref<2x512x64xf32, #tpu.memory_space<vmem>>, %arg2: memref<2x512x16xf32, #tpu.memory_space<vmem>>, %arg3: memref<2x512x64xf32, #tpu.memory_space<vmem>>, %arg4: memref<128x128xf32, #tpu.memory_space<vmem>>, %arg5: memref<128x128xf32, #tpu.memory_space<vmem>>, %arg6: memref<1x128xf32, #tpu.memory_space<vmem>>, %arg7: memref<512x128xf32, #tpu.memory_space<vmem>>) attributes {dimension_semantics = [#tpu.dimension_semantics<arbitrary>], iteration_bounds = array<i64: 20>, scalar_prefetch = 0 : i64, scratch_operands = 0 : i64, tpu.core_type = #tpu.core_type<tc>, window_params = [{transform_indices = @transform_0, window_bounds = array<i64: 2, 512, 64>}, {transform_indices = @transform_1, window_bounds = array<i64: 2, 512, 16>}, {transform_indices = @transform_2, window_bounds = array<i64: 2, 512, 64>}, {pipeline_mode = #tpu.pipeline_mode<synchronous>, transform_indices = @transform_3, window_bounds = array<i64: 128, 128>}, {pipeline_mode = #tpu.pipeline_mode<synchronous>, transform_indices = @transform_4, window_bounds = array<i64: 128, 128>}, {pipeline_mode = #tpu.pipeline_mode<synchronous>, transform_indices = @transform_5, window_bounds = array<i64: 1, 128>}, {transform_indices = @transform_6, window_bounds = array<i64: 512, 128>}]} {
    %get3A = arith.constant 0 : index
    %get3A_0 = arith.constant 0 : index
    %get3A_1 = arith.constant 0 : index
    %get3A_2 = vector.load %arg1[%get3A, %get3A_0, %get3A_1] : memref<2x512x64xf32, #tpu.memory_space<vmem>>, vector<1x512x64xf32>
    %get3A_3 = vector.shape_cast %get3A_2 : vector<1x512x64xf32> to vector<512x64xf32>
    %get3A_4 = arith.constant 1 : index
    %get3A_5 = arith.constant 0 : index
    %get3A_6 = arith.constant 0 : index
    %get3A_7 = vector.load %arg1[%get3A_4, %get3A_5, %get3A_6] : memref<2x512x64xf32, #tpu.memory_space<vmem>>, vector<1x512x64xf32>
    %get3A_8 = vector.shape_cast %get3A_7 : vector<1x512x64xf32> to vector<512x64xf32>
    %concatenate3A = tpu.concatenate %get3A_3, %get3A_8 in 1 : vector<512x64xf32>, vector<512x64xf32> -> vector<512x128xf32>
    %get3A_9 = arith.constant 0 : index
    %get3A_10 = arith.constant 0 : index
    %get3A_11 = arith.constant 0 : index
    %get3A_12 = vector.load %arg2[%get3A_9, %get3A_10, %get3A_11] : memref<2x512x16xf32, #tpu.memory_space<vmem>>, vector<1x512x1xf32>
    %get3A_13 = vector.shape_cast %get3A_12 : vector<1x512x1xf32> to vector<512x1xf32>
    %get3A_14 = arith.constant 1 : index
    %get3A_15 = arith.constant 0 : index
    %get3A_16 = arith.constant 0 : index
    %get3A_17 = vector.load %arg2[%get3A_14, %get3A_15, %get3A_16] : memref<2x512x16xf32, #tpu.memory_space<vmem>>, vector<1x512x1xf32>
    %get3A_18 = vector.shape_cast %get3A_17 : vector<1x512x1xf32> to vector<512x1xf32>
    %add3A = arith.addf %get3A_13, %get3A_18 : vector<512x1xf32>
    %max3A = arith.constant 1.000000e+00 : f32
    %max3A_19 = vector.broadcast %max3A : f32 to vector<512x1xf32>
    %max3A_20 = arith.maximumf %add3A, %max3A_19 : vector<512x1xf32>
    %div3A = vector.broadcast %max3A_20 : vector<512x1xf32> to vector<512x128xf32>
    %div3A_21 = arith.divf %concatenate3A, %div3A : vector<512x128xf32>
    %get3A_22 = arith.constant 0 : index
    %get3A_23 = arith.constant 0 : index
    %get3A_24 = arith.constant 0 : index
    %get3A_25 = vector.load %arg3[%get3A_22, %get3A_23, %get3A_24] : memref<2x512x64xf32, #tpu.memory_space<vmem>>, vector<1x512x64xf32>
    %get3A_26 = vector.shape_cast %get3A_25 : vector<1x512x64xf32> to vector<512x64xf32>
    %get3A_27 = arith.constant 1 : index
    %get3A_28 = arith.constant 0 : index
    %get3A_29 = arith.constant 0 : index
    %get3A_30 = vector.load %arg3[%get3A_27, %get3A_28, %get3A_29] : memref<2x512x64xf32, #tpu.memory_space<vmem>>, vector<1x512x64xf32>
    %get3A_31 = vector.shape_cast %get3A_30 : vector<1x512x64xf32> to vector<512x64xf32>
    %concatenate3A_32 = tpu.concatenate %get3A_26, %get3A_31 in 1 : vector<512x64xf32>, vector<512x64xf32> -> vector<512x128xf32>
    %get3A_33 = arith.constant 0 : index
    %get3A_34 = arith.constant 0 : index
    %get3A_35 = vector.load %arg4[%get3A_33, %get3A_34] : memref<128x128xf32, #tpu.memory_space<vmem>>, vector<128x128xf32>
    %dot_general3A = arith.constant dense<0.000000e+00> : vector<512x128xf32>
    %dot_general3A_36 = tpu.matmul %div3A_21, %get3A_35, %dot_general3A {dimension_numbers = #tpu.dot_dimension_numbers<[1], [0], [0], [1], [0, 0, 1, 1], [], []>, transpose_lhs_hint = false} : vector<512x128xf32>, vector<128x128xf32>, vector<512x128xf32> -> vector<512x128xf32>
    %get3A_37 = arith.constant 0 : index
    %get3A_38 = arith.constant 0 : index
    %get3A_39 = vector.load %arg5[%get3A_37, %get3A_38] : memref<128x128xf32, #tpu.memory_space<vmem>>, vector<128x128xf32>
    %dot_general3A_40 = arith.constant dense<0.000000e+00> : vector<512x128xf32>
    %dot_general3A_41 = tpu.matmul %concatenate3A_32, %get3A_39, %dot_general3A_40 {dimension_numbers = #tpu.dot_dimension_numbers<[1], [0], [0], [1], [0, 0, 1, 1], [], []>, transpose_lhs_hint = false} : vector<512x128xf32>, vector<128x128xf32>, vector<512x128xf32> -> vector<512x128xf32>
    %add3A_42 = arith.addf %dot_general3A_36, %dot_general3A_41 : vector<512x128xf32>
    %get3A_43 = arith.constant 0 : index
    %get3A_44 = arith.constant 0 : index
    %get3A_45 = vector.load %arg6[%get3A_43, %get3A_44] : memref<1x128xf32, #tpu.memory_space<vmem>>, vector<1x128xf32>
    %add3A_46 = vector.broadcast %get3A_45 : vector<1x128xf32> to vector<512x128xf32>
    %add3A_47 = arith.addf %add3A_42, %add3A_46 : vector<512x128xf32>
    %swap3A = arith.constant 0 : index
    %swap3A_48 = arith.constant 0 : index
    %swap3A_49 = vector.load %arg7[%swap3A, %swap3A_48] : memref<512x128xf32, #tpu.memory_space<vmem>>, vector<512x128xf32>
    tpu.vector_store %arg7[%swap3A, %swap3A_48], %add3A_47 {strides = array<i32>} : memref<512x128xf32, #tpu.memory_space<vmem>>, vector<512x128xf32>,
    return
  }
  func.func @transform_0(%arg0: i32) -> (i32, i32, i32) {
    %c0_i32 = arith.constant 0 : i32
    %c0_i32_0 = arith.constant 0 : i32
    %c0_i32_1 = arith.constant 0 : i32
    return %c0_i32, %arg0, %c0_i32_0 : i32, i32, i32
  }
  func.func @transform_1(%arg0: i32) -> (i32, i32, i32) {
    %c0_i32 = arith.constant 0 : i32
    %c0_i32_0 = arith.constant 0 : i32
    %c0_i32_1 = arith.constant 0 : i32
    return %c0_i32, %arg0, %c0_i32_0 : i32, i32, i32
  }
  func.func @transform_2(%arg0: i32) -> (i32, i32, i32) {
    %c0_i32 = arith.constant 0 : i32
    %c0_i32_0 = arith.constant 0 : i32
    %c0_i32_1 = arith.constant 0 : i32
    return %c0_i32, %arg0, %c0_i32_0 : i32, i32, i32
  }
  func.func @transform_3(%arg0: i32) -> (i32, i32) {
    %c0_i32 = arith.constant 0 : i32
    %c0_i32_0 = arith.constant 0 : i32
    %c0_i32_1 = arith.constant 0 : i32
    return %c0_i32, %c0_i32_0 : i32, i32
  }
  func.func @transform_4(%arg0: i32) -> (i32, i32) {
    %c0_i32 = arith.constant 0 : i32
    %c0_i32_0 = arith.constant 0 : i32
    %c0_i32_1 = arith.constant 0 : i32
    return %c0_i32, %c0_i32_0 : i32, i32
  }
  func.func @transform_5(%arg0: i32) -> (i32, i32) {
    %c0_i32 = arith.constant 0 : i32
    %c0_i32_0 = arith.constant 0 : i32
    %c0_i32_1 = arith.constant 0 : i32
    return %c0_i32, %c0_i32_0 : i32, i32
  }
  func.func @transform_6(%arg0: i32) -> (i32, i32) {
    %c0_i32 = arith.constant 0 : i32
    %c0_i32_0 = arith.constant 0 : i32
    return %arg0, %c0_i32 : i32, i32
  }
}

</mosaic_0001>

<sc_bundles>
// kernel: kernel.6.cloned.1.call-start
scs
__scs_entry_jumppad:
0x0: {  	(pc) =	sbr.rel $0x88, $3  }
0x1: {  	(tag) =	ssettag $0x0;
	lr =	simm.s32 $0x1  }
0x2: {  	[smem:$0x3F99] =	sst lr;
	_ =	strace $0xD0000000  }
0x3: {  	_ = 	snop  }
0x4: {  	_ = 	snop  }
0x5: {  	_ = 	snop  }
0x6: {  	_ = 	snop  }
0x7: {  	_ = 	snop  }
__scs_overlays_trampoline_lowered:
0x8: {  	[smem:$0x3FA8] =	sst s0  }
0x9: {  	[smem:$0x3FA9] =	sst s1  }
0xa: {  	[smem:$0x3FAA] =	sst s2  }
0xb: {  	[smem:$0x3FAB] =	sst s3  }
0xc: {  	[smem:$0x3FAC] =	sst s4  }
0xd: {  	[smem:$0x3FAD] =	sst s5  }
0xe: {  	[smem:$0x3FAE] =	sst s6  }
0xf: {  	[smem:$0x3FAF] =	sst s7  }
0x10: {  	[smem:$0x3FB0] =	sst s8  }
0x11: {  	[smem:$0x3FB1] =	sst s9;
	s0 =	simm.s32 @!p0 $0x0  }
0x12: {  	s1 =	sld [smem:$0x3F97];
	s0 =	simm.s32 @p0 $0x1  }
0x13: {  	[smem:$0x3FB2] =	sst s0;
	s0 =	simm.s32 @!p1 $0x0  }
0x14: {  	s2 =	sld [smem:$0x3F96];
	s0 =	simm.s32 @p1 $0x1  }
0x15: {  	[smem:$0x3FB3] =	sst s0;
	s0 =	simm.s32 @!p2 $0x0  }
0x16: {  	s3 =	sld [smem:$0x3FDB];
	s0 =	simm.s32 @p2 $0x1  }
0x17: {  	s4 =	simm.s32 $0x1BF5;
	[smem:$0x3FB5] =	sst s0  }
0x18: {  	s0 =	sld [smem:$0x3F98];
	_ =	swait.ge [sflag:s4], $0x0  }
0x19: {  	s7 =	sld [smem:$0x3F99]  }
0x1a: {  	s8 =	sadd.s32 $0xFFFFE003, lr  }
0x1b: {  	s9 =	sadd.s32 $0xFFFFFEF7, lr;
	s5 =	simm.s32 $0xFFFFFFFF;
	p2 =	slt.u32 s8, $0xFFFFF086  }
0x1c: {  	p1 =	slt.u32 s9, $0xF7A;
	s5 =	simm.s32 @!p2 $0x0  }
0x1d: {  	s5 =	simm.s32 @p1 $0x1;
	p0 =	seq.s32 s7, s2  }
0x1e: {  	s7 =	smul.u32 @!p0 $0xF7A, s2;
	p2 =	seq.s32 @!p0 s5, $0x0  }
0x1f: {  	s9 =	smul.u32 $0xF7A, s1;
	s8 =	simm.s32 @!p0 $0x1BF5;
	p2 =	por !p2, p0  }
0x20: {  	[sflag:s8] =	ssyncset.s32 @!p0 $0xFFFFF086;
	s6 =	sadd.s32 @!p0 s3, s7;
	s7 =	simm.s32 @!p0 $0x108  }
0x21: {  	s3 =	sadd.s32 s3, s9;
	s6 =	sadd.s32 @!p0 $0x88, s6;
	s7 =	simm.s32 @p2 $0x1082  }
0x22: {  	[simem:s7], [sflag:s8] =	dma.local @!p0 [hbm:s6], $0xF7A  }
0x23: {  	s9 =	sor.u32 $0xD0000000, s2;
	s6 =	simm.s32 $0x108;
	_ =	swait.ge @!p0 [sflag:s8], $0x0  }
0x24: {  	s3 =	sadd.s32 $0x88, s3;
	s6 =	simm.s32 @!p1 $0x1082;
	[sflag:s4] =	ssyncset.s32 $0xFFFFF086  }
0x25: {  	[simem:s6], [sflag:s4] =	dma.local [hbm:s3], $0xF7A  }
0x26: {  	[smem:$0x3F99] =	sst s1;
	(tag) =	ssettag s2;
	_ =	strace s9  }
0x27: {  	s1 =	sld [smem:$0x3FA9]  }
0x28: {  	s2 =	sld [smem:$0x3FAA]  }
0x29: {  	s4 =	sld [smem:$0x3FAC]  }
0x2a: {  	p0 =	seq.s32 s5, $0x0;
	s5 =	sld [smem:$0x3FAD]  }
0x2b: {  	s6 =	sld [smem:$0x3FAE]  }
0x2c: {  	s7 =	sld [smem:$0x3FAF]  }
0x2d: {  	s3 =	simm.s32 $0x108;
	s8 =	sld [smem:$0x3FB0]  }
0x2e: {  	s3 =	simm.s32 @!p0 $0x1082;
	s9 =	sld [smem:$0x3FB1]  }
0x2f: {  	lr =	sadd.s32 s0, s3;
	s0 =	sld [smem:$0x3FA8]  }
0x30: {  	s3 =	sld [smem:$0x3FAB]  }
0x31: {  	[smem:$0x3FB4] =	sst s10  }
0x32: {  	s10 =	sld [smem:$0x3FB2];
	_ =	sdelay $0x3  }
0x33: {  	p0 =	seq.s32 s10, $0x1;
	s10 =	sld [smem:$0x3FB4];
	_ =	sdelay $0x3  }
0x34: {  	[smem:$0x3FB4] =	sst s10  }
0x35: {  	s10 =	sld [smem:$0x3FB3];
	_ =	sdelay $0x3  }
0x36: {  	p1 =	seq.s32 s10, $0x1;
	s10 =	sld [smem:$0x3FB4];
	_ =	sdelay $0x3  }
0x37: {  	[smem:$0x3FB4] =	sst s10  }
0x38: {  	s10 =	sld [smem:$0x3FB5]  }
0x39: {  	_ = 	snop;
	(pc) =	sbr.ind lr, $3  }
0x3a: {  	_ = 	snop  }
0x3b: {  	_ = 	snop  }
0x3c: {  	p2 =	seq.s32 s10, $0x1;
	s10 =	sld [smem:$0x3FB4]  }
0x3d: {  	_ =	shalt  }
0x3e: {  	_ =	shalt  }
0x3f: {  	_ =	shalt  }
0x40: {  	_ =	shalt  }
0x41: {  	_ =	shalt  }
0x42: {  	_ =	shalt  }
0x43: {  	_ =	shalt  }
0x44: {  	_ =	shalt  }
0x45: {  	_ =	shalt  }
0x46: {  	_ =	shalt  }
0x47: {  	_ =	shalt  }
0x48: {  	_ =	shalt  }
0x49: {  	_ =	shalt  }
0x4a: {  	_ =	shalt  }
0x4b: {  	_ =	shalt  }
0x4c: {  	_ =	shalt  }
0x4d: {  	_ =	shalt  }
0x4e: {  	_ =	shalt  }
0x4f: {  	_ =	shalt  }
0x50: {  	_ =	shalt  }
0x51: {  	_ =	shalt  }
0x52: {  	_ =	shalt  }
0x53: {  	_ =	shalt  }
0x54: {  	_ =	shalt  }
0x55: {  	_ =	shalt  }
0x56: {  	_ =	shalt  }
0x57: {  	_ =	shalt  }
0x58: {  	_ =	shalt  }
0x59: {  	_ =	shalt  }
0x5a: {  	_ =	shalt  }
0x5b: {  	_ =	shalt  }
0x5c: {  	_ =	shalt  }
0x5d: {  	_ =	shalt  }
0x5e: {  	_ =	shalt  }
0x5f: {  	_ =	shalt  }
0x60: {  	_ =	shalt  }
0x61: {  	_ =	shalt  }
0x62: {  	_ =	shalt  }
0x63: {  	_ =	shalt  }
0x64: {  	_ =	shalt  }
0x65: {  	_ =	shalt  }
0x66: {  	_ =	shalt  }
0x67: {  	_ =	shalt  }
0x68: {  	_ =	shalt  }
0x69: {  	_ =	shalt  }
0x6a: {  	_ =	shalt  }
0x6b: {  	_ =	shalt  }
0x6c: {  	_ =	shalt  }
0x6d: {  	_ =	shalt  }
0x6e: {  	_ =	shalt  }
0x6f: {  	_ =	shalt  }
0x70: {  	_ =	shalt  }
0x71: {  	_ =	shalt  }
0x72: {  	_ =	shalt  }
0x73: {  	_ =	shalt  }
0x74: {  	_ =	shalt  }
0x75: {  	_ =	shalt  }
0x76: {  	_ =	shalt  }
0x77: {  	_ =	shalt  }
0x78: {  	_ =	shalt  }
0x79: {  	_ =	shalt  }
0x7a: {  	_ =	shalt  }
0x7b: {  	_ =	shalt  }
0x7c: {  	_ =	shalt  }
0x7d: {  	_ =	shalt  }
0x7e: {  	_ =	shalt  }
0x7f: {  	_ =	shalt  }
0x80: {  	_ =	shalt  }
0x81: {  	_ =	shalt  }
0x82: {  	_ =	shalt  }
0x83: {  	_ =	shalt  }
0x84: {  	_ =	shalt  }
0x85: {  	_ =	shalt  }
0x86: {  	_ =	shalt  }
0x87: {  	_ =	shalt  }
.Lfunc_end0:
.L_simem_size_0:
called_computation_lowered:
.L_overlay_start_0:
0x88: {  	s2 =	sld [smem:$0x3FD9]  }
0x89: {  	s3 =	sld [smem:$0x3FFE];
	_ =	sdelay $0x1  }
0x8a: {  	s1 =	srdreg.scid  }
0x8b: {  	s0 =	sand.u32 $0x1, s1  }
0x8c: {  	s17 =	sshll.u32 s0, $0xA;
	s2 =	sadd.s32 s3, s2  }
0x8d: {  	s2 =	sadd.s32 s2, s17  }
0x8e: {  	[smem:$0x3FC0] =	sst s2  }
0x8f: {  	_ = 	snop  }
0x90: {  	s2 =	sld [smem:$0x3FD0];
	(tm) =	ssettm $0x1  }
0x91: {  	s18 =	sld [smem:$0x3FFB];
	_ =	sdelay $0x3  }
0x92: {  	_ =	strace s18  }
0x93: {  	s3 =	sld [smem:$0x3FFC];
	_ =	sdelay $0x3  }
0x94: {  	_ =	strace s3  }
0x95: {  	s3 =	sld [smem:$0x3FFD];
	_ =	sdelay $0x3  }
0x96: {  	_ =	strace s3  }
0x97: {  	_ =	strace $0x8FFFFFFF  }
0x98: {  	s19 =	sld [smem:$0x3FDB];
	_ =	sdelay $0x1  }
0x99: {  	s4 =	simm.s32 $_scs_section_size  }
0x9a: {  	s5 =	simm.s32 $_size__tile_overlayer_lowered;
	s6 =	simm.s32 $_tile_overlayer_lowered  }
0x9b: {  	s22 =	simm.s32 $0x1BFF;
	s21 =	sshll.u32 s6, $0x1;
	s3 =	sadd.s32 s4, s19  }
0x9c: {  	s7 =	simm.s32 $0x0;
	s20 =	sshll.u32 s5, $0x1;
	s5 =	sadd.s32 s21, s3  }
0x9d: {  	[timem:s7], [sflag:s22] =	dma.local [hbm:s5], s20  }
0x9e: {  	_ =	swait.ge [sflag:s22], s20  }
0x9f: {  	s4 =	ssub.s32 $0x0, s20;
	[sflag:s22] =	ssyncset.done $0x0  }
0xa0: {  	[sflag:s22] =	ssyncadd.s32 s4;
	_ =	sdelay $0x1  }
0xa1: {  	s23 =	simm.s32 $0x1B8B  }
0xa2: {  	_ =	swait.ge [sflag:s23], $0x1  }
0xa3: {  	[sflag:s23] =	ssyncset.done $0x0  }
0xa4: {  	s25 =	simm.s32 $0x1B8E;
	s24 =	sld [smem:$0x3FFE];
	[sflag:s23] =	ssyncadd.s32 $0xFFFFFFFF  }
0xa5: {  	s26 =	simm.s32 $execute0_lowered;
	[smem:$0x3FD2] =	sst s25  }
0xa6: {  	s5 =	sshll.u32 s26, $0x1;
	_ =	strace $0x80000046;
	[dreg:$0x1] =	wrdreg $0xFFFFFFFF  }
0xa7: {  	s28 =	simm.s32 $_size_execute0_lowered;
	s3 =	sadd.s32 s3, s5;
	[dreg:$0x0] =	wrdreg $0x0  }
0xa8: {  	s5 =	sshll.u32 s28, $0x1;
	[dreg:$0x2] =	wrdreg s3  }
0xa9: {  	[dreg:$0x3] =	wrdreg s5  }
0xaa: {  	[dreg:$0x4] =	wrdreg $0xC0  }
0xab: {  	_ =	task [dreg:s7], $0x5FFFF  }
0xac: {  	[dreg:$0x1] =	wrdreg $0xFFFFFFFF  }
0xad: {  	[dreg:$0x0] =	wrdreg $0x60  }
0xae: {  	[dreg:$0x2] =	wrdreg s24  }
0xaf: {  	[dreg:$0x3] =	wrdreg s2  }
0xb0: {  	[dreg:$0x4] =	wrdreg $0xD8000  }
0xb1: {  	[dreg:$0x5] =	wrdreg $0x178000  }
0xb2: {  	[dreg:$0x6] =	wrdreg $0x9  }
0xb3: {  	_ =	task.clear_ibuf [dreg:s7], $0x7FFFF;
	_ =	strace $0x90000046  }
0xb4: {  	s29 =	simm.s32 $0x9;
	_ =	strace $0x80000048  }
0xb5: {  	_ =	swait.ge [sflag:s29], $0x1  }
0xb6: {  	[sflag:s29] =	ssyncadd.s32 $0xFFFFFFFF  }
0xb7: {  	_ =	strace $0x90000048  }
0xb8: {  	_ =	sfence  }
0xb9: {  	s30 =	sld [smem:$0x0];
	_ =	sdelay $0x2  }
0xba: {  	s31 =	sshll.u32 s1, $0xD;
	s1 =	sshrl.u32 s1, $0x2  }
0xbb: {  	s3 =	sand.u32 $0x4000, s31;
	s1 =	sadd.s32 s1, s30  }
0xbc: {  	s0 =	sor.u32 s3, s0;
	s1 =	sshll.u32 s1, $0x11  }
0xbd: {  	s0 =	sor.u32 s1, s0  }
0xbe: {  	s0 =	sadd.s32 $0x8F2B, s0  }
0xbf: {  	[sflag:s0] =	ssyncadd.remote.s32 $0x1  }
0xc0: {  	_ =	sfence.sel $0xFFFF  }
0xc1: {  	[dreg:$0x0] =	wrdreg $0xFFFFFFFF;
	(pc) =	sbr.abs _section_cstart, $3  }
0xc2: {  	[dreg:$0x1] =	wrdreg $0xFFFFFFFF  }
0xc3: {  	_ =	task.clear_ibuf [dreg:s7], $0x2FFFF;
	_ =	strace $0x9FFFFFFF  }
0xc4: {  	(tm) =	ssettm $0x7FFFFFFF  }
0xc5: {  	_ =	shalt  }
tec
execute0_lowered:
.L_overlay_start_1:
0x0: {  	(tag) =	ssettag $0x1  }
0x1: {  	s0 =	rddreg [dreg:$0x0]  }
0x2: {  	s4 =	rddreg [dreg:$0x1]  }
0x3: {  	s1 =	rddreg [dreg:$0x2]  }
0x4: {  	s2 =	rddreg [dreg:$0x3];
	s3 =	simm.s32 $0x0  }
0x5: {  	s6 =	srdreg.scid;
	s18 =	stileid.u32;
	s28 =	simm.s32 $0x1  }
0x6: {  	s29 =	simm.s32 $0x2;
	s30 =	simm.s32 $0x3;
	s31 =	simm.s32 $0x4  }
0x7: {  	[smem:$0x7FF] =	sst s3;
	s5 =	sadd.s32 $0x51A00, s0;
	s8 =	smul.u32 $0xA0, s18  }
0x8: {  	s7 =	sadd.s32 $0x79A00, s0;
	s6 =	sand.u32 $0x1, s6;
	s14 =	smul.u32 $0x280, s18  }
0x9: {  	s9 =	sadd.s32 $0x84200, s0;
	s12 =	sadd.s32 $0xAC200, s0;
	s16 =	smul.u32 $0xA00, s18  }
0xa: {  	_ =	strace $0x80000047;
	s10 =	ssub.s32 $0x2, s6;
	s11 =	smul.u32 $0xA00, s6  }
0xb: {  	s17 =	smul.u32 $0x2800, s6;
	p0 =	sne.s32 s6, $0x0;
	p1 =	seq.s32 s6, $0x0  }
0xc: {  	s13 =	sshrl.u32 s10, $0x1;
	s26 =	sadd.s32 s7, s16;
	s15 =	sadd.s32 s8, s11  }
0xd: {  	s8 =	sadd.s32 $0x50, s8;
	s10 =	ssub.s32 s10, s13;
	[dreg:$0x5] =	wrdreg s26  }
0xe: {  	s13 =	sadd.s32 s17, s14;
	s15 =	sshll.u32 s15, $0x4;
	s11 =	sadd.s32 s11, s8  }
0xf: {  	s8 =	sshll.u32 s8, $0x4;
	s23 =	sshll.u32 s13, $0x3;
	s24 =	sadd.s32 $0x80, s13  }
0x10: {  	s16 =	sadd.s32 $0x180, s13;
	s20 =	sadd.s32 $0x200, s13;
	s21 =	sadd.s32 s4, s15  }
0x11: {  	s11 =	sshll.u32 s11, $0x4;
	s7 =	sadd.s32 s7, s8;
	s25 =	sadd.s32 s9, s23  }
0x12: {  	s26 =	sshll.u32 s24, $0x3;
	s8 =	sadd.s32 $0x100, s13;
	s19 =	sshll.u32 s16, $0x3  }
0x13: {  	s23 =	sshll.u32 s20, $0x3;
	s24 =	sshll.u32 s24, $0x1;
	[dreg:$0x7] =	wrdreg s7  }
0x14: {  	s4 =	sadd.s32 s4, s11;
	[dreg:$0x8] =	wrdreg s25;
	s7 =	sadd.s32 s9, s26  }
0x15: {  	s17 =	sshll.u32 s8, $0x3;
	s22 =	sadd.s32 s9, s19;
	[dreg:$0x6] =	wrdreg s4  }
0x16: {  	s25 =	smul.u32 $0x28000, s18;
	s26 =	sadd.s32 s12, s24;
	[dreg:$0x9] =	wrdreg s7  }
0x17: {  	s19 =	sadd.s32 $0x83C00, s0;
	s11 =	sadd.s32 s9, s17;
	[dreg:$0xb] =	wrdreg s22  }
0x18: {  	s9 =	sadd.s32 s9, s23;
	s4 =	sshll.u32 s13, $0x1;
	[dreg:$0xe] =	wrdreg s26  }
0x19: {  	s7 =	sshll.u32 s8, $0x1;
	s13 =	sshll.u32 s20, $0x1;
	s17 =	smul.u32 $0xA000, s18  }
0x1a: {  	s18 =	sadd.s32 $0x83E00, s0;
	[dreg:$0x13] =	wrdreg s19;
	s0 =	sadd.s32 $0x83A00, s0  }
0x1b: {  	s22 =	sadd.s32 $0x80, s14;
	s26 =	smax.u32 s10, $0x1;
	[dreg:$0xa] =	wrdreg s11  }
0x1c: {  	s10 =	sadd.s32 $0x200, s14;
	[dreg:$0xc] =	wrdreg s9;
	s4 =	sadd.s32 s12, s4  }
0x1d: {  	s9 =	sshll.u32 s16, $0x1;
	s16 =	sadd.s32 s12, s13;
	[dreg:$0x12] =	wrdreg s18  }
0x1e: {  	[dreg:$0x14] =	wrdreg s0;
	s20 =	sshrl.u32 s25, $0x2;
	s25 =	sshll.u32 s22, $0x6  }
0x1f: {  	[dreg:$0x15] =	wrdreg s26;
	s13 =	sshll.u32 s10, $0x6;
	s6 =	sshll.u32 s22, $0x4  }
0x20: {  	[dreg:$0xd] =	wrdreg s4;
	s4 =	sadd.s32 s12, s7;
	s15 =	sadd.s32 s12, s9  }
0x21: {  	[dreg:$0x11] =	wrdreg s16;
	s23 =	sadd.s32 s20, s1;
	s0 =	sadd.s32 s25, s1  }
0x22: {  	s7 =	sadd.s32 $0x180, s14;
	s9 =	sadd.s32 s13, s1;
	[dreg:$0xf] =	wrdreg s4  }
0x23: {  	s6 =	sadd.s32 s6, s2;
	s13 =	simm.s32 $0x2800;
	[dreg:$0x10] =	wrdreg s15  }
0x24: {  	s4 =	sshrl.u32 s17, $0x2;
	[dreg:$0x16] =	wrdreg s0;
	s12 =	sshll.u32 s7, $0x6  }
0x25: {  	[dreg:$0x19] =	wrdreg s6;
	s15 =	sshll.u32 s10, $0x4;
	s16 =	sadd.s32 $0x2000, s23  }
0x26: {  	s17 =	sadd.s32 $0x4000, s23;
	s18 =	sadd.s32 $0x6000, s23;
	[dreg:$0x1d] =	wrdreg s16  }
0x27: {  	s19 =	sadd.s32 $0x8000, s23;
	s6 =	simm.s32 $0x8;
	[dreg:$0x1e] =	wrdreg s17  }
0x28: {  	s10 =	simm.s32 $0x0;
	s24 =	sadd.s32 s4, s2;
	[dreg:$0x1f] =	wrdreg s18  }
0x29: {  	s4 =	sadd.s32 $0x100, s14;
	[smem:$0x7F9] =	sst s19;
	s16 =	simm.s32 $0xA  }
0x2a: {  	s17 =	simm.s32 $0xD000;
	s19 =	simm.s32 $0x80;
	s18 =	simm.s32 $0x7  }
0x2b: {  	s11 =	sshll.u32 s4, $0x6;
	s20 =	sadd.s32 $0x800, s24;
	[dreg:$0x18] =	wrdreg s24  }
0x2c: {  	s0 =	sshll.u32 s4, $0x4;
	s22 =	sadd.s32 $0x1000, s24;
	[smem:$0x7FA] =	sst s20  }
0x2d: {  	s4 =	sshll.u32 s7, $0x4;
	s25 =	sadd.s32 $0x1800, s24;
	[smem:$0x7FB] =	sst s22  }
0x2e: {  	s26 =	sadd.s32 $0x2000, s24;
	s8 =	sadd.s32 s11, s1;
	[smem:$0x7FC] =	sst s25  }
0x2f: {  	s0 =	sadd.s32 s0, s2;
	s14 =	sadd.s32 s4, s2;
	[smem:$0x7FD] =	sst s26  }
.Ltmp0:
0x30: {  	s20 =	simm.s32 $0x7000;
	s22 =	simm.s32 $0x9000;
	(pc) =	sbr.rel .LBB2_1-.Ltmp0, $4  }
0x31: {  	s26 =	simm.s32 $0xB000;
	s4 =	simm.s32 $0x6;
	[dreg:$0x17] =	wrdreg s8  }
0x32: {  	s25 =	simm.s32 $0x9;
	s8 =	sadd.s32 s12, s1;
	[dreg:$0x1a] =	wrdreg s0  }
0x33: {  	[dreg:$0x1b] =	wrdreg s14;
	s0 =	sadd.s32 s15, s2;
	s15 =	simm.s32 $0x5000  }
0x34: {  	s14 =	simm.s32 $0x100;
	[dreg:$0x1c] =	wrdreg s0;
	s0 =	simm.s32 $0x5  }
.LBB2_12:
0x35: {  	s7 =	sadd.s32 $0x2800, s13;
	[sflag:s25] =	ssyncadd.s32 $0xFFFFF800  }
0x36: {  	[spmem:s2] =	stream.indirect.scatter.add.f32 [tilespmem:s17], [sflag:$0x9], $0x10, s7, s19, $0xb8;
	[tilespmem:$0x1A000] =	vst v63  }
0x37: {  	s14 =	sadd.s32 $0x2880, s13  }
0x38: {  	[spmem:s2] =	stream.indirect.scatter.add.f32 [tilespmem:s17], [sflag:$0x9], $0x10, s14, s19, $0xb8;
	[tilespmem:$0x1A000] =	vst v63  }
0x39: {  	s11 =	sadd.s32 $0x2900, s13  }
0x3a: {  	[spmem:s2] =	stream.indirect.scatter.add.f32 [tilespmem:s17], [sflag:$0x9], $0x10, s11, s19, $0xb8;
	[tilespmem:$0x1A000] =	vst v63  }
0x3b: {  	s12 =	sadd.s32 $0x2980, s13  }
0x3c: {  	[spmem:s2] =	stream.indirect.scatter.add.f32 [tilespmem:s17], [sflag:$0x9], $0x10, s12, s19, $0xb8;
	[tilespmem:$0x1A000] =	vst v63  }
0x3d: {  	s14 =	sadd.s32 $0x2A00, s13  }
0x3e: {  	[spmem:s2] =	stream.indirect.scatter.add.f32 [tilespmem:s17], [sflag:$0x9], $0x10, s14, s19, $0xb8;
	[tilespmem:$0x1A000] =	vst v63  }
0x3f: {  	s11 =	sadd.s32 $0x2A80, s13  }
0x40: {  	[spmem:s2] =	stream.indirect.scatter.add.f32 [tilespmem:s17], [sflag:$0x9], $0x10, s11, s19, $0xb8;
	[tilespmem:$0x1A000] =	vst v63  }
0x41: {  	s12 =	sadd.s32 $0x2B00, s13  }
0x42: {  	[spmem:s2] =	stream.indirect.scatter.add.f32 [tilespmem:s17], [sflag:$0x9], $0x10, s12, s19, $0xb8;
	[tilespmem:$0x1A000] =	vst v63  }
0x43: {  	s14 =	sadd.s32 $0x2B80, s13  }
0x44: {  	[spmem:s2] =	stream.indirect.scatter.add.f32 [tilespmem:s17], [sflag:$0x9], $0x10, s14, s19, $0xb8;
	[tilespmem:$0x1A000] =	vst v63  }
0x45: {  	_ =	swait.ge [sflag:s25], $0x800  }
0x46: {  	[sflag:s25] =	ssyncset.done $0x0  }
0x47: {  	[sflag:s25] =	ssyncadd.s32 $0xFFFFF800  }
0x48: {  	_ =	swait.ge [sflag:s25], $0x800  }
0x49: {  	[sflag:s25] =	ssyncset.done $0x0  }
0x4a: {  	[sflag:s25] =	ssyncadd.s32 $0xFFFFF800  }
0x4b: {  	_ =	swait.ge [sflag:s25], $0x800  }
0x4c: {  	[sflag:s25] =	ssyncset.done $0x0  }
0x4d: {  	[sflag:s25] =	ssyncadd.s32 $0xFFFFF800  }
0x4e: {  	_ =	swait.ge [sflag:s25], $0x800  }
0x4f: {  	[sflag:s25] =	ssyncset.done $0x0  }
0x50: {  	[sflag:s25] =	ssyncadd.s32 $0xFFFFF800  }
0x51: {  	_ =	swait.ge [sflag:s25], $0x800  }
0x52: {  	[sflag:s25] =	ssyncset.done $0x0  }
0x53: {  	[sflag:s25] =	ssyncadd.s32 $0xFFFFF800  }
0x54: {  	_ =	swait.ge [sflag:s25], $0x800  }
0x55: {  	[sflag:s25] =	ssyncset.done $0x0  }
0x56: {  	[sflag:s25] =	ssyncadd.s32 $0xFFFFF800  }
0x57: {  	_ =	swait.ge [sflag:s25], $0x800  }
0x58: {  	[sflag:s25] =	ssyncset.done $0x0  }
0x59: {  	[sflag:s25] =	ssyncadd.s32 $0xFFFFF800  }
0x5a: {  	_ =	swait.ge [sflag:s25], $0x800  }
0x5b: {  	[sflag:s25] =	ssyncset.done $0x0  }
0x5c: {  	s13 =	simm.s32 $0x2800;
	s14 =	simm.s32 $0x100;
	[sflag:s25] =	ssyncadd.s32 $0xFFFFF800  }
.LBB2_13:
0x5d: {  	[bflag:$0x0] =	sbarrier.arrive $0xFFFF  }
0x5e: {  	[tilespmem:s15], [sflag:$0xA] =	stream.linear.gather [spmem:s23], $0x2000, $0x38;
	[tilespmem:$0x1A000] =	vst v63  }
0x5f: {  	_ =	swait.ge [sflag:s16], $0x2000  }
0x60: {  	[sflag:s16] =	ssyncset.done $0x0  }
0x61: {  	s7 =	rddreg [dreg:$0x8];
	[sflag:s16] =	ssyncadd.s32 $0xFFFFE000  }
0x62: {  	[hbm4b:s7+s3] =	stream.linear.scatter [tilespmem:s15], [sflag:$0xA], $0x2000, $0x38;
	[tilespmem:$0x1A000] =	vst v63  }
0x63: {  	_ =	swait.ge [sflag:s16], $0x2000  }
0x64: {  	[sflag:s16] =	ssyncset.done $0x0  }
0x65: {  	s11 =	rddreg [dreg:$0x16];
	[sflag:s16] =	ssyncadd.s32 $0xFFFFE000  }
0x66: {  	[tilespmem:s15], [sflag:$0xA] =	stream.linear.gather [spmem:s11], $0x2000, $0x38;
	[tilespmem:$0x1A000] =	vst v63  }
0x67: {  	_ =	swait.ge [sflag:s16], $0x2000  }
0x68: {  	[sflag:s16] =	ssyncset.done $0x0  }
0x69: {  	s12 =	rddreg [dreg:$0x9];
	[sflag:s16] =	ssyncadd.s32 $0xFFFFE000  }
0x6a: {  	[hbm4b:s12+s3] =	stream.linear.scatter [tilespmem:s15], [sflag:$0xA], $0x2000, $0x38;
	[tilespmem:$0x1A000] =	vst v63  }
0x6b: {  	_ =	swait.ge [sflag:s16], $0x2000  }
0x6c: {  	[sflag:s16] =	ssyncset.done $0x0  }
0x6d: {  	s11 =	rddreg [dreg:$0x17];
	[sflag:s16] =	ssyncadd.s32 $0xFFFFE000  }
0x6e: {  	[tilespmem:s15], [sflag:$0xA] =	stream.linear.gather [spmem:s11], $0x2000, $0x38;
	[tilespmem:$0x1A000] =	vst v63  }
0x6f: {  	_ =	swait.ge [sflag:s16], $0x2000  }
0x70: {  	[sflag:s16] =	ssyncset.done $0x0  }
0x71: {  	s12 =	rddreg [dreg:$0xa];
	[sflag:s16] =	ssyncadd.s32 $0xFFFFE000  }
0x72: {  	[hbm4b:s12+s3] =	stream.linear.scatter [tilespmem:s15], [sflag:$0xA], $0x2000, $0x38;
	[tilespmem:$0x1A000] =	vst v63  }
0x73: {  	_ =	swait.ge [sflag:s16], $0x2000  }
0x74: {  	[sflag:s16] =	ssyncset.done $0x0  }
0x75: {  	[sflag:s16] =	ssyncadd.s32 $0xFFFFE000  }
0x76: {  	[tilespmem:s15], [sflag:$0xA] =	stream.linear.gather [spmem:s8], $0x2000, $0x38;
	[tilespmem:$0x1A000] =	vst v63  }
0x77: {  	_ =	swait.ge [sflag:s16], $0x2000  }
0x78: {  	[sflag:s16] =	ssyncset.done $0x0  }
0x79: {  	s11 =	rddreg [dreg:$0xb];
	[sflag:s16] =	ssyncadd.s32 $0xFFFFE000  }
0x7a: {  	[hbm4b:s11+s3] =	stream.linear.scatter [tilespmem:s15], [sflag:$0xA], $0x2000, $0x38;
	[tilespmem:$0x1A000] =	vst v63  }
0x7b: {  	_ =	swait.ge [sflag:s16], $0x2000  }
0x7c: {  	[sflag:s16] =	ssyncset.done $0x0  }
0x7d: {  	[sflag:s16] =	ssyncadd.s32 $0xFFFFE000  }
0x7e: {  	[tilespmem:s15], [sflag:$0xA] =	stream.linear.gather [spmem:s9], $0x2000, $0x38;
	[tilespmem:$0x1A000] =	vst v63  }
0x7f: {  	_ =	swait.ge [sflag:s16], $0x2000  }
0x80: {  	[sflag:s16] =	ssyncset.done $0x0  }
0x81: {  	s12 =	rddreg [dreg:$0xc];
	[sflag:s16] =	ssyncadd.s32 $0xFFFFE000  }
0x82: {  	[hbm4b:s12+s3] =	stream.linear.scatter [tilespmem:s15], [sflag:$0xA], $0x2000, $0x38;
	[tilespmem:$0x1A000] =	vst v63  }
0x83: {  	_ =	swait.ge [sflag:s16], $0x2000  }
0x84: {  	[sflag:s16] =	ssyncset.done $0x0  }
0x85: {  	[sflag:s16] =	ssyncadd.s32 $0xFFFFE000  }
0x86: {  	[tilespmem:s17], [sflag:$0xA] =	stream.linear.gather [spmem:s24], $0x800, $0x38;
	[tilespmem:$0x1A000] =	vst v63  }
0x87: {  	_ =	swait.ge [sflag:s16], $0x800  }
0x88: {  	[sflag:s16] =	ssyncset.done $0x0  }
0x89: {  	s11 =	rddreg [dreg:$0xd];
	[sflag:s16] =	ssyncadd.s32 $0xFFFFF800  }
0x8a: {  	[hbm4b:s11+s3] =	stream.linear.scatter [tilespmem:s17], [sflag:$0xA], $0x800, $0x38;
	[tilespmem:$0x1A000] =	vst v63  }
0x8b: {  	_ =	swait.ge [sflag:s16], $0x800  }
0x8c: {  	[sflag:s16] =	ssyncset.done $0x0  }
0x8d: {  	s12 =	rddreg [dreg:$0x19];
	[sflag:s16] =	ssyncadd.s32 $0xFFFFF800  }
0x8e: {  	[tilespmem:s17], [sflag:$0xA] =	stream.linear.gather [spmem:s12], $0x800, $0x38;
	[tilespmem:$0x1A000] =	vst v63  }
0x8f: {  	_ =	swait.ge [sflag:s16], $0x800  }
0x90: {  	[sflag:s16] =	ssyncset.done $0x0  }
0x91: {  	s11 =	rddreg [dreg:$0xe];
	[sflag:s16] =	ssyncadd.s32 $0xFFFFF800  }
0x92: {  	[hbm4b:s11+s3] =	stream.linear.scatter [tilespmem:s17], [sflag:$0xA], $0x800, $0x38;
	[tilespmem:$0x1A000] =	vst v63  }
0x93: {  	_ =	swait.ge [sflag:s16], $0x800  }
0x94: {  	[sflag:s16] =	ssyncset.done $0x0  }
0x95: {  	s12 =	rddreg [dreg:$0x1a];
	[sflag:s16] =	ssyncadd.s32 $0xFFFFF800  }
0x96: {  	[tilespmem:s17], [sflag:$0xA] =	stream.linear.gather [spmem:s12], $0x800, $0x38;
	[tilespmem:$0x1A000] =	vst v63  }
0x97: {  	_ =	swait.ge [sflag:s16], $0x800  }
0x98: {  	[sflag:s16] =	ssyncset.done $0x0  }
0x99: {  	s11 =	rddreg [dreg:$0xf];
	[sflag:s16] =	ssyncadd.s32 $0xFFFFF800  }
0x9a: {  	[hbm4b:s11+s3] =	stream.linear.scatter [tilespmem:s17], [sflag:$0xA], $0x800, $0x38;
	[tilespmem:$0x1A000] =	vst v63  }
0x9b: {  	_ =	swait.ge [sflag:s16], $0x800  }
0x9c: {  	[sflag:s16] =	ssyncset.done $0x0  }
0x9d: {  	s12 =	rddreg [dreg:$0x1b];
	[sflag:s16] =	ssyncadd.s32 $0xFFFFF800  }
0x9e: {  	[tilespmem:s17], [sflag:$0xA] =	stream.linear.gather [spmem:s12], $0x800, $0x38;
	[tilespmem:$0x1A000] =	vst v63  }
0x9f: {  	_ =	swait.ge [sflag:s16], $0x800  }
0xa0: {  	[sflag:s16] =	ssyncset.done $0x0  }
0xa1: {  	s11 =	rddreg [dreg:$0x10];
	[sflag:s16] =	ssyncadd.s32 $0xFFFFF800  }
0xa2: {  	[hbm4b:s11+s3] =	stream.linear.scatter [tilespmem:s17], [sflag:$0xA], $0x800, $0x38;
	[tilespmem:$0x1A000] =	vst v63  }
0xa3: {  	_ =	swait.ge [sflag:s16], $0x800  }
0xa4: {  	[sflag:s16] =	ssyncset.done $0x0  }
0xa5: {  	s12 =	rddreg [dreg:$0x1c];
	[sflag:s16] =	ssyncadd.s32 $0xFFFFF800  }
0xa6: {  	[tilespmem:s17], [sflag:$0xA] =	stream.linear.gather [spmem:s12], $0x800, $0x38;
	[tilespmem:$0x1A000] =	vst v63  }
0xa7: {  	_ =	swait.ge [sflag:s16], $0x800  }
0xa8: {  	[sflag:s16] =	ssyncset.done $0x0  }
0xa9: {  	s11 =	rddreg [dreg:$0x11];
	[sflag:s16] =	ssyncadd.s32 $0xFFFFF800  }
0xaa: {  	[hbm4b:s11+s3] =	stream.linear.scatter [tilespmem:s17], [sflag:$0xA], $0x800, $0x38;
	[tilespmem:$0x1A000] =	vst v63  }
0xab: {  	_ =	swait.ge [sflag:s16], $0x800  }
0xac: {  	s10 =	sadd.s32 $0x1, s10;
	s12 =	rddreg [dreg:$0x15]  }
0xad: {  	p2 =	sne.s32 s10, s12  }
.Ltmp1:
0xae: {  	_ = 	snop;
	(pc) =	sbr.rel @!p2 .LBB2_14-.Ltmp1, $3  }
0xaf: {  	_ =	sdelay $0x1  }
0xb0: {  	[sflag:s16] =	ssyncset.done $0x0  }
0xb1: {  	[sflag:s16] =	ssyncadd.s32 $0xFFFFF800  }
.LBB2_1:
0xb2: {  	s7 =	rddreg [dreg:$0x12]  }
0xb3: {  	[tilespmem:s15], [sflag:$0xA] =	stream.linear.gather [hbm4b:s7+s3], $0x2000, $0x38;
	[tilespmem:$0x1A000] =	vst v63  }
0xb4: {  	_ =	swait.ge [sflag:s16], $0x2000  }
0xb5: {  	[sflag:s16] =	ssyncset.done $0x0  }
0xb6: {  	[sflag:s16] =	ssyncadd.s32 $0xFFFFE000  }
0xb7: {  	[spmem:s23] =	stream.linear.scatter [tilespmem:s15], [sflag:$0xA], $0x2000, $0x38;
	[tilespmem:$0x1A000] =	vst v63  }
0xb8: {  	_ =	swait.ge [sflag:s16], $0x2000  }
0xb9: {  	[sflag:s16] =	ssyncset.done $0x0  }
0xba: {  	s12 =	rddreg [dreg:$0x1d];
	[sflag:s16] =	ssyncadd.s32 $0xFFFFE000  }
0xbb: {  	[spmem:s12] =	stream.linear.scatter [tilespmem:s15], [sflag:$0xA], $0x2000, $0x38;
	[tilespmem:$0x1A000] =	vst v63  }
0xbc: {  	_ =	swait.ge [sflag:s16], $0x2000  }
0xbd: {  	[sflag:s16] =	ssyncset.done $0x0  }
0xbe: {  	s11 =	rddreg [dreg:$0x1e];
	[sflag:s16] =	ssyncadd.s32 $0xFFFFE000  }
0xbf: {  	[spmem:s11] =	stream.linear.scatter [tilespmem:s15], [sflag:$0xA], $0x2000, $0x38;
	[tilespmem:$0x1A000] =	vst v63  }
0xc0: {  	_ =	swait.ge [sflag:s16], $0x2000  }
0xc1: {  	[sflag:s16] =	ssyncset.done $0x0  }
0xc2: {  	s12 =	rddreg [dreg:$0x1f];
	[sflag:s16] =	ssyncadd.s32 $0xFFFFE000  }
0xc3: {  	[spmem:s12] =	stream.linear.scatter [tilespmem:s15], [sflag:$0xA], $0x2000, $0x38;
	[tilespmem:$0x1A000] =	vst v63  }
0xc4: {  	_ =	swait.ge [sflag:s16], $0x2000  }
0xc5: {  	s11 =	sld [smem:$0x7F9]  }
0xc6: {  	[sflag:s16] =	ssyncset.done $0x0  }
0xc7: {  	[sflag:s16] =	ssyncadd.s32 $0xFFFFE000  }
0xc8: {  	[spmem:s11] =	stream.linear.scatter [tilespmem:s15], [sflag:$0xA], $0x2000, $0x38;
	[tilespmem:$0x1A000] =	vst v63  }
0xc9: {  	_ =	swait.ge [sflag:s16], $0x2000  }
0xca: {  	[sflag:s16] =	ssyncset.done $0x0  }
0xcb: {  	s12 =	rddreg [dreg:$0x13];
	[sflag:s16] =	ssyncadd.s32 $0xFFFFE000  }
0xcc: {  	[tilespmem:s17], [sflag:$0xA] =	stream.linear.gather [hbm4b:s12+s3], $0x800, $0x38;
	[tilespmem:$0x1A000] =	vst v63  }
0xcd: {  	_ =	swait.ge [sflag:s16], $0x800  }
0xce: {  	[sflag:s16] =	ssyncset.done $0x0  }
0xcf: {  	[sflag:s16] =	ssyncadd.s32 $0xFFFFF800  }
0xd0: {  	[spmem:s24] =	stream.linear.scatter [tilespmem:s17], [sflag:$0xA], $0x800, $0x38;
	[tilespmem:$0x1A000] =	vst v63  }
0xd1: {  	_ =	swait.ge [sflag:s16], $0x800  }
0xd2: {  	s11 =	sld [smem:$0x7FA]  }
0xd3: {  	[sflag:s16] =	ssyncset.done $0x0  }
0xd4: {  	[sflag:s16] =	ssyncadd.s32 $0xFFFFF800  }
0xd5: {  	[spmem:s11] =	stream.linear.scatter [tilespmem:s17], [sflag:$0xA], $0x800, $0x38;
	[tilespmem:$0x1A000] =	vst v63  }
0xd6: {  	_ =	swait.ge [sflag:s16], $0x800  }
0xd7: {  	s12 =	sld [smem:$0x7FB]  }
0xd8: {  	[sflag:s16] =	ssyncset.done $0x0  }
0xd9: {  	[sflag:s16] =	ssyncadd.s32 $0xFFFFF800  }
0xda: {  	[spmem:s12] =	stream.linear.scatter [tilespmem:s17], [sflag:$0xA], $0x800, $0x38;
	[tilespmem:$0x1A000] =	vst v63  }
0xdb: {  	_ =	swait.ge [sflag:s16], $0x800  }
0xdc: {  	s11 =	sld [smem:$0x7FC]  }
0xdd: {  	[sflag:s16] =	ssyncset.done $0x0  }
0xde: {  	[sflag:s16] =	ssyncadd.s32 $0xFFFFF800  }
0xdf: {  	[spmem:s11] =	stream.linear.scatter [tilespmem:s17], [sflag:$0xA], $0x800, $0x38;
	[tilespmem:$0x1A000] =	vst v63  }
0xe0: {  	_ =	swait.ge [sflag:s16], $0x800  }
0xe1: {  	s12 =	sld [smem:$0x7FD]  }
0xe2: {  	[sflag:s16] =	ssyncset.done $0x0  }
0xe3: {  	[sflag:s16] =	ssyncadd.s32 $0xFFFFF800  }
0xe4: {  	[spmem:s12] =	stream.linear.scatter [tilespmem:s17], [sflag:$0xA], $0x800, $0x38;
	[tilespmem:$0x1A000] =	vst v63  }
0xe5: {  	_ =	swait.ge [sflag:s16], $0x800  }
0xe6: {  	[sflag:s16] =	ssyncset.done $0x0  }
0xe7: {  	s11 =	rddreg [dreg:$0x14];
	[sflag:s16] =	ssyncadd.s32 $0xFFFFF800  }
0xe8: {  	[tilespmem:s17], [sflag:$0xA] =	stream.linear.gather [hbm4b:s11+s3], $0x800, $0x38;
	[tilespmem:$0x1A000] =	vst v63  }
0xe9: {  	_ =	swait.ge [sflag:s16], $0x800  }
0xea: {  	[sflag:s16] =	ssyncset.done $0x0  }
0xeb: {  	[sflag:s16] =	ssyncadd.s32 $0xFFFFF800  }
0xec: {  	[bflag:$0x0] =	sbarrier.arrive $0xFFFF  }
0xed: {  	[tilespmem:s3], [sflag:$0xA] =	stream.linear.gather [hbm4b:s21+s3], $0x2800, $0x38;
	[tilespmem:$0x1A000] =	vst v63  }
0xee: {  	_ =	swait.ge [sflag:s16], $0x2800  }
0xef: {  	[sflag:s16] =	ssyncset.done $0x0  }
0xf0: {  	s12 =	rddreg [dreg:$0x5];
	[sflag:s16] =	ssyncadd.s32 $0xFFFFD800  }
0xf1: {  	[tilespmem:s13], [sflag:$0xA] =	stream.linear.gather [hbm4b:s12+s3], $0x2800, $0x38;
	[tilespmem:$0x1A000] =	vst v63  }
0xf2: {  	_ =	swait.ge [sflag:s16], $0x2800  }
0xf3: {  	[sflag:s16] =	ssyncset.done $0x0  }
0xf4: {  	[sflag:s16] =	ssyncadd.s32 $0xFFFFD800  }
0xf5: {  	[tilespmem:s15], [sflag:$0x1] =	stream.indirect.gather [hbm4b:s5+s19], $0x40, s3, s19, $0xb8;
	[tilespmem:$0x1A000] =	vst v63  }
0xf6: {  	_ = 	snop  }
0xf7: {  	[tilespmem:s20], [sflag:$0x2] =	stream.indirect.gather [hbm4b:s5+s19], $0x40, s19, s19, $0xb8;
	[tilespmem:$0x1A000] =	vst v63  }
0xf8: {  	_ = 	snop  }
0xf9: {  	[tilespmem:s22], [sflag:$0x3] =	stream.indirect.gather [hbm4b:s5+s19], $0x40, s14, s19, $0xb8;
	[tilespmem:$0x1A000] =	vst v63  }
0xfa: {  	s11 =	simm.s32 $0x180  }
0xfb: {  	[tilespmem:s26], [sflag:$0x4] =	stream.indirect.gather [hbm4b:s5+s19], $0x40, s11, s19, $0xb8;
	[tilespmem:$0x1A000] =	vst v63  }
0xfc: {  	_ =	swait.ge [sflag:s28], $0x2000  }
0xfd: {  	[sflag:s28] =	ssyncset.done $0x0  }
0xfe: {  	s12 =	simm.s32 $0x2800;
	[sflag:s28] =	ssyncadd.s32 $0xFFFFE000  }
0xff: {  	[spmem:s1] =	stream.indirect.scatter.add.f32 [tilespmem:s15], [sflag:$0x5], $0x40, s12, s19, $0xb8;
	[tilespmem:$0x1A000] =	vst v63  }
0x100: {  	_ =	swait.ge [sflag:s29], $0x2000  }
0x101: {  	[sflag:s29] =	ssyncset.done $0x0  }
0x102: {  	s11 =	simm.s32 $0x2880;
	[sflag:s29] =	ssyncadd.s32 $0xFFFFE000  }
0x103: {  	[spmem:s1] =	stream.indirect.scatter.add.f32 [tilespmem:s20], [sflag:$0x6], $0x40, s11, s19, $0xb8;
	[tilespmem:$0x1A000] =	vst v63  }
0x104: {  	_ =	swait.ge [sflag:s30], $0x2000  }
0x105: {  	[sflag:s30] =	ssyncset.done $0x0  }
0x106: {  	s12 =	simm.s32 $0x2900;
	[sflag:s30] =	ssyncadd.s32 $0xFFFFE000  }
0x107: {  	[spmem:s1] =	stream.indirect.scatter.add.f32 [tilespmem:s22], [sflag:$0x7], $0x40, s12, s19, $0xb8;
	[tilespmem:$0x1A000] =	vst v63  }
0x108: {  	_ =	swait.ge [sflag:s31], $0x2000  }
0x109: {  	[sflag:s31] =	ssyncset.done $0x0  }
0x10a: {  	s11 =	simm.s32 $0x2980;
	[sflag:s31] =	ssyncadd.s32 $0xFFFFE000  }
0x10b: {  	[spmem:s1] =	stream.indirect.scatter.add.f32 [tilespmem:s26], [sflag:$0x8], $0x40, s11, s19, $0xb8;
	[tilespmem:$0x1A000] =	vst v63  }
0x10c: {  	_ =	swait.ge [sflag:s0], $0x2000  }
0x10d: {  	[sflag:s0] =	ssyncset.done $0x0  }
0x10e: {  	s12 =	simm.s32 $0x200;
	[sflag:s0] =	ssyncadd.s32 $0xFFFFE000  }
0x10f: {  	[tilespmem:s15], [sflag:$0x1] =	stream.indirect.gather [hbm4b:s5+s19], $0x40, s12, s19, $0xb8;
	[tilespmem:$0x1A000] =	vst v63  }
0x110: {  	_ =	swait.ge [sflag:s4], $0x2000  }
0x111: {  	[sflag:s4] =	ssyncset.done $0x0  }
0x112: {  	s11 =	simm.s32 $0x280;
	[sflag:s4] =	ssyncadd.s32 $0xFFFFE000  }
0x113: {  	[tilespmem:s20], [sflag:$0x2] =	stream.indirect.gather [hbm4b:s5+s19], $0x40, s11, s19, $0xb8;
	[tilespmem:$0x1A000] =	vst v63  }
0x114: {  	_ =	swait.ge [sflag:s18], $0x2000  }
0x115: {  	[sflag:s18] =	ssyncset.done $0x0  }
0x116: {  	s12 =	simm.s32 $0x300;
	[sflag:s18] =	ssyncadd.s32 $0xFFFFE000  }
0x117: {  	[tilespmem:s22], [sflag:$0x3] =	stream.indirect.gather [hbm4b:s5+s19], $0x40, s12, s19, $0xb8;
	[tilespmem:$0x1A000] =	vst v63  }
0x118: {  	_ =	swait.ge [sflag:s6], $0x2000  }
0x119: {  	[sflag:s6] =	ssyncset.done $0x0  }
0x11a: {  	s7 =	simm.s32 $0x380;
	s11 =	simm.s32 $0x800;
	[sflag:s6] =	ssyncadd.s32 $0xFFFFE000  }
.LBB2_2:
0x11b: {  	[tilespmem:s26], [sflag:$0x4] =	stream.indirect.gather [hbm4b:s5+s19], $0x40, s7, s19, $0xb8;
	[tilespmem:$0x1A000] =	vst v63  }
0x11c: {  	s7 =	smov.u32 s11  }
0x11d: {  	p2 =	sne.s32 s11, $0x9000;
	s11 =	sadd.s32 $0x800, s11;
	_ =	swait.ge [sflag:s28], $0x2000  }
0x11e: {  	s12 =	sshra.s32 s7, $0x2;
	[sflag:s28] =	ssyncset.done $0x0  }
0x11f: {  	s7 =	sadd.s32 $0x2800, s12;
	[sflag:s28] =	ssyncadd.s32 $0xFFFFE000  }
0x120: {  	[spmem:s1] =	stream.indirect.scatter.add.f32 [tilespmem:s15], [sflag:$0x5], $0x40, s7, s19, $0xb8;
	[tilespmem:$0x1A000] =	vst v63  }
0x121: {  	_ =	swait.ge [sflag:s29], $0x2000  }
0x122: {  	[sflag:s29] =	ssyncset.done $0x0  }
0x123: {  	s7 =	sadd.s32 $0x2880, s12;
	[sflag:s29] =	ssyncadd.s32 $0xFFFFE000  }
0x124: {  	[spmem:s1] =	stream.indirect.scatter.add.f32 [tilespmem:s20], [sflag:$0x6], $0x40, s7, s19, $0xb8;
	[tilespmem:$0x1A000] =	vst v63  }
0x125: {  	_ =	swait.ge [sflag:s30], $0x2000  }
0x126: {  	[sflag:s30] =	ssyncset.done $0x0  }
0x127: {  	s7 =	sadd.s32 $0x2900, s12;
	[sflag:s30] =	ssyncadd.s32 $0xFFFFE000  }
0x128: {  	[spmem:s1] =	stream.indirect.scatter.add.f32 [tilespmem:s22], [sflag:$0x7], $0x40, s7, s19, $0xb8;
	[tilespmem:$0x1A000] =	vst v63  }
0x129: {  	_ =	swait.ge [sflag:s31], $0x2000  }
0x12a: {  	[sflag:s31] =	ssyncset.done $0x0  }
0x12b: {  	s7 =	sadd.s32 $0x2980, s12;
	[sflag:s31] =	ssyncadd.s32 $0xFFFFE000  }
0x12c: {  	[spmem:s1] =	stream.indirect.scatter.add.f32 [tilespmem:s26], [sflag:$0x8], $0x40, s7, s19, $0xb8;
	[tilespmem:$0x1A000] =	vst v63  }
0x12d: {  	_ =	swait.ge [sflag:s0], $0x2000  }
0x12e: {  	[sflag:s0] =	ssyncset.done $0x0  }
0x12f: {  	s7 =	sadd.s32 $0x200, s12;
	[sflag:s0] =	ssyncadd.s32 $0xFFFFE000  }
0x130: {  	[tilespmem:s15], [sflag:$0x1] =	stream.indirect.gather [hbm4b:s5+s19], $0x40, s7, s19, $0xb8;
	[tilespmem:$0x1A000] =	vst v63  }
0x131: {  	_ =	swait.ge [sflag:s4], $0x2000  }
0x132: {  	[sflag:s4] =	ssyncset.done $0x0  }
0x133: {  	s7 =	sadd.s32 $0x280, s12;
	[sflag:s4] =	ssyncadd.s32 $0xFFFFE000  }
0x134: {  	[tilespmem:s20], [sflag:$0x2] =	stream.indirect.gather [hbm4b:s5+s19], $0x40, s7, s19, $0xb8;
	[tilespmem:$0x1A000] =	vst v63  }
0x135: {  	_ =	swait.ge [sflag:s18], $0x2000  }
0x136: {  	[sflag:s18] =	ssyncset.done $0x0  }
.Ltmp2:
0x137: {  	s7 =	sadd.s32 $0x300, s12;
	[sflag:s18] =	ssyncadd.s32 $0xFFFFE000;
	(pc) =	sbr.rel @p2 .LBB2_2-.Ltmp2, $4  }
0x138: {  	[tilespmem:s22], [sflag:$0x3] =	stream.indirect.gather [hbm4b:s5+s19], $0x40, s7, s19, $0xb8;
	[tilespmem:$0x1A000] =	vst v63  }
0x139: {  	_ =	swait.ge [sflag:s6], $0x2000  }
0x13a: {  	[sflag:s6] =	ssyncset.done $0x0  }
0x13b: {  	s7 =	sadd.s32 $0x380, s12;
	[sflag:s6] =	ssyncadd.s32 $0xFFFFE000  }
0x13c: {  	[tilespmem:s26], [sflag:$0x4] =	stream.indirect.gather [hbm4b:s5+s19], $0x40, s7, s19, $0xb8;
	[tilespmem:$0x1A000] =	vst v63  }
0x13d: {  	_ =	swait.ge [sflag:s28], $0x2000  }
0x13e: {  	[sflag:s28] =	ssyncset.done $0x0  }
0x13f: {  	s11 =	simm.s32 $0x4E00;
	[sflag:s28] =	ssyncadd.s32 $0xFFFFE000  }
0x140: {  	[spmem:s1] =	stream.indirect.scatter.add.f32 [tilespmem:s15], [sflag:$0x5], $0x40, s11, s19, $0xb8;
	[tilespmem:$0x1A000] =	vst v63  }
0x141: {  	_ =	swait.ge [sflag:s29], $0x2000  }
0x142: {  	[sflag:s29] =	ssyncset.done $0x0  }
0x143: {  	s12 =	simm.s32 $0x4E80;
	[sflag:s29] =	ssyncadd.s32 $0xFFFFE000  }
0x144: {  	[spmem:s1] =	stream.indirect.scatter.add.f32 [tilespmem:s20], [sflag:$0x6], $0x40, s12, s19, $0xb8;
	[tilespmem:$0x1A000] =	vst v63  }
0x145: {  	_ =	swait.ge [sflag:s30], $0x2000  }
0x146: {  	[sflag:s30] =	ssyncset.done $0x0  }
0x147: {  	s11 =	simm.s32 $0x4F00;
	[sflag:s30] =	ssyncadd.s32 $0xFFFFE000  }
0x148: {  	[spmem:s1] =	stream.indirect.scatter.add.f32 [tilespmem:s22], [sflag:$0x7], $0x40, s11, s19, $0xb8;
	[tilespmem:$0x1A000] =	vst v63  }
0x149: {  	_ =	swait.ge [sflag:s31], $0x2000  }
0x14a: {  	[sflag:s31] =	ssyncset.done $0x0  }
0x14b: {  	s12 =	simm.s32 $0x4F80;
	[sflag:s31] =	ssyncadd.s32 $0xFFFFE000  }
0x14c: {  	[spmem:s1] =	stream.indirect.scatter.add.f32 [tilespmem:s26], [sflag:$0x8], $0x40, s12, s19, $0xb8;
	[tilespmem:$0x1A000] =	vst v63  }
0x14d: {  	_ =	swait.ge [sflag:s0], $0x2000  }
0x14e: {  	[sflag:s0] =	ssyncset.done $0x0  }
0x14f: {  	[sflag:s0] =	ssyncadd.s32 $0xFFFFE000  }
0x150: {  	_ =	swait.ge [sflag:s4], $0x2000  }
0x151: {  	[sflag:s4] =	ssyncset.done $0x0  }
0x152: {  	[sflag:s4] =	ssyncadd.s32 $0xFFFFE000  }
0x153: {  	_ =	swait.ge [sflag:s18], $0x2000  }
.Ltmp3:
0x154: {  	[sflag:s18] =	ssyncset.done $0x0;
	(pc) =	sbr.rel @p0 .LBB2_7-.Ltmp3, $4  }
0x155: {  	[sflag:s18] =	ssyncadd.s32 $0xFFFFE000  }
0x156: {  	_ =	swait.ge [sflag:s6], $0x2000  }
0x157: {  	[sflag:s6] =	ssyncset.done $0x0  }
0x158: {  	s11 =	simm.s32 $0x0;
	[sflag:s6] =	ssyncadd.s32 $0xFFFFE000  }
0x159: {  	s7 =	simm.s32 $0x2800  }
0x15a: {  	[spmem:s2] =	stream.indirect.scatter.add.f32 [tilespmem:s17], [sflag:$0x9], $0x10, s7, s19, $0xb8;
	[tilespmem:$0x1A000] =	vst v63  }
0x15b: {  	s13 =	simm.s32 $0x2880  }
0x15c: {  	[spmem:s2] =	stream.indirect.scatter.add.f32 [tilespmem:s17], [sflag:$0x9], $0x10, s13, s19, $0xb8;
	[tilespmem:$0x1A000] =	vst v63  }
0x15d: {  	s24 =	smov.u32 s23;
	s23 =	smov.u32 s9;
	s14 =	simm.s32 $0x2900  }
0x15e: {  	[spmem:s2] =	stream.indirect.scatter.add.f32 [tilespmem:s17], [sflag:$0x9], $0x10, s14, s19, $0xb8;
	[tilespmem:$0x1A000] =	vst v63  }
0x15f: {  	s9 =	smov.u32 s8;
	s8 =	smov.u32 s21;
	s21 =	simm.s32 $0x2980  }
0x160: {  	[spmem:s2] =	stream.indirect.scatter.add.f32 [tilespmem:s17], [sflag:$0x9], $0x10, s21, s19, $0xb8;
	[tilespmem:$0x1A000] =	vst v63  }
0x161: {  	s12 =	simm.s32 $0x2A00  }
0x162: {  	[spmem:s2] =	stream.indirect.scatter.add.f32 [tilespmem:s17], [sflag:$0x9], $0x10, s12, s19, $0xb8;
	[tilespmem:$0x1A000] =	vst v63  }
0x163: {  	s13 =	simm.s32 $0x2A80  }
0x164: {  	[spmem:s2] =	stream.indirect.scatter.add.f32 [tilespmem:s17], [sflag:$0x9], $0x10, s13, s19, $0xb8;
	[tilespmem:$0x1A000] =	vst v63  }
0x165: {  	s14 =	simm.s32 $0x2B00  }
0x166: {  	[spmem:s2] =	stream.indirect.scatter.add.f32 [tilespmem:s17], [sflag:$0x9], $0x10, s14, s19, $0xb8;
	[tilespmem:$0x1A000] =	vst v63  }
0x167: {  	s21 =	simm.s32 $0x2B80  }
0x168: {  	[spmem:s2] =	stream.indirect.scatter.add.f32 [tilespmem:s17], [sflag:$0x9], $0x10, s21, s19, $0xb8;
	[tilespmem:$0x1A000] =	vst v63  }
0x169: {  	_ =	swait.ge [sflag:s25], $0x800  }
0x16a: {  	[sflag:s25] =	ssyncset.done $0x0  }
0x16b: {  	[sflag:s25] =	ssyncadd.s32 $0xFFFFF800  }
0x16c: {  	_ =	swait.ge [sflag:s25], $0x800  }
0x16d: {  	[sflag:s25] =	ssyncset.done $0x0  }
0x16e: {  	[sflag:s25] =	ssyncadd.s32 $0xFFFFF800  }
0x16f: {  	_ =	swait.ge [sflag:s25], $0x800  }
0x170: {  	[sflag:s25] =	ssyncset.done $0x0  }
0x171: {  	[sflag:s25] =	ssyncadd.s32 $0xFFFFF800  }
0x172: {  	_ =	swait.ge [sflag:s25], $0x800  }
0x173: {  	[sflag:s25] =	ssyncset.done $0x0  }
0x174: {  	[sflag:s25] =	ssyncadd.s32 $0xFFFFF800  }
0x175: {  	_ =	swait.ge [sflag:s25], $0x800  }
0x176: {  	[sflag:s25] =	ssyncset.done $0x0  }
0x177: {  	[sflag:s25] =	ssyncadd.s32 $0xFFFFF800  }
0x178: {  	_ =	swait.ge [sflag:s25], $0x800  }
0x179: {  	[sflag:s25] =	ssyncset.done $0x0  }
0x17a: {  	[sflag:s25] =	ssyncadd.s32 $0xFFFFF800  }
0x17b: {  	_ =	swait.ge [sflag:s25], $0x800  }
0x17c: {  	[sflag:s25] =	ssyncset.done $0x0  }
0x17d: {  	[sflag:s25] =	ssyncadd.s32 $0xFFFFF800  }
0x17e: {  	_ =	swait.ge [sflag:s25], $0x800  }
0x17f: {  	s12 =	simm.s32 $0x2000;
	s14 =	simm.s32 $0x400;
	[sflag:s25] =	ssyncset.done $0x0  }
.LBB2_5:
0x180: {  	s21 =	sadd.s32 $0x2800, s14  }
0x181: {  	[sflag:s25] =	ssyncadd.s32 $0xFFFFF800;
	s13 =	smov.u32 s12;
	s7 =	sadd.s32 $0x1000, s12  }
0x182: {  	[spmem:s2] =	stream.indirect.scatter.add.f32 [tilespmem:s17], [sflag:$0x9], $0x10, s21, s19, $0xb8;
	[tilespmem:$0x1A000] =	vst v63  }
0x183: {  	p2 =	sne.s32 s12, $0x9000;
	s12 =	sadd.s32 $0x2880, s14  }
0x184: {  	[spmem:s2] =	stream.indirect.scatter.add.f32 [tilespmem:s17], [sflag:$0x9], $0x10, s12, s19, $0xb8;
	[tilespmem:$0x1A000] =	vst v63  }
0x185: {  	s12 =	sadd.s32 $0x2900, s14  }
0x186: {  	[spmem:s2] =	stream.indirect.scatter.add.f32 [tilespmem:s17], [sflag:$0x9], $0x10, s12, s19, $0xb8;
	[tilespmem:$0x1A000] =	vst v63  }
0x187: {  	s12 =	sadd.s32 $0x2980, s14  }
0x188: {  	[spmem:s2] =	stream.indirect.scatter.add.f32 [tilespmem:s17], [sflag:$0x9], $0x10, s12, s19, $0xb8;
	[tilespmem:$0x1A000] =	vst v63  }
0x189: {  	s12 =	sadd.s32 $0x2A00, s14  }
0x18a: {  	[spmem:s2] =	stream.indirect.scatter.add.f32 [tilespmem:s17], [sflag:$0x9], $0x10, s12, s19, $0xb8;
	[tilespmem:$0x1A000] =	vst v63  }
0x18b: {  	s12 =	sadd.s32 $0x2A80, s14  }
0x18c: {  	[spmem:s2] =	stream.indirect.scatter.add.f32 [tilespmem:s17], [sflag:$0x9], $0x10, s12, s19, $0xb8;
	[tilespmem:$0x1A000] =	vst v63  }
0x18d: {  	s12 =	sadd.s32 $0x2B00, s14  }
0x18e: {  	[spmem:s2] =	stream.indirect.scatter.add.f32 [tilespmem:s17], [sflag:$0x9], $0x10, s12, s19, $0xb8;
	[tilespmem:$0x1A000] =	vst v63  }
0x18f: {  	s12 =	sadd.s32 $0x2B80, s14  }
0x190: {  	[spmem:s2] =	stream.indirect.scatter.add.f32 [tilespmem:s17], [sflag:$0x9], $0x10, s12, s19, $0xb8;
	[tilespmem:$0x1A000] =	vst v63  }
0x191: {  	_ =	swait.ge [sflag:s25], $0x800  }
0x192: {  	[sflag:s25] =	ssyncset.done $0x0  }
0x193: {  	[sflag:s25] =	ssyncadd.s32 $0xFFFFF800  }
0x194: {  	_ =	swait.ge [sflag:s25], $0x800  }
0x195: {  	[sflag:s25] =	ssyncset.done $0x0  }
0x196: {  	[sflag:s25] =	ssyncadd.s32 $0xFFFFF800  }
0x197: {  	_ =	swait.ge [sflag:s25], $0x800  }
0x198: {  	[sflag:s25] =	ssyncset.done $0x0  }
0x199: {  	[sflag:s25] =	ssyncadd.s32 $0xFFFFF800  }
0x19a: {  	_ =	swait.ge [sflag:s25], $0x800  }
0x19b: {  	[sflag:s25] =	ssyncset.done $0x0  }
0x19c: {  	[sflag:s25] =	ssyncadd.s32 $0xFFFFF800  }
0x19d: {  	_ =	swait.ge [sflag:s25], $0x800  }
0x19e: {  	[sflag:s25] =	ssyncset.done $0x0  }
0x19f: {  	[sflag:s25] =	ssyncadd.s32 $0xFFFFF800  }
0x1a0: {  	_ =	swait.ge [sflag:s25], $0x800  }
0x1a1: {  	[sflag:s25] =	ssyncset.done $0x0  }
0x1a2: {  	[sflag:s25] =	ssyncadd.s32 $0xFFFFF800  }
.Ltmp4:
0x1a3: {  	_ =	swait.ge [sflag:s25], $0x800;
	(pc) =	sbr.rel @p2 .LBB2_5-.Ltmp4, $4  }
0x1a4: {  	[sflag:s25] =	ssyncset.done $0x0  }
0x1a5: {  	[sflag:s25] =	ssyncadd.s32 $0xFFFFF800  }
0x1a6: {  	_ =	swait.ge [sflag:s25], $0x800  }
0x1a7: {  	s14 =	sshra.s32 s13, $0x2;
	s12 =	smov.u32 s7;
	[sflag:s25] =	ssyncset.done $0x0  }
0x1a8: {  	s7 =	sadd.s32 $0x2800, s14;
	[sflag:s25] =	ssyncadd.s32 $0xFFFFF800  }
0x1a9: {  	[spmem:s2] =	stream.indirect.scatter.add.f32 [tilespmem:s17], [sflag:$0x9], $0x10, s7, s19, $0xb8;
	[tilespmem:$0x1A000] =	vst v63  }
0x1aa: {  	s21 =	sadd.s32 $0x2880, s14  }
0x1ab: {  	[spmem:s2] =	stream.indirect.scatter.add.f32 [tilespmem:s17], [sflag:$0x9], $0x10, s21, s19, $0xb8;
	[tilespmem:$0x1A000] =	vst v63  }
0x1ac: {  	s12 =	sadd.s32 $0x2900, s14  }
0x1ad: {  	[spmem:s2] =	stream.indirect.scatter.add.f32 [tilespmem:s17], [sflag:$0x9], $0x10, s12, s19, $0xb8;
	[tilespmem:$0x1A000] =	vst v63  }
0x1ae: {  	s13 =	sadd.s32 $0x2980, s14  }
0x1af: {  	[spmem:s2] =	stream.indirect.scatter.add.f32 [tilespmem:s17], [sflag:$0x9], $0x10, s13, s19, $0xb8;
	[tilespmem:$0x1A000] =	vst v63  }
0x1b0: {  	s21 =	sadd.s32 $0x2A00, s14  }
0x1b1: {  	[spmem:s2] =	stream.indirect.scatter.add.f32 [tilespmem:s17], [sflag:$0x9], $0x10, s21, s19, $0xb8;
	[tilespmem:$0x1A000] =	vst v63  }
0x1b2: {  	s12 =	sadd.s32 $0x2A80, s14  }
0x1b3: {  	[spmem:s2] =	stream.indirect.scatter.add.f32 [tilespmem:s17], [sflag:$0x9], $0x10, s12, s19, $0xb8;
	[tilespmem:$0x1A000] =	vst v63  }
0x1b4: {  	s13 =	sadd.s32 $0x2B00, s14  }
0x1b5: {  	[spmem:s2] =	stream.indirect.scatter.add.f32 [tilespmem:s17], [sflag:$0x9], $0x10, s13, s19, $0xb8;
	[tilespmem:$0x1A000] =	vst v63  }
0x1b6: {  	s21 =	sadd.s32 $0x2B80, s14  }
0x1b7: {  	[spmem:s2] =	stream.indirect.scatter.add.f32 [tilespmem:s17], [sflag:$0x9], $0x10, s21, s19, $0xb8;
	[tilespmem:$0x1A000] =	vst v63  }
0x1b8: {  	_ =	swait.ge [sflag:s25], $0x800  }
0x1b9: {  	[sflag:s25] =	ssyncset.done $0x0  }
0x1ba: {  	[sflag:s25] =	ssyncadd.s32 $0xFFFFF800  }
0x1bb: {  	_ =	swait.ge [sflag:s25], $0x800  }
0x1bc: {  	[sflag:s25] =	ssyncset.done $0x0  }
0x1bd: {  	[sflag:s25] =	ssyncadd.s32 $0xFFFFF800  }
0x1be: {  	_ =	swait.ge [sflag:s25], $0x800  }
0x1bf: {  	[sflag:s25] =	ssyncset.done $0x0  }
0x1c0: {  	[sflag:s25] =	ssyncadd.s32 $0xFFFFF800  }
0x1c1: {  	_ =	swait.ge [sflag:s25], $0x800  }
0x1c2: {  	[sflag:s25] =	ssyncset.done $0x0  }
0x1c3: {  	[sflag:s25] =	ssyncadd.s32 $0xFFFFF800  }
0x1c4: {  	_ =	swait.ge [sflag:s25], $0x800  }
0x1c5: {  	[sflag:s25] =	ssyncset.done $0x0  }
0x1c6: {  	[sflag:s25] =	ssyncadd.s32 $0xFFFFF800  }
0x1c7: {  	_ =	swait.ge [sflag:s25], $0x800  }
0x1c8: {  	[sflag:s25] =	ssyncset.done $0x0  }
0x1c9: {  	[sflag:s25] =	ssyncadd.s32 $0xFFFFF800  }
0x1ca: {  	_ =	swait.ge [sflag:s25], $0x800  }
0x1cb: {  	[sflag:s25] =	ssyncset.done $0x0  }
0x1cc: {  	s14 =	simm.s32 $0x100;
	[sflag:s25] =	ssyncadd.s32 $0xFFFFF800  }
0x1cd: {  	s13 =	simm.s32 $0x2800;
	s21 =	smov.u32 s8;
	_ =	swait.ge [sflag:s25], $0x800  }
0x1ce: {  	s8 =	smov.u32 s9;
	s9 =	smov.u32 s23;
	[sflag:s25] =	ssyncset.done $0x0  }
0x1cf: {  	s23 =	smov.u32 s24;
	s24 =	rddreg [dreg:$0x18];
	[sflag:s25] =	ssyncadd.s32 $0xFFFFF800  }
.LBB2_7:
0x1d0: {  	s7 =	rddreg [dreg:$0x6]  }
0x1d1: {  	[tilespmem:s11], [sflag:$0xA] =	stream.linear.gather [hbm4b:s7+s11], $0x2800, $0x38;
	[tilespmem:$0x1A000] =	vst v63  }
0x1d2: {  	_ =	swait.ge [sflag:s16], $0x2800  }
0x1d3: {  	[sflag:s16] =	ssyncset.done $0x0  }
0x1d4: {  	s12 =	rddreg [dreg:$0x7];
	[sflag:s16] =	ssyncadd.s32 $0xFFFFD800  }
0x1d5: {  	[tilespmem:s13], [sflag:$0xA] =	stream.linear.gather [hbm4b:s12+s11], $0x2800, $0x38;
	[tilespmem:$0x1A000] =	vst v63  }
0x1d6: {  	_ =	swait.ge [sflag:s16], $0x2800  }
0x1d7: {  	[sflag:s16] =	ssyncset.done $0x0  }
0x1d8: {  	[sflag:s16] =	ssyncadd.s32 $0xFFFFD800  }
0x1d9: {  	[tilespmem:s15], [sflag:$0x1] =	stream.indirect.gather [hbm4b:s5+s19], $0x40, s11, s19, $0xb8;
	[tilespmem:$0x1A000] =	vst v63  }
0x1da: {  	_ = 	snop  }
0x1db: {  	[tilespmem:s20], [sflag:$0x2] =	stream.indirect.gather [hbm4b:s5+s19], $0x40, s19, s19, $0xb8;
	[tilespmem:$0x1A000] =	vst v63  }
0x1dc: {  	_ = 	snop  }
0x1dd: {  	[tilespmem:s22], [sflag:$0x3] =	stream.indirect.gather [hbm4b:s5+s19], $0x40, s14, s19, $0xb8;
	[tilespmem:$0x1A000] =	vst v63  }
0x1de: {  	s11 =	simm.s32 $0x180  }
0x1df: {  	[tilespmem:s26], [sflag:$0x4] =	stream.indirect.gather [hbm4b:s5+s19], $0x40, s11, s19, $0xb8;
	[tilespmem:$0x1A000] =	vst v63  }
0x1e0: {  	_ =	swait.ge [sflag:s28], $0x2000  }
0x1e1: {  	[sflag:s28] =	ssyncset.done $0x0  }
0x1e2: {  	s12 =	simm.s32 $0x2800;
	[sflag:s28] =	ssyncadd.s32 $0xFFFFE000  }
0x1e3: {  	[spmem:s1] =	stream.indirect.scatter.add.f32 [tilespmem:s15], [sflag:$0x5], $0x40, s12, s19, $0xb8;
	[tilespmem:$0x1A000] =	vst v63  }
0x1e4: {  	_ =	swait.ge [sflag:s29], $0x2000  }
0x1e5: {  	[sflag:s29] =	ssyncset.done $0x0  }
0x1e6: {  	s11 =	simm.s32 $0x2880;
	[sflag:s29] =	ssyncadd.s32 $0xFFFFE000  }
0x1e7: {  	[spmem:s1] =	stream.indirect.scatter.add.f32 [tilespmem:s20], [sflag:$0x6], $0x40, s11, s19, $0xb8;
	[tilespmem:$0x1A000] =	vst v63  }
0x1e8: {  	_ =	swait.ge [sflag:s30], $0x2000  }
0x1e9: {  	[sflag:s30] =	ssyncset.done $0x0  }
0x1ea: {  	s12 =	simm.s32 $0x2900;
	[sflag:s30] =	ssyncadd.s32 $0xFFFFE000  }
0x1eb: {  	[spmem:s1] =	stream.indirect.scatter.add.f32 [tilespmem:s22], [sflag:$0x7], $0x40, s12, s19, $0xb8;
	[tilespmem:$0x1A000] =	vst v63  }
0x1ec: {  	_ =	swait.ge [sflag:s31], $0x2000  }
0x1ed: {  	[sflag:s31] =	ssyncset.done $0x0  }
0x1ee: {  	s11 =	simm.s32 $0x2980;
	[sflag:s31] =	ssyncadd.s32 $0xFFFFE000  }
0x1ef: {  	[spmem:s1] =	stream.indirect.scatter.add.f32 [tilespmem:s26], [sflag:$0x8], $0x40, s11, s19, $0xb8;
	[tilespmem:$0x1A000] =	vst v63  }
0x1f0: {  	_ =	swait.ge [sflag:s0], $0x2000  }
0x1f1: {  	[sflag:s0] =	ssyncset.done $0x0  }
0x1f2: {  	s12 =	simm.s32 $0x200;
	[sflag:s0] =	ssyncadd.s32 $0xFFFFE000  }
0x1f3: {  	[tilespmem:s15], [sflag:$0x1] =	stream.indirect.gather [hbm4b:s5+s19], $0x40, s12, s19, $0xb8;
	[tilespmem:$0x1A000] =	vst v63  }
0x1f4: {  	_ =	swait.ge [sflag:s4], $0x2000  }
0x1f5: {  	[sflag:s4] =	ssyncset.done $0x0  }
0x1f6: {  	s11 =	simm.s32 $0x280;
	[sflag:s4] =	ssyncadd.s32 $0xFFFFE000  }
0x1f7: {  	[tilespmem:s20], [sflag:$0x2] =	stream.indirect.gather [hbm4b:s5+s19], $0x40, s11, s19, $0xb8;
	[tilespmem:$0x1A000] =	vst v63  }
0x1f8: {  	_ =	swait.ge [sflag:s18], $0x2000  }
0x1f9: {  	[sflag:s18] =	ssyncset.done $0x0  }
0x1fa: {  	s12 =	simm.s32 $0x300;
	[sflag:s18] =	ssyncadd.s32 $0xFFFFE000  }
0x1fb: {  	[tilespmem:s22], [sflag:$0x3] =	stream.indirect.gather [hbm4b:s5+s19], $0x40, s12, s19, $0xb8;
	[tilespmem:$0x1A000] =	vst v63  }
0x1fc: {  	_ =	swait.ge [sflag:s6], $0x2000  }
0x1fd: {  	[sflag:s6] =	ssyncset.done $0x0  }
0x1fe: {  	s7 =	simm.s32 $0x380;
	s11 =	simm.s32 $0x800;
	[sflag:s6] =	ssyncadd.s32 $0xFFFFE000  }
.LBB2_8:
0x1ff: {  	[tilespmem:s26], [sflag:$0x4] =	stream.indirect.gather [hbm4b:s5+s19], $0x40, s7, s19, $0xb8;
	[tilespmem:$0x1A000] =	vst v63  }
0x200: {  	s7 =	smov.u32 s11  }
0x201: {  	p2 =	sne.s32 s11, $0x9000;
	s11 =	sadd.s32 $0x800, s11;
	_ =	swait.ge [sflag:s28], $0x2000  }
0x202: {  	s12 =	sshra.s32 s7, $0x2;
	[sflag:s28] =	ssyncset.done $0x0  }
0x203: {  	s7 =	sadd.s32 $0x2800, s12;
	[sflag:s28] =	ssyncadd.s32 $0xFFFFE000  }
0x204: {  	[spmem:s1] =	stream.indirect.scatter.add.f32 [tilespmem:s15], [sflag:$0x5], $0x40, s7, s19, $0xb8;
	[tilespmem:$0x1A000] =	vst v63  }
0x205: {  	_ =	swait.ge [sflag:s29], $0x2000  }
0x206: {  	[sflag:s29] =	ssyncset.done $0x0  }
0x207: {  	s7 =	sadd.s32 $0x2880, s12;
	[sflag:s29] =	ssyncadd.s32 $0xFFFFE000  }
0x208: {  	[spmem:s1] =	stream.indirect.scatter.add.f32 [tilespmem:s20], [sflag:$0x6], $0x40, s7, s19, $0xb8;
	[tilespmem:$0x1A000] =	vst v63  }
0x209: {  	_ =	swait.ge [sflag:s30], $0x2000  }
0x20a: {  	[sflag:s30] =	ssyncset.done $0x0  }
0x20b: {  	s7 =	sadd.s32 $0x2900, s12;
	[sflag:s30] =	ssyncadd.s32 $0xFFFFE000  }
0x20c: {  	[spmem:s1] =	stream.indirect.scatter.add.f32 [tilespmem:s22], [sflag:$0x7], $0x40, s7, s19, $0xb8;
	[tilespmem:$0x1A000] =	vst v63  }
0x20d: {  	_ =	swait.ge [sflag:s31], $0x2000  }
0x20e: {  	[sflag:s31] =	ssyncset.done $0x0  }
0x20f: {  	s7 =	sadd.s32 $0x2980, s12;
	[sflag:s31] =	ssyncadd.s32 $0xFFFFE000  }
0x210: {  	[spmem:s1] =	stream.indirect.scatter.add.f32 [tilespmem:s26], [sflag:$0x8], $0x40, s7, s19, $0xb8;
	[tilespmem:$0x1A000] =	vst v63  }
0x211: {  	_ =	swait.ge [sflag:s0], $0x2000  }
0x212: {  	[sflag:s0] =	ssyncset.done $0x0  }
0x213: {  	s7 =	sadd.s32 $0x200, s12;
	[sflag:s0] =	ssyncadd.s32 $0xFFFFE000  }
0x214: {  	[tilespmem:s15], [sflag:$0x1] =	stream.indirect.gather [hbm4b:s5+s19], $0x40, s7, s19, $0xb8;
	[tilespmem:$0x1A000] =	vst v63  }
0x215: {  	_ =	swait.ge [sflag:s4], $0x2000  }
0x216: {  	[sflag:s4] =	ssyncset.done $0x0  }
0x217: {  	s7 =	sadd.s32 $0x280, s12;
	[sflag:s4] =	ssyncadd.s32 $0xFFFFE000  }
0x218: {  	[tilespmem:s20], [sflag:$0x2] =	stream.indirect.gather [hbm4b:s5+s19], $0x40, s7, s19, $0xb8;
	[tilespmem:$0x1A000] =	vst v63  }
0x219: {  	_ =	swait.ge [sflag:s18], $0x2000  }
0x21a: {  	[sflag:s18] =	ssyncset.done $0x0  }
.Ltmp5:
0x21b: {  	s7 =	sadd.s32 $0x300, s12;
	[sflag:s18] =	ssyncadd.s32 $0xFFFFE000;
	(pc) =	sbr.rel @p2 .LBB2_8-.Ltmp5, $4  }
0x21c: {  	[tilespmem:s22], [sflag:$0x3] =	stream.indirect.gather [hbm4b:s5+s19], $0x40, s7, s19, $0xb8;
	[tilespmem:$0x1A000] =	vst v63  }
0x21d: {  	_ =	swait.ge [sflag:s6], $0x2000  }
0x21e: {  	[sflag:s6] =	ssyncset.done $0x0  }
0x21f: {  	s7 =	sadd.s32 $0x380, s12;
	[sflag:s6] =	ssyncadd.s32 $0xFFFFE000  }
0x220: {  	[tilespmem:s26], [sflag:$0x4] =	stream.indirect.gather [hbm4b:s5+s19], $0x40, s7, s19, $0xb8;
	[tilespmem:$0x1A000] =	vst v63  }
0x221: {  	_ =	swait.ge [sflag:s28], $0x2000  }
0x222: {  	[sflag:s28] =	ssyncset.done $0x0  }
0x223: {  	s11 =	simm.s32 $0x4E00;
	[sflag:s28] =	ssyncadd.s32 $0xFFFFE000  }
0x224: {  	[spmem:s1] =	stream.indirect.scatter.add.f32 [tilespmem:s15], [sflag:$0x5], $0x40, s11, s19, $0xb8;
	[tilespmem:$0x1A000] =	vst v63  }
0x225: {  	_ =	swait.ge [sflag:s29], $0x2000  }
0x226: {  	[sflag:s29] =	ssyncset.done $0x0  }
0x227: {  	s12 =	simm.s32 $0x4E80;
	[sflag:s29] =	ssyncadd.s32 $0xFFFFE000  }
0x228: {  	[spmem:s1] =	stream.indirect.scatter.add.f32 [tilespmem:s20], [sflag:$0x6], $0x40, s12, s19, $0xb8;
	[tilespmem:$0x1A000] =	vst v63  }
0x229: {  	_ =	swait.ge [sflag:s30], $0x2000  }
0x22a: {  	[sflag:s30] =	ssyncset.done $0x0  }
0x22b: {  	s11 =	simm.s32 $0x4F00;
	[sflag:s30] =	ssyncadd.s32 $0xFFFFE000  }
0x22c: {  	[spmem:s1] =	stream.indirect.scatter.add.f32 [tilespmem:s22], [sflag:$0x7], $0x40, s11, s19, $0xb8;
	[tilespmem:$0x1A000] =	vst v63  }
0x22d: {  	_ =	swait.ge [sflag:s31], $0x2000  }
0x22e: {  	[sflag:s31] =	ssyncset.done $0x0  }
0x22f: {  	s12 =	simm.s32 $0x4F80;
	[sflag:s31] =	ssyncadd.s32 $0xFFFFE000  }
0x230: {  	[spmem:s1] =	stream.indirect.scatter.add.f32 [tilespmem:s26], [sflag:$0x8], $0x40, s12, s19, $0xb8;
	[tilespmem:$0x1A000] =	vst v63  }
0x231: {  	_ =	swait.ge [sflag:s0], $0x2000  }
0x232: {  	[sflag:s0] =	ssyncset.done $0x0  }
0x233: {  	[sflag:s0] =	ssyncadd.s32 $0xFFFFE000  }
0x234: {  	_ =	swait.ge [sflag:s4], $0x2000  }
0x235: {  	[sflag:s4] =	ssyncset.done $0x0  }
0x236: {  	[sflag:s4] =	ssyncadd.s32 $0xFFFFE000  }
0x237: {  	_ =	swait.ge [sflag:s18], $0x2000  }
.Ltmp6:
0x238: {  	[sflag:s18] =	ssyncset.done $0x0;
	(pc) =	sbr.rel @p1 .LBB2_13-.Ltmp6, $4  }
0x239: {  	[sflag:s18] =	ssyncadd.s32 $0xFFFFE000  }
0x23a: {  	_ =	swait.ge [sflag:s6], $0x2000  }
0x23b: {  	[sflag:s6] =	ssyncset.done $0x0  }
0x23c: {  	[sflag:s6] =	ssyncadd.s32 $0xFFFFE000  }
0x23d: {  	s7 =	simm.s32 $0x2800  }
0x23e: {  	[spmem:s2] =	stream.indirect.scatter.add.f32 [tilespmem:s17], [sflag:$0x9], $0x10, s7, s19, $0xb8;
	[tilespmem:$0x1A000] =	vst v63  }
0x23f: {  	s12 =	simm.s32 $0x2880  }
0x240: {  	[spmem:s2] =	stream.indirect.scatter.add.f32 [tilespmem:s17], [sflag:$0x9], $0x10, s12, s19, $0xb8;
	[tilespmem:$0x1A000] =	vst v63  }
0x241: {  	s13 =	simm.s32 $0x2900  }
0x242: {  	[spmem:s2] =	stream.indirect.scatter.add.f32 [tilespmem:s17], [sflag:$0x9], $0x10, s13, s19, $0xb8;
	[tilespmem:$0x1A000] =	vst v63  }
0x243: {  	s14 =	simm.s32 $0x2980  }
0x244: {  	[spmem:s2] =	stream.indirect.scatter.add.f32 [tilespmem:s17], [sflag:$0x9], $0x10, s14, s19, $0xb8;
	[tilespmem:$0x1A000] =	vst v63  }
0x245: {  	s11 =	simm.s32 $0x2A00  }
0x246: {  	[spmem:s2] =	stream.indirect.scatter.add.f32 [tilespmem:s17], [sflag:$0x9], $0x10, s11, s19, $0xb8;
	[tilespmem:$0x1A000] =	vst v63  }
0x247: {  	s12 =	simm.s32 $0x2A80  }
0x248: {  	[spmem:s2] =	stream.indirect.scatter.add.f32 [tilespmem:s17], [sflag:$0x9], $0x10, s12, s19, $0xb8;
	[tilespmem:$0x1A000] =	vst v63  }
0x249: {  	s13 =	simm.s32 $0x2B00  }
0x24a: {  	[spmem:s2] =	stream.indirect.scatter.add.f32 [tilespmem:s17], [sflag:$0x9], $0x10, s13, s19, $0xb8;
	[tilespmem:$0x1A000] =	vst v63  }
0x24b: {  	s14 =	simm.s32 $0x2B80  }
0x24c: {  	[spmem:s2] =	stream.indirect.scatter.add.f32 [tilespmem:s17], [sflag:$0x9], $0x10, s14, s19, $0xb8;
	[tilespmem:$0x1A000] =	vst v63  }
0x24d: {  	_ =	swait.ge [sflag:s25], $0x800  }
0x24e: {  	[sflag:s25] =	ssyncset.done $0x0  }
0x24f: {  	[sflag:s25] =	ssyncadd.s32 $0xFFFFF800  }
0x250: {  	_ =	swait.ge [sflag:s25], $0x800  }
0x251: {  	[sflag:s25] =	ssyncset.done $0x0  }
0x252: {  	[sflag:s25] =	ssyncadd.s32 $0xFFFFF800  }
0x253: {  	_ =	swait.ge [sflag:s25], $0x800  }
0x254: {  	[sflag:s25] =	ssyncset.done $0x0  }
0x255: {  	[sflag:s25] =	ssyncadd.s32 $0xFFFFF800  }
0x256: {  	_ =	swait.ge [sflag:s25], $0x800  }
0x257: {  	[sflag:s25] =	ssyncset.done $0x0  }
0x258: {  	[sflag:s25] =	ssyncadd.s32 $0xFFFFF800  }
0x259: {  	_ =	swait.ge [sflag:s25], $0x800  }
0x25a: {  	[sflag:s25] =	ssyncset.done $0x0  }
0x25b: {  	[sflag:s25] =	ssyncadd.s32 $0xFFFFF800  }
0x25c: {  	_ =	swait.ge [sflag:s25], $0x800  }
0x25d: {  	[sflag:s25] =	ssyncset.done $0x0  }
0x25e: {  	[sflag:s25] =	ssyncadd.s32 $0xFFFFF800  }
0x25f: {  	_ =	swait.ge [sflag:s25], $0x800  }
0x260: {  	[sflag:s25] =	ssyncset.done $0x0  }
0x261: {  	[sflag:s25] =	ssyncadd.s32 $0xFFFFF800  }
0x262: {  	_ =	swait.ge [sflag:s25], $0x800  }
0x263: {  	s7 =	simm.s32 $0x2000;
	s13 =	simm.s32 $0x400;
	[sflag:s25] =	ssyncset.done $0x0  }
.LBB2_11:
0x264: {  	s14 =	sadd.s32 $0x2800, s13  }
0x265: {  	[sflag:s25] =	ssyncadd.s32 $0xFFFFF800;
	s12 =	smov.u32 s7;
	s11 =	sadd.s32 $0x1000, s7  }
0x266: {  	[spmem:s2] =	stream.indirect.scatter.add.f32 [tilespmem:s17], [sflag:$0x9], $0x10, s14, s19, $0xb8;
	[tilespmem:$0x1A000] =	vst v63  }
0x267: {  	p2 =	sne.s32 s7, $0x9000;
	s7 =	sadd.s32 $0x2880, s13  }
0x268: {  	[spmem:s2] =	stream.indirect.scatter.add.f32 [tilespmem:s17], [sflag:$0x9], $0x10, s7, s19, $0xb8;
	[tilespmem:$0x1A000] =	vst v63  }
0x269: {  	s7 =	sadd.s32 $0x2900, s13  }
0x26a: {  	[spmem:s2] =	stream.indirect.scatter.add.f32 [tilespmem:s17], [sflag:$0x9], $0x10, s7, s19, $0xb8;
	[tilespmem:$0x1A000] =	vst v63  }
0x26b: {  	s7 =	sadd.s32 $0x2980, s13  }
0x26c: {  	[spmem:s2] =	stream.indirect.scatter.add.f32 [tilespmem:s17], [sflag:$0x9], $0x10, s7, s19, $0xb8;
	[tilespmem:$0x1A000] =	vst v63  }
0x26d: {  	s7 =	sadd.s32 $0x2A00, s13  }
0x26e: {  	[spmem:s2] =	stream.indirect.scatter.add.f32 [tilespmem:s17], [sflag:$0x9], $0x10, s7, s19, $0xb8;
	[tilespmem:$0x1A000] =	vst v63  }
0x26f: {  	s7 =	sadd.s32 $0x2A80, s13  }
0x270: {  	[spmem:s2] =	stream.indirect.scatter.add.f32 [tilespmem:s17], [sflag:$0x9], $0x10, s7, s19, $0xb8;
	[tilespmem:$0x1A000] =	vst v63  }
0x271: {  	s7 =	sadd.s32 $0x2B00, s13  }
0x272: {  	[spmem:s2] =	stream.indirect.scatter.add.f32 [tilespmem:s17], [sflag:$0x9], $0x10, s7, s19, $0xb8;
	[tilespmem:$0x1A000] =	vst v63  }
0x273: {  	s7 =	sadd.s32 $0x2B80, s13  }
0x274: {  	[spmem:s2] =	stream.indirect.scatter.add.f32 [tilespmem:s17], [sflag:$0x9], $0x10, s7, s19, $0xb8;
	[tilespmem:$0x1A000] =	vst v63  }
0x275: {  	_ =	swait.ge [sflag:s25], $0x800  }
0x276: {  	[sflag:s25] =	ssyncset.done $0x0  }
0x277: {  	[sflag:s25] =	ssyncadd.s32 $0xFFFFF800  }
0x278: {  	_ =	swait.ge [sflag:s25], $0x800  }
0x279: {  	[sflag:s25] =	ssyncset.done $0x0  }
0x27a: {  	[sflag:s25] =	ssyncadd.s32 $0xFFFFF800  }
0x27b: {  	_ =	swait.ge [sflag:s25], $0x800  }
0x27c: {  	[sflag:s25] =	ssyncset.done $0x0  }
0x27d: {  	[sflag:s25] =	ssyncadd.s32 $0xFFFFF800  }
0x27e: {  	_ =	swait.ge [sflag:s25], $0x800  }
0x27f: {  	[sflag:s25] =	ssyncset.done $0x0  }
0x280: {  	[sflag:s25] =	ssyncadd.s32 $0xFFFFF800  }
0x281: {  	_ =	swait.ge [sflag:s25], $0x800  }
0x282: {  	[sflag:s25] =	ssyncset.done $0x0  }
0x283: {  	[sflag:s25] =	ssyncadd.s32 $0xFFFFF800  }
0x284: {  	_ =	swait.ge [sflag:s25], $0x800  }
0x285: {  	[sflag:s25] =	ssyncset.done $0x0  }
0x286: {  	[sflag:s25] =	ssyncadd.s32 $0xFFFFF800  }
.Ltmp7:
0x287: {  	_ =	swait.ge [sflag:s25], $0x800;
	(pc) =	sbr.rel @p2 .LBB2_11-.Ltmp7, $4  }
0x288: {  	[sflag:s25] =	ssyncset.done $0x0  }
0x289: {  	[sflag:s25] =	ssyncadd.s32 $0xFFFFF800  }
0x28a: {  	_ =	swait.ge [sflag:s25], $0x800  }
0x28b: {  	s13 =	sshra.s32 s12, $0x2;
	s7 =	smov.u32 s11;
	[sflag:s25] =	ssyncset.done $0x0  }
.Ltmp8:
0x28c: {  	_ = 	snop;
	(pc) =	sbr.rel .LBB2_12-.Ltmp8, $1  }
0x28d: {  	_ =	sdelay $0x3  }
.LBB2_14:
0x28e: {  	_ =	sfence.sel $0x180000  }
0x28f: {  	[bflag:$0x0] =	sbarrier.arrive $0xFFFF  }
0x290: {  	_ =	strace $0x90000047  }
0x291: {  	s0 =	stileid.u32;
	[bflag:$0x2] =	sbarrier.arrive $0xFFFF  }
0x292: {  	p0 =	sne.s32 s0, $0x0;
	s0 =	rddreg [dreg:$0x4]  }
0x293: {  	s0 =	sadd.s32 @!p0 $0x100000, s0  }
0x294: {  	[sflag:s0] =	ssyncadd.tile.s32 @!p0 $0x1;
	_ =	shalt  }
.Lfunc_end2:
_tile_overlayer_lowered:
.L_overlay_start_2:
0x295: {  	(tag) =	ssettag $0x2  }
0x296: {  	s0 =	rddreg [dreg:$0x0];
	s2 =	stileid.u32  }
0x297: {  	s1 =	rddreg [dreg:$0x1];
	p0 =	sne.s32 s2, $0x0  }
0x298: {  	s3 =	rddreg [dreg:$0x2];
	[bflag:$0x3] =	sbarrier.arrive $0xFFFF;
	s2 =	simm.s32 @!p0 $0x1C0A  }
0x299: {  	[timem:s3], [sflag:s2] =	dma.local @!p0 [hbm:s0], s1  }
0x29a: {  	s0 =	simm.s32 @!p0 $0xA  }
0x29b: {  	_ =	swait.ge @!p0 [sflag:s0], s1  }
0x29c: {  	s1 =	ssub.s32 @!p0 $0x0, s1;
	[sflag:s0] =	ssyncset.done @!p0 $0x0  }
0x29d: {  	[sflag:s0] =	ssyncadd.s32 @!p0 s1  }
0x29e: {  	[bflag:$0x3] =	sbarrier.arrive $0xFFFF  }
0x29f: {  	_ =	shalt  }

// kernel: kernel.9.cloned.1.call-start
scs
__scs_entry_jumppad:
0x0: {  	(pc) =	sbr.rel $0x88, $3  }
0x1: {  	(tag) =	ssettag $0x0;
	lr =	simm.s32 $0x1  }
0x2: {  	[smem:$0x3F99] =	sst lr;
	_ =	strace $0xD0000000  }
0x3: {  	_ = 	snop  }
0x4: {  	_ = 	snop  }
0x5: {  	_ = 	snop  }
0x6: {  	_ = 	snop  }
0x7: {  	_ = 	snop  }
__scs_overlays_trampoline_lowered:
0x8: {  	[smem:$0x3FA8] =	sst s0  }
0x9: {  	[smem:$0x3FA9] =	sst s1  }
0xa: {  	[smem:$0x3FAA] =	sst s2  }
0xb: {  	[smem:$0x3FAB] =	sst s3  }
0xc: {  	[smem:$0x3FAC] =	sst s4  }
0xd: {  	[smem:$0x3FAD] =	sst s5  }
0xe: {  	[smem:$0x3FAE] =	sst s6  }
0xf: {  	[smem:$0x3FAF] =	sst s7  }
0x10: {  	[smem:$0x3FB0] =	sst s8  }
0x11: {  	[smem:$0x3FB1] =	sst s9;
	s0 =	simm.s32 @!p0 $0x0  }
0x12: {  	s1 =	sld [smem:$0x3F97];
	s0 =	simm.s32 @p0 $0x1  }
0x13: {  	[smem:$0x3FB2] =	sst s0;
	s0 =	simm.s32 @!p1 $0x0  }
0x14: {  	s2 =	sld [smem:$0x3F96];
	s0 =	simm.s32 @p1 $0x1  }
0x15: {  	[smem:$0x3FB3] =	sst s0;
	s0 =	simm.s32 @!p2 $0x0  }
0x16: {  	s3 =	sld [smem:$0x3FDB];
	s0 =	simm.s32 @p2 $0x1  }
0x17: {  	s4 =	simm.s32 $0x1BF5;
	[smem:$0x3FB5] =	sst s0  }
0x18: {  	s0 =	sld [smem:$0x3F98];
	_ =	swait.ge [sflag:s4], $0x0  }
0x19: {  	s7 =	sld [smem:$0x3F99]  }
0x1a: {  	s8 =	sadd.s32 $0xFFFFE003, lr  }
0x1b: {  	s9 =	sadd.s32 $0xFFFFFEF7, lr;
	s5 =	simm.s32 $0xFFFFFFFF;
	p2 =	slt.u32 s8, $0xFFFFF086  }
0x1c: {  	p1 =	slt.u32 s9, $0xF7A;
	s5 =	simm.s32 @!p2 $0x0  }
0x1d: {  	s5 =	simm.s32 @p1 $0x1;
	p0 =	seq.s32 s7, s2  }
0x1e: {  	s7 =	smul.u32 @!p0 $0xF7A, s2;
	p2 =	seq.s32 @!p0 s5, $0x0  }
0x1f: {  	s9 =	smul.u32 $0xF7A, s1;
	s8 =	simm.s32 @!p0 $0x1BF5;
	p2 =	por !p2, p0  }
0x20: {  	[sflag:s8] =	ssyncset.s32 @!p0 $0xFFFFF086;
	s6 =	sadd.s32 @!p0 s3, s7;
	s7 =	simm.s32 @!p0 $0x108  }
0x21: {  	s3 =	sadd.s32 s3, s9;
	s6 =	sadd.s32 @!p0 $0x88, s6;
	s7 =	simm.s32 @p2 $0x1082  }
0x22: {  	[simem:s7], [sflag:s8] =	dma.local @!p0 [hbm:s6], $0xF7A  }
0x23: {  	s9 =	sor.u32 $0xD0000000, s2;
	s6 =	simm.s32 $0x108;
	_ =	swait.ge @!p0 [sflag:s8], $0x0  }
0x24: {  	s3 =	sadd.s32 $0x88, s3;
	s6 =	simm.s32 @!p1 $0x1082;
	[sflag:s4] =	ssyncset.s32 $0xFFFFF086  }
0x25: {  	[simem:s6], [sflag:s4] =	dma.local [hbm:s3], $0xF7A  }
0x26: {  	[smem:$0x3F99] =	sst s1;
	(tag) =	ssettag s2;
	_ =	strace s9  }
0x27: {  	s1 =	sld [smem:$0x3FA9]  }
0x28: {  	s2 =	sld [smem:$0x3FAA]  }
0x29: {  	s4 =	sld [smem:$0x3FAC]  }
0x2a: {  	p0 =	seq.s32 s5, $0x0;
	s5 =	sld [smem:$0x3FAD]  }
0x2b: {  	s6 =	sld [smem:$0x3FAE]  }
0x2c: {  	s7 =	sld [smem:$0x3FAF]  }
0x2d: {  	s3 =	simm.s32 $0x108;
	s8 =	sld [smem:$0x3FB0]  }
0x2e: {  	s3 =	simm.s32 @!p0 $0x1082;
	s9 =	sld [smem:$0x3FB1]  }
0x2f: {  	lr =	sadd.s32 s0, s3;
	s0 =	sld [smem:$0x3FA8]  }
0x30: {  	s3 =	sld [smem:$0x3FAB]  }
0x31: {  	[smem:$0x3FB4] =	sst s10  }
0x32: {  	s10 =	sld [smem:$0x3FB2];
	_ =	sdelay $0x3  }
0x33: {  	p0 =	seq.s32 s10, $0x1;
	s10 =	sld [smem:$0x3FB4];
	_ =	sdelay $0x3  }
0x34: {  	[smem:$0x3FB4] =	sst s10  }
0x35: {  	s10 =	sld [smem:$0x3FB3];
	_ =	sdelay $0x3  }
0x36: {  	p1 =	seq.s32 s10, $0x1;
	s10 =	sld [smem:$0x3FB4];
	_ =	sdelay $0x3  }
0x37: {  	[smem:$0x3FB4] =	sst s10  }
0x38: {  	s10 =	sld [smem:$0x3FB5]  }
0x39: {  	_ = 	snop;
	(pc) =	sbr.ind lr, $3  }
0x3a: {  	_ = 	snop  }
0x3b: {  	_ = 	snop  }
0x3c: {  	p2 =	seq.s32 s10, $0x1;
	s10 =	sld [smem:$0x3FB4]  }
0x3d: {  	_ =	shalt  }
0x3e: {  	_ =	shalt  }
0x3f: {  	_ =	shalt  }
0x40: {  	_ =	shalt  }
0x41: {  	_ =	shalt  }
0x42: {  	_ =	shalt  }
0x43: {  	_ =	shalt  }
0x44: {  	_ =	shalt  }
0x45: {  	_ =	shalt  }
0x46: {  	_ =	shalt  }
0x47: {  	_ =	shalt  }
0x48: {  	_ =	shalt  }
0x49: {  	_ =	shalt  }
0x4a: {  	_ =	shalt  }
0x4b: {  	_ =	shalt  }
0x4c: {  	_ =	shalt  }
0x4d: {  	_ =	shalt  }
0x4e: {  	_ =	shalt  }
0x4f: {  	_ =	shalt  }
0x50: {  	_ =	shalt  }
0x51: {  	_ =	shalt  }
0x52: {  	_ =	shalt  }
0x53: {  	_ =	shalt  }
0x54: {  	_ =	shalt  }
0x55: {  	_ =	shalt  }
0x56: {  	_ =	shalt  }
0x57: {  	_ =	shalt  }
0x58: {  	_ =	shalt  }
0x59: {  	_ =	shalt  }
0x5a: {  	_ =	shalt  }
0x5b: {  	_ =	shalt  }
0x5c: {  	_ =	shalt  }
0x5d: {  	_ =	shalt  }
0x5e: {  	_ =	shalt  }
0x5f: {  	_ =	shalt  }
0x60: {  	_ =	shalt  }
0x61: {  	_ =	shalt  }
0x62: {  	_ =	shalt  }
0x63: {  	_ =	shalt  }
0x64: {  	_ =	shalt  }
0x65: {  	_ =	shalt  }
0x66: {  	_ =	shalt  }
0x67: {  	_ =	shalt  }
0x68: {  	_ =	shalt  }
0x69: {  	_ =	shalt  }
0x6a: {  	_ =	shalt  }
0x6b: {  	_ =	shalt  }
0x6c: {  	_ =	shalt  }
0x6d: {  	_ =	shalt  }
0x6e: {  	_ =	shalt  }
0x6f: {  	_ =	shalt  }
0x70: {  	_ =	shalt  }
0x71: {  	_ =	shalt  }
0x72: {  	_ =	shalt  }
0x73: {  	_ =	shalt  }
0x74: {  	_ =	shalt  }
0x75: {  	_ =	shalt  }
0x76: {  	_ =	shalt  }
0x77: {  	_ =	shalt  }
0x78: {  	_ =	shalt  }
0x79: {  	_ =	shalt  }
0x7a: {  	_ =	shalt  }
0x7b: {  	_ =	shalt  }
0x7c: {  	_ =	shalt  }
0x7d: {  	_ =	shalt  }
0x7e: {  	_ =	shalt  }
0x7f: {  	_ =	shalt  }
0x80: {  	_ =	shalt  }
0x81: {  	_ =	shalt  }
0x82: {  	_ =	shalt  }
0x83: {  	_ =	shalt  }
0x84: {  	_ =	shalt  }
0x85: {  	_ =	shalt  }
0x86: {  	_ =	shalt  }
0x87: {  	_ =	shalt  }
.Lfunc_end0:
.L_simem_size_0:
called_computation.1_lowered:
.L_overlay_start_0:
0x88: {  	s2 =	sld [smem:$0x3FD9]  }
0x89: {  	s3 =	sld [smem:$0x3FFE];
	_ =	sdelay $0x1  }
0x8a: {  	s1 =	srdreg.scid  }
0x8b: {  	s0 =	sand.u32 $0x1, s1  }
0x8c: {  	s17 =	sshll.u32 s0, $0xA;
	s2 =	sadd.s32 s3, s2  }
0x8d: {  	s2 =	sadd.s32 s2, s17  }
0x8e: {  	[smem:$0x3FC0] =	sst s2  }
0x8f: {  	_ = 	snop  }
0x90: {  	s2 =	sld [smem:$0x3FD0];
	(tm) =	ssettm $0x1  }
0x91: {  	s18 =	sld [smem:$0x3FFB];
	_ =	sdelay $0x3  }
0x92: {  	_ =	strace s18  }
0x93: {  	s3 =	sld [smem:$0x3FFC];
	_ =	sdelay $0x3  }
0x94: {  	_ =	strace s3  }
0x95: {  	s3 =	sld [smem:$0x3FFD];
	_ =	sdelay $0x3  }
0x96: {  	_ =	strace s3  }
0x97: {  	_ =	strace $0x8FFFFFFF  }
0x98: {  	s19 =	sld [smem:$0x3FDB];
	_ =	sdelay $0x1  }
0x99: {  	s4 =	simm.s32 $_scs_section_size  }
0x9a: {  	s5 =	simm.s32 $_size__tile_overlayer_lowered;
	s6 =	simm.s32 $_tile_overlayer_lowered  }
0x9b: {  	s22 =	simm.s32 $0x1BFF;
	s21 =	sshll.u32 s6, $0x1;
	s3 =	sadd.s32 s4, s19  }
0x9c: {  	s7 =	simm.s32 $0x0;
	s20 =	sshll.u32 s5, $0x1;
	s5 =	sadd.s32 s21, s3  }
0x9d: {  	[timem:s7], [sflag:s22] =	dma.local [hbm:s5], s20  }
0x9e: {  	_ =	swait.ge [sflag:s22], s20  }
0x9f: {  	s4 =	ssub.s32 $0x0, s20;
	[sflag:s22] =	ssyncset.done $0x0  }
0xa0: {  	[sflag:s22] =	ssyncadd.s32 s4;
	_ =	sdelay $0x1  }
0xa1: {  	s23 =	simm.s32 $0x1B8B  }
0xa2: {  	_ =	swait.ge [sflag:s23], $0x1  }
0xa3: {  	[sflag:s23] =	ssyncset.done $0x0  }
0xa4: {  	s25 =	simm.s32 $0x1B8E;
	s24 =	sld [smem:$0x3FFE];
	[sflag:s23] =	ssyncadd.s32 $0xFFFFFFFF  }
0xa5: {  	s26 =	simm.s32 $execute0_lowered;
	[smem:$0x3FD2] =	sst s25  }
0xa6: {  	s5 =	sshll.u32 s26, $0x1;
	_ =	strace $0x80000049;
	[dreg:$0x1] =	wrdreg $0xFFFFFFFF  }
0xa7: {  	s28 =	simm.s32 $_size_execute0_lowered;
	s3 =	sadd.s32 s3, s5;
	[dreg:$0x0] =	wrdreg $0x0  }
0xa8: {  	s5 =	sshll.u32 s28, $0x1;
	[dreg:$0x2] =	wrdreg s3  }
0xa9: {  	[dreg:$0x3] =	wrdreg s5  }
0xaa: {  	[dreg:$0x4] =	wrdreg $0xC0  }
0xab: {  	_ =	task [dreg:s7], $0x5FFFF  }
0xac: {  	[dreg:$0x1] =	wrdreg $0xFFFFFFFF  }
0xad: {  	[dreg:$0x0] =	wrdreg $0x60  }
0xae: {  	[dreg:$0x2] =	wrdreg s24  }
0xaf: {  	[dreg:$0x3] =	wrdreg s2  }
0xb0: {  	[dreg:$0x4] =	wrdreg $0xD0000  }
0xb1: {  	[dreg:$0x5] =	wrdreg $0x9  }
0xb2: {  	_ =	task.clear_ibuf [dreg:s7], $0x6FFFF;
	_ =	strace $0x90000049  }
0xb3: {  	s29 =	simm.s32 $0x9;
	_ =	strace $0x8000004B  }
0xb4: {  	_ =	swait.ge [sflag:s29], $0x1  }
0xb5: {  	[sflag:s29] =	ssyncadd.s32 $0xFFFFFFFF  }
0xb6: {  	_ =	strace $0x9000004B  }
0xb7: {  	_ =	sfence  }
0xb8: {  	s30 =	sld [smem:$0x0];
	_ =	sdelay $0x2  }
0xb9: {  	s31 =	sshll.u32 s1, $0xD;
	s1 =	sshrl.u32 s1, $0x2  }
0xba: {  	s3 =	sand.u32 $0x4000, s31;
	s1 =	sadd.s32 s1, s30  }
0xbb: {  	s0 =	sor.u32 s3, s0;
	s1 =	sshll.u32 s1, $0x11  }
0xbc: {  	s0 =	sor.u32 s1, s0  }
0xbd: {  	s0 =	sadd.s32 $0x8F2B, s0  }
0xbe: {  	[sflag:s0] =	ssyncadd.remote.s32 $0x1  }
0xbf: {  	_ =	sfence.sel $0xFFFF  }
0xc0: {  	[dreg:$0x0] =	wrdreg $0xFFFFFFFF;
	(pc) =	sbr.abs _section_cstart, $3  }
0xc1: {  	[dreg:$0x1] =	wrdreg $0xFFFFFFFF  }
0xc2: {  	_ =	task.clear_ibuf [dreg:s7], $0x2FFFF;
	_ =	strace $0x9FFFFFFF  }
0xc3: {  	(tm) =	ssettm $0x7FFFFFFF  }
tec
execute0_lowered:
.L_overlay_start_1:
0x0: {  	(tag) =	ssettag $0x1  }
0x1: {  	s0 =	rddreg [dreg:$0x0]  }
0x2: {  	s1 =	rddreg [dreg:$0x1]  }
0x3: {  	s2 =	rddreg [dreg:$0x2];
	s3 =	simm.s32 $0x0;
	s12 =	stileid.u32  }
0x4: {  	s4 =	srdreg.scid;
	s28 =	simm.s32 $0x9000;
	s6 =	smul.u32 $0x280, s12  }
0x5: {  	s29 =	simm.s32 $0x180;
	s30 =	simm.s32 $0xB000;
	s9 =	smul.u32 $0x28000, s12  }
0x6: {  	s31 =	simm.s32 $0x1;
	[smem:$0x7FF] =	sst s3;
	s10 =	smul.u32 $0xA0, s12  }
0x7: {  	s5 =	sand.u32 $0x1, s4;
	s4 =	sadd.s32 $0x51A00, s0;
	s19 =	smul.u32 $0xA00, s12  }
0x8: {  	s8 =	sadd.s32 $0x79A00, s0;
	s13 =	sadd.s32 $0x83E00, s0;
	s7 =	smul.u32 $0x2800, s5  }
0x9: {  	_ =	strace $0x8000004A;
	s16 =	ssub.s32 $0x2, s5;
	s5 =	smul.u32 $0xA00, s5  }
0xa: {  	[dreg:$0x4] =	wrdreg s13;
	s11 =	sshrl.u32 s16, $0x1;
	s17 =	sshrl.u32 s9, $0x2  }
0xb: {  	s20 =	sadd.s32 s8, s19;
	s6 =	sadd.s32 s7, s6;
	s7 =	ssub.s32 s16, s11  }
0xc: {  	s18 =	sadd.s32 s10, s5;
	s10 =	sadd.s32 $0x50, s10;
	[dreg:$0x6] =	wrdreg s20  }
0xd: {  	s11 =	simm.s32 $0x4E00;
	s16 =	simm.s32 $0x4E80;
	s6 =	sshll.u32 s6, $0x3  }
0xe: {  	s9 =	sshll.u32 s18, $0x4;
	s5 =	sadd.s32 s5, s10;
	s21 =	sshll.u32 s10, $0x4  }
0xf: {  	s22 =	smax.u32 s7, $0x1;
	s7 =	simm.s32 $0x5;
	s10 =	simm.s32 $0x8  }
0x10: {  	s18 =	simm.s32 $0x0;
	s0 =	sadd.s32 s6, s0;
	s6 =	sadd.s32 s17, s2  }
0x11: {  	s9 =	sadd.s32 s1, s9;
	s5 =	sshll.u32 s5, $0x4;
	[dreg:$0x9] =	wrdreg s22  }
0x12: {  	s22 =	simm.s32 $0x9;
	s17 =	simm.s32 $0x4F80;
	[dreg:$0x5] =	wrdreg s9  }
0x13: {  	s1 =	sadd.s32 s1, s5;
	s12 =	sadd.s32 $0x2000, s6;
	s13 =	sadd.s32 $0x4000, s6  }
0x14: {  	s14 =	sadd.s32 $0x6000, s6;
	s23 =	sadd.s32 $0xD4200, s0;
	[dreg:$0x7] =	wrdreg s1  }
0x15: {  	s15 =	sadd.s32 $0x8000, s6;
	s24 =	sadd.s32 $0xD4600, s0;
	[dreg:$0xa] =	wrdreg s23  }
0x16: {  	s25 =	sadd.s32 $0xD4A00, s0;
	s26 =	sadd.s32 $0xD4E00, s0;
	[dreg:$0xb] =	wrdreg s24  }
0x17: {  	s0 =	sadd.s32 $0xD5200, s0;
	s5 =	simm.s32 $0x4;
	[dreg:$0xc] =	wrdreg s25  }
0x18: {  	s9 =	simm.s32 $0x7;
	s1 =	sadd.s32 s8, s21;
	[dreg:$0xd] =	wrdreg s26  }
0x19: {  	[dreg:$0xe] =	wrdreg s0;
	s21 =	simm.s32 $0x5000;
	s24 =	simm.s32 $0x80  }
0x1a: {  	s25 =	simm.s32 $0x7000;
	s0 =	simm.s32 $0x2;
	s8 =	simm.s32 $0x6  }
0x1b: {  	s23 =	simm.s32 $0x4F00;
	[dreg:$0x8] =	wrdreg s1;
	s1 =	simm.s32 $0x3  }
.LBB2_1:
0x1c: {  	s19 =	rddreg [dreg:$0x4]  }
0x1d: {  	[tilespmem:s21], [sflag:$0x9] =	stream.linear.gather [hbm4b:s19+s3], $0x2000, $0x38;
	[tilespmem:$0x17000] =	vst v63  }
0x1e: {  	_ =	swait.ge [sflag:s22], $0x2000  }
0x1f: {  	[sflag:s22] =	ssyncset.done $0x0  }
0x20: {  	[sflag:s22] =	ssyncadd.s32 $0xFFFFE000  }
0x21: {  	[spmem:s6] =	stream.linear.scatter [tilespmem:s21], [sflag:$0x9], $0x2000, $0x38;
	[tilespmem:$0x17000] =	vst v63  }
0x22: {  	_ =	swait.ge [sflag:s22], $0x2000  }
0x23: {  	[sflag:s22] =	ssyncset.done $0x0  }
0x24: {  	[sflag:s22] =	ssyncadd.s32 $0xFFFFE000  }
0x25: {  	[spmem:s12] =	stream.linear.scatter [tilespmem:s21], [sflag:$0x9], $0x2000, $0x38;
	[tilespmem:$0x17000] =	vst v63  }
0x26: {  	_ =	swait.ge [sflag:s22], $0x2000  }
0x27: {  	[sflag:s22] =	ssyncset.done $0x0  }
0x28: {  	[sflag:s22] =	ssyncadd.s32 $0xFFFFE000  }
0x29: {  	[spmem:s13] =	stream.linear.scatter [tilespmem:s21], [sflag:$0x9], $0x2000, $0x38;
	[tilespmem:$0x17000] =	vst v63  }
0x2a: {  	_ =	swait.ge [sflag:s22], $0x2000  }
0x2b: {  	[sflag:s22] =	ssyncset.done $0x0  }
0x2c: {  	[sflag:s22] =	ssyncadd.s32 $0xFFFFE000  }
0x2d: {  	[spmem:s14] =	stream.linear.scatter [tilespmem:s21], [sflag:$0x9], $0x2000, $0x38;
	[tilespmem:$0x17000] =	vst v63  }
0x2e: {  	_ =	swait.ge [sflag:s22], $0x2000  }
0x2f: {  	[sflag:s22] =	ssyncset.done $0x0  }
0x30: {  	[sflag:s22] =	ssyncadd.s32 $0xFFFFE000  }
0x31: {  	[spmem:s15] =	stream.linear.scatter [tilespmem:s21], [sflag:$0x9], $0x2000, $0x38;
	[tilespmem:$0x17000] =	vst v63  }
0x32: {  	_ =	swait.ge [sflag:s22], $0x2000  }
0x33: {  	[sflag:s22] =	ssyncset.done $0x0  }
0x34: {  	[sflag:s22] =	ssyncadd.s32 $0xFFFFE000  }
0x35: {  	[bflag:$0x0] =	sbarrier.arrive $0xFFFF  }
0x36: {  	s20 =	rddreg [dreg:$0x5]  }
0x37: {  	[tilespmem:s3], [sflag:$0x9] =	stream.linear.gather [hbm4b:s20+s3], $0x2800, $0x38;
	[tilespmem:$0x17000] =	vst v63  }
0x38: {  	_ =	swait.ge [sflag:s22], $0x2800  }
0x39: {  	[sflag:s22] =	ssyncset.done $0x0  }
0x3a: {  	s20 =	simm.s32 $0x2800;
	s26 =	rddreg [dreg:$0x6];
	[sflag:s22] =	ssyncadd.s32 $0xFFFFD800  }
0x3b: {  	[tilespmem:s20], [sflag:$0x9] =	stream.linear.gather [hbm4b:s26+s3], $0x2800, $0x38;
	[tilespmem:$0x17000] =	vst v63  }
0x3c: {  	_ =	swait.ge [sflag:s22], $0x2800  }
0x3d: {  	[sflag:s22] =	ssyncset.done $0x0  }
0x3e: {  	[sflag:s22] =	ssyncadd.s32 $0xFFFFD800  }
0x3f: {  	[tilespmem:s21], [sflag:$0x1] =	stream.indirect.gather [hbm4b:s4+s24], $0x40, s3, s24, $0xb8;
	[tilespmem:$0x17000] =	vst v63  }
0x40: {  	_ = 	snop  }
0x41: {  	[tilespmem:s25], [sflag:$0x2] =	stream.indirect.gather [hbm4b:s4+s24], $0x40, s24, s24, $0xb8;
	[tilespmem:$0x17000] =	vst v63  }
0x42: {  	s20 =	simm.s32 $0x100  }
0x43: {  	[tilespmem:s28], [sflag:$0x3] =	stream.indirect.gather [hbm4b:s4+s24], $0x40, s20, s24, $0xb8;
	[tilespmem:$0x17000] =	vst v63  }
0x44: {  	_ = 	snop  }
0x45: {  	[tilespmem:s30], [sflag:$0x4] =	stream.indirect.gather [hbm4b:s4+s24], $0x40, s29, s24, $0xb8;
	[tilespmem:$0x17000] =	vst v63  }
0x46: {  	_ =	swait.ge [sflag:s31], $0x2000  }
0x47: {  	[sflag:s31] =	ssyncset.done $0x0  }
0x48: {  	s26 =	simm.s32 $0x2800;
	[sflag:s31] =	ssyncadd.s32 $0xFFFFE000  }
0x49: {  	[spmem:s2] =	stream.indirect.scatter.add.f32 [tilespmem:s21], [sflag:$0x5], $0x40, s26, s24, $0xb8;
	[tilespmem:$0x17000] =	vst v63  }
0x4a: {  	_ =	swait.ge [sflag:s0], $0x2000  }
0x4b: {  	[sflag:s0] =	ssyncset.done $0x0  }
0x4c: {  	s20 =	simm.s32 $0x2880;
	[sflag:s0] =	ssyncadd.s32 $0xFFFFE000  }
0x4d: {  	[spmem:s2] =	stream.indirect.scatter.add.f32 [tilespmem:s25], [sflag:$0x6], $0x40, s20, s24, $0xb8;
	[tilespmem:$0x17000] =	vst v63  }
0x4e: {  	_ =	swait.ge [sflag:s1], $0x2000  }
0x4f: {  	[sflag:s1] =	ssyncset.done $0x0  }
0x50: {  	s26 =	simm.s32 $0x2900;
	[sflag:s1] =	ssyncadd.s32 $0xFFFFE000  }
0x51: {  	[spmem:s2] =	stream.indirect.scatter.add.f32 [tilespmem:s28], [sflag:$0x7], $0x40, s26, s24, $0xb8;
	[tilespmem:$0x17000] =	vst v63  }
0x52: {  	_ =	swait.ge [sflag:s5], $0x2000  }
0x53: {  	[sflag:s5] =	ssyncset.done $0x0  }
0x54: {  	s20 =	simm.s32 $0x2980;
	[sflag:s5] =	ssyncadd.s32 $0xFFFFE000  }
0x55: {  	[spmem:s2] =	stream.indirect.scatter.add.f32 [tilespmem:s30], [sflag:$0x8], $0x40, s20, s24, $0xb8;
	[tilespmem:$0x17000] =	vst v63  }
0x56: {  	_ =	swait.ge [sflag:s7], $0x2000  }
0x57: {  	[sflag:s7] =	ssyncset.done $0x0  }
0x58: {  	s26 =	simm.s32 $0x200;
	[sflag:s7] =	ssyncadd.s32 $0xFFFFE000  }
0x59: {  	[tilespmem:s21], [sflag:$0x1] =	stream.indirect.gather [hbm4b:s4+s24], $0x40, s26, s24, $0xb8;
	[tilespmem:$0x17000] =	vst v63  }
0x5a: {  	_ =	swait.ge [sflag:s8], $0x2000  }
0x5b: {  	[sflag:s8] =	ssyncset.done $0x0  }
0x5c: {  	s20 =	simm.s32 $0x280;
	[sflag:s8] =	ssyncadd.s32 $0xFFFFE000  }
0x5d: {  	[tilespmem:s25], [sflag:$0x2] =	stream.indirect.gather [hbm4b:s4+s24], $0x40, s20, s24, $0xb8;
	[tilespmem:$0x17000] =	vst v63  }
0x5e: {  	_ =	swait.ge [sflag:s9], $0x2000  }
0x5f: {  	[sflag:s9] =	ssyncset.done $0x0  }
0x60: {  	s26 =	simm.s32 $0x300;
	[sflag:s9] =	ssyncadd.s32 $0xFFFFE000  }
0x61: {  	[tilespmem:s28], [sflag:$0x3] =	stream.indirect.gather [hbm4b:s4+s24], $0x40, s26, s24, $0xb8;
	[tilespmem:$0x17000] =	vst v63  }
0x62: {  	_ =	swait.ge [sflag:s10], $0x2000  }
0x63: {  	[sflag:s10] =	ssyncset.done $0x0  }
0x64: {  	s19 =	simm.s32 $0x800;
	s26 =	simm.s32 $0x380;
	[sflag:s10] =	ssyncadd.s32 $0xFFFFE000  }
.LBB2_2:
0x65: {  	[tilespmem:s30], [sflag:$0x4] =	stream.indirect.gather [hbm4b:s4+s24], $0x40, s26, s24, $0xb8;
	[tilespmem:$0x17000] =	vst v63  }
0x66: {  	s26 =	smov.u32 s19  }
0x67: {  	p0 =	sne.s32 s19, $0x9000;
	s19 =	sadd.s32 $0x800, s19;
	_ =	swait.ge [sflag:s31], $0x2000  }
0x68: {  	s26 =	sshra.s32 s26, $0x2;
	[sflag:s31] =	ssyncset.done $0x0  }
0x69: {  	s20 =	sadd.s32 $0x2800, s26;
	[sflag:s31] =	ssyncadd.s32 $0xFFFFE000  }
0x6a: {  	[spmem:s2] =	stream.indirect.scatter.add.f32 [tilespmem:s21], [sflag:$0x5], $0x40, s20, s24, $0xb8;
	[tilespmem:$0x17000] =	vst v63  }
0x6b: {  	_ =	swait.ge [sflag:s0], $0x2000  }
0x6c: {  	[sflag:s0] =	ssyncset.done $0x0  }
0x6d: {  	s20 =	sadd.s32 $0x2880, s26;
	[sflag:s0] =	ssyncadd.s32 $0xFFFFE000  }
0x6e: {  	[spmem:s2] =	stream.indirect.scatter.add.f32 [tilespmem:s25], [sflag:$0x6], $0x40, s20, s24, $0xb8;
	[tilespmem:$0x17000] =	vst v63  }
0x6f: {  	_ =	swait.ge [sflag:s1], $0x2000  }
0x70: {  	[sflag:s1] =	ssyncset.done $0x0  }
0x71: {  	s20 =	sadd.s32 $0x2900, s26;
	[sflag:s1] =	ssyncadd.s32 $0xFFFFE000  }
0x72: {  	[spmem:s2] =	stream.indirect.scatter.add.f32 [tilespmem:s28], [sflag:$0x7], $0x40, s20, s24, $0xb8;
	[tilespmem:$0x17000] =	vst v63  }
0x73: {  	_ =	swait.ge [sflag:s5], $0x2000  }
0x74: {  	[sflag:s5] =	ssyncset.done $0x0  }
0x75: {  	s20 =	sadd.s32 $0x2980, s26;
	[sflag:s5] =	ssyncadd.s32 $0xFFFFE000  }
0x76: {  	[spmem:s2] =	stream.indirect.scatter.add.f32 [tilespmem:s30], [sflag:$0x8], $0x40, s20, s24, $0xb8;
	[tilespmem:$0x17000] =	vst v63  }
0x77: {  	_ =	swait.ge [sflag:s7], $0x2000  }
0x78: {  	[sflag:s7] =	ssyncset.done $0x0  }
0x79: {  	s20 =	sadd.s32 $0x200, s26;
	[sflag:s7] =	ssyncadd.s32 $0xFFFFE000  }
0x7a: {  	[tilespmem:s21], [sflag:$0x1] =	stream.indirect.gather [hbm4b:s4+s24], $0x40, s20, s24, $0xb8;
	[tilespmem:$0x17000] =	vst v63  }
0x7b: {  	_ =	swait.ge [sflag:s8], $0x2000  }
0x7c: {  	[sflag:s8] =	ssyncset.done $0x0  }
0x7d: {  	s20 =	sadd.s32 $0x280, s26;
	[sflag:s8] =	ssyncadd.s32 $0xFFFFE000  }
0x7e: {  	[tilespmem:s25], [sflag:$0x2] =	stream.indirect.gather [hbm4b:s4+s24], $0x40, s20, s24, $0xb8;
	[tilespmem:$0x17000] =	vst v63  }
0x7f: {  	_ =	swait.ge [sflag:s9], $0x2000  }
0x80: {  	[sflag:s9] =	ssyncset.done $0x0  }
.Ltmp0:
0x81: {  	s20 =	sadd.s32 $0x300, s26;
	[sflag:s9] =	ssyncadd.s32 $0xFFFFE000;
	(pc) =	sbr.rel @p0 .LBB2_2-.Ltmp0, $4  }
0x82: {  	[tilespmem:s28], [sflag:$0x3] =	stream.indirect.gather [hbm4b:s4+s24], $0x40, s20, s24, $0xb8;
	[tilespmem:$0x17000] =	vst v63  }
0x83: {  	_ =	swait.ge [sflag:s10], $0x2000  }
0x84: {  	[sflag:s10] =	ssyncset.done $0x0  }
0x85: {  	s26 =	sadd.s32 $0x380, s26;
	[sflag:s10] =	ssyncadd.s32 $0xFFFFE000  }
0x86: {  	[tilespmem:s30], [sflag:$0x4] =	stream.indirect.gather [hbm4b:s4+s24], $0x40, s26, s24, $0xb8;
	[tilespmem:$0x17000] =	vst v63  }
0x87: {  	_ =	swait.ge [sflag:s31], $0x2000  }
0x88: {  	[sflag:s31] =	ssyncset.done $0x0  }
0x89: {  	[sflag:s31] =	ssyncadd.s32 $0xFFFFE000  }
0x8a: {  	[spmem:s2] =	stream.indirect.scatter.add.f32 [tilespmem:s21], [sflag:$0x5], $0x40, s11, s24, $0xb8;
	[tilespmem:$0x17000] =	vst v63  }
0x8b: {  	_ =	swait.ge [sflag:s0], $0x2000  }
0x8c: {  	[sflag:s0] =	ssyncset.done $0x0  }
0x8d: {  	[sflag:s0] =	ssyncadd.s32 $0xFFFFE000  }
0x8e: {  	[spmem:s2] =	stream.indirect.scatter.add.f32 [tilespmem:s25], [sflag:$0x6], $0x40, s16, s24, $0xb8;
	[tilespmem:$0x17000] =	vst v63  }
0x8f: {  	_ =	swait.ge [sflag:s1], $0x2000  }
0x90: {  	[sflag:s1] =	ssyncset.done $0x0  }
0x91: {  	[sflag:s1] =	ssyncadd.s32 $0xFFFFE000  }
0x92: {  	[spmem:s2] =	stream.indirect.scatter.add.f32 [tilespmem:s28], [sflag:$0x7], $0x40, s23, s24, $0xb8;
	[tilespmem:$0x17000] =	vst v63  }
0x93: {  	_ =	swait.ge [sflag:s5], $0x2000  }
0x94: {  	[sflag:s5] =	ssyncset.done $0x0  }
0x95: {  	[sflag:s5] =	ssyncadd.s32 $0xFFFFE000  }
0x96: {  	[spmem:s2] =	stream.indirect.scatter.add.f32 [tilespmem:s30], [sflag:$0x8], $0x40, s17, s24, $0xb8;
	[tilespmem:$0x17000] =	vst v63  }
0x97: {  	_ =	swait.ge [sflag:s7], $0x2000  }
0x98: {  	[sflag:s7] =	ssyncset.done $0x0  }
0x99: {  	[sflag:s7] =	ssyncadd.s32 $0xFFFFE000  }
0x9a: {  	_ =	swait.ge [sflag:s8], $0x2000  }
0x9b: {  	[sflag:s8] =	ssyncset.done $0x0  }
0x9c: {  	[sflag:s8] =	ssyncadd.s32 $0xFFFFE000  }
0x9d: {  	_ =	swait.ge [sflag:s9], $0x2000  }
0x9e: {  	[sflag:s9] =	ssyncset.done $0x0  }
0x9f: {  	[sflag:s9] =	ssyncadd.s32 $0xFFFFE000  }
0xa0: {  	_ =	swait.ge [sflag:s10], $0x2000  }
0xa1: {  	[sflag:s10] =	ssyncset.done $0x0  }
0xa2: {  	s19 =	simm.s32 $0x0;
	s20 =	rddreg [dreg:$0x7];
	[sflag:s10] =	ssyncadd.s32 $0xFFFFE000  }
0xa3: {  	[tilespmem:s19], [sflag:$0x9] =	stream.linear.gather [hbm4b:s20+s19], $0x2800, $0x38;
	[tilespmem:$0x17000] =	vst v63  }
0xa4: {  	_ =	swait.ge [sflag:s22], $0x2800  }
0xa5: {  	[sflag:s22] =	ssyncset.done $0x0  }
0xa6: {  	s26 =	simm.s32 $0x2800;
	s20 =	rddreg [dreg:$0x8];
	[sflag:s22] =	ssyncadd.s32 $0xFFFFD800  }
0xa7: {  	[tilespmem:s26], [sflag:$0x9] =	stream.linear.gather [hbm4b:s20+s19], $0x2800, $0x38;
	[tilespmem:$0x17000] =	vst v63  }
0xa8: {  	_ =	swait.ge [sflag:s22], $0x2800  }
0xa9: {  	[sflag:s22] =	ssyncset.done $0x0  }
0xaa: {  	[sflag:s22] =	ssyncadd.s32 $0xFFFFD800  }
0xab: {  	[tilespmem:s21], [sflag:$0x1] =	stream.indirect.gather [hbm4b:s4+s24], $0x40, s19, s24, $0xb8;
	[tilespmem:$0x17000] =	vst v63  }
0xac: {  	_ = 	snop  }
0xad: {  	[tilespmem:s25], [sflag:$0x2] =	stream.indirect.gather [hbm4b:s4+s24], $0x40, s24, s24, $0xb8;
	[tilespmem:$0x17000] =	vst v63  }
0xae: {  	s20 =	simm.s32 $0x100  }
0xaf: {  	[tilespmem:s28], [sflag:$0x3] =	stream.indirect.gather [hbm4b:s4+s24], $0x40, s20, s24, $0xb8;
	[tilespmem:$0x17000] =	vst v63  }
0xb0: {  	_ = 	snop  }
0xb1: {  	[tilespmem:s30], [sflag:$0x4] =	stream.indirect.gather [hbm4b:s4+s24], $0x40, s29, s24, $0xb8;
	[tilespmem:$0x17000] =	vst v63  }
0xb2: {  	_ =	swait.ge [sflag:s31], $0x2000  }
0xb3: {  	[sflag:s31] =	ssyncset.done $0x0  }
0xb4: {  	s26 =	simm.s32 $0x2800;
	[sflag:s31] =	ssyncadd.s32 $0xFFFFE000  }
0xb5: {  	[spmem:s2] =	stream.indirect.scatter.add.f32 [tilespmem:s21], [sflag:$0x5], $0x40, s26, s24, $0xb8;
	[tilespmem:$0x17000] =	vst v63  }
0xb6: {  	_ =	swait.ge [sflag:s0], $0x2000  }
0xb7: {  	[sflag:s0] =	ssyncset.done $0x0  }
0xb8: {  	s20 =	simm.s32 $0x2880;
	[sflag:s0] =	ssyncadd.s32 $0xFFFFE000  }
0xb9: {  	[spmem:s2] =	stream.indirect.scatter.add.f32 [tilespmem:s25], [sflag:$0x6], $0x40, s20, s24, $0xb8;
	[tilespmem:$0x17000] =	vst v63  }
0xba: {  	_ =	swait.ge [sflag:s1], $0x2000  }
0xbb: {  	[sflag:s1] =	ssyncset.done $0x0  }
0xbc: {  	s26 =	simm.s32 $0x2900;
	[sflag:s1] =	ssyncadd.s32 $0xFFFFE000  }
0xbd: {  	[spmem:s2] =	stream.indirect.scatter.add.f32 [tilespmem:s28], [sflag:$0x7], $0x40, s26, s24, $0xb8;
	[tilespmem:$0x17000] =	vst v63  }
0xbe: {  	_ =	swait.ge [sflag:s5], $0x2000  }
0xbf: {  	[sflag:s5] =	ssyncset.done $0x0  }
0xc0: {  	s20 =	simm.s32 $0x2980;
	[sflag:s5] =	ssyncadd.s32 $0xFFFFE000  }
0xc1: {  	[spmem:s2] =	stream.indirect.scatter.add.f32 [tilespmem:s30], [sflag:$0x8], $0x40, s20, s24, $0xb8;
	[tilespmem:$0x17000] =	vst v63  }
0xc2: {  	_ =	swait.ge [sflag:s7], $0x2000  }
0xc3: {  	[sflag:s7] =	ssyncset.done $0x0  }
0xc4: {  	s26 =	simm.s32 $0x200;
	[sflag:s7] =	ssyncadd.s32 $0xFFFFE000  }
0xc5: {  	[tilespmem:s21], [sflag:$0x1] =	stream.indirect.gather [hbm4b:s4+s24], $0x40, s26, s24, $0xb8;
	[tilespmem:$0x17000] =	vst v63  }
0xc6: {  	_ =	swait.ge [sflag:s8], $0x2000  }
0xc7: {  	[sflag:s8] =	ssyncset.done $0x0  }
0xc8: {  	s20 =	simm.s32 $0x280;
	[sflag:s8] =	ssyncadd.s32 $0xFFFFE000  }
0xc9: {  	[tilespmem:s25], [sflag:$0x2] =	stream.indirect.gather [hbm4b:s4+s24], $0x40, s20, s24, $0xb8;
	[tilespmem:$0x17000] =	vst v63  }
0xca: {  	_ =	swait.ge [sflag:s9], $0x2000  }
0xcb: {  	[sflag:s9] =	ssyncset.done $0x0  }
0xcc: {  	s26 =	simm.s32 $0x300;
	[sflag:s9] =	ssyncadd.s32 $0xFFFFE000  }
0xcd: {  	[tilespmem:s28], [sflag:$0x3] =	stream.indirect.gather [hbm4b:s4+s24], $0x40, s26, s24, $0xb8;
	[tilespmem:$0x17000] =	vst v63  }
0xce: {  	_ =	swait.ge [sflag:s10], $0x2000  }
0xcf: {  	[sflag:s10] =	ssyncset.done $0x0  }
0xd0: {  	s19 =	simm.s32 $0x800;
	s26 =	simm.s32 $0x380;
	[sflag:s10] =	ssyncadd.s32 $0xFFFFE000  }
.LBB2_4:
0xd1: {  	[tilespmem:s30], [sflag:$0x4] =	stream.indirect.gather [hbm4b:s4+s24], $0x40, s26, s24, $0xb8;
	[tilespmem:$0x17000] =	vst v63  }
0xd2: {  	s20 =	smov.u32 s19  }
0xd3: {  	p0 =	sne.s32 s19, $0x9000;
	s19 =	sadd.s32 $0x800, s19;
	_ =	swait.ge [sflag:s31], $0x2000  }
0xd4: {  	s26 =	sshra.s32 s20, $0x2;
	[sflag:s31] =	ssyncset.done $0x0  }
0xd5: {  	s20 =	sadd.s32 $0x2800, s26;
	[sflag:s31] =	ssyncadd.s32 $0xFFFFE000  }
0xd6: {  	[spmem:s2] =	stream.indirect.scatter.add.f32 [tilespmem:s21], [sflag:$0x5], $0x40, s20, s24, $0xb8;
	[tilespmem:$0x17000] =	vst v63  }
0xd7: {  	_ =	swait.ge [sflag:s0], $0x2000  }
0xd8: {  	[sflag:s0] =	ssyncset.done $0x0  }
0xd9: {  	s20 =	sadd.s32 $0x2880, s26;
	[sflag:s0] =	ssyncadd.s32 $0xFFFFE000  }
0xda: {  	[spmem:s2] =	stream.indirect.scatter.add.f32 [tilespmem:s25], [sflag:$0x6], $0x40, s20, s24, $0xb8;
	[tilespmem:$0x17000] =	vst v63  }
0xdb: {  	_ =	swait.ge [sflag:s1], $0x2000  }
0xdc: {  	[sflag:s1] =	ssyncset.done $0x0  }
0xdd: {  	s20 =	sadd.s32 $0x2900, s26;
	[sflag:s1] =	ssyncadd.s32 $0xFFFFE000  }
0xde: {  	[spmem:s2] =	stream.indirect.scatter.add.f32 [tilespmem:s28], [sflag:$0x7], $0x40, s20, s24, $0xb8;
	[tilespmem:$0x17000] =	vst v63  }
0xdf: {  	_ =	swait.ge [sflag:s5], $0x2000  }
0xe0: {  	[sflag:s5] =	ssyncset.done $0x0  }
0xe1: {  	s20 =	sadd.s32 $0x2980, s26;
	[sflag:s5] =	ssyncadd.s32 $0xFFFFE000  }
0xe2: {  	[spmem:s2] =	stream.indirect.scatter.add.f32 [tilespmem:s30], [sflag:$0x8], $0x40, s20, s24, $0xb8;
	[tilespmem:$0x17000] =	vst v63  }
0xe3: {  	_ =	swait.ge [sflag:s7], $0x2000  }
0xe4: {  	[sflag:s7] =	ssyncset.done $0x0  }
0xe5: {  	s20 =	sadd.s32 $0x200, s26;
	[sflag:s7] =	ssyncadd.s32 $0xFFFFE000  }
0xe6: {  	[tilespmem:s21], [sflag:$0x1] =	stream.indirect.gather [hbm4b:s4+s24], $0x40, s20, s24, $0xb8;
	[tilespmem:$0x17000] =	vst v63  }
0xe7: {  	_ =	swait.ge [sflag:s8], $0x2000  }
0xe8: {  	[sflag:s8] =	ssyncset.done $0x0  }
0xe9: {  	s20 =	sadd.s32 $0x280, s26;
	[sflag:s8] =	ssyncadd.s32 $0xFFFFE000  }
0xea: {  	[tilespmem:s25], [sflag:$0x2] =	stream.indirect.gather [hbm4b:s4+s24], $0x40, s20, s24, $0xb8;
	[tilespmem:$0x17000] =	vst v63  }
0xeb: {  	_ =	swait.ge [sflag:s9], $0x2000  }
0xec: {  	[sflag:s9] =	ssyncset.done $0x0  }
.Ltmp1:
0xed: {  	s20 =	sadd.s32 $0x300, s26;
	[sflag:s9] =	ssyncadd.s32 $0xFFFFE000;
	(pc) =	sbr.rel @p0 .LBB2_4-.Ltmp1, $4  }
0xee: {  	[tilespmem:s28], [sflag:$0x3] =	stream.indirect.gather [hbm4b:s4+s24], $0x40, s20, s24, $0xb8;
	[tilespmem:$0x17000] =	vst v63  }
0xef: {  	_ =	swait.ge [sflag:s10], $0x2000  }
0xf0: {  	[sflag:s10] =	ssyncset.done $0x0  }
0xf1: {  	s26 =	sadd.s32 $0x380, s26;
	[sflag:s10] =	ssyncadd.s32 $0xFFFFE000  }
0xf2: {  	[tilespmem:s30], [sflag:$0x4] =	stream.indirect.gather [hbm4b:s4+s24], $0x40, s26, s24, $0xb8;
	[tilespmem:$0x17000] =	vst v63  }
0xf3: {  	_ =	swait.ge [sflag:s31], $0x2000  }
0xf4: {  	[sflag:s31] =	ssyncset.done $0x0  }
0xf5: {  	[sflag:s31] =	ssyncadd.s32 $0xFFFFE000  }
0xf6: {  	[spmem:s2] =	stream.indirect.scatter.add.f32 [tilespmem:s21], [sflag:$0x5], $0x40, s11, s24, $0xb8;
	[tilespmem:$0x17000] =	vst v63  }
0xf7: {  	_ =	swait.ge [sflag:s0], $0x2000  }
0xf8: {  	[sflag:s0] =	ssyncset.done $0x0  }
0xf9: {  	[sflag:s0] =	ssyncadd.s32 $0xFFFFE000  }
0xfa: {  	[spmem:s2] =	stream.indirect.scatter.add.f32 [tilespmem:s25], [sflag:$0x6], $0x40, s16, s24, $0xb8;
	[tilespmem:$0x17000] =	vst v63  }
0xfb: {  	_ =	swait.ge [sflag:s1], $0x2000  }
0xfc: {  	[sflag:s1] =	ssyncset.done $0x0  }
0xfd: {  	[sflag:s1] =	ssyncadd.s32 $0xFFFFE000  }
0xfe: {  	[spmem:s2] =	stream.indirect.scatter.add.f32 [tilespmem:s28], [sflag:$0x7], $0x40, s23, s24, $0xb8;
	[tilespmem:$0x17000] =	vst v63  }
0xff: {  	_ =	swait.ge [sflag:s5], $0x2000  }
0x100: {  	[sflag:s5] =	ssyncset.done $0x0  }
0x101: {  	[sflag:s5] =	ssyncadd.s32 $0xFFFFE000  }
0x102: {  	[spmem:s2] =	stream.indirect.scatter.add.f32 [tilespmem:s30], [sflag:$0x8], $0x40, s17, s24, $0xb8;
	[tilespmem:$0x17000] =	vst v63  }
0x103: {  	_ =	swait.ge [sflag:s7], $0x2000  }
0x104: {  	[sflag:s7] =	ssyncset.done $0x0  }
0x105: {  	[sflag:s7] =	ssyncadd.s32 $0xFFFFE000  }
0x106: {  	_ =	swait.ge [sflag:s8], $0x2000  }
0x107: {  	[sflag:s8] =	ssyncset.done $0x0  }
0x108: {  	[sflag:s8] =	ssyncadd.s32 $0xFFFFE000  }
0x109: {  	_ =	swait.ge [sflag:s9], $0x2000  }
0x10a: {  	[sflag:s9] =	ssyncset.done $0x0  }
0x10b: {  	[sflag:s9] =	ssyncadd.s32 $0xFFFFE000  }
0x10c: {  	_ =	swait.ge [sflag:s10], $0x2000  }
0x10d: {  	[sflag:s10] =	ssyncset.done $0x0  }
0x10e: {  	[sflag:s10] =	ssyncadd.s32 $0xFFFFE000  }
0x10f: {  	[bflag:$0x0] =	sbarrier.arrive $0xFFFF  }
0x110: {  	[tilespmem:s21], [sflag:$0x9] =	stream.linear.gather [spmem:s6], $0x2000, $0x38;
	[tilespmem:$0x17000] =	vst v63  }
0x111: {  	_ =	swait.ge [sflag:s22], $0x2000  }
0x112: {  	[sflag:s22] =	ssyncset.done $0x0  }
0x113: {  	s19 =	rddreg [dreg:$0xa];
	[sflag:s22] =	ssyncadd.s32 $0xFFFFE000  }
0x114: {  	[hbm4b:s19+s3] =	stream.linear.scatter [tilespmem:s21], [sflag:$0x9], $0x2000, $0x38;
	[tilespmem:$0x17000] =	vst v63  }
0x115: {  	_ =	swait.ge [sflag:s22], $0x2000  }
0x116: {  	[sflag:s22] =	ssyncset.done $0x0  }
0x117: {  	[sflag:s22] =	ssyncadd.s32 $0xFFFFE000  }
0x118: {  	[tilespmem:s21], [sflag:$0x9] =	stream.linear.gather [spmem:s12], $0x2000, $0x38;
	[tilespmem:$0x17000] =	vst v63  }
0x119: {  	_ =	swait.ge [sflag:s22], $0x2000  }
0x11a: {  	[sflag:s22] =	ssyncset.done $0x0  }
0x11b: {  	s26 =	rddreg [dreg:$0xb];
	[sflag:s22] =	ssyncadd.s32 $0xFFFFE000  }
0x11c: {  	[hbm4b:s26+s3] =	stream.linear.scatter [tilespmem:s21], [sflag:$0x9], $0x2000, $0x38;
	[tilespmem:$0x17000] =	vst v63  }
0x11d: {  	_ =	swait.ge [sflag:s22], $0x2000  }
0x11e: {  	[sflag:s22] =	ssyncset.done $0x0  }
0x11f: {  	[sflag:s22] =	ssyncadd.s32 $0xFFFFE000  }
0x120: {  	[tilespmem:s21], [sflag:$0x9] =	stream.linear.gather [spmem:s13], $0x2000, $0x38;
	[tilespmem:$0x17000] =	vst v63  }
0x121: {  	_ =	swait.ge [sflag:s22], $0x2000  }
0x122: {  	[sflag:s22] =	ssyncset.done $0x0  }
0x123: {  	s20 =	rddreg [dreg:$0xc];
	[sflag:s22] =	ssyncadd.s32 $0xFFFFE000  }
0x124: {  	[hbm4b:s20+s3] =	stream.linear.scatter [tilespmem:s21], [sflag:$0x9], $0x2000, $0x38;
	[tilespmem:$0x17000] =	vst v63  }
0x125: {  	_ =	swait.ge [sflag:s22], $0x2000  }
0x126: {  	[sflag:s22] =	ssyncset.done $0x0  }
0x127: {  	[sflag:s22] =	ssyncadd.s32 $0xFFFFE000  }
0x128: {  	[tilespmem:s21], [sflag:$0x9] =	stream.linear.gather [spmem:s14], $0x2000, $0x38;
	[tilespmem:$0x17000] =	vst v63  }
0x129: {  	_ =	swait.ge [sflag:s22], $0x2000  }
0x12a: {  	[sflag:s22] =	ssyncset.done $0x0  }
0x12b: {  	s26 =	rddreg [dreg:$0xd];
	[sflag:s22] =	ssyncadd.s32 $0xFFFFE000  }
0x12c: {  	[hbm4b:s26+s3] =	stream.linear.scatter [tilespmem:s21], [sflag:$0x9], $0x2000, $0x38;
	[tilespmem:$0x17000] =	vst v63  }
0x12d: {  	_ =	swait.ge [sflag:s22], $0x2000  }
0x12e: {  	[sflag:s22] =	ssyncset.done $0x0  }
0x12f: {  	[sflag:s22] =	ssyncadd.s32 $0xFFFFE000  }
0x130: {  	[tilespmem:s21], [sflag:$0x9] =	stream.linear.gather [spmem:s15], $0x2000, $0x38;
	[tilespmem:$0x17000] =	vst v63  }
0x131: {  	_ =	swait.ge [sflag:s22], $0x2000  }
0x132: {  	[sflag:s22] =	ssyncset.done $0x0  }
0x133: {  	s20 =	rddreg [dreg:$0xe];
	[sflag:s22] =	ssyncadd.s32 $0xFFFFE000  }
0x134: {  	[hbm4b:s20+s3] =	stream.linear.scatter [tilespmem:s21], [sflag:$0x9], $0x2000, $0x38;
	[tilespmem:$0x17000] =	vst v63  }
0x135: {  	_ =	swait.ge [sflag:s22], $0x2000  }
0x136: {  	s18 =	sadd.s32 $0x1, s18;
	s26 =	rddreg [dreg:$0x9]  }
0x137: {  	p0 =	sne.s32 s18, s26  }
.Ltmp2:
0x138: {  	_ = 	snop;
	(pc) =	sbr.rel @p0 .LBB2_1-.Ltmp2, $3  }
0x139: {  	_ =	sdelay $0x1  }
0x13a: {  	[sflag:s22] =	ssyncset.done $0x0  }
0x13b: {  	[sflag:s22] =	ssyncadd.s32 $0xFFFFE000  }
0x13c: {  	_ =	sfence.sel $0x180000  }
0x13d: {  	[bflag:$0x0] =	sbarrier.arrive $0xFFFF  }
0x13e: {  	_ =	strace $0x9000004A  }
0x13f: {  	s0 =	stileid.u32;
	[bflag:$0x2] =	sbarrier.arrive $0xFFFF  }
0x140: {  	p0 =	sne.s32 s0, $0x0;
	s0 =	rddreg [dreg:$0x3]  }
0x141: {  	s0 =	sadd.s32 @!p0 $0x100000, s0  }
0x142: {  	[sflag:s0] =	ssyncadd.tile.s32 @!p0 $0x1;
	_ =	shalt  }
.Lfunc_end2:
_tile_overlayer_lowered:
.L_overlay_start_2:
0x143: {  	(tag) =	ssettag $0x2  }
0x144: {  	s0 =	rddreg [dreg:$0x0];
	s2 =	stileid.u32  }
0x145: {  	s1 =	rddreg [dreg:$0x1];
	p0 =	sne.s32 s2, $0x0  }
0x146: {  	s3 =	rddreg [dreg:$0x2];
	[bflag:$0x3] =	sbarrier.arrive $0xFFFF;
	s2 =	simm.s32 @!p0 $0x1C09  }
0x147: {  	[timem:s3], [sflag:s2] =	dma.local @!p0 [hbm:s0], s1  }
0x148: {  	s0 =	simm.s32 @!p0 $0x9  }
0x149: {  	_ =	swait.ge @!p0 [sflag:s0], s1  }
0x14a: {  	s1 =	ssub.s32 @!p0 $0x0, s1;
	[sflag:s0] =	ssyncset.done @!p0 $0x0  }
0x14b: {  	[sflag:s0] =	ssyncadd.s32 @!p0 s1  }
0x14c: {  	[bflag:$0x3] =	sbarrier.arrive $0xFFFF  }
0x14d: {  	_ =	shalt  }

</sc_bundles>
